<compile_context>
chip_gen: v7x
topology: tpu7x:2x2x1
jax: 0.10.2.dev20260603
libtpu: 0.0.44.dev20260713+nightly
codegen_flags: <defaults>
</compile_context>

<pallas_src>
import functools

import jax
import jax.numpy as jnp
from jax import lax
from jax.experimental import pallas as pl
from jax.experimental.pallas import tpu as pltpu
from jax.experimental.pallas import tpu_sc as plsc

N = 50000
D = 256
S = 512
NC, NS = 2, 16
NW = NC * NS
SEG_T = S // NW
C = 112
NBUF = 4
NV = D // 16
STRIDE = 64
NSMP = (N + STRIDE - 1) // STRIDE
WIN = 72
SMP_STEPS = 10
WIN_STEPS = 7


def kernel(x, batch):
    batch_i32 = batch.astype(jnp.int32)
    sample = batch_i32[::STRIDE]
    mesh = plsc.VectorSubcoreMesh(core_axis_name="c", subcore_axis_name="s")

    @functools.partial(
        pl.kernel,
        mesh=mesh,
        compiler_params=pltpu.CompilerParams(needs_layout_passes=False),
        out_type=jax.ShapeDtypeStruct((S, D), jnp.float32),
        scratch_types=(
            [pltpu.VMEM((NSMP,), jnp.int32),
             pltpu.VMEM(((SEG_T + 1) * WIN,), jnp.int32)]
            + [pltpu.VMEM((C, D), jnp.float32)] * NBUF
            + [pltpu.VMEM((SEG_T, D), jnp.float32),
               pltpu.SMEM((SEG_T + 1,), jnp.int32)]
            + [pltpu.SemaphoreType.DMA] * (NBUF + 1)
        ),
    )
    def k(x_hbm, b_hbm, smp_hbm, out_hbm, smp_v, win_v, *rest):
        bufs = rest[:NBUF]
        acc_v, bnd_s = rest[NBUF], rest[NBUF + 1]
        sems = rest[NBUF + 2:NBUF + 2 + NBUF]
        wsem = rest[NBUF + 2 + NBUF]
        c = lax.axis_index("c")
        s = lax.axis_index("s")
        w = c * NS + s
        seg0 = w * SEG_T

        pltpu.sync_copy(smp_hbm, smp_v)

        lane = lax.iota(jnp.int32, 16)

        def lower_bound_smp(tgt):
            def step(_, lh):
                lo, hi = lh
                active = lo < hi
                mid = jnp.minimum((lo + hi) // 2, NSMP - 1)
                vals = plsc.load_gather(smp_v, [mid])
                pred = vals < tgt
                lo = jnp.where(active & pred, mid + 1, lo)
                hi = jnp.where(active & (~pred), mid, hi)
                return lo, hi
            lo, _ = lax.fori_loop(
                0, SMP_STEPS, step,
                (jnp.zeros((16,), jnp.int32),
                 jnp.full((16,), NSMP, jnp.int32)))
            return lo

        coarse_lo = lower_bound_smp(seg0 + lane)
        coarse_up = lower_bound_smp(seg0 + 1 + lane)
        base_lo = jnp.clip(STRIDE * (coarse_lo - 1), 0, N - WIN)
        base_up = jnp.clip(STRIDE * (coarse_up - 1), 0, N - WIN)

        def extract(vec, idx):
            return jnp.sum(jnp.where(lane == idx, vec, 0))

        for j in range(SEG_T):
            pltpu.async_copy(
                b_hbm.at[pl.ds(pl.multiple_of(extract(base_lo, j), 8), WIN)],
                win_v.at[pl.ds(j * WIN, WIN)], wsem)
        pltpu.async_copy(
            b_hbm.at[pl.ds(pl.multiple_of(extract(base_up, SEG_T - 1), 8),
                           WIN)],
            win_v.at[pl.ds(SEG_T * WIN, WIN)], wsem)
        for j in range(SEG_T + 1):
            pltpu.make_async_copy(b_hbm.at[pl.ds(0, WIN)],
                                  win_v.at[pl.ds(0, WIN)], wsem).wait()

        def lower_bound_win(rows, tgt):
            def step(_, lh):
                lo, hi = lh
                active = lo < hi
                mid = (lo + hi) // 2
                vals = plsc.load_gather(win_v, [rows * WIN + mid])
                pred = vals < tgt
                lo = jnp.where(active & pred, mid + 1, lo)
                hi = jnp.where(active & (~pred), mid, hi)
                return lo, hi
            lo, _ = lax.fori_loop(
                0, WIN_STEPS, step,
                (jnp.zeros((16,), jnp.int32),
                 jnp.full((16,), WIN, jnp.int32)))
            return lo

        lob = base_lo + lower_bound_win(lane, seg0 + lane)
        upb = base_up + lower_bound_win(lane + 1, seg0 + 1 + lane)
        recips = jnp.ones((16,), jnp.float32) / jnp.maximum(
            (upb - lob).astype(jnp.float32), 1.0)

        lo_w = extract(lob, 0)
        hi_w = extract(upb, SEG_T - 1)
        bnd_s[0] = lo_w
        for kk in range(SEG_T):
            bnd_s[kk + 1] = extract(upb, kk)

        a0 = pl.multiple_of(jnp.minimum((lo_w // 8) * 8, N - C), 8)
        nch = (hi_w - a0 + C - 1) // C

        def chunk_base(i):
            return pl.multiple_of(
                jnp.minimum(a0 + i * C, N - C), 8)

        def issue(i, parity):
            @pl.when(i < nch)
            def _():
                pltpu.async_copy(x_hbm.at[pl.ds(chunk_base(i), C)],
                                 bufs[parity], sems[parity])

        def drain(parity):
            pltpu.make_async_copy(x_hbm.at[pl.ds(0, C)], bufs[parity],
                                  sems[parity]).wait()

        for b in range(NBUF):
            issue(b, b)

        zero = jnp.zeros((16,), jnp.float32)

        def process(i, parity, st):
            buf = bufs[parity]
            bc = chunk_base(i)
            ce = jnp.minimum(hi_w, bc + C)

            def piece_cond(pst):
                return pst[0] < ce

            def piece_body(pst):
                p, kseg = pst[0], pst[1]
                acc = pst[2:]
                b_next = bnd_s[kseg + 1]
                e = jnp.minimum(b_next, ce)

                p0 = p - bc
                n = e - p

                def row2(i, a):
                    r = p0 + 2 * i
                    return tuple(a[j] + buf[r, pl.ds(j * 16, 16)]
                                 + buf[r + 1, pl.ds(j * 16, 16)]
                                 for j in range(NV))
                acc = lax.fori_loop(0, n // 2, row2, acc)
                lr = jnp.maximum(e - 1 - bc, 0)
                sv = jnp.full((16,), jnp.where((n & 1) == 1, 1.0, 0.0))
                acc = tuple(acc[j] + buf[lr, pl.ds(j * 16, 16)] * sv
                            for j in range(NV))
                flushed = e == b_next

                @pl.when(flushed)
                def _():
                    recip = jnp.full((16,), extract(recips, kseg))
                    for j in range(NV):
                        acc_v[kseg, pl.ds(j * 16, 16)] = acc[j] * recip

                acc = tuple(jnp.where(flushed, zero, a) for a in acc)
                return (e, kseg + flushed.astype(jnp.int32)) + acc

            return lax.while_loop(piece_cond, piece_body, st)

        def loop_cond(st):
            return st[0] < nch

        def loop_body(st):
            i = st[0]
            pst = st[1:]
            for b in range(NBUF):
                if b == 0:
                    drain(0)
                else:
                    @pl.when(i + b < nch)
                    def _(b=b):
                        drain(b)
                pst = process(i + b, b, pst)
                issue(i + b + NBUF, b)
            return (i + NBUF,) + pst

        st = lax.while_loop(loop_cond, loop_body,
                            (0, lo_w, 0) + (zero,) * NV)
        kseg_end = st[2]

        def tail_cond(kk):
            return kk < SEG_T

        def tail_body(kk):
            for j in range(NV):
                acc_v[kk, pl.ds(j * 16, 16)] = zero
            return kk + 1

        lax.while_loop(tail_cond, tail_body, kseg_end)

        pltpu.sync_copy(acc_v, out_hbm.at[pl.ds(pl.multiple_of(seg0, 8),
                                                SEG_T)])

    return k(x, batch_i32, sample)

# --- scband reference (transcript-rebuilt; emitter-appended) ---
"""Pipeline reference for scband-gnnpool-45062796870370 (READ-ONLY COPY).

The authoritative reference and input builder live on the scoring server;
editing this copy changes nothing except your own understanding.
"""

import jax, jax.numpy as jnp
import numpy as np

NUM_SEGMENTS = 512

def setup_inputs(seed: int = 0) -> dict:
    key = jax.random.key(seed)
    k1, k2 = jax.random.split(key)
    x = jax.random.normal(k1, (50000, 256), dtype=jnp.float32)
    batch = jnp.sort(jax.random.randint(k2, (50000,), 0, NUM_SEGMENTS, dtype=jnp.int64))
    return {"x": x, "batch": batch}

def reference(x, batch):
    # global_mean_pool: segment-wise mean of node features per graph
    sums = jax.ops.segment_sum(x, batch, num_segments=NUM_SEGMENTS)
    counts = jax.ops.segment_sum(jnp.ones((x.shape[0],), dtype=x.dtype), batch, num_segments=NUM_SEGMENTS)
    counts = jnp.clip(counts, 1.0, None)
    return sums / counts[:, None]

if __name__ == "__main__":
    import jax
    _d = setup_inputs()
    print(jax.jit(kernel)(*tuple(_d.values())))

</pallas_src>

<mosaic_0001>
#map = affine_map<(d0, d1) -> (0, 0)>
#map1 = affine_map<(d0, d1) -> (0)>
module attributes {stable_mosaic.version = 14 : i64} {
  func.func @k(%arg0: i32, %arg1: i32, %arg2: memref<50000x256xf32, #tpu.memory_space<hbm>>, %arg3: memref<50000xi32, #tpu.memory_space<hbm>>, %arg4: memref<782xi32, #tpu.memory_space<hbm>>, %arg5: memref<512x256xf32, #tpu.memory_space<hbm>>, %arg6: memref<782xi32, #tpu.memory_space<vmem>>, %arg7: memref<1224xi32, #tpu.memory_space<vmem>>, %arg8: memref<112x256xf32, #tpu.memory_space<vmem>>, %arg9: memref<112x256xf32, #tpu.memory_space<vmem>>, %arg10: memref<112x256xf32, #tpu.memory_space<vmem>>, %arg11: memref<112x256xf32, #tpu.memory_space<vmem>>, %arg12: memref<16x256xf32, #tpu.memory_space<vmem>>, %arg13: memref<17xi32, #tpu.memory_space<smem>>, %arg14: memref<!tpu.dma_semaphore, #tpu.memory_space<semaphore_mem>>, %arg15: memref<!tpu.dma_semaphore, #tpu.memory_space<semaphore_mem>>, %arg16: memref<!tpu.dma_semaphore, #tpu.memory_space<semaphore_mem>>, %arg17: memref<!tpu.dma_semaphore, #tpu.memory_space<semaphore_mem>>, %arg18: memref<!tpu.dma_semaphore, #tpu.memory_space<semaphore_mem>>) attributes {dimension_semantics = [#tpu.dimension_semantics<core_parallel>, #tpu.dimension_semantics<subcore_parallel>], iteration_bounds = array<i64: 2, 16>, scalar_prefetch = 0 : i64, scratch_operands = 13 : i64, tpu.core_type = #tpu.core_type<sc_vector_subcore>, window_params = [{transform_indices = #map}, {transform_indices = #map1}, {transform_indices = #map1}, {transform_indices = #map}]} {
    %mul3A = arith.constant 16 : i32
    %mul3A_0 = arith.muli %arg0, %mul3A : i32
    %add3A = arith.addi %mul3A_0, %arg1 : i32
    %mul3A_1 = arith.constant 16 : i32
    %mul3A_2 = arith.muli %add3A, %mul3A_1 : i32
    "tpu.region"() ({
      %run_scoped3A = tpu.sem_alloc : memref<!tpu.dma_semaphore, #tpu.memory_space<semaphore_mem>>
      tpu.enqueue_dma source(%arg4 : memref<782xi32, #tpu.memory_space<hbm>>) target(%arg6 : memref<782xi32, #tpu.memory_space<vmem>>) target_semaphore(%run_scoped3A : memref<!tpu.dma_semaphore, #tpu.memory_space<semaphore_mem>>)
      tpu.wait_dma2 semaphore(%run_scoped3A : memref<!tpu.dma_semaphore, #tpu.memory_space<semaphore_mem>>) src(%arg4 : memref<782xi32, #tpu.memory_space<hbm>>) dst(%arg6 : memref<782xi32, #tpu.memory_space<vmem>>)
      tpu.yield
    }) : () -> ()
    %iota3A = tpu.iota {dimensions = array<i32: 0>} : vector<16xi32>
    %add3A_3 = vector.broadcast %mul3A_2 : i32 to vector<16xi32>
    %add3A_4 = arith.addi %add3A_3, %iota3A : vector<16xi32>
    %broadcast_in_dim3A = arith.constant 0 : i32
    %broadcast_in_dim3A_5 = vector.broadcast %broadcast_in_dim3A : i32 to vector<16xi32>
    %broadcast_in_dim3A_6 = arith.constant 782 : i32
    %broadcast_in_dim3A_7 = vector.broadcast %broadcast_in_dim3A_6 : i32 to vector<16xi32>
    %scan3A = arith.constant 0 : i32
    %scan3A_8 = arith.constant 10 : i32
    %scan3A_9 = arith.addi %scan3A, %scan3A_8 : i32
    %scan3A_10 = arith.constant 1 : i32
    %scan3A_11:2 = scf.for %scan3A_811 = %scan3A to %scan3A_9 step %scan3A_10 iter_args(%scan3A_812 = %broadcast_in_dim3A_5, %scan3A_813 = %broadcast_in_dim3A_7) -> (vector<16xi32>, vector<16xi32>)  : i32 {
      %lt3A = arith.cmpi slt, %scan3A_812, %scan3A_813 : vector<16xi32>
      %add3A_814 = arith.addi %scan3A_812, %scan3A_813 : vector<16xi32>
      %jit3A_815 = arith.constant 2 : i32
      %div3A_816 = vector.broadcast %jit3A_815 : i32 to vector<16xi32>
      %div3A_817 = arith.divsi %add3A_814, %div3A_816 : vector<16xi32>
      %sign3A_818 = arith.constant 0 : i32
      %sign3A_819 = vector.broadcast %sign3A_818 : i32 to vector<16xi32>
      %sign3A_820 = arith.cmpi sgt, %add3A_814, %sign3A_819 : vector<16xi32>
      %sign3A_821 = arith.extui %sign3A_820 : vector<16xi1> to vector<16xi32>
      %sign3A_822 = arith.constant 0 : i32
      %sign3A_823 = vector.broadcast %sign3A_822 : i32 to vector<16xi32>
      %sign3A_824 = arith.cmpi slt, %add3A_814, %sign3A_823 : vector<16xi32>
      %sign3A_825 = arith.extui %sign3A_824 : vector<16xi1> to vector<16xi32>
      %sign3A_826 = arith.subi %sign3A_821, %sign3A_825 : vector<16xi32>
      %sign3A_827 = arith.constant 0 : i32
      %sign3A_828 = arith.cmpi sgt, %jit3A_815, %sign3A_827 : i32
      %sign3A_829 = arith.extui %sign3A_828 : i1 to i32
      %sign3A_830 = arith.constant 0 : i32
      %sign3A_831 = arith.cmpi slt, %jit3A_815, %sign3A_830 : i32
      %sign3A_832 = arith.extui %sign3A_831 : i1 to i32
      %sign3A_833 = arith.subi %sign3A_829, %sign3A_832 : i32
      %ne3A_834 = vector.broadcast %sign3A_833 : i32 to vector<16xi32>
      %ne3A_835 = arith.cmpi ne, %sign3A_826, %ne3A_834 : vector<16xi32>
      %rem3A_836 = vector.broadcast %jit3A_815 : i32 to vector<16xi32>
      %rem3A_837 = arith.remsi %add3A_814, %rem3A_836 : vector<16xi32>
      %ne3A_838 = arith.constant 0 : i32
      %ne3A_839 = vector.broadcast %ne3A_838 : i32 to vector<16xi32>
      %ne3A_840 = arith.cmpi ne, %rem3A_837, %ne3A_839 : vector<16xi32>
      %and3A_841 = arith.andi %ne3A_835, %ne3A_840 : vector<16xi1>
      %sub3A_842 = arith.constant 1 : i32
      %sub3A_843 = vector.broadcast %sub3A_842 : i32 to vector<16xi32>
      %sub3A_844 = arith.subi %div3A_817, %sub3A_843 : vector<16xi32>
      %select_n3A_845 = arith.select %and3A_841, %sub3A_844, %div3A_817 : vector<16xi1>, vector<16xi32>
      %min3A_846 = arith.constant 781 : i32
      %min3A_847 = vector.broadcast %min3A_846 : i32 to vector<16xi32>
      %min3A_848 = arith.minsi %select_n3A_845, %min3A_847 : vector<16xi32>
      %gather3A = tpu.vector_load_idx %arg6[%min3A_848] : memref<782xi32, #tpu.memory_space<vmem>>[vector<16xi32>], vector<16xi32>,
      %lt3A_849 = arith.cmpi slt, %gather3A, %add3A_4 : vector<16xi32>
      %and3A_850 = arith.andi %lt3A, %lt3A_849 : vector<16xi1>
      %add3A_851 = arith.constant 1 : i32
      %add3A_852 = vector.broadcast %add3A_851 : i32 to vector<16xi32>
      %add3A_853 = arith.addi %min3A_848, %add3A_852 : vector<16xi32>
      %select_n3A_854 = arith.select %and3A_850, %add3A_853, %scan3A_812 : vector<16xi1>, vector<16xi32>
      %not3A = arith.constant dense<true> : vector<16xi1>
      %not3A_855 = arith.xori %lt3A_849, %not3A : vector<16xi1>
      %and3A_856 = arith.andi %lt3A, %not3A_855 : vector<16xi1>
      %select_n3A_857 = arith.select %and3A_856, %min3A_848, %scan3A_813 : vector<16xi1>, vector<16xi32>
      scf.yield %select_n3A_854, %select_n3A_857 : vector<16xi32>, vector<16xi32>
    }
    %scan3A_12 = arith.constant 10 : i32
    %add3A_13 = arith.constant 1 : i32
    %add3A_14 = arith.addi %mul3A_2, %add3A_13 : i32
    %add3A_15 = vector.broadcast %add3A_14 : i32 to vector<16xi32>
    %add3A_16 = arith.addi %add3A_15, %iota3A : vector<16xi32>
    %broadcast_in_dim3A_17 = arith.constant 0 : i32
    %broadcast_in_dim3A_18 = vector.broadcast %broadcast_in_dim3A_17 : i32 to vector<16xi32>
    %broadcast_in_dim3A_19 = arith.constant 782 : i32
    %broadcast_in_dim3A_20 = vector.broadcast %broadcast_in_dim3A_19 : i32 to vector<16xi32>
    %scan3A_21 = arith.constant 0 : i32
    %scan3A_22 = arith.constant 10 : i32
    %scan3A_23 = arith.addi %scan3A_21, %scan3A_22 : i32
    %scan3A_24 = arith.constant 1 : i32
    %scan3A_25:2 = scf.for %scan3A_811 = %scan3A_21 to %scan3A_23 step %scan3A_24 iter_args(%scan3A_812 = %broadcast_in_dim3A_18, %scan3A_813 = %broadcast_in_dim3A_20) -> (vector<16xi32>, vector<16xi32>)  : i32 {
      %lt3A = arith.cmpi slt, %scan3A_812, %scan3A_813 : vector<16xi32>
      %add3A_814 = arith.addi %scan3A_812, %scan3A_813 : vector<16xi32>
      %jit3A_815 = arith.constant 2 : i32
      %div3A_816 = vector.broadcast %jit3A_815 : i32 to vector<16xi32>
      %div3A_817 = arith.divsi %add3A_814, %div3A_816 : vector<16xi32>
      %sign3A_818 = arith.constant 0 : i32
      %sign3A_819 = vector.broadcast %sign3A_818 : i32 to vector<16xi32>
      %sign3A_820 = arith.cmpi sgt, %add3A_814, %sign3A_819 : vector<16xi32>
      %sign3A_821 = arith.extui %sign3A_820 : vector<16xi1> to vector<16xi32>
      %sign3A_822 = arith.constant 0 : i32
      %sign3A_823 = vector.broadcast %sign3A_822 : i32 to vector<16xi32>
      %sign3A_824 = arith.cmpi slt, %add3A_814, %sign3A_823 : vector<16xi32>
      %sign3A_825 = arith.extui %sign3A_824 : vector<16xi1> to vector<16xi32>
      %sign3A_826 = arith.subi %sign3A_821, %sign3A_825 : vector<16xi32>
      %sign3A_827 = arith.constant 0 : i32
      %sign3A_828 = arith.cmpi sgt, %jit3A_815, %sign3A_827 : i32
      %sign3A_829 = arith.extui %sign3A_828 : i1 to i32
      %sign3A_830 = arith.constant 0 : i32
      %sign3A_831 = arith.cmpi slt, %jit3A_815, %sign3A_830 : i32
      %sign3A_832 = arith.extui %sign3A_831 : i1 to i32
      %sign3A_833 = arith.subi %sign3A_829, %sign3A_832 : i32
      %ne3A_834 = vector.broadcast %sign3A_833 : i32 to vector<16xi32>
      %ne3A_835 = arith.cmpi ne, %sign3A_826, %ne3A_834 : vector<16xi32>
      %rem3A_836 = vector.broadcast %jit3A_815 : i32 to vector<16xi32>
      %rem3A_837 = arith.remsi %add3A_814, %rem3A_836 : vector<16xi32>
      %ne3A_838 = arith.constant 0 : i32
      %ne3A_839 = vector.broadcast %ne3A_838 : i32 to vector<16xi32>
      %ne3A_840 = arith.cmpi ne, %rem3A_837, %ne3A_839 : vector<16xi32>
      %and3A_841 = arith.andi %ne3A_835, %ne3A_840 : vector<16xi1>
      %sub3A_842 = arith.constant 1 : i32
      %sub3A_843 = vector.broadcast %sub3A_842 : i32 to vector<16xi32>
      %sub3A_844 = arith.subi %div3A_817, %sub3A_843 : vector<16xi32>
      %select_n3A_845 = arith.select %and3A_841, %sub3A_844, %div3A_817 : vector<16xi1>, vector<16xi32>
      %min3A_846 = arith.constant 781 : i32
      %min3A_847 = vector.broadcast %min3A_846 : i32 to vector<16xi32>
      %min3A_848 = arith.minsi %select_n3A_845, %min3A_847 : vector<16xi32>
      %gather3A = tpu.vector_load_idx %arg6[%min3A_848] : memref<782xi32, #tpu.memory_space<vmem>>[vector<16xi32>], vector<16xi32>,
      %lt3A_849 = arith.cmpi slt, %gather3A, %add3A_16 : vector<16xi32>
      %and3A_850 = arith.andi %lt3A, %lt3A_849 : vector<16xi1>
      %add3A_851 = arith.constant 1 : i32
      %add3A_852 = vector.broadcast %add3A_851 : i32 to vector<16xi32>
      %add3A_853 = arith.addi %min3A_848, %add3A_852 : vector<16xi32>
      %select_n3A_854 = arith.select %and3A_850, %add3A_853, %scan3A_812 : vector<16xi1>, vector<16xi32>
      %not3A = arith.constant dense<true> : vector<16xi1>
      %not3A_855 = arith.xori %lt3A_849, %not3A : vector<16xi1>
      %and3A_856 = arith.andi %lt3A, %not3A_855 : vector<16xi1>
      %select_n3A_857 = arith.select %and3A_856, %min3A_848, %scan3A_813 : vector<16xi1>, vector<16xi32>
      scf.yield %select_n3A_854, %select_n3A_857 : vector<16xi32>, vector<16xi32>
    }
    %scan3A_26 = arith.constant 10 : i32
    %sub3A = arith.constant 1 : i32
    %sub3A_27 = vector.broadcast %sub3A : i32 to vector<16xi32>
    %sub3A_28 = arith.subi %scan3A_11#0, %sub3A_27 : vector<16xi32>
    %mul3A_29 = arith.constant 64 : i32
    %mul3A_30 = vector.broadcast %mul3A_29 : i32 to vector<16xi32>
    %mul3A_31 = arith.muli %mul3A_30, %sub3A_28 : vector<16xi32>
    %jit3A = arith.constant 0 : i32
    %jit3A_32 = arith.constant 49928 : i32
    %max3A = vector.broadcast %jit3A : i32 to vector<16xi32>
    %max3A_33 = arith.maxsi %max3A, %mul3A_31 : vector<16xi32>
    %min3A = vector.broadcast %jit3A_32 : i32 to vector<16xi32>
    %min3A_34 = arith.minsi %min3A, %max3A_33 : vector<16xi32>
    %sub3A_35 = arith.constant 1 : i32
    %sub3A_36 = vector.broadcast %sub3A_35 : i32 to vector<16xi32>
    %sub3A_37 = arith.subi %scan3A_25#0, %sub3A_36 : vector<16xi32>
    %mul3A_38 = arith.constant 64 : i32
    %mul3A_39 = vector.broadcast %mul3A_38 : i32 to vector<16xi32>
    %mul3A_40 = arith.muli %mul3A_39, %sub3A_37 : vector<16xi32>
    %jit3A_41 = arith.constant 0 : i32
    %jit3A_42 = arith.constant 49928 : i32
    %max3A_43 = vector.broadcast %jit3A_41 : i32 to vector<16xi32>
    %max3A_44 = arith.maxsi %max3A_43, %mul3A_40 : vector<16xi32>
    %min3A_45 = vector.broadcast %jit3A_42 : i32 to vector<16xi32>
    %min3A_46 = arith.minsi %min3A_45, %max3A_44 : vector<16xi32>
    %eq3A = arith.constant 0 : i32
    %eq3A_47 = vector.broadcast %eq3A : i32 to vector<16xi32>
    %eq3A_48 = arith.cmpi eq, %iota3A, %eq3A_47 : vector<16xi32>
    %jit3A_49 = arith.constant 0 : i32
    %broadcast_in_dim3A_50 = vector.broadcast %jit3A_49 : i32 to vector<16xi32>
    %select_n3A = arith.select %eq3A_48, %min3A_34, %broadcast_in_dim3A_50 : vector<16xi1>, vector<16xi32>
    %reduce_sum3A = arith.constant true
    %reduce_sum3A_51 = vector.broadcast %reduce_sum3A : i1 to vector<16xi1>
    %reduce_sum3A_52 = tpu.scan <sum>, %select_n3A masked %reduce_sum3A_51 : vector<16xi32>, vector<16xi1> -> vector<16xi32>
    %reduce_sum3A_53 = vector.extract %reduce_sum3A_52[15] : i32 from vector<16xi32>
    %multiple_of3A = tpu.assume_multiple %reduce_sum3A_53, 8 : i32
    %dma_start3A = arith.constant 0 : i32
    %dma_start3A_54 = tpu.memref_slice %arg7[%dma_start3A] : memref<1224xi32, #tpu.memory_space<vmem>> -> memref<72xi32, #tpu.memory_space<vmem>>
    %dma_start3A_55 = tpu.memref_slice %arg3[%multiple_of3A] : memref<50000xi32, #tpu.memory_space<hbm>> -> memref<72xi32, #tpu.memory_space<hbm>>
    %dma_start3A_56 = arith.constant 0 : i32
    %dma_start3A_57 = tpu.memref_slice %arg7[%dma_start3A_56] : memref<1224xi32, #tpu.memory_space<vmem>> -> memref<72xi32, #tpu.memory_space<vmem>>
    %dma_start3A_58 = tpu.memref_slice %arg3[%multiple_of3A] : memref<50000xi32, #tpu.memory_space<hbm>> -> memref<72xi32, #tpu.memory_space<hbm>>
    tpu.enqueue_dma source(%dma_start3A_58 : memref<72xi32, #tpu.memory_space<hbm>>) target(%dma_start3A_57 : memref<72xi32, #tpu.memory_space<vmem>>) target_semaphore(%arg18 : memref<!tpu.dma_semaphore, #tpu.memory_space<semaphore_mem>>)
    %eq3A_59 = arith.constant 1 : i32
    %eq3A_60 = vector.broadcast %eq3A_59 : i32 to vector<16xi32>
    %eq3A_61 = arith.cmpi eq, %iota3A, %eq3A_60 : vector<16xi32>
    %jit3A_62 = arith.constant 0 : i32
    %broadcast_in_dim3A_63 = vector.broadcast %jit3A_62 : i32 to vector<16xi32>
    %select_n3A_64 = arith.select %eq3A_61, %min3A_34, %broadcast_in_dim3A_63 : vector<16xi1>, vector<16xi32>
    %reduce_sum3A_65 = arith.constant true
    %reduce_sum3A_66 = vector.broadcast %reduce_sum3A_65 : i1 to vector<16xi1>
    %reduce_sum3A_67 = tpu.scan <sum>, %select_n3A_64 masked %reduce_sum3A_66 : vector<16xi32>, vector<16xi1> -> vector<16xi32>
    %reduce_sum3A_68 = vector.extract %reduce_sum3A_67[15] : i32 from vector<16xi32>
    %multiple_of3A_69 = tpu.assume_multiple %reduce_sum3A_68, 8 : i32
    %dma_start3A_70 = arith.constant 72 : i32
    %dma_start3A_71 = tpu.memref_slice %arg7[%dma_start3A_70] : memref<1224xi32, #tpu.memory_space<vmem>> -> memref<72xi32, #tpu.memory_space<vmem>>
    %dma_start3A_72 = tpu.memref_slice %arg3[%multiple_of3A_69] : memref<50000xi32, #tpu.memory_space<hbm>> -> memref<72xi32, #tpu.memory_space<hbm>>
    %dma_start3A_73 = arith.constant 72 : i32
    %dma_start3A_74 = tpu.memref_slice %arg7[%dma_start3A_73] : memref<1224xi32, #tpu.memory_space<vmem>> -> memref<72xi32, #tpu.memory_space<vmem>>
    %dma_start3A_75 = tpu.memref_slice %arg3[%multiple_of3A_69] : memref<50000xi32, #tpu.memory_space<hbm>> -> memref<72xi32, #tpu.memory_space<hbm>>
    tpu.enqueue_dma source(%dma_start3A_75 : memref<72xi32, #tpu.memory_space<hbm>>) target(%dma_start3A_74 : memref<72xi32, #tpu.memory_space<vmem>>) target_semaphore(%arg18 : memref<!tpu.dma_semaphore, #tpu.memory_space<semaphore_mem>>)
    %eq3A_76 = arith.constant 2 : i32
    %eq3A_77 = vector.broadcast %eq3A_76 : i32 to vector<16xi32>
    %eq3A_78 = arith.cmpi eq, %iota3A, %eq3A_77 : vector<16xi32>
    %jit3A_79 = arith.constant 0 : i32
    %broadcast_in_dim3A_80 = vector.broadcast %jit3A_79 : i32 to vector<16xi32>
    %select_n3A_81 = arith.select %eq3A_78, %min3A_34, %broadcast_in_dim3A_80 : vector<16xi1>, vector<16xi32>
    %reduce_sum3A_82 = arith.constant true
    %reduce_sum3A_83 = vector.broadcast %reduce_sum3A_82 : i1 to vector<16xi1>
    %reduce_sum3A_84 = tpu.scan <sum>, %select_n3A_81 masked %reduce_sum3A_83 : vector<16xi32>, vector<16xi1> -> vector<16xi32>
    %reduce_sum3A_85 = vector.extract %reduce_sum3A_84[15] : i32 from vector<16xi32>
    %multiple_of3A_86 = tpu.assume_multiple %reduce_sum3A_85, 8 : i32
    %dma_start3A_87 = arith.constant 144 : i32
    %dma_start3A_88 = tpu.memref_slice %arg7[%dma_start3A_87] : memref<1224xi32, #tpu.memory_space<vmem>> -> memref<72xi32, #tpu.memory_space<vmem>>
    %dma_start3A_89 = tpu.memref_slice %arg3[%multiple_of3A_86] : memref<50000xi32, #tpu.memory_space<hbm>> -> memref<72xi32, #tpu.memory_space<hbm>>
    %dma_start3A_90 = arith.constant 144 : i32
    %dma_start3A_91 = tpu.memref_slice %arg7[%dma_start3A_90] : memref<1224xi32, #tpu.memory_space<vmem>> -> memref<72xi32, #tpu.memory_space<vmem>>
    %dma_start3A_92 = tpu.memref_slice %arg3[%multiple_of3A_86] : memref<50000xi32, #tpu.memory_space<hbm>> -> memref<72xi32, #tpu.memory_space<hbm>>
    tpu.enqueue_dma source(%dma_start3A_92 : memref<72xi32, #tpu.memory_space<hbm>>) target(%dma_start3A_91 : memref<72xi32, #tpu.memory_space<vmem>>) target_semaphore(%arg18 : memref<!tpu.dma_semaphore, #tpu.memory_space<semaphore_mem>>)
    %eq3A_93 = arith.constant 3 : i32
    %eq3A_94 = vector.broadcast %eq3A_93 : i32 to vector<16xi32>
    %eq3A_95 = arith.cmpi eq, %iota3A, %eq3A_94 : vector<16xi32>
    %jit3A_96 = arith.constant 0 : i32
    %broadcast_in_dim3A_97 = vector.broadcast %jit3A_96 : i32 to vector<16xi32>
    %select_n3A_98 = arith.select %eq3A_95, %min3A_34, %broadcast_in_dim3A_97 : vector<16xi1>, vector<16xi32>
    %reduce_sum3A_99 = arith.constant true
    %reduce_sum3A_100 = vector.broadcast %reduce_sum3A_99 : i1 to vector<16xi1>
    %reduce_sum3A_101 = tpu.scan <sum>, %select_n3A_98 masked %reduce_sum3A_100 : vector<16xi32>, vector<16xi1> -> vector<16xi32>
    %reduce_sum3A_102 = vector.extract %reduce_sum3A_101[15] : i32 from vector<16xi32>
    %multiple_of3A_103 = tpu.assume_multiple %reduce_sum3A_102, 8 : i32
    %dma_start3A_104 = arith.constant 216 : i32
    %dma_start3A_105 = tpu.memref_slice %arg7[%dma_start3A_104] : memref<1224xi32, #tpu.memory_space<vmem>> -> memref<72xi32, #tpu.memory_space<vmem>>
    %dma_start3A_106 = tpu.memref_slice %arg3[%multiple_of3A_103] : memref<50000xi32, #tpu.memory_space<hbm>> -> memref<72xi32, #tpu.memory_space<hbm>>
    %dma_start3A_107 = arith.constant 216 : i32
    %dma_start3A_108 = tpu.memref_slice %arg7[%dma_start3A_107] : memref<1224xi32, #tpu.memory_space<vmem>> -> memref<72xi32, #tpu.memory_space<vmem>>
    %dma_start3A_109 = tpu.memref_slice %arg3[%multiple_of3A_103] : memref<50000xi32, #tpu.memory_space<hbm>> -> memref<72xi32, #tpu.memory_space<hbm>>
    tpu.enqueue_dma source(%dma_start3A_109 : memref<72xi32, #tpu.memory_space<hbm>>) target(%dma_start3A_108 : memref<72xi32, #tpu.memory_space<vmem>>) target_semaphore(%arg18 : memref<!tpu.dma_semaphore, #tpu.memory_space<semaphore_mem>>)
    %eq3A_110 = arith.constant 4 : i32
    %eq3A_111 = vector.broadcast %eq3A_110 : i32 to vector<16xi32>
    %eq3A_112 = arith.cmpi eq, %iota3A, %eq3A_111 : vector<16xi32>
    %jit3A_113 = arith.constant 0 : i32
    %broadcast_in_dim3A_114 = vector.broadcast %jit3A_113 : i32 to vector<16xi32>
    %select_n3A_115 = arith.select %eq3A_112, %min3A_34, %broadcast_in_dim3A_114 : vector<16xi1>, vector<16xi32>
    %reduce_sum3A_116 = arith.constant true
    %reduce_sum3A_117 = vector.broadcast %reduce_sum3A_116 : i1 to vector<16xi1>
    %reduce_sum3A_118 = tpu.scan <sum>, %select_n3A_115 masked %reduce_sum3A_117 : vector<16xi32>, vector<16xi1> -> vector<16xi32>
    %reduce_sum3A_119 = vector.extract %reduce_sum3A_118[15] : i32 from vector<16xi32>
    %multiple_of3A_120 = tpu.assume_multiple %reduce_sum3A_119, 8 : i32
    %dma_start3A_121 = arith.constant 288 : i32
    %dma_start3A_122 = tpu.memref_slice %arg7[%dma_start3A_121] : memref<1224xi32, #tpu.memory_space<vmem>> -> memref<72xi32, #tpu.memory_space<vmem>>
    %dma_start3A_123 = tpu.memref_slice %arg3[%multiple_of3A_120] : memref<50000xi32, #tpu.memory_space<hbm>> -> memref<72xi32, #tpu.memory_space<hbm>>
    %dma_start3A_124 = arith.constant 288 : i32
    %dma_start3A_125 = tpu.memref_slice %arg7[%dma_start3A_124] : memref<1224xi32, #tpu.memory_space<vmem>> -> memref<72xi32, #tpu.memory_space<vmem>>
    %dma_start3A_126 = tpu.memref_slice %arg3[%multiple_of3A_120] : memref<50000xi32, #tpu.memory_space<hbm>> -> memref<72xi32, #tpu.memory_space<hbm>>
    tpu.enqueue_dma source(%dma_start3A_126 : memref<72xi32, #tpu.memory_space<hbm>>) target(%dma_start3A_125 : memref<72xi32, #tpu.memory_space<vmem>>) target_semaphore(%arg18 : memref<!tpu.dma_semaphore, #tpu.memory_space<semaphore_mem>>)
    %eq3A_127 = arith.constant 5 : i32
    %eq3A_128 = vector.broadcast %eq3A_127 : i32 to vector<16xi32>
    %eq3A_129 = arith.cmpi eq, %iota3A, %eq3A_128 : vector<16xi32>
    %jit3A_130 = arith.constant 0 : i32
    %broadcast_in_dim3A_131 = vector.broadcast %jit3A_130 : i32 to vector<16xi32>
    %select_n3A_132 = arith.select %eq3A_129, %min3A_34, %broadcast_in_dim3A_131 : vector<16xi1>, vector<16xi32>
    %reduce_sum3A_133 = arith.constant true
    %reduce_sum3A_134 = vector.broadcast %reduce_sum3A_133 : i1 to vector<16xi1>
    %reduce_sum3A_135 = tpu.scan <sum>, %select_n3A_132 masked %reduce_sum3A_134 : vector<16xi32>, vector<16xi1> -> vector<16xi32>
    %reduce_sum3A_136 = vector.extract %reduce_sum3A_135[15] : i32 from vector<16xi32>
    %multiple_of3A_137 = tpu.assume_multiple %reduce_sum3A_136, 8 : i32
    %dma_start3A_138 = arith.constant 360 : i32
    %dma_start3A_139 = tpu.memref_slice %arg7[%dma_start3A_138] : memref<1224xi32, #tpu.memory_space<vmem>> -> memref<72xi32, #tpu.memory_space<vmem>>
    %dma_start3A_140 = tpu.memref_slice %arg3[%multiple_of3A_137] : memref<50000xi32, #tpu.memory_space<hbm>> -> memref<72xi32, #tpu.memory_space<hbm>>
    %dma_start3A_141 = arith.constant 360 : i32
    %dma_start3A_142 = tpu.memref_slice %arg7[%dma_start3A_141] : memref<1224xi32, #tpu.memory_space<vmem>> -> memref<72xi32, #tpu.memory_space<vmem>>
    %dma_start3A_143 = tpu.memref_slice %arg3[%multiple_of3A_137] : memref<50000xi32, #tpu.memory_space<hbm>> -> memref<72xi32, #tpu.memory_space<hbm>>
    tpu.enqueue_dma source(%dma_start3A_143 : memref<72xi32, #tpu.memory_space<hbm>>) target(%dma_start3A_142 : memref<72xi32, #tpu.memory_space<vmem>>) target_semaphore(%arg18 : memref<!tpu.dma_semaphore, #tpu.memory_space<semaphore_mem>>)
    %eq3A_144 = arith.constant 6 : i32
    %eq3A_145 = vector.broadcast %eq3A_144 : i32 to vector<16xi32>
    %eq3A_146 = arith.cmpi eq, %iota3A, %eq3A_145 : vector<16xi32>
    %jit3A_147 = arith.constant 0 : i32
    %broadcast_in_dim3A_148 = vector.broadcast %jit3A_147 : i32 to vector<16xi32>
    %select_n3A_149 = arith.select %eq3A_146, %min3A_34, %broadcast_in_dim3A_148 : vector<16xi1>, vector<16xi32>
    %reduce_sum3A_150 = arith.constant true
    %reduce_sum3A_151 = vector.broadcast %reduce_sum3A_150 : i1 to vector<16xi1>
    %reduce_sum3A_152 = tpu.scan <sum>, %select_n3A_149 masked %reduce_sum3A_151 : vector<16xi32>, vector<16xi1> -> vector<16xi32>
    %reduce_sum3A_153 = vector.extract %reduce_sum3A_152[15] : i32 from vector<16xi32>
    %multiple_of3A_154 = tpu.assume_multiple %reduce_sum3A_153, 8 : i32
    %dma_start3A_155 = arith.constant 432 : i32
    %dma_start3A_156 = tpu.memref_slice %arg7[%dma_start3A_155] : memref<1224xi32, #tpu.memory_space<vmem>> -> memref<72xi32, #tpu.memory_space<vmem>>
    %dma_start3A_157 = tpu.memref_slice %arg3[%multiple_of3A_154] : memref<50000xi32, #tpu.memory_space<hbm>> -> memref<72xi32, #tpu.memory_space<hbm>>
    %dma_start3A_158 = arith.constant 432 : i32
    %dma_start3A_159 = tpu.memref_slice %arg7[%dma_start3A_158] : memref<1224xi32, #tpu.memory_space<vmem>> -> memref<72xi32, #tpu.memory_space<vmem>>
    %dma_start3A_160 = tpu.memref_slice %arg3[%multiple_of3A_154] : memref<50000xi32, #tpu.memory_space<hbm>> -> memref<72xi32, #tpu.memory_space<hbm>>
    tpu.enqueue_dma source(%dma_start3A_160 : memref<72xi32, #tpu.memory_space<hbm>>) target(%dma_start3A_159 : memref<72xi32, #tpu.memory_space<vmem>>) target_semaphore(%arg18 : memref<!tpu.dma_semaphore, #tpu.memory_space<semaphore_mem>>)
    %eq3A_161 = arith.constant 7 : i32
    %eq3A_162 = vector.broadcast %eq3A_161 : i32 to vector<16xi32>
    %eq3A_163 = arith.cmpi eq, %iota3A, %eq3A_162 : vector<16xi32>
    %jit3A_164 = arith.constant 0 : i32
    %broadcast_in_dim3A_165 = vector.broadcast %jit3A_164 : i32 to vector<16xi32>
    %select_n3A_166 = arith.select %eq3A_163, %min3A_34, %broadcast_in_dim3A_165 : vector<16xi1>, vector<16xi32>
    %reduce_sum3A_167 = arith.constant true
    %reduce_sum3A_168 = vector.broadcast %reduce_sum3A_167 : i1 to vector<16xi1>
    %reduce_sum3A_169 = tpu.scan <sum>, %select_n3A_166 masked %reduce_sum3A_168 : vector<16xi32>, vector<16xi1> -> vector<16xi32>
    %reduce_sum3A_170 = vector.extract %reduce_sum3A_169[15] : i32 from vector<16xi32>
    %multiple_of3A_171 = tpu.assume_multiple %reduce_sum3A_170, 8 : i32
    %dma_start3A_172 = arith.constant 504 : i32
    %dma_start3A_173 = tpu.memref_slice %arg7[%dma_start3A_172] : memref<1224xi32, #tpu.memory_space<vmem>> -> memref<72xi32, #tpu.memory_space<vmem>>
    %dma_start3A_174 = tpu.memref_slice %arg3[%multiple_of3A_171] : memref<50000xi32, #tpu.memory_space<hbm>> -> memref<72xi32, #tpu.memory_space<hbm>>
    %dma_start3A_175 = arith.constant 504 : i32
    %dma_start3A_176 = tpu.memref_slice %arg7[%dma_start3A_175] : memref<1224xi32, #tpu.memory_space<vmem>> -> memref<72xi32, #tpu.memory_space<vmem>>
    %dma_start3A_177 = tpu.memref_slice %arg3[%multiple_of3A_171] : memref<50000xi32, #tpu.memory_space<hbm>> -> memref<72xi32, #tpu.memory_space<hbm>>
    tpu.enqueue_dma source(%dma_start3A_177 : memref<72xi32, #tpu.memory_space<hbm>>) target(%dma_start3A_176 : memref<72xi32, #tpu.memory_space<vmem>>) target_semaphore(%arg18 : memref<!tpu.dma_semaphore, #tpu.memory_space<semaphore_mem>>)
    %eq3A_178 = arith.constant 8 : i32
    %eq3A_179 = vector.broadcast %eq3A_178 : i32 to vector<16xi32>
    %eq3A_180 = arith.cmpi eq, %iota3A, %eq3A_179 : vector<16xi32>
    %jit3A_181 = arith.constant 0 : i32
    %broadcast_in_dim3A_182 = vector.broadcast %jit3A_181 : i32 to vector<16xi32>
    %select_n3A_183 = arith.select %eq3A_180, %min3A_34, %broadcast_in_dim3A_182 : vector<16xi1>, vector<16xi32>
    %reduce_sum3A_184 = arith.constant true
    %reduce_sum3A_185 = vector.broadcast %reduce_sum3A_184 : i1 to vector<16xi1>
    %reduce_sum3A_186 = tpu.scan <sum>, %select_n3A_183 masked %reduce_sum3A_185 : vector<16xi32>, vector<16xi1> -> vector<16xi32>
    %reduce_sum3A_187 = vector.extract %reduce_sum3A_186[15] : i32 from vector<16xi32>
    %multiple_of3A_188 = tpu.assume_multiple %reduce_sum3A_187, 8 : i32
    %dma_start3A_189 = arith.constant 576 : i32
    %dma_start3A_190 = tpu.memref_slice %arg7[%dma_start3A_189] : memref<1224xi32, #tpu.memory_space<vmem>> -> memref<72xi32, #tpu.memory_space<vmem>>
    %dma_start3A_191 = tpu.memref_slice %arg3[%multiple_of3A_188] : memref<50000xi32, #tpu.memory_space<hbm>> -> memref<72xi32, #tpu.memory_space<hbm>>
    %dma_start3A_192 = arith.constant 576 : i32
    %dma_start3A_193 = tpu.memref_slice %arg7[%dma_start3A_192] : memref<1224xi32, #tpu.memory_space<vmem>> -> memref<72xi32, #tpu.memory_space<vmem>>
    %dma_start3A_194 = tpu.memref_slice %arg3[%multiple_of3A_188] : memref<50000xi32, #tpu.memory_space<hbm>> -> memref<72xi32, #tpu.memory_space<hbm>>
    tpu.enqueue_dma source(%dma_start3A_194 : memref<72xi32, #tpu.memory_space<hbm>>) target(%dma_start3A_193 : memref<72xi32, #tpu.memory_space<vmem>>) target_semaphore(%arg18 : memref<!tpu.dma_semaphore, #tpu.memory_space<semaphore_mem>>)
    %eq3A_195 = arith.constant 9 : i32
    %eq3A_196 = vector.broadcast %eq3A_195 : i32 to vector<16xi32>
    %eq3A_197 = arith.cmpi eq, %iota3A, %eq3A_196 : vector<16xi32>
    %jit3A_198 = arith.constant 0 : i32
    %broadcast_in_dim3A_199 = vector.broadcast %jit3A_198 : i32 to vector<16xi32>
    %select_n3A_200 = arith.select %eq3A_197, %min3A_34, %broadcast_in_dim3A_199 : vector<16xi1>, vector<16xi32>
    %reduce_sum3A_201 = arith.constant true
    %reduce_sum3A_202 = vector.broadcast %reduce_sum3A_201 : i1 to vector<16xi1>
    %reduce_sum3A_203 = tpu.scan <sum>, %select_n3A_200 masked %reduce_sum3A_202 : vector<16xi32>, vector<16xi1> -> vector<16xi32>
    %reduce_sum3A_204 = vector.extract %reduce_sum3A_203[15] : i32 from vector<16xi32>
    %multiple_of3A_205 = tpu.assume_multiple %reduce_sum3A_204, 8 : i32
    %dma_start3A_206 = arith.constant 648 : i32
    %dma_start3A_207 = tpu.memref_slice %arg7[%dma_start3A_206] : memref<1224xi32, #tpu.memory_space<vmem>> -> memref<72xi32, #tpu.memory_space<vmem>>
    %dma_start3A_208 = tpu.memref_slice %arg3[%multiple_of3A_205] : memref<50000xi32, #tpu.memory_space<hbm>> -> memref<72xi32, #tpu.memory_space<hbm>>
    %dma_start3A_209 = arith.constant 648 : i32
    %dma_start3A_210 = tpu.memref_slice %arg7[%dma_start3A_209] : memref<1224xi32, #tpu.memory_space<vmem>> -> memref<72xi32, #tpu.memory_space<vmem>>
    %dma_start3A_211 = tpu.memref_slice %arg3[%multiple_of3A_205] : memref<50000xi32, #tpu.memory_space<hbm>> -> memref<72xi32, #tpu.memory_space<hbm>>
    tpu.enqueue_dma source(%dma_start3A_211 : memref<72xi32, #tpu.memory_space<hbm>>) target(%dma_start3A_210 : memref<72xi32, #tpu.memory_space<vmem>>) target_semaphore(%arg18 : memref<!tpu.dma_semaphore, #tpu.memory_space<semaphore_mem>>)
    %eq3A_212 = arith.constant 10 : i32
    %eq3A_213 = vector.broadcast %eq3A_212 : i32 to vector<16xi32>
    %eq3A_214 = arith.cmpi eq, %iota3A, %eq3A_213 : vector<16xi32>
    %jit3A_215 = arith.constant 0 : i32
    %broadcast_in_dim3A_216 = vector.broadcast %jit3A_215 : i32 to vector<16xi32>
    %select_n3A_217 = arith.select %eq3A_214, %min3A_34, %broadcast_in_dim3A_216 : vector<16xi1>, vector<16xi32>
    %reduce_sum3A_218 = arith.constant true
    %reduce_sum3A_219 = vector.broadcast %reduce_sum3A_218 : i1 to vector<16xi1>
    %reduce_sum3A_220 = tpu.scan <sum>, %select_n3A_217 masked %reduce_sum3A_219 : vector<16xi32>, vector<16xi1> -> vector<16xi32>
    %reduce_sum3A_221 = vector.extract %reduce_sum3A_220[15] : i32 from vector<16xi32>
    %multiple_of3A_222 = tpu.assume_multiple %reduce_sum3A_221, 8 : i32
    %dma_start3A_223 = arith.constant 720 : i32
    %dma_start3A_224 = tpu.memref_slice %arg7[%dma_start3A_223] : memref<1224xi32, #tpu.memory_space<vmem>> -> memref<72xi32, #tpu.memory_space<vmem>>
    %dma_start3A_225 = tpu.memref_slice %arg3[%multiple_of3A_222] : memref<50000xi32, #tpu.memory_space<hbm>> -> memref<72xi32, #tpu.memory_space<hbm>>
    %dma_start3A_226 = arith.constant 720 : i32
    %dma_start3A_227 = tpu.memref_slice %arg7[%dma_start3A_226] : memref<1224xi32, #tpu.memory_space<vmem>> -> memref<72xi32, #tpu.memory_space<vmem>>
    %dma_start3A_228 = tpu.memref_slice %arg3[%multiple_of3A_222] : memref<50000xi32, #tpu.memory_space<hbm>> -> memref<72xi32, #tpu.memory_space<hbm>>
    tpu.enqueue_dma source(%dma_start3A_228 : memref<72xi32, #tpu.memory_space<hbm>>) target(%dma_start3A_227 : memref<72xi32, #tpu.memory_space<vmem>>) target_semaphore(%arg18 : memref<!tpu.dma_semaphore, #tpu.memory_space<semaphore_mem>>)
    %eq3A_229 = arith.constant 11 : i32
    %eq3A_230 = vector.broadcast %eq3A_229 : i32 to vector<16xi32>
    %eq3A_231 = arith.cmpi eq, %iota3A, %eq3A_230 : vector<16xi32>
    %jit3A_232 = arith.constant 0 : i32
    %broadcast_in_dim3A_233 = vector.broadcast %jit3A_232 : i32 to vector<16xi32>
    %select_n3A_234 = arith.select %eq3A_231, %min3A_34, %broadcast_in_dim3A_233 : vector<16xi1>, vector<16xi32>
    %reduce_sum3A_235 = arith.constant true
    %reduce_sum3A_236 = vector.broadcast %reduce_sum3A_235 : i1 to vector<16xi1>
    %reduce_sum3A_237 = tpu.scan <sum>, %select_n3A_234 masked %reduce_sum3A_236 : vector<16xi32>, vector<16xi1> -> vector<16xi32>
    %reduce_sum3A_238 = vector.extract %reduce_sum3A_237[15] : i32 from vector<16xi32>
    %multiple_of3A_239 = tpu.assume_multiple %reduce_sum3A_238, 8 : i32
    %dma_start3A_240 = arith.constant 792 : i32
    %dma_start3A_241 = tpu.memref_slice %arg7[%dma_start3A_240] : memref<1224xi32, #tpu.memory_space<vmem>> -> memref<72xi32, #tpu.memory_space<vmem>>
    %dma_start3A_242 = tpu.memref_slice %arg3[%multiple_of3A_239] : memref<50000xi32, #tpu.memory_space<hbm>> -> memref<72xi32, #tpu.memory_space<hbm>>
    %dma_start3A_243 = arith.constant 792 : i32
    %dma_start3A_244 = tpu.memref_slice %arg7[%dma_start3A_243] : memref<1224xi32, #tpu.memory_space<vmem>> -> memref<72xi32, #tpu.memory_space<vmem>>
    %dma_start3A_245 = tpu.memref_slice %arg3[%multiple_of3A_239] : memref<50000xi32, #tpu.memory_space<hbm>> -> memref<72xi32, #tpu.memory_space<hbm>>
    tpu.enqueue_dma source(%dma_start3A_245 : memref<72xi32, #tpu.memory_space<hbm>>) target(%dma_start3A_244 : memref<72xi32, #tpu.memory_space<vmem>>) target_semaphore(%arg18 : memref<!tpu.dma_semaphore, #tpu.memory_space<semaphore_mem>>)
    %eq3A_246 = arith.constant 12 : i32
    %eq3A_247 = vector.broadcast %eq3A_246 : i32 to vector<16xi32>
    %eq3A_248 = arith.cmpi eq, %iota3A, %eq3A_247 : vector<16xi32>
    %jit3A_249 = arith.constant 0 : i32
    %broadcast_in_dim3A_250 = vector.broadcast %jit3A_249 : i32 to vector<16xi32>
    %select_n3A_251 = arith.select %eq3A_248, %min3A_34, %broadcast_in_dim3A_250 : vector<16xi1>, vector<16xi32>
    %reduce_sum3A_252 = arith.constant true
    %reduce_sum3A_253 = vector.broadcast %reduce_sum3A_252 : i1 to vector<16xi1>
    %reduce_sum3A_254 = tpu.scan <sum>, %select_n3A_251 masked %reduce_sum3A_253 : vector<16xi32>, vector<16xi1> -> vector<16xi32>
    %reduce_sum3A_255 = vector.extract %reduce_sum3A_254[15] : i32 from vector<16xi32>
    %multiple_of3A_256 = tpu.assume_multiple %reduce_sum3A_255, 8 : i32
    %dma_start3A_257 = arith.constant 864 : i32
    %dma_start3A_258 = tpu.memref_slice %arg7[%dma_start3A_257] : memref<1224xi32, #tpu.memory_space<vmem>> -> memref<72xi32, #tpu.memory_space<vmem>>
    %dma_start3A_259 = tpu.memref_slice %arg3[%multiple_of3A_256] : memref<50000xi32, #tpu.memory_space<hbm>> -> memref<72xi32, #tpu.memory_space<hbm>>
    %dma_start3A_260 = arith.constant 864 : i32
    %dma_start3A_261 = tpu.memref_slice %arg7[%dma_start3A_260] : memref<1224xi32, #tpu.memory_space<vmem>> -> memref<72xi32, #tpu.memory_space<vmem>>
    %dma_start3A_262 = tpu.memref_slice %arg3[%multiple_of3A_256] : memref<50000xi32, #tpu.memory_space<hbm>> -> memref<72xi32, #tpu.memory_space<hbm>>
    tpu.enqueue_dma source(%dma_start3A_262 : memref<72xi32, #tpu.memory_space<hbm>>) target(%dma_start3A_261 : memref<72xi32, #tpu.memory_space<vmem>>) target_semaphore(%arg18 : memref<!tpu.dma_semaphore, #tpu.memory_space<semaphore_mem>>)
    %eq3A_263 = arith.constant 13 : i32
    %eq3A_264 = vector.broadcast %eq3A_263 : i32 to vector<16xi32>
    %eq3A_265 = arith.cmpi eq, %iota3A, %eq3A_264 : vector<16xi32>
    %jit3A_266 = arith.constant 0 : i32
    %broadcast_in_dim3A_267 = vector.broadcast %jit3A_266 : i32 to vector<16xi32>
    %select_n3A_268 = arith.select %eq3A_265, %min3A_34, %broadcast_in_dim3A_267 : vector<16xi1>, vector<16xi32>
    %reduce_sum3A_269 = arith.constant true
    %reduce_sum3A_270 = vector.broadcast %reduce_sum3A_269 : i1 to vector<16xi1>
    %reduce_sum3A_271 = tpu.scan <sum>, %select_n3A_268 masked %reduce_sum3A_270 : vector<16xi32>, vector<16xi1> -> vector<16xi32>
    %reduce_sum3A_272 = vector.extract %reduce_sum3A_271[15] : i32 from vector<16xi32>
    %multiple_of3A_273 = tpu.assume_multiple %reduce_sum3A_272, 8 : i32
    %dma_start3A_274 = arith.constant 936 : i32
    %dma_start3A_275 = tpu.memref_slice %arg7[%dma_start3A_274] : memref<1224xi32, #tpu.memory_space<vmem>> -> memref<72xi32, #tpu.memory_space<vmem>>
    %dma_start3A_276 = tpu.memref_slice %arg3[%multiple_of3A_273] : memref<50000xi32, #tpu.memory_space<hbm>> -> memref<72xi32, #tpu.memory_space<hbm>>
    %dma_start3A_277 = arith.constant 936 : i32
    %dma_start3A_278 = tpu.memref_slice %arg7[%dma_start3A_277] : memref<1224xi32, #tpu.memory_space<vmem>> -> memref<72xi32, #tpu.memory_space<vmem>>
    %dma_start3A_279 = tpu.memref_slice %arg3[%multiple_of3A_273] : memref<50000xi32, #tpu.memory_space<hbm>> -> memref<72xi32, #tpu.memory_space<hbm>>
    tpu.enqueue_dma source(%dma_start3A_279 : memref<72xi32, #tpu.memory_space<hbm>>) target(%dma_start3A_278 : memref<72xi32, #tpu.memory_space<vmem>>) target_semaphore(%arg18 : memref<!tpu.dma_semaphore, #tpu.memory_space<semaphore_mem>>)
    %eq3A_280 = arith.constant 14 : i32
    %eq3A_281 = vector.broadcast %eq3A_280 : i32 to vector<16xi32>
    %eq3A_282 = arith.cmpi eq, %iota3A, %eq3A_281 : vector<16xi32>
    %jit3A_283 = arith.constant 0 : i32
    %broadcast_in_dim3A_284 = vector.broadcast %jit3A_283 : i32 to vector<16xi32>
    %select_n3A_285 = arith.select %eq3A_282, %min3A_34, %broadcast_in_dim3A_284 : vector<16xi1>, vector<16xi32>
    %reduce_sum3A_286 = arith.constant true
    %reduce_sum3A_287 = vector.broadcast %reduce_sum3A_286 : i1 to vector<16xi1>
    %reduce_sum3A_288 = tpu.scan <sum>, %select_n3A_285 masked %reduce_sum3A_287 : vector<16xi32>, vector<16xi1> -> vector<16xi32>
    %reduce_sum3A_289 = vector.extract %reduce_sum3A_288[15] : i32 from vector<16xi32>
    %multiple_of3A_290 = tpu.assume_multiple %reduce_sum3A_289, 8 : i32
    %dma_start3A_291 = arith.constant 1008 : i32
    %dma_start3A_292 = tpu.memref_slice %arg7[%dma_start3A_291] : memref<1224xi32, #tpu.memory_space<vmem>> -> memref<72xi32, #tpu.memory_space<vmem>>
    %dma_start3A_293 = tpu.memref_slice %arg3[%multiple_of3A_290] : memref<50000xi32, #tpu.memory_space<hbm>> -> memref<72xi32, #tpu.memory_space<hbm>>
    %dma_start3A_294 = arith.constant 1008 : i32
    %dma_start3A_295 = tpu.memref_slice %arg7[%dma_start3A_294] : memref<1224xi32, #tpu.memory_space<vmem>> -> memref<72xi32, #tpu.memory_space<vmem>>
    %dma_start3A_296 = tpu.memref_slice %arg3[%multiple_of3A_290] : memref<50000xi32, #tpu.memory_space<hbm>> -> memref<72xi32, #tpu.memory_space<hbm>>
    tpu.enqueue_dma source(%dma_start3A_296 : memref<72xi32, #tpu.memory_space<hbm>>) target(%dma_start3A_295 : memref<72xi32, #tpu.memory_space<vmem>>) target_semaphore(%arg18 : memref<!tpu.dma_semaphore, #tpu.memory_space<semaphore_mem>>)
    %eq3A_297 = arith.constant 15 : i32
    %eq3A_298 = vector.broadcast %eq3A_297 : i32 to vector<16xi32>
    %eq3A_299 = arith.cmpi eq, %iota3A, %eq3A_298 : vector<16xi32>
    %jit3A_300 = arith.constant 0 : i32
    %broadcast_in_dim3A_301 = vector.broadcast %jit3A_300 : i32 to vector<16xi32>
    %select_n3A_302 = arith.select %eq3A_299, %min3A_34, %broadcast_in_dim3A_301 : vector<16xi1>, vector<16xi32>
    %reduce_sum3A_303 = arith.constant true
    %reduce_sum3A_304 = vector.broadcast %reduce_sum3A_303 : i1 to vector<16xi1>
    %reduce_sum3A_305 = tpu.scan <sum>, %select_n3A_302 masked %reduce_sum3A_304 : vector<16xi32>, vector<16xi1> -> vector<16xi32>
    %reduce_sum3A_306 = vector.extract %reduce_sum3A_305[15] : i32 from vector<16xi32>
    %multiple_of3A_307 = tpu.assume_multiple %reduce_sum3A_306, 8 : i32
    %dma_start3A_308 = arith.constant 1080 : i32
    %dma_start3A_309 = tpu.memref_slice %arg7[%dma_start3A_308] : memref<1224xi32, #tpu.memory_space<vmem>> -> memref<72xi32, #tpu.memory_space<vmem>>
    %dma_start3A_310 = tpu.memref_slice %arg3[%multiple_of3A_307] : memref<50000xi32, #tpu.memory_space<hbm>> -> memref<72xi32, #tpu.memory_space<hbm>>
    %dma_start3A_311 = arith.constant 1080 : i32
    %dma_start3A_312 = tpu.memref_slice %arg7[%dma_start3A_311] : memref<1224xi32, #tpu.memory_space<vmem>> -> memref<72xi32, #tpu.memory_space<vmem>>
    %dma_start3A_313 = tpu.memref_slice %arg3[%multiple_of3A_307] : memref<50000xi32, #tpu.memory_space<hbm>> -> memref<72xi32, #tpu.memory_space<hbm>>
    tpu.enqueue_dma source(%dma_start3A_313 : memref<72xi32, #tpu.memory_space<hbm>>) target(%dma_start3A_312 : memref<72xi32, #tpu.memory_space<vmem>>) target_semaphore(%arg18 : memref<!tpu.dma_semaphore, #tpu.memory_space<semaphore_mem>>)
    %eq3A_314 = arith.constant 15 : i32
    %eq3A_315 = vector.broadcast %eq3A_314 : i32 to vector<16xi32>
    %eq3A_316 = arith.cmpi eq, %iota3A, %eq3A_315 : vector<16xi32>
    %jit3A_317 = arith.constant 0 : i32
    %broadcast_in_dim3A_318 = vector.broadcast %jit3A_317 : i32 to vector<16xi32>
    %select_n3A_319 = arith.select %eq3A_316, %min3A_46, %broadcast_in_dim3A_318 : vector<16xi1>, vector<16xi32>
    %reduce_sum3A_320 = arith.constant true
    %reduce_sum3A_321 = vector.broadcast %reduce_sum3A_320 : i1 to vector<16xi1>
    %reduce_sum3A_322 = tpu.scan <sum>, %select_n3A_319 masked %reduce_sum3A_321 : vector<16xi32>, vector<16xi1> -> vector<16xi32>
    %reduce_sum3A_323 = vector.extract %reduce_sum3A_322[15] : i32 from vector<16xi32>
    %multiple_of3A_324 = tpu.assume_multiple %reduce_sum3A_323, 8 : i32
    %dma_start3A_325 = arith.constant 1152 : i32
    %dma_start3A_326 = tpu.memref_slice %arg7[%dma_start3A_325] : memref<1224xi32, #tpu.memory_space<vmem>> -> memref<72xi32, #tpu.memory_space<vmem>>
    %dma_start3A_327 = tpu.memref_slice %arg3[%multiple_of3A_324] : memref<50000xi32, #tpu.memory_space<hbm>> -> memref<72xi32, #tpu.memory_space<hbm>>
    %dma_start3A_328 = arith.constant 1152 : i32
    %dma_start3A_329 = tpu.memref_slice %arg7[%dma_start3A_328] : memref<1224xi32, #tpu.memory_space<vmem>> -> memref<72xi32, #tpu.memory_space<vmem>>
    %dma_start3A_330 = tpu.memref_slice %arg3[%multiple_of3A_324] : memref<50000xi32, #tpu.memory_space<hbm>> -> memref<72xi32, #tpu.memory_space<hbm>>
    tpu.enqueue_dma source(%dma_start3A_330 : memref<72xi32, #tpu.memory_space<hbm>>) target(%dma_start3A_329 : memref<72xi32, #tpu.memory_space<vmem>>) target_semaphore(%arg18 : memref<!tpu.dma_semaphore, #tpu.memory_space<semaphore_mem>>)
    %dma_wait3A = arith.constant 0 : i32
    %dma_wait3A_331 = tpu.memref_slice %arg7[%dma_wait3A] : memref<1224xi32, #tpu.memory_space<vmem>> -> memref<72xi32, #tpu.memory_space<vmem>>
    %dma_wait3A_332 = arith.constant 0 : i32
    %dma_wait3A_333 = tpu.memref_slice %arg3[%dma_wait3A_332] : memref<50000xi32, #tpu.memory_space<hbm>> -> memref<72xi32, #tpu.memory_space<hbm>>
    %dma_wait3A_334 = arith.constant 0 : i32
    %dma_wait3A_335 = tpu.memref_slice %arg7[%dma_wait3A_334] : memref<1224xi32, #tpu.memory_space<vmem>> -> memref<72xi32, #tpu.memory_space<vmem>>
    %dma_wait3A_336 = arith.constant 0 : i32
    %dma_wait3A_337 = tpu.memref_slice %arg3[%dma_wait3A_336] : memref<50000xi32, #tpu.memory_space<hbm>> -> memref<72xi32, #tpu.memory_space<hbm>>
    tpu.wait_dma2 semaphore(%arg18 : memref<!tpu.dma_semaphore, #tpu.memory_space<semaphore_mem>>) src(%dma_wait3A_337 : memref<72xi32, #tpu.memory_space<hbm>>) dst(%dma_wait3A_335 : memref<72xi32, #tpu.memory_space<vmem>>)
    %dma_wait3A_338 = arith.constant 0 : i32
    %dma_wait3A_339 = tpu.memref_slice %arg7[%dma_wait3A_338] : memref<1224xi32, #tpu.memory_space<vmem>> -> memref<72xi32, #tpu.memory_space<vmem>>
    %dma_wait3A_340 = arith.constant 0 : i32
    %dma_wait3A_341 = tpu.memref_slice %arg3[%dma_wait3A_340] : memref<50000xi32, #tpu.memory_space<hbm>> -> memref<72xi32, #tpu.memory_space<hbm>>
    %dma_wait3A_342 = arith.constant 0 : i32
    %dma_wait3A_343 = tpu.memref_slice %arg7[%dma_wait3A_342] : memref<1224xi32, #tpu.memory_space<vmem>> -> memref<72xi32, #tpu.memory_space<vmem>>
    %dma_wait3A_344 = arith.constant 0 : i32
    %dma_wait3A_345 = tpu.memref_slice %arg3[%dma_wait3A_344] : memref<50000xi32, #tpu.memory_space<hbm>> -> memref<72xi32, #tpu.memory_space<hbm>>
    tpu.wait_dma2 semaphore(%arg18 : memref<!tpu.dma_semaphore, #tpu.memory_space<semaphore_mem>>) src(%dma_wait3A_345 : memref<72xi32, #tpu.memory_space<hbm>>) dst(%dma_wait3A_343 : memref<72xi32, #tpu.memory_space<vmem>>)
    %dma_wait3A_346 = arith.constant 0 : i32
    %dma_wait3A_347 = tpu.memref_slice %arg7[%dma_wait3A_346] : memref<1224xi32, #tpu.memory_space<vmem>> -> memref<72xi32, #tpu.memory_space<vmem>>
    %dma_wait3A_348 = arith.constant 0 : i32
    %dma_wait3A_349 = tpu.memref_slice %arg3[%dma_wait3A_348] : memref<50000xi32, #tpu.memory_space<hbm>> -> memref<72xi32, #tpu.memory_space<hbm>>
    %dma_wait3A_350 = arith.constant 0 : i32
    %dma_wait3A_351 = tpu.memref_slice %arg7[%dma_wait3A_350] : memref<1224xi32, #tpu.memory_space<vmem>> -> memref<72xi32, #tpu.memory_space<vmem>>
    %dma_wait3A_352 = arith.constant 0 : i32
    %dma_wait3A_353 = tpu.memref_slice %arg3[%dma_wait3A_352] : memref<50000xi32, #tpu.memory_space<hbm>> -> memref<72xi32, #tpu.memory_space<hbm>>
    tpu.wait_dma2 semaphore(%arg18 : memref<!tpu.dma_semaphore, #tpu.memory_space<semaphore_mem>>) src(%dma_wait3A_353 : memref<72xi32, #tpu.memory_space<hbm>>) dst(%dma_wait3A_351 : memref<72xi32, #tpu.memory_space<vmem>>)
    %dma_wait3A_354 = arith.constant 0 : i32
    %dma_wait3A_355 = tpu.memref_slice %arg7[%dma_wait3A_354] : memref<1224xi32, #tpu.memory_space<vmem>> -> memref<72xi32, #tpu.memory_space<vmem>>
    %dma_wait3A_356 = arith.constant 0 : i32
    %dma_wait3A_357 = tpu.memref_slice %arg3[%dma_wait3A_356] : memref<50000xi32, #tpu.memory_space<hbm>> -> memref<72xi32, #tpu.memory_space<hbm>>
    %dma_wait3A_358 = arith.constant 0 : i32
    %dma_wait3A_359 = tpu.memref_slice %arg7[%dma_wait3A_358] : memref<1224xi32, #tpu.memory_space<vmem>> -> memref<72xi32, #tpu.memory_space<vmem>>
    %dma_wait3A_360 = arith.constant 0 : i32
    %dma_wait3A_361 = tpu.memref_slice %arg3[%dma_wait3A_360] : memref<50000xi32, #tpu.memory_space<hbm>> -> memref<72xi32, #tpu.memory_space<hbm>>
    tpu.wait_dma2 semaphore(%arg18 : memref<!tpu.dma_semaphore, #tpu.memory_space<semaphore_mem>>) src(%dma_wait3A_361 : memref<72xi32, #tpu.memory_space<hbm>>) dst(%dma_wait3A_359 : memref<72xi32, #tpu.memory_space<vmem>>)
    %dma_wait3A_362 = arith.constant 0 : i32
    %dma_wait3A_363 = tpu.memref_slice %arg7[%dma_wait3A_362] : memref<1224xi32, #tpu.memory_space<vmem>> -> memref<72xi32, #tpu.memory_space<vmem>>
    %dma_wait3A_364 = arith.constant 0 : i32
    %dma_wait3A_365 = tpu.memref_slice %arg3[%dma_wait3A_364] : memref<50000xi32, #tpu.memory_space<hbm>> -> memref<72xi32, #tpu.memory_space<hbm>>
    %dma_wait3A_366 = arith.constant 0 : i32
    %dma_wait3A_367 = tpu.memref_slice %arg7[%dma_wait3A_366] : memref<1224xi32, #tpu.memory_space<vmem>> -> memref<72xi32, #tpu.memory_space<vmem>>
    %dma_wait3A_368 = arith.constant 0 : i32
    %dma_wait3A_369 = tpu.memref_slice %arg3[%dma_wait3A_368] : memref<50000xi32, #tpu.memory_space<hbm>> -> memref<72xi32, #tpu.memory_space<hbm>>
    tpu.wait_dma2 semaphore(%arg18 : memref<!tpu.dma_semaphore, #tpu.memory_space<semaphore_mem>>) src(%dma_wait3A_369 : memref<72xi32, #tpu.memory_space<hbm>>) dst(%dma_wait3A_367 : memref<72xi32, #tpu.memory_space<vmem>>)
    %dma_wait3A_370 = arith.constant 0 : i32
    %dma_wait3A_371 = tpu.memref_slice %arg7[%dma_wait3A_370] : memref<1224xi32, #tpu.memory_space<vmem>> -> memref<72xi32, #tpu.memory_space<vmem>>
    %dma_wait3A_372 = arith.constant 0 : i32
    %dma_wait3A_373 = tpu.memref_slice %arg3[%dma_wait3A_372] : memref<50000xi32, #tpu.memory_space<hbm>> -> memref<72xi32, #tpu.memory_space<hbm>>
    %dma_wait3A_374 = arith.constant 0 : i32
    %dma_wait3A_375 = tpu.memref_slice %arg7[%dma_wait3A_374] : memref<1224xi32, #tpu.memory_space<vmem>> -> memref<72xi32, #tpu.memory_space<vmem>>
    %dma_wait3A_376 = arith.constant 0 : i32
    %dma_wait3A_377 = tpu.memref_slice %arg3[%dma_wait3A_376] : memref<50000xi32, #tpu.memory_space<hbm>> -> memref<72xi32, #tpu.memory_space<hbm>>
    tpu.wait_dma2 semaphore(%arg18 : memref<!tpu.dma_semaphore, #tpu.memory_space<semaphore_mem>>) src(%dma_wait3A_377 : memref<72xi32, #tpu.memory_space<hbm>>) dst(%dma_wait3A_375 : memref<72xi32, #tpu.memory_space<vmem>>)
    %dma_wait3A_378 = arith.constant 0 : i32
    %dma_wait3A_379 = tpu.memref_slice %arg7[%dma_wait3A_378] : memref<1224xi32, #tpu.memory_space<vmem>> -> memref<72xi32, #tpu.memory_space<vmem>>
    %dma_wait3A_380 = arith.constant 0 : i32
    %dma_wait3A_381 = tpu.memref_slice %arg3[%dma_wait3A_380] : memref<50000xi32, #tpu.memory_space<hbm>> -> memref<72xi32, #tpu.memory_space<hbm>>
    %dma_wait3A_382 = arith.constant 0 : i32
    %dma_wait3A_383 = tpu.memref_slice %arg7[%dma_wait3A_382] : memref<1224xi32, #tpu.memory_space<vmem>> -> memref<72xi32, #tpu.memory_space<vmem>>
    %dma_wait3A_384 = arith.constant 0 : i32
    %dma_wait3A_385 = tpu.memref_slice %arg3[%dma_wait3A_384] : memref<50000xi32, #tpu.memory_space<hbm>> -> memref<72xi32, #tpu.memory_space<hbm>>
    tpu.wait_dma2 semaphore(%arg18 : memref<!tpu.dma_semaphore, #tpu.memory_space<semaphore_mem>>) src(%dma_wait3A_385 : memref<72xi32, #tpu.memory_space<hbm>>) dst(%dma_wait3A_383 : memref<72xi32, #tpu.memory_space<vmem>>)
    %dma_wait3A_386 = arith.constant 0 : i32
    %dma_wait3A_387 = tpu.memref_slice %arg7[%dma_wait3A_386] : memref<1224xi32, #tpu.memory_space<vmem>> -> memref<72xi32, #tpu.memory_space<vmem>>
    %dma_wait3A_388 = arith.constant 0 : i32
    %dma_wait3A_389 = tpu.memref_slice %arg3[%dma_wait3A_388] : memref<50000xi32, #tpu.memory_space<hbm>> -> memref<72xi32, #tpu.memory_space<hbm>>
    %dma_wait3A_390 = arith.constant 0 : i32
    %dma_wait3A_391 = tpu.memref_slice %arg7[%dma_wait3A_390] : memref<1224xi32, #tpu.memory_space<vmem>> -> memref<72xi32, #tpu.memory_space<vmem>>
    %dma_wait3A_392 = arith.constant 0 : i32
    %dma_wait3A_393 = tpu.memref_slice %arg3[%dma_wait3A_392] : memref<50000xi32, #tpu.memory_space<hbm>> -> memref<72xi32, #tpu.memory_space<hbm>>
    tpu.wait_dma2 semaphore(%arg18 : memref<!tpu.dma_semaphore, #tpu.memory_space<semaphore_mem>>) src(%dma_wait3A_393 : memref<72xi32, #tpu.memory_space<hbm>>) dst(%dma_wait3A_391 : memref<72xi32, #tpu.memory_space<vmem>>)
    %dma_wait3A_394 = arith.constant 0 : i32
    %dma_wait3A_395 = tpu.memref_slice %arg7[%dma_wait3A_394] : memref<1224xi32, #tpu.memory_space<vmem>> -> memref<72xi32, #tpu.memory_space<vmem>>
    %dma_wait3A_396 = arith.constant 0 : i32
    %dma_wait3A_397 = tpu.memref_slice %arg3[%dma_wait3A_396] : memref<50000xi32, #tpu.memory_space<hbm>> -> memref<72xi32, #tpu.memory_space<hbm>>
    %dma_wait3A_398 = arith.constant 0 : i32
    %dma_wait3A_399 = tpu.memref_slice %arg7[%dma_wait3A_398] : memref<1224xi32, #tpu.memory_space<vmem>> -> memref<72xi32, #tpu.memory_space<vmem>>
    %dma_wait3A_400 = arith.constant 0 : i32
    %dma_wait3A_401 = tpu.memref_slice %arg3[%dma_wait3A_400] : memref<50000xi32, #tpu.memory_space<hbm>> -> memref<72xi32, #tpu.memory_space<hbm>>
    tpu.wait_dma2 semaphore(%arg18 : memref<!tpu.dma_semaphore, #tpu.memory_space<semaphore_mem>>) src(%dma_wait3A_401 : memref<72xi32, #tpu.memory_space<hbm>>) dst(%dma_wait3A_399 : memref<72xi32, #tpu.memory_space<vmem>>)
    %dma_wait3A_402 = arith.constant 0 : i32
    %dma_wait3A_403 = tpu.memref_slice %arg7[%dma_wait3A_402] : memref<1224xi32, #tpu.memory_space<vmem>> -> memref<72xi32, #tpu.memory_space<vmem>>
    %dma_wait3A_404 = arith.constant 0 : i32
    %dma_wait3A_405 = tpu.memref_slice %arg3[%dma_wait3A_404] : memref<50000xi32, #tpu.memory_space<hbm>> -> memref<72xi32, #tpu.memory_space<hbm>>
    %dma_wait3A_406 = arith.constant 0 : i32
    %dma_wait3A_407 = tpu.memref_slice %arg7[%dma_wait3A_406] : memref<1224xi32, #tpu.memory_space<vmem>> -> memref<72xi32, #tpu.memory_space<vmem>>
    %dma_wait3A_408 = arith.constant 0 : i32
    %dma_wait3A_409 = tpu.memref_slice %arg3[%dma_wait3A_408] : memref<50000xi32, #tpu.memory_space<hbm>> -> memref<72xi32, #tpu.memory_space<hbm>>
    tpu.wait_dma2 semaphore(%arg18 : memref<!tpu.dma_semaphore, #tpu.memory_space<semaphore_mem>>) src(%dma_wait3A_409 : memref<72xi32, #tpu.memory_space<hbm>>) dst(%dma_wait3A_407 : memref<72xi32, #tpu.memory_space<vmem>>)
    %dma_wait3A_410 = arith.constant 0 : i32
    %dma_wait3A_411 = tpu.memref_slice %arg7[%dma_wait3A_410] : memref<1224xi32, #tpu.memory_space<vmem>> -> memref<72xi32, #tpu.memory_space<vmem>>
    %dma_wait3A_412 = arith.constant 0 : i32
    %dma_wait3A_413 = tpu.memref_slice %arg3[%dma_wait3A_412] : memref<50000xi32, #tpu.memory_space<hbm>> -> memref<72xi32, #tpu.memory_space<hbm>>
    %dma_wait3A_414 = arith.constant 0 : i32
    %dma_wait3A_415 = tpu.memref_slice %arg7[%dma_wait3A_414] : memref<1224xi32, #tpu.memory_space<vmem>> -> memref<72xi32, #tpu.memory_space<vmem>>
    %dma_wait3A_416 = arith.constant 0 : i32
    %dma_wait3A_417 = tpu.memref_slice %arg3[%dma_wait3A_416] : memref<50000xi32, #tpu.memory_space<hbm>> -> memref<72xi32, #tpu.memory_space<hbm>>
    tpu.wait_dma2 semaphore(%arg18 : memref<!tpu.dma_semaphore, #tpu.memory_space<semaphore_mem>>) src(%dma_wait3A_417 : memref<72xi32, #tpu.memory_space<hbm>>) dst(%dma_wait3A_415 : memref<72xi32, #tpu.memory_space<vmem>>)
    %dma_wait3A_418 = arith.constant 0 : i32
    %dma_wait3A_419 = tpu.memref_slice %arg7[%dma_wait3A_418] : memref<1224xi32, #tpu.memory_space<vmem>> -> memref<72xi32, #tpu.memory_space<vmem>>
    %dma_wait3A_420 = arith.constant 0 : i32
    %dma_wait3A_421 = tpu.memref_slice %arg3[%dma_wait3A_420] : memref<50000xi32, #tpu.memory_space<hbm>> -> memref<72xi32, #tpu.memory_space<hbm>>
    %dma_wait3A_422 = arith.constant 0 : i32
    %dma_wait3A_423 = tpu.memref_slice %arg7[%dma_wait3A_422] : memref<1224xi32, #tpu.memory_space<vmem>> -> memref<72xi32, #tpu.memory_space<vmem>>
    %dma_wait3A_424 = arith.constant 0 : i32
    %dma_wait3A_425 = tpu.memref_slice %arg3[%dma_wait3A_424] : memref<50000xi32, #tpu.memory_space<hbm>> -> memref<72xi32, #tpu.memory_space<hbm>>
    tpu.wait_dma2 semaphore(%arg18 : memref<!tpu.dma_semaphore, #tpu.memory_space<semaphore_mem>>) src(%dma_wait3A_425 : memref<72xi32, #tpu.memory_space<hbm>>) dst(%dma_wait3A_423 : memref<72xi32, #tpu.memory_space<vmem>>)
    %dma_wait3A_426 = arith.constant 0 : i32
    %dma_wait3A_427 = tpu.memref_slice %arg7[%dma_wait3A_426] : memref<1224xi32, #tpu.memory_space<vmem>> -> memref<72xi32, #tpu.memory_space<vmem>>
    %dma_wait3A_428 = arith.constant 0 : i32
    %dma_wait3A_429 = tpu.memref_slice %arg3[%dma_wait3A_428] : memref<50000xi32, #tpu.memory_space<hbm>> -> memref<72xi32, #tpu.memory_space<hbm>>
    %dma_wait3A_430 = arith.constant 0 : i32
    %dma_wait3A_431 = tpu.memref_slice %arg7[%dma_wait3A_430] : memref<1224xi32, #tpu.memory_space<vmem>> -> memref<72xi32, #tpu.memory_space<vmem>>
    %dma_wait3A_432 = arith.constant 0 : i32
    %dma_wait3A_433 = tpu.memref_slice %arg3[%dma_wait3A_432] : memref<50000xi32, #tpu.memory_space<hbm>> -> memref<72xi32, #tpu.memory_space<hbm>>
    tpu.wait_dma2 semaphore(%arg18 : memref<!tpu.dma_semaphore, #tpu.memory_space<semaphore_mem>>) src(%dma_wait3A_433 : memref<72xi32, #tpu.memory_space<hbm>>) dst(%dma_wait3A_431 : memref<72xi32, #tpu.memory_space<vmem>>)
    %dma_wait3A_434 = arith.constant 0 : i32
    %dma_wait3A_435 = tpu.memref_slice %arg7[%dma_wait3A_434] : memref<1224xi32, #tpu.memory_space<vmem>> -> memref<72xi32, #tpu.memory_space<vmem>>
    %dma_wait3A_436 = arith.constant 0 : i32
    %dma_wait3A_437 = tpu.memref_slice %arg3[%dma_wait3A_436] : memref<50000xi32, #tpu.memory_space<hbm>> -> memref<72xi32, #tpu.memory_space<hbm>>
    %dma_wait3A_438 = arith.constant 0 : i32
    %dma_wait3A_439 = tpu.memref_slice %arg7[%dma_wait3A_438] : memref<1224xi32, #tpu.memory_space<vmem>> -> memref<72xi32, #tpu.memory_space<vmem>>
    %dma_wait3A_440 = arith.constant 0 : i32
    %dma_wait3A_441 = tpu.memref_slice %arg3[%dma_wait3A_440] : memref<50000xi32, #tpu.memory_space<hbm>> -> memref<72xi32, #tpu.memory_space<hbm>>
    tpu.wait_dma2 semaphore(%arg18 : memref<!tpu.dma_semaphore, #tpu.memory_space<semaphore_mem>>) src(%dma_wait3A_441 : memref<72xi32, #tpu.memory_space<hbm>>) dst(%dma_wait3A_439 : memref<72xi32, #tpu.memory_space<vmem>>)
    %dma_wait3A_442 = arith.constant 0 : i32
    %dma_wait3A_443 = tpu.memref_slice %arg7[%dma_wait3A_442] : memref<1224xi32, #tpu.memory_space<vmem>> -> memref<72xi32, #tpu.memory_space<vmem>>
    %dma_wait3A_444 = arith.constant 0 : i32
    %dma_wait3A_445 = tpu.memref_slice %arg3[%dma_wait3A_444] : memref<50000xi32, #tpu.memory_space<hbm>> -> memref<72xi32, #tpu.memory_space<hbm>>
    %dma_wait3A_446 = arith.constant 0 : i32
    %dma_wait3A_447 = tpu.memref_slice %arg7[%dma_wait3A_446] : memref<1224xi32, #tpu.memory_space<vmem>> -> memref<72xi32, #tpu.memory_space<vmem>>
    %dma_wait3A_448 = arith.constant 0 : i32
    %dma_wait3A_449 = tpu.memref_slice %arg3[%dma_wait3A_448] : memref<50000xi32, #tpu.memory_space<hbm>> -> memref<72xi32, #tpu.memory_space<hbm>>
    tpu.wait_dma2 semaphore(%arg18 : memref<!tpu.dma_semaphore, #tpu.memory_space<semaphore_mem>>) src(%dma_wait3A_449 : memref<72xi32, #tpu.memory_space<hbm>>) dst(%dma_wait3A_447 : memref<72xi32, #tpu.memory_space<vmem>>)
    %dma_wait3A_450 = arith.constant 0 : i32
    %dma_wait3A_451 = tpu.memref_slice %arg7[%dma_wait3A_450] : memref<1224xi32, #tpu.memory_space<vmem>> -> memref<72xi32, #tpu.memory_space<vmem>>
    %dma_wait3A_452 = arith.constant 0 : i32
    %dma_wait3A_453 = tpu.memref_slice %arg3[%dma_wait3A_452] : memref<50000xi32, #tpu.memory_space<hbm>> -> memref<72xi32, #tpu.memory_space<hbm>>
    %dma_wait3A_454 = arith.constant 0 : i32
    %dma_wait3A_455 = tpu.memref_slice %arg7[%dma_wait3A_454] : memref<1224xi32, #tpu.memory_space<vmem>> -> memref<72xi32, #tpu.memory_space<vmem>>
    %dma_wait3A_456 = arith.constant 0 : i32
    %dma_wait3A_457 = tpu.memref_slice %arg3[%dma_wait3A_456] : memref<50000xi32, #tpu.memory_space<hbm>> -> memref<72xi32, #tpu.memory_space<hbm>>
    tpu.wait_dma2 semaphore(%arg18 : memref<!tpu.dma_semaphore, #tpu.memory_space<semaphore_mem>>) src(%dma_wait3A_457 : memref<72xi32, #tpu.memory_space<hbm>>) dst(%dma_wait3A_455 : memref<72xi32, #tpu.memory_space<vmem>>)
    %dma_wait3A_458 = arith.constant 0 : i32
    %dma_wait3A_459 = tpu.memref_slice %arg7[%dma_wait3A_458] : memref<1224xi32, #tpu.memory_space<vmem>> -> memref<72xi32, #tpu.memory_space<vmem>>
    %dma_wait3A_460 = arith.constant 0 : i32
    %dma_wait3A_461 = tpu.memref_slice %arg3[%dma_wait3A_460] : memref<50000xi32, #tpu.memory_space<hbm>> -> memref<72xi32, #tpu.memory_space<hbm>>
    %dma_wait3A_462 = arith.constant 0 : i32
    %dma_wait3A_463 = tpu.memref_slice %arg7[%dma_wait3A_462] : memref<1224xi32, #tpu.memory_space<vmem>> -> memref<72xi32, #tpu.memory_space<vmem>>
    %dma_wait3A_464 = arith.constant 0 : i32
    %dma_wait3A_465 = tpu.memref_slice %arg3[%dma_wait3A_464] : memref<50000xi32, #tpu.memory_space<hbm>> -> memref<72xi32, #tpu.memory_space<hbm>>
    tpu.wait_dma2 semaphore(%arg18 : memref<!tpu.dma_semaphore, #tpu.memory_space<semaphore_mem>>) src(%dma_wait3A_465 : memref<72xi32, #tpu.memory_space<hbm>>) dst(%dma_wait3A_463 : memref<72xi32, #tpu.memory_space<vmem>>)
    %add3A_466 = vector.broadcast %mul3A_2 : i32 to vector<16xi32>
    %add3A_467 = arith.addi %add3A_466, %iota3A : vector<16xi32>
    %broadcast_in_dim3A_468 = arith.constant 0 : i32
    %broadcast_in_dim3A_469 = vector.broadcast %broadcast_in_dim3A_468 : i32 to vector<16xi32>
    %broadcast_in_dim3A_470 = arith.constant 72 : i32
    %broadcast_in_dim3A_471 = vector.broadcast %broadcast_in_dim3A_470 : i32 to vector<16xi32>
    %scan3A_472 = arith.constant 0 : i32
    %scan3A_473 = arith.constant 7 : i32
    %scan3A_474 = arith.addi %scan3A_472, %scan3A_473 : i32
    %scan3A_475 = arith.constant 1 : i32
    %scan3A_476:2 = scf.for %scan3A_811 = %scan3A_472 to %scan3A_474 step %scan3A_475 iter_args(%scan3A_812 = %broadcast_in_dim3A_469, %scan3A_813 = %broadcast_in_dim3A_471) -> (vector<16xi32>, vector<16xi32>)  : i32 {
      %lt3A = arith.cmpi slt, %scan3A_812, %scan3A_813 : vector<16xi32>
      %add3A_814 = arith.addi %scan3A_812, %scan3A_813 : vector<16xi32>
      %jit3A_815 = arith.constant 2 : i32
      %div3A_816 = vector.broadcast %jit3A_815 : i32 to vector<16xi32>
      %div3A_817 = arith.divsi %add3A_814, %div3A_816 : vector<16xi32>
      %sign3A_818 = arith.constant 0 : i32
      %sign3A_819 = vector.broadcast %sign3A_818 : i32 to vector<16xi32>
      %sign3A_820 = arith.cmpi sgt, %add3A_814, %sign3A_819 : vector<16xi32>
      %sign3A_821 = arith.extui %sign3A_820 : vector<16xi1> to vector<16xi32>
      %sign3A_822 = arith.constant 0 : i32
      %sign3A_823 = vector.broadcast %sign3A_822 : i32 to vector<16xi32>
      %sign3A_824 = arith.cmpi slt, %add3A_814, %sign3A_823 : vector<16xi32>
      %sign3A_825 = arith.extui %sign3A_824 : vector<16xi1> to vector<16xi32>
      %sign3A_826 = arith.subi %sign3A_821, %sign3A_825 : vector<16xi32>
      %sign3A_827 = arith.constant 0 : i32
      %sign3A_828 = arith.cmpi sgt, %jit3A_815, %sign3A_827 : i32
      %sign3A_829 = arith.extui %sign3A_828 : i1 to i32
      %sign3A_830 = arith.constant 0 : i32
      %sign3A_831 = arith.cmpi slt, %jit3A_815, %sign3A_830 : i32
      %sign3A_832 = arith.extui %sign3A_831 : i1 to i32
      %sign3A_833 = arith.subi %sign3A_829, %sign3A_832 : i32
      %ne3A_834 = vector.broadcast %sign3A_833 : i32 to vector<16xi32>
      %ne3A_835 = arith.cmpi ne, %sign3A_826, %ne3A_834 : vector<16xi32>
      %rem3A_836 = vector.broadcast %jit3A_815 : i32 to vector<16xi32>
      %rem3A_837 = arith.remsi %add3A_814, %rem3A_836 : vector<16xi32>
      %ne3A_838 = arith.constant 0 : i32
      %ne3A_839 = vector.broadcast %ne3A_838 : i32 to vector<16xi32>
      %ne3A_840 = arith.cmpi ne, %rem3A_837, %ne3A_839 : vector<16xi32>
      %and3A_841 = arith.andi %ne3A_835, %ne3A_840 : vector<16xi1>
      %sub3A_842 = arith.constant 1 : i32
      %sub3A_843 = vector.broadcast %sub3A_842 : i32 to vector<16xi32>
      %sub3A_844 = arith.subi %div3A_817, %sub3A_843 : vector<16xi32>
      %select_n3A_845 = arith.select %and3A_841, %sub3A_844, %div3A_817 : vector<16xi1>, vector<16xi32>
      %mul3A_846 = arith.constant 72 : i32
      %mul3A_847 = vector.broadcast %mul3A_846 : i32 to vector<16xi32>
      %mul3A_848 = arith.muli %iota3A, %mul3A_847 : vector<16xi32>
      %add3A_849 = arith.addi %mul3A_848, %select_n3A_845 : vector<16xi32>
      %gather3A = tpu.vector_load_idx %arg7[%add3A_849] : memref<1224xi32, #tpu.memory_space<vmem>>[vector<16xi32>], vector<16xi32>,
      %lt3A_850 = arith.cmpi slt, %gather3A, %add3A_467 : vector<16xi32>
      %and3A_851 = arith.andi %lt3A, %lt3A_850 : vector<16xi1>
      %add3A_852 = arith.constant 1 : i32
      %add3A_853 = vector.broadcast %add3A_852 : i32 to vector<16xi32>
      %add3A_854 = arith.addi %select_n3A_845, %add3A_853 : vector<16xi32>
      %select_n3A_855 = arith.select %and3A_851, %add3A_854, %scan3A_812 : vector<16xi1>, vector<16xi32>
      %not3A = arith.constant dense<true> : vector<16xi1>
      %not3A_856 = arith.xori %lt3A_850, %not3A : vector<16xi1>
      %and3A_857 = arith.andi %lt3A, %not3A_856 : vector<16xi1>
      %select_n3A_858 = arith.select %and3A_857, %select_n3A_845, %scan3A_813 : vector<16xi1>, vector<16xi32>
      scf.yield %select_n3A_855, %select_n3A_858 : vector<16xi32>, vector<16xi32>
    }
    %scan3A_477 = arith.constant 7 : i32
    %add3A_478 = arith.addi %min3A_34, %scan3A_476#0 : vector<16xi32>
    %add3A_479 = arith.constant 1 : i32
    %add3A_480 = vector.broadcast %add3A_479 : i32 to vector<16xi32>
    %add3A_481 = arith.addi %iota3A, %add3A_480 : vector<16xi32>
    %add3A_482 = arith.constant 1 : i32
    %add3A_483 = arith.addi %mul3A_2, %add3A_482 : i32
    %add3A_484 = vector.broadcast %add3A_483 : i32 to vector<16xi32>
    %add3A_485 = arith.addi %add3A_484, %iota3A : vector<16xi32>
    %broadcast_in_dim3A_486 = arith.constant 0 : i32
    %broadcast_in_dim3A_487 = vector.broadcast %broadcast_in_dim3A_486 : i32 to vector<16xi32>
    %broadcast_in_dim3A_488 = arith.constant 72 : i32
    %broadcast_in_dim3A_489 = vector.broadcast %broadcast_in_dim3A_488 : i32 to vector<16xi32>
    %scan3A_490 = arith.constant 0 : i32
    %scan3A_491 = arith.constant 7 : i32
    %scan3A_492 = arith.addi %scan3A_490, %scan3A_491 : i32
    %scan3A_493 = arith.constant 1 : i32
    %scan3A_494:2 = scf.for %scan3A_811 = %scan3A_490 to %scan3A_492 step %scan3A_493 iter_args(%scan3A_812 = %broadcast_in_dim3A_487, %scan3A_813 = %broadcast_in_dim3A_489) -> (vector<16xi32>, vector<16xi32>)  : i32 {
      %lt3A = arith.cmpi slt, %scan3A_812, %scan3A_813 : vector<16xi32>
      %add3A_814 = arith.addi %scan3A_812, %scan3A_813 : vector<16xi32>
      %jit3A_815 = arith.constant 2 : i32
      %div3A_816 = vector.broadcast %jit3A_815 : i32 to vector<16xi32>
      %div3A_817 = arith.divsi %add3A_814, %div3A_816 : vector<16xi32>
      %sign3A_818 = arith.constant 0 : i32
      %sign3A_819 = vector.broadcast %sign3A_818 : i32 to vector<16xi32>
      %sign3A_820 = arith.cmpi sgt, %add3A_814, %sign3A_819 : vector<16xi32>
      %sign3A_821 = arith.extui %sign3A_820 : vector<16xi1> to vector<16xi32>
      %sign3A_822 = arith.constant 0 : i32
      %sign3A_823 = vector.broadcast %sign3A_822 : i32 to vector<16xi32>
      %sign3A_824 = arith.cmpi slt, %add3A_814, %sign3A_823 : vector<16xi32>
      %sign3A_825 = arith.extui %sign3A_824 : vector<16xi1> to vector<16xi32>
      %sign3A_826 = arith.subi %sign3A_821, %sign3A_825 : vector<16xi32>
      %sign3A_827 = arith.constant 0 : i32
      %sign3A_828 = arith.cmpi sgt, %jit3A_815, %sign3A_827 : i32
      %sign3A_829 = arith.extui %sign3A_828 : i1 to i32
      %sign3A_830 = arith.constant 0 : i32
      %sign3A_831 = arith.cmpi slt, %jit3A_815, %sign3A_830 : i32
      %sign3A_832 = arith.extui %sign3A_831 : i1 to i32
      %sign3A_833 = arith.subi %sign3A_829, %sign3A_832 : i32
      %ne3A_834 = vector.broadcast %sign3A_833 : i32 to vector<16xi32>
      %ne3A_835 = arith.cmpi ne, %sign3A_826, %ne3A_834 : vector<16xi32>
      %rem3A_836 = vector.broadcast %jit3A_815 : i32 to vector<16xi32>
      %rem3A_837 = arith.remsi %add3A_814, %rem3A_836 : vector<16xi32>
      %ne3A_838 = arith.constant 0 : i32
      %ne3A_839 = vector.broadcast %ne3A_838 : i32 to vector<16xi32>
      %ne3A_840 = arith.cmpi ne, %rem3A_837, %ne3A_839 : vector<16xi32>
      %and3A_841 = arith.andi %ne3A_835, %ne3A_840 : vector<16xi1>
      %sub3A_842 = arith.constant 1 : i32
      %sub3A_843 = vector.broadcast %sub3A_842 : i32 to vector<16xi32>
      %sub3A_844 = arith.subi %div3A_817, %sub3A_843 : vector<16xi32>
      %select_n3A_845 = arith.select %and3A_841, %sub3A_844, %div3A_817 : vector<16xi1>, vector<16xi32>
      %mul3A_846 = arith.constant 72 : i32
      %mul3A_847 = vector.broadcast %mul3A_846 : i32 to vector<16xi32>
      %mul3A_848 = arith.muli %add3A_481, %mul3A_847 : vector<16xi32>
      %add3A_849 = arith.addi %mul3A_848, %select_n3A_845 : vector<16xi32>
      %gather3A = tpu.vector_load_idx %arg7[%add3A_849] : memref<1224xi32, #tpu.memory_space<vmem>>[vector<16xi32>], vector<16xi32>,
      %lt3A_850 = arith.cmpi slt, %gather3A, %add3A_485 : vector<16xi32>
      %and3A_851 = arith.andi %lt3A, %lt3A_850 : vector<16xi1>
      %add3A_852 = arith.constant 1 : i32
      %add3A_853 = vector.broadcast %add3A_852 : i32 to vector<16xi32>
      %add3A_854 = arith.addi %select_n3A_845, %add3A_853 : vector<16xi32>
      %select_n3A_855 = arith.select %and3A_851, %add3A_854, %scan3A_812 : vector<16xi1>, vector<16xi32>
      %not3A = arith.constant dense<true> : vector<16xi1>
      %not3A_856 = arith.xori %lt3A_850, %not3A : vector<16xi1>
      %and3A_857 = arith.andi %lt3A, %not3A_856 : vector<16xi1>
      %select_n3A_858 = arith.select %and3A_857, %select_n3A_845, %scan3A_813 : vector<16xi1>, vector<16xi32>
      scf.yield %select_n3A_855, %select_n3A_858 : vector<16xi32>, vector<16xi32>
    }
    %scan3A_495 = arith.constant 7 : i32
    %add3A_496 = arith.addi %min3A_46, %scan3A_494#0 : vector<16xi32>
    %broadcast_in_dim3A_497 = arith.constant 1.000000e+00 : f32
    %broadcast_in_dim3A_498 = vector.broadcast %broadcast_in_dim3A_497 : f32 to vector<16xf32>
    %sub3A_499 = arith.subi %add3A_496, %add3A_478 : vector<16xi32>
    %convert_element_type3A = arith.sitofp %sub3A_499 : vector<16xi32> to vector<16xf32>
    %max3A_500 = arith.constant 1.000000e+00 : f32
    %max3A_501 = vector.broadcast %max3A_500 : f32 to vector<16xf32>
    %max3A_502 = arith.maximumf %convert_element_type3A, %max3A_501 : vector<16xf32>
    %div3A = arith.divf %broadcast_in_dim3A_498, %max3A_502 : vector<16xf32>
    %eq3A_503 = arith.constant 0 : i32
    %eq3A_504 = vector.broadcast %eq3A_503 : i32 to vector<16xi32>
    %eq3A_505 = arith.cmpi eq, %iota3A, %eq3A_504 : vector<16xi32>
    %jit3A_506 = arith.constant 0 : i32
    %broadcast_in_dim3A_507 = vector.broadcast %jit3A_506 : i32 to vector<16xi32>
    %select_n3A_508 = arith.select %eq3A_505, %add3A_478, %broadcast_in_dim3A_507 : vector<16xi1>, vector<16xi32>
    %reduce_sum3A_509 = arith.constant true
    %reduce_sum3A_510 = vector.broadcast %reduce_sum3A_509 : i1 to vector<16xi1>
    %reduce_sum3A_511 = tpu.scan <sum>, %select_n3A_508 masked %reduce_sum3A_510 : vector<16xi32>, vector<16xi1> -> vector<16xi32>
    %reduce_sum3A_512 = vector.extract %reduce_sum3A_511[15] : i32 from vector<16xi32>
    %eq3A_513 = arith.constant 15 : i32
    %eq3A_514 = vector.broadcast %eq3A_513 : i32 to vector<16xi32>
    %eq3A_515 = arith.cmpi eq, %iota3A, %eq3A_514 : vector<16xi32>
    %jit3A_516 = arith.constant 0 : i32
    %broadcast_in_dim3A_517 = vector.broadcast %jit3A_516 : i32 to vector<16xi32>
    %select_n3A_518 = arith.select %eq3A_515, %add3A_496, %broadcast_in_dim3A_517 : vector<16xi1>, vector<16xi32>
    %reduce_sum3A_519 = arith.constant true
    %reduce_sum3A_520 = vector.broadcast %reduce_sum3A_519 : i1 to vector<16xi1>
    %reduce_sum3A_521 = tpu.scan <sum>, %select_n3A_518 masked %reduce_sum3A_520 : vector<16xi32>, vector<16xi1> -> vector<16xi32>
    %reduce_sum3A_522 = vector.extract %reduce_sum3A_521[15] : i32 from vector<16xi32>
    %swap3A = arith.constant 0 : i32
    %swap3A_523 = arith.index_cast %swap3A : i32 to index
    %swap3A_524 = memref.load %arg13[%swap3A_523] : memref<17xi32, #tpu.memory_space<smem>>
    memref.store %reduce_sum3A_512, %arg13[%swap3A_523] : memref<17xi32, #tpu.memory_space<smem>>
    %eq3A_525 = arith.constant 0 : i32
    %eq3A_526 = vector.broadcast %eq3A_525 : i32 to vector<16xi32>
    %eq3A_527 = arith.cmpi eq, %iota3A, %eq3A_526 : vector<16xi32>
    %jit3A_528 = arith.constant 0 : i32
    %broadcast_in_dim3A_529 = vector.broadcast %jit3A_528 : i32 to vector<16xi32>
    %select_n3A_530 = arith.select %eq3A_527, %add3A_496, %broadcast_in_dim3A_529 : vector<16xi1>, vector<16xi32>
    %reduce_sum3A_531 = arith.constant true
    %reduce_sum3A_532 = vector.broadcast %reduce_sum3A_531 : i1 to vector<16xi1>
    %reduce_sum3A_533 = tpu.scan <sum>, %select_n3A_530 masked %reduce_sum3A_532 : vector<16xi32>, vector<16xi1> -> vector<16xi32>
    %reduce_sum3A_534 = vector.extract %reduce_sum3A_533[15] : i32 from vector<16xi32>
    %swap3A_535 = arith.constant 1 : i32
    %swap3A_536 = arith.index_cast %swap3A_535 : i32 to index
    %swap3A_537 = memref.load %arg13[%swap3A_536] : memref<17xi32, #tpu.memory_space<smem>>
    memref.store %reduce_sum3A_534, %arg13[%swap3A_536] : memref<17xi32, #tpu.memory_space<smem>>
    %eq3A_538 = arith.constant 1 : i32
    %eq3A_539 = vector.broadcast %eq3A_538 : i32 to vector<16xi32>
    %eq3A_540 = arith.cmpi eq, %iota3A, %eq3A_539 : vector<16xi32>
    %jit3A_541 = arith.constant 0 : i32
    %broadcast_in_dim3A_542 = vector.broadcast %jit3A_541 : i32 to vector<16xi32>
    %select_n3A_543 = arith.select %eq3A_540, %add3A_496, %broadcast_in_dim3A_542 : vector<16xi1>, vector<16xi32>
    %reduce_sum3A_544 = arith.constant true
    %reduce_sum3A_545 = vector.broadcast %reduce_sum3A_544 : i1 to vector<16xi1>
    %reduce_sum3A_546 = tpu.scan <sum>, %select_n3A_543 masked %reduce_sum3A_545 : vector<16xi32>, vector<16xi1> -> vector<16xi32>
    %reduce_sum3A_547 = vector.extract %reduce_sum3A_546[15] : i32 from vector<16xi32>
    %swap3A_548 = arith.constant 2 : i32
    %swap3A_549 = arith.index_cast %swap3A_548 : i32 to index
    %swap3A_550 = memref.load %arg13[%swap3A_549] : memref<17xi32, #tpu.memory_space<smem>>
    memref.store %reduce_sum3A_547, %arg13[%swap3A_549] : memref<17xi32, #tpu.memory_space<smem>>
    %eq3A_551 = arith.constant 2 : i32
    %eq3A_552 = vector.broadcast %eq3A_551 : i32 to vector<16xi32>
    %eq3A_553 = arith.cmpi eq, %iota3A, %eq3A_552 : vector<16xi32>
    %jit3A_554 = arith.constant 0 : i32
    %broadcast_in_dim3A_555 = vector.broadcast %jit3A_554 : i32 to vector<16xi32>
    %select_n3A_556 = arith.select %eq3A_553, %add3A_496, %broadcast_in_dim3A_555 : vector<16xi1>, vector<16xi32>
    %reduce_sum3A_557 = arith.constant true
    %reduce_sum3A_558 = vector.broadcast %reduce_sum3A_557 : i1 to vector<16xi1>
    %reduce_sum3A_559 = tpu.scan <sum>, %select_n3A_556 masked %reduce_sum3A_558 : vector<16xi32>, vector<16xi1> -> vector<16xi32>
    %reduce_sum3A_560 = vector.extract %reduce_sum3A_559[15] : i32 from vector<16xi32>
    %swap3A_561 = arith.constant 3 : i32
    %swap3A_562 = arith.index_cast %swap3A_561 : i32 to index
    %swap3A_563 = memref.load %arg13[%swap3A_562] : memref<17xi32, #tpu.memory_space<smem>>
    memref.store %reduce_sum3A_560, %arg13[%swap3A_562] : memref<17xi32, #tpu.memory_space<smem>>
    %eq3A_564 = arith.constant 3 : i32
    %eq3A_565 = vector.broadcast %eq3A_564 : i32 to vector<16xi32>
    %eq3A_566 = arith.cmpi eq, %iota3A, %eq3A_565 : vector<16xi32>
    %jit3A_567 = arith.constant 0 : i32
    %broadcast_in_dim3A_568 = vector.broadcast %jit3A_567 : i32 to vector<16xi32>
    %select_n3A_569 = arith.select %eq3A_566, %add3A_496, %broadcast_in_dim3A_568 : vector<16xi1>, vector<16xi32>
    %reduce_sum3A_570 = arith.constant true
    %reduce_sum3A_571 = vector.broadcast %reduce_sum3A_570 : i1 to vector<16xi1>
    %reduce_sum3A_572 = tpu.scan <sum>, %select_n3A_569 masked %reduce_sum3A_571 : vector<16xi32>, vector<16xi1> -> vector<16xi32>
    %reduce_sum3A_573 = vector.extract %reduce_sum3A_572[15] : i32 from vector<16xi32>
    %swap3A_574 = arith.constant 4 : i32
    %swap3A_575 = arith.index_cast %swap3A_574 : i32 to index
    %swap3A_576 = memref.load %arg13[%swap3A_575] : memref<17xi32, #tpu.memory_space<smem>>
    memref.store %reduce_sum3A_573, %arg13[%swap3A_575] : memref<17xi32, #tpu.memory_space<smem>>
    %eq3A_577 = arith.constant 4 : i32
    %eq3A_578 = vector.broadcast %eq3A_577 : i32 to vector<16xi32>
    %eq3A_579 = arith.cmpi eq, %iota3A, %eq3A_578 : vector<16xi32>
    %jit3A_580 = arith.constant 0 : i32
    %broadcast_in_dim3A_581 = vector.broadcast %jit3A_580 : i32 to vector<16xi32>
    %select_n3A_582 = arith.select %eq3A_579, %add3A_496, %broadcast_in_dim3A_581 : vector<16xi1>, vector<16xi32>
    %reduce_sum3A_583 = arith.constant true
    %reduce_sum3A_584 = vector.broadcast %reduce_sum3A_583 : i1 to vector<16xi1>
    %reduce_sum3A_585 = tpu.scan <sum>, %select_n3A_582 masked %reduce_sum3A_584 : vector<16xi32>, vector<16xi1> -> vector<16xi32>
    %reduce_sum3A_586 = vector.extract %reduce_sum3A_585[15] : i32 from vector<16xi32>
    %swap3A_587 = arith.constant 5 : i32
    %swap3A_588 = arith.index_cast %swap3A_587 : i32 to index
    %swap3A_589 = memref.load %arg13[%swap3A_588] : memref<17xi32, #tpu.memory_space<smem>>
    memref.store %reduce_sum3A_586, %arg13[%swap3A_588] : memref<17xi32, #tpu.memory_space<smem>>
    %eq3A_590 = arith.constant 5 : i32
    %eq3A_591 = vector.broadcast %eq3A_590 : i32 to vector<16xi32>
    %eq3A_592 = arith.cmpi eq, %iota3A, %eq3A_591 : vector<16xi32>
    %jit3A_593 = arith.constant 0 : i32
    %broadcast_in_dim3A_594 = vector.broadcast %jit3A_593 : i32 to vector<16xi32>
    %select_n3A_595 = arith.select %eq3A_592, %add3A_496, %broadcast_in_dim3A_594 : vector<16xi1>, vector<16xi32>
    %reduce_sum3A_596 = arith.constant true
    %reduce_sum3A_597 = vector.broadcast %reduce_sum3A_596 : i1 to vector<16xi1>
    %reduce_sum3A_598 = tpu.scan <sum>, %select_n3A_595 masked %reduce_sum3A_597 : vector<16xi32>, vector<16xi1> -> vector<16xi32>
    %reduce_sum3A_599 = vector.extract %reduce_sum3A_598[15] : i32 from vector<16xi32>
    %swap3A_600 = arith.constant 6 : i32
    %swap3A_601 = arith.index_cast %swap3A_600 : i32 to index
    %swap3A_602 = memref.load %arg13[%swap3A_601] : memref<17xi32, #tpu.memory_space<smem>>
    memref.store %reduce_sum3A_599, %arg13[%swap3A_601] : memref<17xi32, #tpu.memory_space<smem>>
    %eq3A_603 = arith.constant 6 : i32
    %eq3A_604 = vector.broadcast %eq3A_603 : i32 to vector<16xi32>
    %eq3A_605 = arith.cmpi eq, %iota3A, %eq3A_604 : vector<16xi32>
    %jit3A_606 = arith.constant 0 : i32
    %broadcast_in_dim3A_607 = vector.broadcast %jit3A_606 : i32 to vector<16xi32>
    %select_n3A_608 = arith.select %eq3A_605, %add3A_496, %broadcast_in_dim3A_607 : vector<16xi1>, vector<16xi32>
    %reduce_sum3A_609 = arith.constant true
    %reduce_sum3A_610 = vector.broadcast %reduce_sum3A_609 : i1 to vector<16xi1>
    %reduce_sum3A_611 = tpu.scan <sum>, %select_n3A_608 masked %reduce_sum3A_610 : vector<16xi32>, vector<16xi1> -> vector<16xi32>
    %reduce_sum3A_612 = vector.extract %reduce_sum3A_611[15] : i32 from vector<16xi32>
    %swap3A_613 = arith.constant 7 : i32
    %swap3A_614 = arith.index_cast %swap3A_613 : i32 to index
    %swap3A_615 = memref.load %arg13[%swap3A_614] : memref<17xi32, #tpu.memory_space<smem>>
    memref.store %reduce_sum3A_612, %arg13[%swap3A_614] : memref<17xi32, #tpu.memory_space<smem>>
    %eq3A_616 = arith.constant 7 : i32
    %eq3A_617 = vector.broadcast %eq3A_616 : i32 to vector<16xi32>
    %eq3A_618 = arith.cmpi eq, %iota3A, %eq3A_617 : vector<16xi32>
    %jit3A_619 = arith.constant 0 : i32
    %broadcast_in_dim3A_620 = vector.broadcast %jit3A_619 : i32 to vector<16xi32>
    %select_n3A_621 = arith.select %eq3A_618, %add3A_496, %broadcast_in_dim3A_620 : vector<16xi1>, vector<16xi32>
    %reduce_sum3A_622 = arith.constant true
    %reduce_sum3A_623 = vector.broadcast %reduce_sum3A_622 : i1 to vector<16xi1>
    %reduce_sum3A_624 = tpu.scan <sum>, %select_n3A_621 masked %reduce_sum3A_623 : vector<16xi32>, vector<16xi1> -> vector<16xi32>
    %reduce_sum3A_625 = vector.extract %reduce_sum3A_624[15] : i32 from vector<16xi32>
    %swap3A_626 = arith.constant 8 : i32
    %swap3A_627 = arith.index_cast %swap3A_626 : i32 to index
    %swap3A_628 = memref.load %arg13[%swap3A_627] : memref<17xi32, #tpu.memory_space<smem>>
    memref.store %reduce_sum3A_625, %arg13[%swap3A_627] : memref<17xi32, #tpu.memory_space<smem>>
    %eq3A_629 = arith.constant 8 : i32
    %eq3A_630 = vector.broadcast %eq3A_629 : i32 to vector<16xi32>
    %eq3A_631 = arith.cmpi eq, %iota3A, %eq3A_630 : vector<16xi32>
    %jit3A_632 = arith.constant 0 : i32
    %broadcast_in_dim3A_633 = vector.broadcast %jit3A_632 : i32 to vector<16xi32>
    %select_n3A_634 = arith.select %eq3A_631, %add3A_496, %broadcast_in_dim3A_633 : vector<16xi1>, vector<16xi32>
    %reduce_sum3A_635 = arith.constant true
    %reduce_sum3A_636 = vector.broadcast %reduce_sum3A_635 : i1 to vector<16xi1>
    %reduce_sum3A_637 = tpu.scan <sum>, %select_n3A_634 masked %reduce_sum3A_636 : vector<16xi32>, vector<16xi1> -> vector<16xi32>
    %reduce_sum3A_638 = vector.extract %reduce_sum3A_637[15] : i32 from vector<16xi32>
    %swap3A_639 = arith.constant 9 : i32
    %swap3A_640 = arith.index_cast %swap3A_639 : i32 to index
    %swap3A_641 = memref.load %arg13[%swap3A_640] : memref<17xi32, #tpu.memory_space<smem>>
    memref.store %reduce_sum3A_638, %arg13[%swap3A_640] : memref<17xi32, #tpu.memory_space<smem>>
    %eq3A_642 = arith.constant 9 : i32
    %eq3A_643 = vector.broadcast %eq3A_642 : i32 to vector<16xi32>
    %eq3A_644 = arith.cmpi eq, %iota3A, %eq3A_643 : vector<16xi32>
    %jit3A_645 = arith.constant 0 : i32
    %broadcast_in_dim3A_646 = vector.broadcast %jit3A_645 : i32 to vector<16xi32>
    %select_n3A_647 = arith.select %eq3A_644, %add3A_496, %broadcast_in_dim3A_646 : vector<16xi1>, vector<16xi32>
    %reduce_sum3A_648 = arith.constant true
    %reduce_sum3A_649 = vector.broadcast %reduce_sum3A_648 : i1 to vector<16xi1>
    %reduce_sum3A_650 = tpu.scan <sum>, %select_n3A_647 masked %reduce_sum3A_649 : vector<16xi32>, vector<16xi1> -> vector<16xi32>
    %reduce_sum3A_651 = vector.extract %reduce_sum3A_650[15] : i32 from vector<16xi32>
    %swap3A_652 = arith.constant 10 : i32
    %swap3A_653 = arith.index_cast %swap3A_652 : i32 to index
    %swap3A_654 = memref.load %arg13[%swap3A_653] : memref<17xi32, #tpu.memory_space<smem>>
    memref.store %reduce_sum3A_651, %arg13[%swap3A_653] : memref<17xi32, #tpu.memory_space<smem>>
    %eq3A_655 = arith.constant 10 : i32
    %eq3A_656 = vector.broadcast %eq3A_655 : i32 to vector<16xi32>
    %eq3A_657 = arith.cmpi eq, %iota3A, %eq3A_656 : vector<16xi32>
    %jit3A_658 = arith.constant 0 : i32
    %broadcast_in_dim3A_659 = vector.broadcast %jit3A_658 : i32 to vector<16xi32>
    %select_n3A_660 = arith.select %eq3A_657, %add3A_496, %broadcast_in_dim3A_659 : vector<16xi1>, vector<16xi32>
    %reduce_sum3A_661 = arith.constant true
    %reduce_sum3A_662 = vector.broadcast %reduce_sum3A_661 : i1 to vector<16xi1>
    %reduce_sum3A_663 = tpu.scan <sum>, %select_n3A_660 masked %reduce_sum3A_662 : vector<16xi32>, vector<16xi1> -> vector<16xi32>
    %reduce_sum3A_664 = vector.extract %reduce_sum3A_663[15] : i32 from vector<16xi32>
    %swap3A_665 = arith.constant 11 : i32
    %swap3A_666 = arith.index_cast %swap3A_665 : i32 to index
    %swap3A_667 = memref.load %arg13[%swap3A_666] : memref<17xi32, #tpu.memory_space<smem>>
    memref.store %reduce_sum3A_664, %arg13[%swap3A_666] : memref<17xi32, #tpu.memory_space<smem>>
    %eq3A_668 = arith.constant 11 : i32
    %eq3A_669 = vector.broadcast %eq3A_668 : i32 to vector<16xi32>
    %eq3A_670 = arith.cmpi eq, %iota3A, %eq3A_669 : vector<16xi32>
    %jit3A_671 = arith.constant 0 : i32
    %broadcast_in_dim3A_672 = vector.broadcast %jit3A_671 : i32 to vector<16xi32>
    %select_n3A_673 = arith.select %eq3A_670, %add3A_496, %broadcast_in_dim3A_672 : vector<16xi1>, vector<16xi32>
    %reduce_sum3A_674 = arith.constant true
    %reduce_sum3A_675 = vector.broadcast %reduce_sum3A_674 : i1 to vector<16xi1>
    %reduce_sum3A_676 = tpu.scan <sum>, %select_n3A_673 masked %reduce_sum3A_675 : vector<16xi32>, vector<16xi1> -> vector<16xi32>
    %reduce_sum3A_677 = vector.extract %reduce_sum3A_676[15] : i32 from vector<16xi32>
    %swap3A_678 = arith.constant 12 : i32
    %swap3A_679 = arith.index_cast %swap3A_678 : i32 to index
    %swap3A_680 = memref.load %arg13[%swap3A_679] : memref<17xi32, #tpu.memory_space<smem>>
    memref.store %reduce_sum3A_677, %arg13[%swap3A_679] : memref<17xi32, #tpu.memory_space<smem>>
    %eq3A_681 = arith.constant 12 : i32
    %eq3A_682 = vector.broadcast %eq3A_681 : i32 to vector<16xi32>
    %eq3A_683 = arith.cmpi eq, %iota3A, %eq3A_682 : vector<16xi32>
    %jit3A_684 = arith.constant 0 : i32
    %broadcast_in_dim3A_685 = vector.broadcast %jit3A_684 : i32 to vector<16xi32>
    %select_n3A_686 = arith.select %eq3A_683, %add3A_496, %broadcast_in_dim3A_685 : vector<16xi1>, vector<16xi32>
    %reduce_sum3A_687 = arith.constant true
    %reduce_sum3A_688 = vector.broadcast %reduce_sum3A_687 : i1 to vector<16xi1>
    %reduce_sum3A_689 = tpu.scan <sum>, %select_n3A_686 masked %reduce_sum3A_688 : vector<16xi32>, vector<16xi1> -> vector<16xi32>
    %reduce_sum3A_690 = vector.extract %reduce_sum3A_689[15] : i32 from vector<16xi32>
    %swap3A_691 = arith.constant 13 : i32
    %swap3A_692 = arith.index_cast %swap3A_691 : i32 to index
    %swap3A_693 = memref.load %arg13[%swap3A_692] : memref<17xi32, #tpu.memory_space<smem>>
    memref.store %reduce_sum3A_690, %arg13[%swap3A_692] : memref<17xi32, #tpu.memory_space<smem>>
    %eq3A_694 = arith.constant 13 : i32
    %eq3A_695 = vector.broadcast %eq3A_694 : i32 to vector<16xi32>
    %eq3A_696 = arith.cmpi eq, %iota3A, %eq3A_695 : vector<16xi32>
    %jit3A_697 = arith.constant 0 : i32
    %broadcast_in_dim3A_698 = vector.broadcast %jit3A_697 : i32 to vector<16xi32>
    %select_n3A_699 = arith.select %eq3A_696, %add3A_496, %broadcast_in_dim3A_698 : vector<16xi1>, vector<16xi32>
    %reduce_sum3A_700 = arith.constant true
    %reduce_sum3A_701 = vector.broadcast %reduce_sum3A_700 : i1 to vector<16xi1>
    %reduce_sum3A_702 = tpu.scan <sum>, %select_n3A_699 masked %reduce_sum3A_701 : vector<16xi32>, vector<16xi1> -> vector<16xi32>
    %reduce_sum3A_703 = vector.extract %reduce_sum3A_702[15] : i32 from vector<16xi32>
    %swap3A_704 = arith.constant 14 : i32
    %swap3A_705 = arith.index_cast %swap3A_704 : i32 to index
    %swap3A_706 = memref.load %arg13[%swap3A_705] : memref<17xi32, #tpu.memory_space<smem>>
    memref.store %reduce_sum3A_703, %arg13[%swap3A_705] : memref<17xi32, #tpu.memory_space<smem>>
    %eq3A_707 = arith.constant 14 : i32
    %eq3A_708 = vector.broadcast %eq3A_707 : i32 to vector<16xi32>
    %eq3A_709 = arith.cmpi eq, %iota3A, %eq3A_708 : vector<16xi32>
    %jit3A_710 = arith.constant 0 : i32
    %broadcast_in_dim3A_711 = vector.broadcast %jit3A_710 : i32 to vector<16xi32>
    %select_n3A_712 = arith.select %eq3A_709, %add3A_496, %broadcast_in_dim3A_711 : vector<16xi1>, vector<16xi32>
    %reduce_sum3A_713 = arith.constant true
    %reduce_sum3A_714 = vector.broadcast %reduce_sum3A_713 : i1 to vector<16xi1>
    %reduce_sum3A_715 = tpu.scan <sum>, %select_n3A_712 masked %reduce_sum3A_714 : vector<16xi32>, vector<16xi1> -> vector<16xi32>
    %reduce_sum3A_716 = vector.extract %reduce_sum3A_715[15] : i32 from vector<16xi32>
    %swap3A_717 = arith.constant 15 : i32
    %swap3A_718 = arith.index_cast %swap3A_717 : i32 to index
    %swap3A_719 = memref.load %arg13[%swap3A_718] : memref<17xi32, #tpu.memory_space<smem>>
    memref.store %reduce_sum3A_716, %arg13[%swap3A_718] : memref<17xi32, #tpu.memory_space<smem>>
    %eq3A_720 = arith.constant 15 : i32
    %eq3A_721 = vector.broadcast %eq3A_720 : i32 to vector<16xi32>
    %eq3A_722 = arith.cmpi eq, %iota3A, %eq3A_721 : vector<16xi32>
    %jit3A_723 = arith.constant 0 : i32
    %broadcast_in_dim3A_724 = vector.broadcast %jit3A_723 : i32 to vector<16xi32>
    %select_n3A_725 = arith.select %eq3A_722, %add3A_496, %broadcast_in_dim3A_724 : vector<16xi1>, vector<16xi32>
    %reduce_sum3A_726 = arith.constant true
    %reduce_sum3A_727 = vector.broadcast %reduce_sum3A_726 : i1 to vector<16xi1>
    %reduce_sum3A_728 = tpu.scan <sum>, %select_n3A_725 masked %reduce_sum3A_727 : vector<16xi32>, vector<16xi1> -> vector<16xi32>
    %reduce_sum3A_729 = vector.extract %reduce_sum3A_728[15] : i32 from vector<16xi32>
    %swap3A_730 = arith.constant 16 : i32
    %swap3A_731 = arith.index_cast %swap3A_730 : i32 to index
    %swap3A_732 = memref.load %arg13[%swap3A_731] : memref<17xi32, #tpu.memory_space<smem>>
    memref.store %reduce_sum3A_729, %arg13[%swap3A_731] : memref<17xi32, #tpu.memory_space<smem>>
    %jit3A_733 = arith.constant 8 : i32
    %div3A_734 = arith.divsi %reduce_sum3A_512, %jit3A_733 : i32
    %sign3A = arith.constant 0 : i32
    %sign3A_735 = arith.cmpi sgt, %reduce_sum3A_512, %sign3A : i32
    %sign3A_736 = arith.extui %sign3A_735 : i1 to i32
    %sign3A_737 = arith.constant 0 : i32
    %sign3A_738 = arith.cmpi slt, %reduce_sum3A_512, %sign3A_737 : i32
    %sign3A_739 = arith.extui %sign3A_738 : i1 to i32
    %sign3A_740 = arith.subi %sign3A_736, %sign3A_739 : i32
    %sign3A_741 = arith.constant 0 : i32
    %sign3A_742 = arith.cmpi sgt, %jit3A_733, %sign3A_741 : i32
    %sign3A_743 = arith.extui %sign3A_742 : i1 to i32
    %sign3A_744 = arith.constant 0 : i32
    %sign3A_745 = arith.cmpi slt, %jit3A_733, %sign3A_744 : i32
    %sign3A_746 = arith.extui %sign3A_745 : i1 to i32
    %sign3A_747 = arith.subi %sign3A_743, %sign3A_746 : i32
    %ne3A = arith.cmpi ne, %sign3A_740, %sign3A_747 : i32
    %rem3A = arith.remsi %reduce_sum3A_512, %jit3A_733 : i32
    %ne3A_748 = arith.constant 0 : i32
    %ne3A_749 = arith.cmpi ne, %rem3A, %ne3A_748 : i32
    %and3A = arith.andi %ne3A, %ne3A_749 : i1
    %sub3A_750 = arith.constant 1 : i32
    %sub3A_751 = arith.subi %div3A_734, %sub3A_750 : i32
    %select_n3A_752 = arith.select %and3A, %sub3A_751, %div3A_734 : i32
    %mul3A_753 = arith.constant 8 : i32
    %mul3A_754 = arith.muli %select_n3A_752, %mul3A_753 : i32
    %min3A_755 = arith.constant 49888 : i32
    %min3A_756 = arith.minsi %mul3A_754, %min3A_755 : i32
    %multiple_of3A_757 = tpu.assume_multiple %min3A_756, 8 : i32
    %sub3A_758 = arith.subi %reduce_sum3A_522, %multiple_of3A_757 : i32
    %add3A_759 = arith.constant 112 : i32
    %add3A_760 = arith.addi %sub3A_758, %add3A_759 : i32
    %sub3A_761 = arith.constant 1 : i32
    %sub3A_762 = arith.subi %add3A_760, %sub3A_761 : i32
    %jit3A_763 = arith.constant 112 : i32
    %div3A_764 = arith.divsi %sub3A_762, %jit3A_763 : i32
    %sign3A_765 = arith.constant 0 : i32
    %sign3A_766 = arith.cmpi sgt, %sub3A_762, %sign3A_765 : i32
    %sign3A_767 = arith.extui %sign3A_766 : i1 to i32
    %sign3A_768 = arith.constant 0 : i32
    %sign3A_769 = arith.cmpi slt, %sub3A_762, %sign3A_768 : i32
    %sign3A_770 = arith.extui %sign3A_769 : i1 to i32
    %sign3A_771 = arith.subi %sign3A_767, %sign3A_770 : i32
    %sign3A_772 = arith.constant 0 : i32
    %sign3A_773 = arith.cmpi sgt, %jit3A_763, %sign3A_772 : i32
    %sign3A_774 = arith.extui %sign3A_773 : i1 to i32
    %sign3A_775 = arith.constant 0 : i32
    %sign3A_776 = arith.cmpi slt, %jit3A_763, %sign3A_775 : i32
    %sign3A_777 = arith.extui %sign3A_776 : i1 to i32
    %sign3A_778 = arith.subi %sign3A_774, %sign3A_777 : i32
    %ne3A_779 = arith.cmpi ne, %sign3A_771, %sign3A_778 : i32
    %rem3A_780 = arith.remsi %sub3A_762, %jit3A_763 : i32
    %ne3A_781 = arith.constant 0 : i32
    %ne3A_782 = arith.cmpi ne, %rem3A_780, %ne3A_781 : i32
    %and3A_783 = arith.andi %ne3A_779, %ne3A_782 : i1
    %sub3A_784 = arith.constant 1 : i32
    %sub3A_785 = arith.subi %div3A_764, %sub3A_784 : i32
    %select_n3A_786 = arith.select %and3A_783, %sub3A_785, %div3A_764 : i32
    %gt3A = arith.constant 0 : i32
    %gt3A_787 = arith.cmpi sgt, %select_n3A_786, %gt3A : i32
    %convert_element_type3A_788 = arith.extui %gt3A_787 : i1 to i32
    %cond3A = arith.constant 0 : i32
    %cond3A_789 = arith.cmpi ne, %convert_element_type3A_788, %cond3A : i32
    scf.if %cond3A_789 {
      %add3A_811 = arith.constant 0 : i32
      %add3A_812 = arith.addi %multiple_of3A_757, %add3A_811 : i32
      %min3A_813 = arith.constant 49888 : i32
      %min3A_814 = arith.minsi %add3A_812, %min3A_813 : i32
      %multiple_of3A_815 = tpu.assume_multiple %min3A_814, 8 : i32
      %dma_start3A_816 = arith.constant 0 : i32
      %dma_start3A_817 = tpu.memref_slice %arg2[%multiple_of3A_815, %dma_start3A_816] : memref<50000x256xf32, #tpu.memory_space<hbm>> -> memref<112x256xf32, #tpu.memory_space<hbm>>
      %dma_start3A_818 = arith.constant 0 : i32
      %dma_start3A_819 = tpu.memref_slice %arg2[%multiple_of3A_815, %dma_start3A_818] : memref<50000x256xf32, #tpu.memory_space<hbm>> -> memref<112x256xf32, #tpu.memory_space<hbm>>
      tpu.enqueue_dma source(%dma_start3A_819 : memref<112x256xf32, #tpu.memory_space<hbm>>) target(%arg8 : memref<112x256xf32, #tpu.memory_space<vmem>>) target_semaphore(%arg14 : memref<!tpu.dma_semaphore, #tpu.memory_space<semaphore_mem>>)
    } else {
    }
    %gt3A_790 = arith.constant 1 : i32
    %gt3A_791 = arith.cmpi sgt, %select_n3A_786, %gt3A_790 : i32
    %convert_element_type3A_792 = arith.extui %gt3A_791 : i1 to i32
    %cond3A_793 = arith.constant 0 : i32
    %cond3A_794 = arith.cmpi ne, %convert_element_type3A_792, %cond3A_793 : i32
    scf.if %cond3A_794 {
      %add3A_811 = arith.constant 112 : i32
      %add3A_812 = arith.addi %multiple_of3A_757, %add3A_811 : i32
      %min3A_813 = arith.constant 49888 : i32
      %min3A_814 = arith.minsi %add3A_812, %min3A_813 : i32
      %multiple_of3A_815 = tpu.assume_multiple %min3A_814, 8 : i32
      %dma_start3A_816 = arith.constant 0 : i32
      %dma_start3A_817 = tpu.memref_slice %arg2[%multiple_of3A_815, %dma_start3A_816] : memref<50000x256xf32, #tpu.memory_space<hbm>> -> memref<112x256xf32, #tpu.memory_space<hbm>>
      %dma_start3A_818 = arith.constant 0 : i32
      %dma_start3A_819 = tpu.memref_slice %arg2[%multiple_of3A_815, %dma_start3A_818] : memref<50000x256xf32, #tpu.memory_space<hbm>> -> memref<112x256xf32, #tpu.memory_space<hbm>>
      tpu.enqueue_dma source(%dma_start3A_819 : memref<112x256xf32, #tpu.memory_space<hbm>>) target(%arg9 : memref<112x256xf32, #tpu.memory_space<vmem>>) target_semaphore(%arg15 : memref<!tpu.dma_semaphore, #tpu.memory_space<semaphore_mem>>)
    } else {
    }
    %gt3A_795 = arith.constant 2 : i32
    %gt3A_796 = arith.cmpi sgt, %select_n3A_786, %gt3A_795 : i32
    %convert_element_type3A_797 = arith.extui %gt3A_796 : i1 to i32
    %cond3A_798 = arith.constant 0 : i32
    %cond3A_799 = arith.cmpi ne, %convert_element_type3A_797, %cond3A_798 : i32
    scf.if %cond3A_799 {
      %add3A_811 = arith.constant 224 : i32
      %add3A_812 = arith.addi %multiple_of3A_757, %add3A_811 : i32
      %min3A_813 = arith.constant 49888 : i32
      %min3A_814 = arith.minsi %add3A_812, %min3A_813 : i32
      %multiple_of3A_815 = tpu.assume_multiple %min3A_814, 8 : i32
      %dma_start3A_816 = arith.constant 0 : i32
      %dma_start3A_817 = tpu.memref_slice %arg2[%multiple_of3A_815, %dma_start3A_816] : memref<50000x256xf32, #tpu.memory_space<hbm>> -> memref<112x256xf32, #tpu.memory_space<hbm>>
      %dma_start3A_818 = arith.constant 0 : i32
      %dma_start3A_819 = tpu.memref_slice %arg2[%multiple_of3A_815, %dma_start3A_818] : memref<50000x256xf32, #tpu.memory_space<hbm>> -> memref<112x256xf32, #tpu.memory_space<hbm>>
      tpu.enqueue_dma source(%dma_start3A_819 : memref<112x256xf32, #tpu.memory_space<hbm>>) target(%arg10 : memref<112x256xf32, #tpu.memory_space<vmem>>) target_semaphore(%arg16 : memref<!tpu.dma_semaphore, #tpu.memory_space<semaphore_mem>>)
    } else {
    }
    %gt3A_800 = arith.constant 3 : i32
    %gt3A_801 = arith.cmpi sgt, %select_n3A_786, %gt3A_800 : i32
    %convert_element_type3A_802 = arith.extui %gt3A_801 : i1 to i32
    %cond3A_803 = arith.constant 0 : i32
    %cond3A_804 = arith.cmpi ne, %convert_element_type3A_802, %cond3A_803 : i32
    scf.if %cond3A_804 {
      %add3A_811 = arith.constant 336 : i32
      %add3A_812 = arith.addi %multiple_of3A_757, %add3A_811 : i32
      %min3A_813 = arith.constant 49888 : i32
      %min3A_814 = arith.minsi %add3A_812, %min3A_813 : i32
      %multiple_of3A_815 = tpu.assume_multiple %min3A_814, 8 : i32
      %dma_start3A_816 = arith.constant 0 : i32
      %dma_start3A_817 = tpu.memref_slice %arg2[%multiple_of3A_815, %dma_start3A_816] : memref<50000x256xf32, #tpu.memory_space<hbm>> -> memref<112x256xf32, #tpu.memory_space<hbm>>
      %dma_start3A_818 = arith.constant 0 : i32
      %dma_start3A_819 = tpu.memref_slice %arg2[%multiple_of3A_815, %dma_start3A_818] : memref<50000x256xf32, #tpu.memory_space<hbm>> -> memref<112x256xf32, #tpu.memory_space<hbm>>
      tpu.enqueue_dma source(%dma_start3A_819 : memref<112x256xf32, #tpu.memory_space<hbm>>) target(%arg11 : memref<112x256xf32, #tpu.memory_space<vmem>>) target_semaphore(%arg17 : memref<!tpu.dma_semaphore, #tpu.memory_space<semaphore_mem>>)
    } else {
    }
    %broadcast_in_dim3A_805 = arith.constant 0.000000e+00 : f32
    %broadcast_in_dim3A_806 = vector.broadcast %broadcast_in_dim3A_805 : f32 to vector<16xf32>
    %while3A = arith.constant 0 : i32
    %while3A_807 = arith.constant 0 : i32
    %while3A_808:19 = scf.while (%while3A_811 = %while3A, %while3A_812 = %reduce_sum3A_512, %while3A_813 = %while3A_807, %while3A_814 = %broadcast_in_dim3A_806, %while3A_815 = %broadcast_in_dim3A_806, %while3A_816 = %broadcast_in_dim3A_806, %while3A_817 = %broadcast_in_dim3A_806, %while3A_818 = %broadcast_in_dim3A_806, %while3A_819 = %broadcast_in_dim3A_806, %while3A_820 = %broadcast_in_dim3A_806, %while3A_821 = %broadcast_in_dim3A_806, %while3A_822 = %broadcast_in_dim3A_806, %while3A_823 = %broadcast_in_dim3A_806, %while3A_824 = %broadcast_in_dim3A_806, %while3A_825 = %broadcast_in_dim3A_806, %while3A_826 = %broadcast_in_dim3A_806, %while3A_827 = %broadcast_in_dim3A_806, %while3A_828 = %broadcast_in_dim3A_806, %while3A_829 = %broadcast_in_dim3A_806) : (i32, i32, i32, vector<16xf32>, vector<16xf32>, vector<16xf32>, vector<16xf32>, vector<16xf32>, vector<16xf32>, vector<16xf32>, vector<16xf32>, vector<16xf32>, vector<16xf32>, vector<16xf32>, vector<16xf32>, vector<16xf32>, vector<16xf32>, vector<16xf32>, vector<16xf32>) -> (i32, i32, i32, vector<16xf32>, vector<16xf32>, vector<16xf32>, vector<16xf32>, vector<16xf32>, vector<16xf32>, vector<16xf32>, vector<16xf32>, vector<16xf32>, vector<16xf32>, vector<16xf32>, vector<16xf32>, vector<16xf32>, vector<16xf32>, vector<16xf32>, vector<16xf32>) {
      %lt3A = arith.cmpi slt, %while3A_811, %select_n3A_786 : i32
      scf.condition(%lt3A) %while3A_811, %while3A_812, %while3A_813, %while3A_814, %while3A_815, %while3A_816, %while3A_817, %while3A_818, %while3A_819, %while3A_820, %while3A_821, %while3A_822, %while3A_823, %while3A_824, %while3A_825, %while3A_826, %while3A_827, %while3A_828, %while3A_829 : i32, i32, i32, vector<16xf32>, vector<16xf32>, vector<16xf32>, vector<16xf32>, vector<16xf32>, vector<16xf32>, vector<16xf32>, vector<16xf32>, vector<16xf32>, vector<16xf32>, vector<16xf32>, vector<16xf32>, vector<16xf32>, vector<16xf32>, vector<16xf32>, vector<16xf32>
    } do {
    ^bb0(%while3A_811: i32, %while3A_812: i32, %while3A_813: i32, %while3A_814: vector<16xf32>, %while3A_815: vector<16xf32>, %while3A_816: vector<16xf32>, %while3A_817: vector<16xf32>, %while3A_818: vector<16xf32>, %while3A_819: vector<16xf32>, %while3A_820: vector<16xf32>, %while3A_821: vector<16xf32>, %while3A_822: vector<16xf32>, %while3A_823: vector<16xf32>, %while3A_824: vector<16xf32>, %while3A_825: vector<16xf32>, %while3A_826: vector<16xf32>, %while3A_827: vector<16xf32>, %while3A_828: vector<16xf32>, %while3A_829: vector<16xf32>):
      %dma_wait3A_830 = arith.constant 0 : i32
      %dma_wait3A_831 = arith.constant 0 : i32
      %dma_wait3A_832 = tpu.memref_slice %arg2[%dma_wait3A_830, %dma_wait3A_831] : memref<50000x256xf32, #tpu.memory_space<hbm>> -> memref<112x256xf32, #tpu.memory_space<hbm>>
      %dma_wait3A_833 = arith.constant 0 : i32
      %dma_wait3A_834 = arith.constant 0 : i32
      %dma_wait3A_835 = tpu.memref_slice %arg2[%dma_wait3A_833, %dma_wait3A_834] : memref<50000x256xf32, #tpu.memory_space<hbm>> -> memref<112x256xf32, #tpu.memory_space<hbm>>
      tpu.wait_dma2 semaphore(%arg14 : memref<!tpu.dma_semaphore, #tpu.memory_space<semaphore_mem>>) src(%dma_wait3A_835 : memref<112x256xf32, #tpu.memory_space<hbm>>) dst(%arg8 : memref<112x256xf32, #tpu.memory_space<vmem>>)
      %add3A_836 = arith.constant 0 : i32
      %add3A_837 = arith.addi %while3A_811, %add3A_836 : i32
      %mul3A_838 = arith.constant 112 : i32
      %mul3A_839 = arith.muli %add3A_837, %mul3A_838 : i32
      %add3A_840 = arith.addi %multiple_of3A_757, %mul3A_839 : i32
      %min3A_841 = arith.constant 49888 : i32
      %min3A_842 = arith.minsi %add3A_840, %min3A_841 : i32
      %multiple_of3A_843 = tpu.assume_multiple %min3A_842, 8 : i32
      %add3A_844 = arith.constant 112 : i32
      %add3A_845 = arith.addi %multiple_of3A_843, %add3A_844 : i32
      %min3A_846 = arith.minsi %reduce_sum3A_522, %add3A_845 : i32
      %while3A_847:18 = scf.while (%while3A_935 = %while3A_812, %while3A_936 = %while3A_813, %while3A_937 = %while3A_814, %while3A_938 = %while3A_815, %while3A_939 = %while3A_816, %while3A_940 = %while3A_817, %while3A_941 = %while3A_818, %while3A_942 = %while3A_819, %while3A_943 = %while3A_820, %while3A_944 = %while3A_821, %while3A_945 = %while3A_822, %while3A_946 = %while3A_823, %while3A_947 = %while3A_824, %while3A_948 = %while3A_825, %while3A_949 = %while3A_826, %while3A_950 = %while3A_827, %while3A_951 = %while3A_828, %while3A_952 = %while3A_829) : (i32, i32, vector<16xf32>, vector<16xf32>, vector<16xf32>, vector<16xf32>, vector<16xf32>, vector<16xf32>, vector<16xf32>, vector<16xf32>, vector<16xf32>, vector<16xf32>, vector<16xf32>, vector<16xf32>, vector<16xf32>, vector<16xf32>, vector<16xf32>, vector<16xf32>) -> (i32, i32, vector<16xf32>, vector<16xf32>, vector<16xf32>, vector<16xf32>, vector<16xf32>, vector<16xf32>, vector<16xf32>, vector<16xf32>, vector<16xf32>, vector<16xf32>, vector<16xf32>, vector<16xf32>, vector<16xf32>, vector<16xf32>, vector<16xf32>, vector<16xf32>) {
        %lt3A_953 = arith.cmpi slt, %while3A_935, %min3A_846 : i32
        scf.condition(%lt3A_953) %while3A_935, %while3A_936, %while3A_937, %while3A_938, %while3A_939, %while3A_940, %while3A_941, %while3A_942, %while3A_943, %while3A_944, %while3A_945, %while3A_946, %while3A_947, %while3A_948, %while3A_949, %while3A_950, %while3A_951, %while3A_952 : i32, i32, vector<16xf32>, vector<16xf32>, vector<16xf32>, vector<16xf32>, vector<16xf32>, vector<16xf32>, vector<16xf32>, vector<16xf32>, vector<16xf32>, vector<16xf32>, vector<16xf32>, vector<16xf32>, vector<16xf32>, vector<16xf32>, vector<16xf32>, vector<16xf32>
      } do {
      ^bb0(%while3A_935: i32, %while3A_936: i32, %while3A_937: vector<16xf32>, %while3A_938: vector<16xf32>, %while3A_939: vector<16xf32>, %while3A_940: vector<16xf32>, %while3A_941: vector<16xf32>, %while3A_942: vector<16xf32>, %while3A_943: vector<16xf32>, %while3A_944: vector<16xf32>, %while3A_945: vector<16xf32>, %while3A_946: vector<16xf32>, %while3A_947: vector<16xf32>, %while3A_948: vector<16xf32>, %while3A_949: vector<16xf32>, %while3A_950: vector<16xf32>, %while3A_951: vector<16xf32>, %while3A_952: vector<16xf32>):
        %add3A_953 = arith.constant 1 : i32
        %add3A_954 = arith.addi %while3A_936, %add3A_953 : i32
        %get3A = arith.index_cast %add3A_954 : i32 to index
        %get3A_955 = memref.load %arg13[%get3A] : memref<17xi32, #tpu.memory_space<smem>>
        %min3A_956 = arith.minsi %get3A_955, %min3A_846 : i32
        %sub3A_957 = arith.subi %while3A_935, %multiple_of3A_843 : i32
        %sub3A_958 = arith.subi %min3A_956, %while3A_935 : i32
        %jit3A_959 = arith.constant 2 : i32
        %div3A_960 = arith.divsi %sub3A_958, %jit3A_959 : i32
        %sign3A_961 = arith.constant 0 : i32
        %sign3A_962 = arith.cmpi sgt, %sub3A_958, %sign3A_961 : i32
        %sign3A_963 = arith.extui %sign3A_962 : i1 to i32
        %sign3A_964 = arith.constant 0 : i32
        %sign3A_965 = arith.cmpi slt, %sub3A_958, %sign3A_964 : i32
        %sign3A_966 = arith.extui %sign3A_965 : i1 to i32
        %sign3A_967 = arith.subi %sign3A_963, %sign3A_966 : i32
        %sign3A_968 = arith.constant 0 : i32
        %sign3A_969 = arith.cmpi sgt, %jit3A_959, %sign3A_968 : i32
        %sign3A_970 = arith.extui %sign3A_969 : i1 to i32
        %sign3A_971 = arith.constant 0 : i32
        %sign3A_972 = arith.cmpi slt, %jit3A_959, %sign3A_971 : i32
        %sign3A_973 = arith.extui %sign3A_972 : i1 to i32
        %sign3A_974 = arith.subi %sign3A_970, %sign3A_973 : i32
        %ne3A_975 = arith.cmpi ne, %sign3A_967, %sign3A_974 : i32
        %rem3A_976 = arith.remsi %sub3A_958, %jit3A_959 : i32
        %ne3A_977 = arith.constant 0 : i32
        %ne3A_978 = arith.cmpi ne, %rem3A_976, %ne3A_977 : i32
        %and3A_979 = arith.andi %ne3A_975, %ne3A_978 : i1
        %sub3A_980 = arith.constant 1 : i32
        %sub3A_981 = arith.subi %div3A_960, %sub3A_980 : i32
        %select_n3A_982 = arith.select %and3A_979, %sub3A_981, %div3A_960 : i32
        %while3A_983 = arith.constant 0 : i32
        %while3A_984 = arith.subi %select_n3A_982, %while3A_983 : i32
        %while3A_985 = arith.addi %while3A_983, %while3A_984 : i32
        %while3A_986 = arith.constant 1 : i32
        %while3A_987 = arith.divsi %while3A_984, %while3A_986 : i32
        %while3A_988 = arith.muli %while3A_987, %while3A_986 : i32
        %while3A_989 = arith.addi %while3A_983, %while3A_988 : i32
        %while3A_990 = arith.constant 1 : i32
        %while3A_991:16 = scf.for %while3A_1109 = %while3A_983 to %while3A_989 step %while3A_990 iter_args(%while3A_1110 = %while3A_937, %while3A_1111 = %while3A_938, %while3A_1112 = %while3A_939, %while3A_1113 = %while3A_940, %while3A_1114 = %while3A_941, %while3A_1115 = %while3A_942, %while3A_1116 = %while3A_943, %while3A_1117 = %while3A_944, %while3A_1118 = %while3A_945, %while3A_1119 = %while3A_946, %while3A_1120 = %while3A_947, %while3A_1121 = %while3A_948, %while3A_1122 = %while3A_949, %while3A_1123 = %while3A_950, %while3A_1124 = %while3A_951, %while3A_1125 = %while3A_952) -> (vector<16xf32>, vector<16xf32>, vector<16xf32>, vector<16xf32>, vector<16xf32>, vector<16xf32>, vector<16xf32>, vector<16xf32>, vector<16xf32>, vector<16xf32>, vector<16xf32>, vector<16xf32>, vector<16xf32>, vector<16xf32>, vector<16xf32>, vector<16xf32>)  : i32 {
          %mul3A_1126 = arith.constant 2 : i32
          %mul3A_1127 = arith.muli %mul3A_1126, %while3A_1109 : i32
          %add3A_1128 = arith.addi %sub3A_957, %mul3A_1127 : i32
          %get3A_1129 = arith.index_cast %add3A_1128 : i32 to index
          %get3A_1130 = arith.constant 0 : index
          %get3A_1131 = tpu.vector_load %arg8[%get3A_1129, %get3A_1130] {strides = array<i32>} : memref<112x256xf32, #tpu.memory_space<vmem>>, vector<16xf32>,
          %add3A_1132 = arith.addf %while3A_1110, %get3A_1131 : vector<16xf32>
          %add3A_1133 = arith.constant 1 : i32
          %add3A_1134 = arith.addi %add3A_1128, %add3A_1133 : i32
          %get3A_1135 = arith.index_cast %add3A_1134 : i32 to index
          %get3A_1136 = arith.constant 0 : index
          %get3A_1137 = tpu.vector_load %arg8[%get3A_1135, %get3A_1136] {strides = array<i32>} : memref<112x256xf32, #tpu.memory_space<vmem>>, vector<16xf32>,
          %add3A_1138 = arith.addf %add3A_1132, %get3A_1137 : vector<16xf32>
          %get3A_1139 = arith.index_cast %add3A_1128 : i32 to index
          %get3A_1140 = arith.constant 16 : index
          %get3A_1141 = tpu.vector_load %arg8[%get3A_1139, %get3A_1140] {strides = array<i32>} : memref<112x256xf32, #tpu.memory_space<vmem>>, vector<16xf32>,
          %add3A_1142 = arith.addf %while3A_1111, %get3A_1141 : vector<16xf32>
          %add3A_1143 = arith.constant 1 : i32
          %add3A_1144 = arith.addi %add3A_1128, %add3A_1143 : i32
          %get3A_1145 = arith.index_cast %add3A_1144 : i32 to index
          %get3A_1146 = arith.constant 16 : index
          %get3A_1147 = tpu.vector_load %arg8[%get3A_1145, %get3A_1146] {strides = array<i32>} : memref<112x256xf32, #tpu.memory_space<vmem>>, vector<16xf32>,
          %add3A_1148 = arith.addf %add3A_1142, %get3A_1147 : vector<16xf32>
          %get3A_1149 = arith.index_cast %add3A_1128 : i32 to index
          %get3A_1150 = arith.constant 32 : index
          %get3A_1151 = tpu.vector_load %arg8[%get3A_1149, %get3A_1150] {strides = array<i32>} : memref<112x256xf32, #tpu.memory_space<vmem>>, vector<16xf32>,
          %add3A_1152 = arith.addf %while3A_1112, %get3A_1151 : vector<16xf32>
          %add3A_1153 = arith.constant 1 : i32
          %add3A_1154 = arith.addi %add3A_1128, %add3A_1153 : i32
          %get3A_1155 = arith.index_cast %add3A_1154 : i32 to index
          %get3A_1156 = arith.constant 32 : index
          %get3A_1157 = tpu.vector_load %arg8[%get3A_1155, %get3A_1156] {strides = array<i32>} : memref<112x256xf32, #tpu.memory_space<vmem>>, vector<16xf32>,
          %add3A_1158 = arith.addf %add3A_1152, %get3A_1157 : vector<16xf32>
          %get3A_1159 = arith.index_cast %add3A_1128 : i32 to index
          %get3A_1160 = arith.constant 48 : index
          %get3A_1161 = tpu.vector_load %arg8[%get3A_1159, %get3A_1160] {strides = array<i32>} : memref<112x256xf32, #tpu.memory_space<vmem>>, vector<16xf32>,
          %add3A_1162 = arith.addf %while3A_1113, %get3A_1161 : vector<16xf32>
          %add3A_1163 = arith.constant 1 : i32
          %add3A_1164 = arith.addi %add3A_1128, %add3A_1163 : i32
          %get3A_1165 = arith.index_cast %add3A_1164 : i32 to index
          %get3A_1166 = arith.constant 48 : index
          %get3A_1167 = tpu.vector_load %arg8[%get3A_1165, %get3A_1166] {strides = array<i32>} : memref<112x256xf32, #tpu.memory_space<vmem>>, vector<16xf32>,
          %add3A_1168 = arith.addf %add3A_1162, %get3A_1167 : vector<16xf32>
          %get3A_1169 = arith.index_cast %add3A_1128 : i32 to index
          %get3A_1170 = arith.constant 64 : index
          %get3A_1171 = tpu.vector_load %arg8[%get3A_1169, %get3A_1170] {strides = array<i32>} : memref<112x256xf32, #tpu.memory_space<vmem>>, vector<16xf32>,
          %add3A_1172 = arith.addf %while3A_1114, %get3A_1171 : vector<16xf32>
          %add3A_1173 = arith.constant 1 : i32
          %add3A_1174 = arith.addi %add3A_1128, %add3A_1173 : i32
          %get3A_1175 = arith.index_cast %add3A_1174 : i32 to index
          %get3A_1176 = arith.constant 64 : index
          %get3A_1177 = tpu.vector_load %arg8[%get3A_1175, %get3A_1176] {strides = array<i32>} : memref<112x256xf32, #tpu.memory_space<vmem>>, vector<16xf32>,
          %add3A_1178 = arith.addf %add3A_1172, %get3A_1177 : vector<16xf32>
          %get3A_1179 = arith.index_cast %add3A_1128 : i32 to index
          %get3A_1180 = arith.constant 80 : index
          %get3A_1181 = tpu.vector_load %arg8[%get3A_1179, %get3A_1180] {strides = array<i32>} : memref<112x256xf32, #tpu.memory_space<vmem>>, vector<16xf32>,
          %add3A_1182 = arith.addf %while3A_1115, %get3A_1181 : vector<16xf32>
          %add3A_1183 = arith.constant 1 : i32
          %add3A_1184 = arith.addi %add3A_1128, %add3A_1183 : i32
          %get3A_1185 = arith.index_cast %add3A_1184 : i32 to index
          %get3A_1186 = arith.constant 80 : index
          %get3A_1187 = tpu.vector_load %arg8[%get3A_1185, %get3A_1186] {strides = array<i32>} : memref<112x256xf32, #tpu.memory_space<vmem>>, vector<16xf32>,
          %add3A_1188 = arith.addf %add3A_1182, %get3A_1187 : vector<16xf32>
          %get3A_1189 = arith.index_cast %add3A_1128 : i32 to index
          %get3A_1190 = arith.constant 96 : index
          %get3A_1191 = tpu.vector_load %arg8[%get3A_1189, %get3A_1190] {strides = array<i32>} : memref<112x256xf32, #tpu.memory_space<vmem>>, vector<16xf32>,
          %add3A_1192 = arith.addf %while3A_1116, %get3A_1191 : vector<16xf32>
          %add3A_1193 = arith.constant 1 : i32
          %add3A_1194 = arith.addi %add3A_1128, %add3A_1193 : i32
          %get3A_1195 = arith.index_cast %add3A_1194 : i32 to index
          %get3A_1196 = arith.constant 96 : index
          %get3A_1197 = tpu.vector_load %arg8[%get3A_1195, %get3A_1196] {strides = array<i32>} : memref<112x256xf32, #tpu.memory_space<vmem>>, vector<16xf32>,
          %add3A_1198 = arith.addf %add3A_1192, %get3A_1197 : vector<16xf32>
          %get3A_1199 = arith.index_cast %add3A_1128 : i32 to index
          %get3A_1200 = arith.constant 112 : index
          %get3A_1201 = tpu.vector_load %arg8[%get3A_1199, %get3A_1200] {strides = array<i32>} : memref<112x256xf32, #tpu.memory_space<vmem>>, vector<16xf32>,
          %add3A_1202 = arith.addf %while3A_1117, %get3A_1201 : vector<16xf32>
          %add3A_1203 = arith.constant 1 : i32
          %add3A_1204 = arith.addi %add3A_1128, %add3A_1203 : i32
          %get3A_1205 = arith.index_cast %add3A_1204 : i32 to index
          %get3A_1206 = arith.constant 112 : index
          %get3A_1207 = tpu.vector_load %arg8[%get3A_1205, %get3A_1206] {strides = array<i32>} : memref<112x256xf32, #tpu.memory_space<vmem>>, vector<16xf32>,
          %add3A_1208 = arith.addf %add3A_1202, %get3A_1207 : vector<16xf32>
          %get3A_1209 = arith.index_cast %add3A_1128 : i32 to index
          %get3A_1210 = arith.constant 128 : index
          %get3A_1211 = tpu.vector_load %arg8[%get3A_1209, %get3A_1210] {strides = array<i32>} : memref<112x256xf32, #tpu.memory_space<vmem>>, vector<16xf32>,
          %add3A_1212 = arith.addf %while3A_1118, %get3A_1211 : vector<16xf32>
          %add3A_1213 = arith.constant 1 : i32
          %add3A_1214 = arith.addi %add3A_1128, %add3A_1213 : i32
          %get3A_1215 = arith.index_cast %add3A_1214 : i32 to index
          %get3A_1216 = arith.constant 128 : index
          %get3A_1217 = tpu.vector_load %arg8[%get3A_1215, %get3A_1216] {strides = array<i32>} : memref<112x256xf32, #tpu.memory_space<vmem>>, vector<16xf32>,
          %add3A_1218 = arith.addf %add3A_1212, %get3A_1217 : vector<16xf32>
          %get3A_1219 = arith.index_cast %add3A_1128 : i32 to index
          %get3A_1220 = arith.constant 144 : index
          %get3A_1221 = tpu.vector_load %arg8[%get3A_1219, %get3A_1220] {strides = array<i32>} : memref<112x256xf32, #tpu.memory_space<vmem>>, vector<16xf32>,
          %add3A_1222 = arith.addf %while3A_1119, %get3A_1221 : vector<16xf32>
          %add3A_1223 = arith.constant 1 : i32
          %add3A_1224 = arith.addi %add3A_1128, %add3A_1223 : i32
          %get3A_1225 = arith.index_cast %add3A_1224 : i32 to index
          %get3A_1226 = arith.constant 144 : index
          %get3A_1227 = tpu.vector_load %arg8[%get3A_1225, %get3A_1226] {strides = array<i32>} : memref<112x256xf32, #tpu.memory_space<vmem>>, vector<16xf32>,
          %add3A_1228 = arith.addf %add3A_1222, %get3A_1227 : vector<16xf32>
          %get3A_1229 = arith.index_cast %add3A_1128 : i32 to index
          %get3A_1230 = arith.constant 160 : index
          %get3A_1231 = tpu.vector_load %arg8[%get3A_1229, %get3A_1230] {strides = array<i32>} : memref<112x256xf32, #tpu.memory_space<vmem>>, vector<16xf32>,
          %add3A_1232 = arith.addf %while3A_1120, %get3A_1231 : vector<16xf32>
          %add3A_1233 = arith.constant 1 : i32
          %add3A_1234 = arith.addi %add3A_1128, %add3A_1233 : i32
          %get3A_1235 = arith.index_cast %add3A_1234 : i32 to index
          %get3A_1236 = arith.constant 160 : index
          %get3A_1237 = tpu.vector_load %arg8[%get3A_1235, %get3A_1236] {strides = array<i32>} : memref<112x256xf32, #tpu.memory_space<vmem>>, vector<16xf32>,
          %add3A_1238 = arith.addf %add3A_1232, %get3A_1237 : vector<16xf32>
          %get3A_1239 = arith.index_cast %add3A_1128 : i32 to index
          %get3A_1240 = arith.constant 176 : index
          %get3A_1241 = tpu.vector_load %arg8[%get3A_1239, %get3A_1240] {strides = array<i32>} : memref<112x256xf32, #tpu.memory_space<vmem>>, vector<16xf32>,
          %add3A_1242 = arith.addf %while3A_1121, %get3A_1241 : vector<16xf32>
          %add3A_1243 = arith.constant 1 : i32
          %add3A_1244 = arith.addi %add3A_1128, %add3A_1243 : i32
          %get3A_1245 = arith.index_cast %add3A_1244 : i32 to index
          %get3A_1246 = arith.constant 176 : index
          %get3A_1247 = tpu.vector_load %arg8[%get3A_1245, %get3A_1246] {strides = array<i32>} : memref<112x256xf32, #tpu.memory_space<vmem>>, vector<16xf32>,
          %add3A_1248 = arith.addf %add3A_1242, %get3A_1247 : vector<16xf32>
          %get3A_1249 = arith.index_cast %add3A_1128 : i32 to index
          %get3A_1250 = arith.constant 192 : index
          %get3A_1251 = tpu.vector_load %arg8[%get3A_1249, %get3A_1250] {strides = array<i32>} : memref<112x256xf32, #tpu.memory_space<vmem>>, vector<16xf32>,
          %add3A_1252 = arith.addf %while3A_1122, %get3A_1251 : vector<16xf32>
          %add3A_1253 = arith.constant 1 : i32
          %add3A_1254 = arith.addi %add3A_1128, %add3A_1253 : i32
          %get3A_1255 = arith.index_cast %add3A_1254 : i32 to index
          %get3A_1256 = arith.constant 192 : index
          %get3A_1257 = tpu.vector_load %arg8[%get3A_1255, %get3A_1256] {strides = array<i32>} : memref<112x256xf32, #tpu.memory_space<vmem>>, vector<16xf32>,
          %add3A_1258 = arith.addf %add3A_1252, %get3A_1257 : vector<16xf32>
          %get3A_1259 = arith.index_cast %add3A_1128 : i32 to index
          %get3A_1260 = arith.constant 208 : index
          %get3A_1261 = tpu.vector_load %arg8[%get3A_1259, %get3A_1260] {strides = array<i32>} : memref<112x256xf32, #tpu.memory_space<vmem>>, vector<16xf32>,
          %add3A_1262 = arith.addf %while3A_1123, %get3A_1261 : vector<16xf32>
          %add3A_1263 = arith.constant 1 : i32
          %add3A_1264 = arith.addi %add3A_1128, %add3A_1263 : i32
          %get3A_1265 = arith.index_cast %add3A_1264 : i32 to index
          %get3A_1266 = arith.constant 208 : index
          %get3A_1267 = tpu.vector_load %arg8[%get3A_1265, %get3A_1266] {strides = array<i32>} : memref<112x256xf32, #tpu.memory_space<vmem>>, vector<16xf32>,
          %add3A_1268 = arith.addf %add3A_1262, %get3A_1267 : vector<16xf32>
          %get3A_1269 = arith.index_cast %add3A_1128 : i32 to index
          %get3A_1270 = arith.constant 224 : index
          %get3A_1271 = tpu.vector_load %arg8[%get3A_1269, %get3A_1270] {strides = array<i32>} : memref<112x256xf32, #tpu.memory_space<vmem>>, vector<16xf32>,
          %add3A_1272 = arith.addf %while3A_1124, %get3A_1271 : vector<16xf32>
          %add3A_1273 = arith.constant 1 : i32
          %add3A_1274 = arith.addi %add3A_1128, %add3A_1273 : i32
          %get3A_1275 = arith.index_cast %add3A_1274 : i32 to index
          %get3A_1276 = arith.constant 224 : index
          %get3A_1277 = tpu.vector_load %arg8[%get3A_1275, %get3A_1276] {strides = array<i32>} : memref<112x256xf32, #tpu.memory_space<vmem>>, vector<16xf32>,
          %add3A_1278 = arith.addf %add3A_1272, %get3A_1277 : vector<16xf32>
          %get3A_1279 = arith.index_cast %add3A_1128 : i32 to index
          %get3A_1280 = arith.constant 240 : index
          %get3A_1281 = tpu.vector_load %arg8[%get3A_1279, %get3A_1280] {strides = array<i32>} : memref<112x256xf32, #tpu.memory_space<vmem>>, vector<16xf32>,
          %add3A_1282 = arith.addf %while3A_1125, %get3A_1281 : vector<16xf32>
          %add3A_1283 = arith.constant 1 : i32
          %add3A_1284 = arith.addi %add3A_1128, %add3A_1283 : i32
          %get3A_1285 = arith.index_cast %add3A_1284 : i32 to index
          %get3A_1286 = arith.constant 240 : index
          %get3A_1287 = tpu.vector_load %arg8[%get3A_1285, %get3A_1286] {strides = array<i32>} : memref<112x256xf32, #tpu.memory_space<vmem>>, vector<16xf32>,
          %add3A_1288 = arith.addf %add3A_1282, %get3A_1287 : vector<16xf32>
          scf.yield %add3A_1138, %add3A_1148, %add3A_1158, %add3A_1168, %add3A_1178, %add3A_1188, %add3A_1198, %add3A_1208, %add3A_1218, %add3A_1228, %add3A_1238, %add3A_1248, %add3A_1258, %add3A_1268, %add3A_1278, %add3A_1288 : vector<16xf32>, vector<16xf32>, vector<16xf32>, vector<16xf32>, vector<16xf32>, vector<16xf32>, vector<16xf32>, vector<16xf32>, vector<16xf32>, vector<16xf32>, vector<16xf32>, vector<16xf32>, vector<16xf32>, vector<16xf32>, vector<16xf32>, vector<16xf32>
        }
        %while3A_992 = arith.constant 1 : i32
        %while3A_993:16 = scf.for %while3A_1109 = %while3A_989 to %while3A_985 step %while3A_992 iter_args(%while3A_1110 = %while3A_991#0, %while3A_1111 = %while3A_991#1, %while3A_1112 = %while3A_991#2, %while3A_1113 = %while3A_991#3, %while3A_1114 = %while3A_991#4, %while3A_1115 = %while3A_991#5, %while3A_1116 = %while3A_991#6, %while3A_1117 = %while3A_991#7, %while3A_1118 = %while3A_991#8, %while3A_1119 = %while3A_991#9, %while3A_1120 = %while3A_991#10, %while3A_1121 = %while3A_991#11, %while3A_1122 = %while3A_991#12, %while3A_1123 = %while3A_991#13, %while3A_1124 = %while3A_991#14, %while3A_1125 = %while3A_991#15) -> (vector<16xf32>, vector<16xf32>, vector<16xf32>, vector<16xf32>, vector<16xf32>, vector<16xf32>, vector<16xf32>, vector<16xf32>, vector<16xf32>, vector<16xf32>, vector<16xf32>, vector<16xf32>, vector<16xf32>, vector<16xf32>, vector<16xf32>, vector<16xf32>)  : i32 {
          %mul3A_1126 = arith.constant 2 : i32
          %mul3A_1127 = arith.muli %mul3A_1126, %while3A_1109 : i32
          %add3A_1128 = arith.addi %sub3A_957, %mul3A_1127 : i32
          %get3A_1129 = arith.index_cast %add3A_1128 : i32 to index
          %get3A_1130 = arith.constant 0 : index
          %get3A_1131 = tpu.vector_load %arg8[%get3A_1129, %get3A_1130] {strides = array<i32>} : memref<112x256xf32, #tpu.memory_space<vmem>>, vector<16xf32>,
          %add3A_1132 = arith.addf %while3A_1110, %get3A_1131 : vector<16xf32>
          %add3A_1133 = arith.constant 1 : i32
          %add3A_1134 = arith.addi %add3A_1128, %add3A_1133 : i32
          %get3A_1135 = arith.index_cast %add3A_1134 : i32 to index
          %get3A_1136 = arith.constant 0 : index
          %get3A_1137 = tpu.vector_load %arg8[%get3A_1135, %get3A_1136] {strides = array<i32>} : memref<112x256xf32, #tpu.memory_space<vmem>>, vector<16xf32>,
          %add3A_1138 = arith.addf %add3A_1132, %get3A_1137 : vector<16xf32>
          %get3A_1139 = arith.index_cast %add3A_1128 : i32 to index
          %get3A_1140 = arith.constant 16 : index
          %get3A_1141 = tpu.vector_load %arg8[%get3A_1139, %get3A_1140] {strides = array<i32>} : memref<112x256xf32, #tpu.memory_space<vmem>>, vector<16xf32>,
          %add3A_1142 = arith.addf %while3A_1111, %get3A_1141 : vector<16xf32>
          %add3A_1143 = arith.constant 1 : i32
          %add3A_1144 = arith.addi %add3A_1128, %add3A_1143 : i32
          %get3A_1145 = arith.index_cast %add3A_1144 : i32 to index
          %get3A_1146 = arith.constant 16 : index
          %get3A_1147 = tpu.vector_load %arg8[%get3A_1145, %get3A_1146] {strides = array<i32>} : memref<112x256xf32, #tpu.memory_space<vmem>>, vector<16xf32>,
          %add3A_1148 = arith.addf %add3A_1142, %get3A_1147 : vector<16xf32>
          %get3A_1149 = arith.index_cast %add3A_1128 : i32 to index
          %get3A_1150 = arith.constant 32 : index
          %get3A_1151 = tpu.vector_load %arg8[%get3A_1149, %get3A_1150] {strides = array<i32>} : memref<112x256xf32, #tpu.memory_space<vmem>>, vector<16xf32>,
          %add3A_1152 = arith.addf %while3A_1112, %get3A_1151 : vector<16xf32>
          %add3A_1153 = arith.constant 1 : i32
          %add3A_1154 = arith.addi %add3A_1128, %add3A_1153 : i32
          %get3A_1155 = arith.index_cast %add3A_1154 : i32 to index
          %get3A_1156 = arith.constant 32 : index
          %get3A_1157 = tpu.vector_load %arg8[%get3A_1155, %get3A_1156] {strides = array<i32>} : memref<112x256xf32, #tpu.memory_space<vmem>>, vector<16xf32>,
          %add3A_1158 = arith.addf %add3A_1152, %get3A_1157 : vector<16xf32>
          %get3A_1159 = arith.index_cast %add3A_1128 : i32 to index
          %get3A_1160 = arith.constant 48 : index
          %get3A_1161 = tpu.vector_load %arg8[%get3A_1159, %get3A_1160] {strides = array<i32>} : memref<112x256xf32, #tpu.memory_space<vmem>>, vector<16xf32>,
          %add3A_1162 = arith.addf %while3A_1113, %get3A_1161 : vector<16xf32>
          %add3A_1163 = arith.constant 1 : i32
          %add3A_1164 = arith.addi %add3A_1128, %add3A_1163 : i32
          %get3A_1165 = arith.index_cast %add3A_1164 : i32 to index
          %get3A_1166 = arith.constant 48 : index
          %get3A_1167 = tpu.vector_load %arg8[%get3A_1165, %get3A_1166] {strides = array<i32>} : memref<112x256xf32, #tpu.memory_space<vmem>>, vector<16xf32>,
          %add3A_1168 = arith.addf %add3A_1162, %get3A_1167 : vector<16xf32>
          %get3A_1169 = arith.index_cast %add3A_1128 : i32 to index
          %get3A_1170 = arith.constant 64 : index
          %get3A_1171 = tpu.vector_load %arg8[%get3A_1169, %get3A_1170] {strides = array<i32>} : memref<112x256xf32, #tpu.memory_space<vmem>>, vector<16xf32>,
          %add3A_1172 = arith.addf %while3A_1114, %get3A_1171 : vector<16xf32>
          %add3A_1173 = arith.constant 1 : i32
          %add3A_1174 = arith.addi %add3A_1128, %add3A_1173 : i32
          %get3A_1175 = arith.index_cast %add3A_1174 : i32 to index
          %get3A_1176 = arith.constant 64 : index
          %get3A_1177 = tpu.vector_load %arg8[%get3A_1175, %get3A_1176] {strides = array<i32>} : memref<112x256xf32, #tpu.memory_space<vmem>>, vector<16xf32>,
          %add3A_1178 = arith.addf %add3A_1172, %get3A_1177 : vector<16xf32>
          %get3A_1179 = arith.index_cast %add3A_1128 : i32 to index
          %get3A_1180 = arith.constant 80 : index
          %get3A_1181 = tpu.vector_load %arg8[%get3A_1179, %get3A_1180] {strides = array<i32>} : memref<112x256xf32, #tpu.memory_space<vmem>>, vector<16xf32>,
          %add3A_1182 = arith.addf %while3A_1115, %get3A_1181 : vector<16xf32>
          %add3A_1183 = arith.constant 1 : i32
          %add3A_1184 = arith.addi %add3A_1128, %add3A_1183 : i32
          %get3A_1185 = arith.index_cast %add3A_1184 : i32 to index
          %get3A_1186 = arith.constant 80 : index
          %get3A_1187 = tpu.vector_load %arg8[%get3A_1185, %get3A_1186] {strides = array<i32>} : memref<112x256xf32, #tpu.memory_space<vmem>>, vector<16xf32>,
          %add3A_1188 = arith.addf %add3A_1182, %get3A_1187 : vector<16xf32>
          %get3A_1189 = arith.index_cast %add3A_1128 : i32 to index
          %get3A_1190 = arith.constant 96 : index
          %get3A_1191 = tpu.vector_load %arg8[%get3A_1189, %get3A_1190] {strides = array<i32>} : memref<112x256xf32, #tpu.memory_space<vmem>>, vector<16xf32>,
          %add3A_1192 = arith.addf %while3A_1116, %get3A_1191 : vector<16xf32>
          %add3A_1193 = arith.constant 1 : i32
          %add3A_1194 = arith.addi %add3A_1128, %add3A_1193 : i32
          %get3A_1195 = arith.index_cast %add3A_1194 : i32 to index
          %get3A_1196 = arith.constant 96 : index
          %get3A_1197 = tpu.vector_load %arg8[%get3A_1195, %get3A_1196] {strides = array<i32>} : memref<112x256xf32, #tpu.memory_space<vmem>>, vector<16xf32>,
          %add3A_1198 = arith.addf %add3A_1192, %get3A_1197 : vector<16xf32>
          %get3A_1199 = arith.index_cast %add3A_1128 : i32 to index
          %get3A_1200 = arith.constant 112 : index
          %get3A_1201 = tpu.vector_load %arg8[%get3A_1199, %get3A_1200] {strides = array<i32>} : memref<112x256xf32, #tpu.memory_space<vmem>>, vector<16xf32>,
          %add3A_1202 = arith.addf %while3A_1117, %get3A_1201 : vector<16xf32>
          %add3A_1203 = arith.constant 1 : i32
          %add3A_1204 = arith.addi %add3A_1128, %add3A_1203 : i32
          %get3A_1205 = arith.index_cast %add3A_1204 : i32 to index
          %get3A_1206 = arith.constant 112 : index
          %get3A_1207 = tpu.vector_load %arg8[%get3A_1205, %get3A_1206] {strides = array<i32>} : memref<112x256xf32, #tpu.memory_space<vmem>>, vector<16xf32>,
          %add3A_1208 = arith.addf %add3A_1202, %get3A_1207 : vector<16xf32>
          %get3A_1209 = arith.index_cast %add3A_1128 : i32 to index
          %get3A_1210 = arith.constant 128 : index
          %get3A_1211 = tpu.vector_load %arg8[%get3A_1209, %get3A_1210] {strides = array<i32>} : memref<112x256xf32, #tpu.memory_space<vmem>>, vector<16xf32>,
          %add3A_1212 = arith.addf %while3A_1118, %get3A_1211 : vector<16xf32>
          %add3A_1213 = arith.constant 1 : i32
          %add3A_1214 = arith.addi %add3A_1128, %add3A_1213 : i32
          %get3A_1215 = arith.index_cast %add3A_1214 : i32 to index
          %get3A_1216 = arith.constant 128 : index
          %get3A_1217 = tpu.vector_load %arg8[%get3A_1215, %get3A_1216] {strides = array<i32>} : memref<112x256xf32, #tpu.memory_space<vmem>>, vector<16xf32>,
          %add3A_1218 = arith.addf %add3A_1212, %get3A_1217 : vector<16xf32>
          %get3A_1219 = arith.index_cast %add3A_1128 : i32 to index
          %get3A_1220 = arith.constant 144 : index
          %get3A_1221 = tpu.vector_load %arg8[%get3A_1219, %get3A_1220] {strides = array<i32>} : memref<112x256xf32, #tpu.memory_space<vmem>>, vector<16xf32>,
          %add3A_1222 = arith.addf %while3A_1119, %get3A_1221 : vector<16xf32>
          %add3A_1223 = arith.constant 1 : i32
          %add3A_1224 = arith.addi %add3A_1128, %add3A_1223 : i32
          %get3A_1225 = arith.index_cast %add3A_1224 : i32 to index
          %get3A_1226 = arith.constant 144 : index
          %get3A_1227 = tpu.vector_load %arg8[%get3A_1225, %get3A_1226] {strides = array<i32>} : memref<112x256xf32, #tpu.memory_space<vmem>>, vector<16xf32>,
          %add3A_1228 = arith.addf %add3A_1222, %get3A_1227 : vector<16xf32>
          %get3A_1229 = arith.index_cast %add3A_1128 : i32 to index
          %get3A_1230 = arith.constant 160 : index
          %get3A_1231 = tpu.vector_load %arg8[%get3A_1229, %get3A_1230] {strides = array<i32>} : memref<112x256xf32, #tpu.memory_space<vmem>>, vector<16xf32>,
          %add3A_1232 = arith.addf %while3A_1120, %get3A_1231 : vector<16xf32>
          %add3A_1233 = arith.constant 1 : i32
          %add3A_1234 = arith.addi %add3A_1128, %add3A_1233 : i32
          %get3A_1235 = arith.index_cast %add3A_1234 : i32 to index
          %get3A_1236 = arith.constant 160 : index
          %get3A_1237 = tpu.vector_load %arg8[%get3A_1235, %get3A_1236] {strides = array<i32>} : memref<112x256xf32, #tpu.memory_space<vmem>>, vector<16xf32>,
          %add3A_1238 = arith.addf %add3A_1232, %get3A_1237 : vector<16xf32>
          %get3A_1239 = arith.index_cast %add3A_1128 : i32 to index
          %get3A_1240 = arith.constant 176 : index
          %get3A_1241 = tpu.vector_load %arg8[%get3A_1239, %get3A_1240] {strides = array<i32>} : memref<112x256xf32, #tpu.memory_space<vmem>>, vector<16xf32>,
          %add3A_1242 = arith.addf %while3A_1121, %get3A_1241 : vector<16xf32>
          %add3A_1243 = arith.constant 1 : i32
          %add3A_1244 = arith.addi %add3A_1128, %add3A_1243 : i32
          %get3A_1245 = arith.index_cast %add3A_1244 : i32 to index
          %get3A_1246 = arith.constant 176 : index
          %get3A_1247 = tpu.vector_load %arg8[%get3A_1245, %get3A_1246] {strides = array<i32>} : memref<112x256xf32, #tpu.memory_space<vmem>>, vector<16xf32>,
          %add3A_1248 = arith.addf %add3A_1242, %get3A_1247 : vector<16xf32>
          %get3A_1249 = arith.index_cast %add3A_1128 : i32 to index
          %get3A_1250 = arith.constant 192 : index
          %get3A_1251 = tpu.vector_load %arg8[%get3A_1249, %get3A_1250] {strides = array<i32>} : memref<112x256xf32, #tpu.memory_space<vmem>>, vector<16xf32>,
          %add3A_1252 = arith.addf %while3A_1122, %get3A_1251 : vector<16xf32>
          %add3A_1253 = arith.constant 1 : i32
          %add3A_1254 = arith.addi %add3A_1128, %add3A_1253 : i32
          %get3A_1255 = arith.index_cast %add3A_1254 : i32 to index
          %get3A_1256 = arith.constant 192 : index
          %get3A_1257 = tpu.vector_load %arg8[%get3A_1255, %get3A_1256] {strides = array<i32>} : memref<112x256xf32, #tpu.memory_space<vmem>>, vector<16xf32>,
          %add3A_1258 = arith.addf %add3A_1252, %get3A_1257 : vector<16xf32>
          %get3A_1259 = arith.index_cast %add3A_1128 : i32 to index
          %get3A_1260 = arith.constant 208 : index
          %get3A_1261 = tpu.vector_load %arg8[%get3A_1259, %get3A_1260] {strides = array<i32>} : memref<112x256xf32, #tpu.memory_space<vmem>>, vector<16xf32>,
          %add3A_1262 = arith.addf %while3A_1123, %get3A_1261 : vector<16xf32>
          %add3A_1263 = arith.constant 1 : i32
          %add3A_1264 = arith.addi %add3A_1128, %add3A_1263 : i32
          %get3A_1265 = arith.index_cast %add3A_1264 : i32 to index
          %get3A_1266 = arith.constant 208 : index
          %get3A_1267 = tpu.vector_load %arg8[%get3A_1265, %get3A_1266] {strides = array<i32>} : memref<112x256xf32, #tpu.memory_space<vmem>>, vector<16xf32>,
          %add3A_1268 = arith.addf %add3A_1262, %get3A_1267 : vector<16xf32>
          %get3A_1269 = arith.index_cast %add3A_1128 : i32 to index
          %get3A_1270 = arith.constant 224 : index
          %get3A_1271 = tpu.vector_load %arg8[%get3A_1269, %get3A_1270] {strides = array<i32>} : memref<112x256xf32, #tpu.memory_space<vmem>>, vector<16xf32>,
          %add3A_1272 = arith.addf %while3A_1124, %get3A_1271 : vector<16xf32>
          %add3A_1273 = arith.constant 1 : i32
          %add3A_1274 = arith.addi %add3A_1128, %add3A_1273 : i32
          %get3A_1275 = arith.index_cast %add3A_1274 : i32 to index
          %get3A_1276 = arith.constant 224 : index
          %get3A_1277 = tpu.vector_load %arg8[%get3A_1275, %get3A_1276] {strides = array<i32>} : memref<112x256xf32, #tpu.memory_space<vmem>>, vector<16xf32>,
          %add3A_1278 = arith.addf %add3A_1272, %get3A_1277 : vector<16xf32>
          %get3A_1279 = arith.index_cast %add3A_1128 : i32 to index
          %get3A_1280 = arith.constant 240 : index
          %get3A_1281 = tpu.vector_load %arg8[%get3A_1279, %get3A_1280] {strides = array<i32>} : memref<112x256xf32, #tpu.memory_space<vmem>>, vector<16xf32>,
          %add3A_1282 = arith.addf %while3A_1125, %get3A_1281 : vector<16xf32>
          %add3A_1283 = arith.constant 1 : i32
          %add3A_1284 = arith.addi %add3A_1128, %add3A_1283 : i32
          %get3A_1285 = arith.index_cast %add3A_1284 : i32 to index
          %get3A_1286 = arith.constant 240 : index
          %get3A_1287 = tpu.vector_load %arg8[%get3A_1285, %get3A_1286] {strides = array<i32>} : memref<112x256xf32, #tpu.memory_space<vmem>>, vector<16xf32>,
          %add3A_1288 = arith.addf %add3A_1282, %get3A_1287 : vector<16xf32>
          scf.yield %add3A_1138, %add3A_1148, %add3A_1158, %add3A_1168, %add3A_1178, %add3A_1188, %add3A_1198, %add3A_1208, %add3A_1218, %add3A_1228, %add3A_1238, %add3A_1248, %add3A_1258, %add3A_1268, %add3A_1278, %add3A_1288 : vector<16xf32>, vector<16xf32>, vector<16xf32>, vector<16xf32>, vector<16xf32>, vector<16xf32>, vector<16xf32>, vector<16xf32>, vector<16xf32>, vector<16xf32>, vector<16xf32>, vector<16xf32>, vector<16xf32>, vector<16xf32>, vector<16xf32>, vector<16xf32>
        }
        %sub3A_994 = arith.constant 1 : i32
        %sub3A_995 = arith.subi %min3A_956, %sub3A_994 : i32
        %sub3A_996 = arith.subi %sub3A_995, %multiple_of3A_843 : i32
        %max3A_997 = arith.constant 0 : i32
        %max3A_998 = arith.maxsi %sub3A_996, %max3A_997 : i32
        %and3A_999 = arith.constant 1 : i32
        %and3A_1000 = arith.andi %sub3A_958, %and3A_999 : i32
        %eq3A_1001 = arith.constant 1 : i32
        %eq3A_1002 = arith.cmpi eq, %and3A_1000, %eq3A_1001 : i32
        %jit3A_1003 = arith.constant 1.000000e+00 : f32
        %jit3A_1004 = arith.constant 0.000000e+00 : f32
        %select_n3A_1005 = arith.select %eq3A_1002, %jit3A_1003, %jit3A_1004 : f32
        %broadcast_in_dim3A_1006 = vector.broadcast %select_n3A_1005 : f32 to vector<16xf32>
        %get3A_1007 = arith.index_cast %max3A_998 : i32 to index
        %get3A_1008 = arith.constant 0 : index
        %get3A_1009 = tpu.vector_load %arg8[%get3A_1007, %get3A_1008] {strides = array<i32>} : memref<112x256xf32, #tpu.memory_space<vmem>>, vector<16xf32>,
        %mul3A_1010 = arith.mulf %get3A_1009, %broadcast_in_dim3A_1006 : vector<16xf32>
        %add3A_1011 = arith.addf %while3A_993#0, %mul3A_1010 : vector<16xf32>
        %get3A_1012 = arith.index_cast %max3A_998 : i32 to index
        %get3A_1013 = arith.constant 16 : index
        %get3A_1014 = tpu.vector_load %arg8[%get3A_1012, %get3A_1013] {strides = array<i32>} : memref<112x256xf32, #tpu.memory_space<vmem>>, vector<16xf32>,
        %mul3A_1015 = arith.mulf %get3A_1014, %broadcast_in_dim3A_1006 : vector<16xf32>
        %add3A_1016 = arith.addf %while3A_993#1, %mul3A_1015 : vector<16xf32>
        %get3A_1017 = arith.index_cast %max3A_998 : i32 to index
        %get3A_1018 = arith.constant 32 : index
        %get3A_1019 = tpu.vector_load %arg8[%get3A_1017, %get3A_1018] {strides = array<i32>} : memref<112x256xf32, #tpu.memory_space<vmem>>, vector<16xf32>,
        %mul3A_1020 = arith.mulf %get3A_1019, %broadcast_in_dim3A_1006 : vector<16xf32>
        %add3A_1021 = arith.addf %while3A_993#2, %mul3A_1020 : vector<16xf32>
        %get3A_1022 = arith.index_cast %max3A_998 : i32 to index
        %get3A_1023 = arith.constant 48 : index
        %get3A_1024 = tpu.vector_load %arg8[%get3A_1022, %get3A_1023] {strides = array<i32>} : memref<112x256xf32, #tpu.memory_space<vmem>>, vector<16xf32>,
        %mul3A_1025 = arith.mulf %get3A_1024, %broadcast_in_dim3A_1006 : vector<16xf32>
        %add3A_1026 = arith.addf %while3A_993#3, %mul3A_1025 : vector<16xf32>
        %get3A_1027 = arith.index_cast %max3A_998 : i32 to index
        %get3A_1028 = arith.constant 64 : index
        %get3A_1029 = tpu.vector_load %arg8[%get3A_1027, %get3A_1028] {strides = array<i32>} : memref<112x256xf32, #tpu.memory_space<vmem>>, vector<16xf32>,
        %mul3A_1030 = arith.mulf %get3A_1029, %broadcast_in_dim3A_1006 : vector<16xf32>
        %add3A_1031 = arith.addf %while3A_993#4, %mul3A_1030 : vector<16xf32>
        %get3A_1032 = arith.index_cast %max3A_998 : i32 to index
        %get3A_1033 = arith.constant 80 : index
        %get3A_1034 = tpu.vector_load %arg8[%get3A_1032, %get3A_1033] {strides = array<i32>} : memref<112x256xf32, #tpu.memory_space<vmem>>, vector<16xf32>,
        %mul3A_1035 = arith.mulf %get3A_1034, %broadcast_in_dim3A_1006 : vector<16xf32>
        %add3A_1036 = arith.addf %while3A_993#5, %mul3A_1035 : vector<16xf32>
        %get3A_1037 = arith.index_cast %max3A_998 : i32 to index
        %get3A_1038 = arith.constant 96 : index
        %get3A_1039 = tpu.vector_load %arg8[%get3A_1037, %get3A_1038] {strides = array<i32>} : memref<112x256xf32, #tpu.memory_space<vmem>>, vector<16xf32>,
        %mul3A_1040 = arith.mulf %get3A_1039, %broadcast_in_dim3A_1006 : vector<16xf32>
        %add3A_1041 = arith.addf %while3A_993#6, %mul3A_1040 : vector<16xf32>
        %get3A_1042 = arith.index_cast %max3A_998 : i32 to index
        %get3A_1043 = arith.constant 112 : index
        %get3A_1044 = tpu.vector_load %arg8[%get3A_1042, %get3A_1043] {strides = array<i32>} : memref<112x256xf32, #tpu.memory_space<vmem>>, vector<16xf32>,
        %mul3A_1045 = arith.mulf %get3A_1044, %broadcast_in_dim3A_1006 : vector<16xf32>
        %add3A_1046 = arith.addf %while3A_993#7, %mul3A_1045 : vector<16xf32>
        %get3A_1047 = arith.index_cast %max3A_998 : i32 to index
        %get3A_1048 = arith.constant 128 : index
        %get3A_1049 = tpu.vector_load %arg8[%get3A_1047, %get3A_1048] {strides = array<i32>} : memref<112x256xf32, #tpu.memory_space<vmem>>, vector<16xf32>,
        %mul3A_1050 = arith.mulf %get3A_1049, %broadcast_in_dim3A_1006 : vector<16xf32>
        %add3A_1051 = arith.addf %while3A_993#8, %mul3A_1050 : vector<16xf32>
        %get3A_1052 = arith.index_cast %max3A_998 : i32 to index
        %get3A_1053 = arith.constant 144 : index
        %get3A_1054 = tpu.vector_load %arg8[%get3A_1052, %get3A_1053] {strides = array<i32>} : memref<112x256xf32, #tpu.memory_space<vmem>>, vector<16xf32>,
        %mul3A_1055 = arith.mulf %get3A_1054, %broadcast_in_dim3A_1006 : vector<16xf32>
        %add3A_1056 = arith.addf %while3A_993#9, %mul3A_1055 : vector<16xf32>
        %get3A_1057 = arith.index_cast %max3A_998 : i32 to index
        %get3A_1058 = arith.constant 160 : index
        %get3A_1059 = tpu.vector_load %arg8[%get3A_1057, %get3A_1058] {strides = array<i32>} : memref<112x256xf32, #tpu.memory_space<vmem>>, vector<16xf32>,
        %mul3A_1060 = arith.mulf %get3A_1059, %broadcast_in_dim3A_1006 : vector<16xf32>
        %add3A_1061 = arith.addf %while3A_993#10, %mul3A_1060 : vector<16xf32>
        %get3A_1062 = arith.index_cast %max3A_998 : i32 to index
        %get3A_1063 = arith.constant 176 : index
        %get3A_1064 = tpu.vector_load %arg8[%get3A_1062, %get3A_1063] {strides = array<i32>} : memref<112x256xf32, #tpu.memory_space<vmem>>, vector<16xf32>,
        %mul3A_1065 = arith.mulf %get3A_1064, %broadcast_in_dim3A_1006 : vector<16xf32>
        %add3A_1066 = arith.addf %while3A_993#11, %mul3A_1065 : vector<16xf32>
        %get3A_1067 = arith.index_cast %max3A_998 : i32 to index
        %get3A_1068 = arith.constant 192 : index
        %get3A_1069 = tpu.vector_load %arg8[%get3A_1067, %get3A_1068] {strides = array<i32>} : memref<112x256xf32, #tpu.memory_space<vmem>>, vector<16xf32>,
        %mul3A_1070 = arith.mulf %get3A_1069, %broadcast_in_dim3A_1006 : vector<16xf32>
        %add3A_1071 = arith.addf %while3A_993#12, %mul3A_1070 : vector<16xf32>
        %get3A_1072 = arith.index_cast %max3A_998 : i32 to index
        %get3A_1073 = arith.constant 208 : index
        %get3A_1074 = tpu.vector_load %arg8[%get3A_1072, %get3A_1073] {strides = array<i32>} : memref<112x256xf32, #tpu.memory_space<vmem>>, vector<16xf32>,
        %mul3A_1075 = arith.mulf %get3A_1074, %broadcast_in_dim3A_1006 : vector<16xf32>
        %add3A_1076 = arith.addf %while3A_993#13, %mul3A_1075 : vector<16xf32>
        %get3A_1077 = arith.index_cast %max3A_998 : i32 to index
        %get3A_1078 = arith.constant 224 : index
        %get3A_1079 = tpu.vector_load %arg8[%get3A_1077, %get3A_1078] {strides = array<i32>} : memref<112x256xf32, #tpu.memory_space<vmem>>, vector<16xf32>,
        %mul3A_1080 = arith.mulf %get3A_1079, %broadcast_in_dim3A_1006 : vector<16xf32>
        %add3A_1081 = arith.addf %while3A_993#14, %mul3A_1080 : vector<16xf32>
        %get3A_1082 = arith.index_cast %max3A_998 : i32 to index
        %get3A_1083 = arith.constant 240 : index
        %get3A_1084 = tpu.vector_load %arg8[%get3A_1082, %get3A_1083] {strides = array<i32>} : memref<112x256xf32, #tpu.memory_space<vmem>>, vector<16xf32>,
        %mul3A_1085 = arith.mulf %get3A_1084, %broadcast_in_dim3A_1006 : vector<16xf32>
        %add3A_1086 = arith.addf %while3A_993#15, %mul3A_1085 : vector<16xf32>
        %eq3A_1087 = arith.cmpi eq, %min3A_956, %get3A_955 : i32
        %convert_element_type3A_1088 = arith.extui %eq3A_1087 : i1 to i32
        %cond3A_1089 = arith.constant 0 : i32
        %cond3A_1090 = arith.cmpi ne, %convert_element_type3A_1088, %cond3A_1089 : i32
        scf.if %cond3A_1090 {
          %eq3A_1109 = vector.broadcast %while3A_936 : i32 to vector<16xi32>
          %eq3A_1110 = arith.cmpi eq, %iota3A, %eq3A_1109 : vector<16xi32>
          %jit3A_1111 = arith.constant 0 : i32
          %convert_element_type3A_1112 = arith.sitofp %jit3A_1111 : i32 to f32
          %broadcast_in_dim3A_1113 = vector.broadcast %convert_element_type3A_1112 : f32 to vector<16xf32>
          %select_n3A_1114 = arith.select %eq3A_1110, %div3A, %broadcast_in_dim3A_1113 : vector<16xi1>, vector<16xf32>
          %reduce_sum3A_1115 = arith.constant true
          %reduce_sum3A_1116 = vector.broadcast %reduce_sum3A_1115 : i1 to vector<16xi1>
          %reduce_sum3A_1117 = tpu.scan <sum>, %select_n3A_1114 masked %reduce_sum3A_1116 : vector<16xf32>, vector<16xi1> -> vector<16xf32>
          %reduce_sum3A_1118 = vector.extract %reduce_sum3A_1117[15] : f32 from vector<16xf32>
          %broadcast_in_dim3A_1119 = vector.broadcast %reduce_sum3A_1118 : f32 to vector<16xf32>
          %mul3A_1120 = arith.mulf %add3A_1011, %broadcast_in_dim3A_1119 : vector<16xf32>
          %swap3A_1121 = arith.index_cast %while3A_936 : i32 to index
          %swap3A_1122 = arith.constant 0 : index
          %swap3A_1123 = tpu.vector_load %arg12[%swap3A_1121, %swap3A_1122] {strides = array<i32>} : memref<16x256xf32, #tpu.memory_space<vmem>>, vector<16xf32>,
          tpu.vector_store %arg12[%swap3A_1121, %swap3A_1122], %mul3A_1120 {strides = array<i32>} : memref<16x256xf32, #tpu.memory_space<vmem>>, vector<16xf32>,
          %mul3A_1124 = arith.mulf %add3A_1016, %broadcast_in_dim3A_1119 : vector<16xf32>
          %swap3A_1125 = arith.index_cast %while3A_936 : i32 to index
          %swap3A_1126 = arith.constant 16 : index
          %swap3A_1127 = tpu.vector_load %arg12[%swap3A_1125, %swap3A_1126] {strides = array<i32>} : memref<16x256xf32, #tpu.memory_space<vmem>>, vector<16xf32>,
          tpu.vector_store %arg12[%swap3A_1125, %swap3A_1126], %mul3A_1124 {strides = array<i32>} : memref<16x256xf32, #tpu.memory_space<vmem>>, vector<16xf32>,
          %mul3A_1128 = arith.mulf %add3A_1021, %broadcast_in_dim3A_1119 : vector<16xf32>
          %swap3A_1129 = arith.index_cast %while3A_936 : i32 to index
          %swap3A_1130 = arith.constant 32 : index
          %swap3A_1131 = tpu.vector_load %arg12[%swap3A_1129, %swap3A_1130] {strides = array<i32>} : memref<16x256xf32, #tpu.memory_space<vmem>>, vector<16xf32>,
          tpu.vector_store %arg12[%swap3A_1129, %swap3A_1130], %mul3A_1128 {strides = array<i32>} : memref<16x256xf32, #tpu.memory_space<vmem>>, vector<16xf32>,
          %mul3A_1132 = arith.mulf %add3A_1026, %broadcast_in_dim3A_1119 : vector<16xf32>
          %swap3A_1133 = arith.index_cast %while3A_936 : i32 to index
          %swap3A_1134 = arith.constant 48 : index
          %swap3A_1135 = tpu.vector_load %arg12[%swap3A_1133, %swap3A_1134] {strides = array<i32>} : memref<16x256xf32, #tpu.memory_space<vmem>>, vector<16xf32>,
          tpu.vector_store %arg12[%swap3A_1133, %swap3A_1134], %mul3A_1132 {strides = array<i32>} : memref<16x256xf32, #tpu.memory_space<vmem>>, vector<16xf32>,
          %mul3A_1136 = arith.mulf %add3A_1031, %broadcast_in_dim3A_1119 : vector<16xf32>
          %swap3A_1137 = arith.index_cast %while3A_936 : i32 to index
          %swap3A_1138 = arith.constant 64 : index
          %swap3A_1139 = tpu.vector_load %arg12[%swap3A_1137, %swap3A_1138] {strides = array<i32>} : memref<16x256xf32, #tpu.memory_space<vmem>>, vector<16xf32>,
          tpu.vector_store %arg12[%swap3A_1137, %swap3A_1138], %mul3A_1136 {strides = array<i32>} : memref<16x256xf32, #tpu.memory_space<vmem>>, vector<16xf32>,
          %mul3A_1140 = arith.mulf %add3A_1036, %broadcast_in_dim3A_1119 : vector<16xf32>
          %swap3A_1141 = arith.index_cast %while3A_936 : i32 to index
          %swap3A_1142 = arith.constant 80 : index
          %swap3A_1143 = tpu.vector_load %arg12[%swap3A_1141, %swap3A_1142] {strides = array<i32>} : memref<16x256xf32, #tpu.memory_space<vmem>>, vector<16xf32>,
          tpu.vector_store %arg12[%swap3A_1141, %swap3A_1142], %mul3A_1140 {strides = array<i32>} : memref<16x256xf32, #tpu.memory_space<vmem>>, vector<16xf32>,
          %mul3A_1144 = arith.mulf %add3A_1041, %broadcast_in_dim3A_1119 : vector<16xf32>
          %swap3A_1145 = arith.index_cast %while3A_936 : i32 to index
          %swap3A_1146 = arith.constant 96 : index
          %swap3A_1147 = tpu.vector_load %arg12[%swap3A_1145, %swap3A_1146] {strides = array<i32>} : memref<16x256xf32, #tpu.memory_space<vmem>>, vector<16xf32>,
          tpu.vector_store %arg12[%swap3A_1145, %swap3A_1146], %mul3A_1144 {strides = array<i32>} : memref<16x256xf32, #tpu.memory_space<vmem>>, vector<16xf32>,
          %mul3A_1148 = arith.mulf %add3A_1046, %broadcast_in_dim3A_1119 : vector<16xf32>
          %swap3A_1149 = arith.index_cast %while3A_936 : i32 to index
          %swap3A_1150 = arith.constant 112 : index
          %swap3A_1151 = tpu.vector_load %arg12[%swap3A_1149, %swap3A_1150] {strides = array<i32>} : memref<16x256xf32, #tpu.memory_space<vmem>>, vector<16xf32>,
          tpu.vector_store %arg12[%swap3A_1149, %swap3A_1150], %mul3A_1148 {strides = array<i32>} : memref<16x256xf32, #tpu.memory_space<vmem>>, vector<16xf32>,
          %mul3A_1152 = arith.mulf %add3A_1051, %broadcast_in_dim3A_1119 : vector<16xf32>
          %swap3A_1153 = arith.index_cast %while3A_936 : i32 to index
          %swap3A_1154 = arith.constant 128 : index
          %swap3A_1155 = tpu.vector_load %arg12[%swap3A_1153, %swap3A_1154] {strides = array<i32>} : memref<16x256xf32, #tpu.memory_space<vmem>>, vector<16xf32>,
          tpu.vector_store %arg12[%swap3A_1153, %swap3A_1154], %mul3A_1152 {strides = array<i32>} : memref<16x256xf32, #tpu.memory_space<vmem>>, vector<16xf32>,
          %mul3A_1156 = arith.mulf %add3A_1056, %broadcast_in_dim3A_1119 : vector<16xf32>
          %swap3A_1157 = arith.index_cast %while3A_936 : i32 to index
          %swap3A_1158 = arith.constant 144 : index
          %swap3A_1159 = tpu.vector_load %arg12[%swap3A_1157, %swap3A_1158] {strides = array<i32>} : memref<16x256xf32, #tpu.memory_space<vmem>>, vector<16xf32>,
          tpu.vector_store %arg12[%swap3A_1157, %swap3A_1158], %mul3A_1156 {strides = array<i32>} : memref<16x256xf32, #tpu.memory_space<vmem>>, vector<16xf32>,
          %mul3A_1160 = arith.mulf %add3A_1061, %broadcast_in_dim3A_1119 : vector<16xf32>
          %swap3A_1161 = arith.index_cast %while3A_936 : i32 to index
          %swap3A_1162 = arith.constant 160 : index
          %swap3A_1163 = tpu.vector_load %arg12[%swap3A_1161, %swap3A_1162] {strides = array<i32>} : memref<16x256xf32, #tpu.memory_space<vmem>>, vector<16xf32>,
          tpu.vector_store %arg12[%swap3A_1161, %swap3A_1162], %mul3A_1160 {strides = array<i32>} : memref<16x256xf32, #tpu.memory_space<vmem>>, vector<16xf32>,
          %mul3A_1164 = arith.mulf %add3A_1066, %broadcast_in_dim3A_1119 : vector<16xf32>
          %swap3A_1165 = arith.index_cast %while3A_936 : i32 to index
          %swap3A_1166 = arith.constant 176 : index
          %swap3A_1167 = tpu.vector_load %arg12[%swap3A_1165, %swap3A_1166] {strides = array<i32>} : memref<16x256xf32, #tpu.memory_space<vmem>>, vector<16xf32>,
          tpu.vector_store %arg12[%swap3A_1165, %swap3A_1166], %mul3A_1164 {strides = array<i32>} : memref<16x256xf32, #tpu.memory_space<vmem>>, vector<16xf32>,
          %mul3A_1168 = arith.mulf %add3A_1071, %broadcast_in_dim3A_1119 : vector<16xf32>
          %swap3A_1169 = arith.index_cast %while3A_936 : i32 to index
          %swap3A_1170 = arith.constant 192 : index
          %swap3A_1171 = tpu.vector_load %arg12[%swap3A_1169, %swap3A_1170] {strides = array<i32>} : memref<16x256xf32, #tpu.memory_space<vmem>>, vector<16xf32>,
          tpu.vector_store %arg12[%swap3A_1169, %swap3A_1170], %mul3A_1168 {strides = array<i32>} : memref<16x256xf32, #tpu.memory_space<vmem>>, vector<16xf32>,
          %mul3A_1172 = arith.mulf %add3A_1076, %broadcast_in_dim3A_1119 : vector<16xf32>
          %swap3A_1173 = arith.index_cast %while3A_936 : i32 to index
          %swap3A_1174 = arith.constant 208 : index
          %swap3A_1175 = tpu.vector_load %arg12[%swap3A_1173, %swap3A_1174] {strides = array<i32>} : memref<16x256xf32, #tpu.memory_space<vmem>>, vector<16xf32>,
          tpu.vector_store %arg12[%swap3A_1173, %swap3A_1174], %mul3A_1172 {strides = array<i32>} : memref<16x256xf32, #tpu.memory_space<vmem>>, vector<16xf32>,
          %mul3A_1176 = arith.mulf %add3A_1081, %broadcast_in_dim3A_1119 : vector<16xf32>
          %swap3A_1177 = arith.index_cast %while3A_936 : i32 to index
          %swap3A_1178 = arith.constant 224 : index
          %swap3A_1179 = tpu.vector_load %arg12[%swap3A_1177, %swap3A_1178] {strides = array<i32>} : memref<16x256xf32, #tpu.memory_space<vmem>>, vector<16xf32>,
          tpu.vector_store %arg12[%swap3A_1177, %swap3A_1178], %mul3A_1176 {strides = array<i32>} : memref<16x256xf32, #tpu.memory_space<vmem>>, vector<16xf32>,
          %mul3A_1180 = arith.mulf %add3A_1086, %broadcast_in_dim3A_1119 : vector<16xf32>
          %swap3A_1181 = arith.index_cast %while3A_936 : i32 to index
          %swap3A_1182 = arith.constant 240 : index
          %swap3A_1183 = tpu.vector_load %arg12[%swap3A_1181, %swap3A_1182] {strides = array<i32>} : memref<16x256xf32, #tpu.memory_space<vmem>>, vector<16xf32>,
          tpu.vector_store %arg12[%swap3A_1181, %swap3A_1182], %mul3A_1180 {strides = array<i32>} : memref<16x256xf32, #tpu.memory_space<vmem>>, vector<16xf32>,
        } else {
        }
        %select_n3A_1091 = arith.select %eq3A_1087, %broadcast_in_dim3A_806, %add3A_1011 : vector<16xf32>
        %select_n3A_1092 = arith.select %eq3A_1087, %broadcast_in_dim3A_806, %add3A_1016 : vector<16xf32>
        %select_n3A_1093 = arith.select %eq3A_1087, %broadcast_in_dim3A_806, %add3A_1021 : vector<16xf32>
        %select_n3A_1094 = arith.select %eq3A_1087, %broadcast_in_dim3A_806, %add3A_1026 : vector<16xf32>
        %select_n3A_1095 = arith.select %eq3A_1087, %broadcast_in_dim3A_806, %add3A_1031 : vector<16xf32>
        %select_n3A_1096 = arith.select %eq3A_1087, %broadcast_in_dim3A_806, %add3A_1036 : vector<16xf32>
        %select_n3A_1097 = arith.select %eq3A_1087, %broadcast_in_dim3A_806, %add3A_1041 : vector<16xf32>
        %select_n3A_1098 = arith.select %eq3A_1087, %broadcast_in_dim3A_806, %add3A_1046 : vector<16xf32>
        %select_n3A_1099 = arith.select %eq3A_1087, %broadcast_in_dim3A_806, %add3A_1051 : vector<16xf32>
        %select_n3A_1100 = arith.select %eq3A_1087, %broadcast_in_dim3A_806, %add3A_1056 : vector<16xf32>
        %select_n3A_1101 = arith.select %eq3A_1087, %broadcast_in_dim3A_806, %add3A_1061 : vector<16xf32>
        %select_n3A_1102 = arith.select %eq3A_1087, %broadcast_in_dim3A_806, %add3A_1066 : vector<16xf32>
        %select_n3A_1103 = arith.select %eq3A_1087, %broadcast_in_dim3A_806, %add3A_1071 : vector<16xf32>
        %select_n3A_1104 = arith.select %eq3A_1087, %broadcast_in_dim3A_806, %add3A_1076 : vector<16xf32>
        %select_n3A_1105 = arith.select %eq3A_1087, %broadcast_in_dim3A_806, %add3A_1081 : vector<16xf32>
        %select_n3A_1106 = arith.select %eq3A_1087, %broadcast_in_dim3A_806, %add3A_1086 : vector<16xf32>
        %convert_element_type3A_1107 = arith.extui %eq3A_1087 : i1 to i32
        %add3A_1108 = arith.addi %while3A_936, %convert_element_type3A_1107 : i32
        scf.yield %min3A_956, %add3A_1108, %select_n3A_1091, %select_n3A_1092, %select_n3A_1093, %select_n3A_1094, %select_n3A_1095, %select_n3A_1096, %select_n3A_1097, %select_n3A_1098, %select_n3A_1099, %select_n3A_1100, %select_n3A_1101, %select_n3A_1102, %select_n3A_1103, %select_n3A_1104, %select_n3A_1105, %select_n3A_1106 : i32, i32, vector<16xf32>, vector<16xf32>, vector<16xf32>, vector<16xf32>, vector<16xf32>, vector<16xf32>, vector<16xf32>, vector<16xf32>, vector<16xf32>, vector<16xf32>, vector<16xf32>, vector<16xf32>, vector<16xf32>, vector<16xf32>, vector<16xf32>, vector<16xf32>
      }
      %add3A_848 = arith.constant 0 : i32
      %add3A_849 = arith.addi %while3A_811, %add3A_848 : i32
      %add3A_850 = arith.constant 4 : i32
      %add3A_851 = arith.addi %add3A_849, %add3A_850 : i32
      %lt3A = arith.cmpi slt, %add3A_851, %select_n3A_786 : i32
      %convert_element_type3A_852 = arith.extui %lt3A : i1 to i32
      %cond3A_853 = arith.constant 0 : i32
      %cond3A_854 = arith.cmpi ne, %convert_element_type3A_852, %cond3A_853 : i32
      scf.if %cond3A_854 {
        %mul3A_935 = arith.constant 112 : i32
        %mul3A_936 = arith.muli %add3A_851, %mul3A_935 : i32
        %add3A_937 = arith.addi %multiple_of3A_757, %mul3A_936 : i32
        %min3A_938 = arith.constant 49888 : i32
        %min3A_939 = arith.minsi %add3A_937, %min3A_938 : i32
        %multiple_of3A_940 = tpu.assume_multiple %min3A_939, 8 : i32
        %dma_start3A_941 = arith.constant 0 : i32
        %dma_start3A_942 = tpu.memref_slice %arg2[%multiple_of3A_940, %dma_start3A_941] : memref<50000x256xf32, #tpu.memory_space<hbm>> -> memref<112x256xf32, #tpu.memory_space<hbm>>
        %dma_start3A_943 = arith.constant 0 : i32
        %dma_start3A_944 = tpu.memref_slice %arg2[%multiple_of3A_940, %dma_start3A_943] : memref<50000x256xf32, #tpu.memory_space<hbm>> -> memref<112x256xf32, #tpu.memory_space<hbm>>
        tpu.enqueue_dma source(%dma_start3A_944 : memref<112x256xf32, #tpu.memory_space<hbm>>) target(%arg8 : memref<112x256xf32, #tpu.memory_space<vmem>>) target_semaphore(%arg14 : memref<!tpu.dma_semaphore, #tpu.memory_space<semaphore_mem>>)
      } else {
      }
      %add3A_855 = arith.constant 1 : i32
      %add3A_856 = arith.addi %while3A_811, %add3A_855 : i32
      %lt3A_857 = arith.cmpi slt, %add3A_856, %select_n3A_786 : i32
      %convert_element_type3A_858 = arith.extui %lt3A_857 : i1 to i32
      %cond3A_859 = arith.constant 0 : i32
      %cond3A_860 = arith.cmpi ne, %convert_element_type3A_858, %cond3A_859 : i32
      scf.if %cond3A_860 {
        %dma_wait3A_935 = arith.constant 0 : i32
        %dma_wait3A_936 = arith.constant 0 : i32
        %dma_wait3A_937 = tpu.memref_slice %arg2[%dma_wait3A_935, %dma_wait3A_936] : memref<50000x256xf32, #tpu.memory_space<hbm>> -> memref<112x256xf32, #tpu.memory_space<hbm>>
        %dma_wait3A_938 = arith.constant 0 : i32
        %dma_wait3A_939 = arith.constant 0 : i32
        %dma_wait3A_940 = tpu.memref_slice %arg2[%dma_wait3A_938, %dma_wait3A_939] : memref<50000x256xf32, #tpu.memory_space<hbm>> -> memref<112x256xf32, #tpu.memory_space<hbm>>
        tpu.wait_dma2 semaphore(%arg15 : memref<!tpu.dma_semaphore, #tpu.memory_space<semaphore_mem>>) src(%dma_wait3A_940 : memref<112x256xf32, #tpu.memory_space<hbm>>) dst(%arg9 : memref<112x256xf32, #tpu.memory_space<vmem>>)
      } else {
      }
      %add3A_861 = arith.constant 1 : i32
      %add3A_862 = arith.addi %while3A_811, %add3A_861 : i32
      %mul3A_863 = arith.constant 112 : i32
      %mul3A_864 = arith.muli %add3A_862, %mul3A_863 : i32
      %add3A_865 = arith.addi %multiple_of3A_757, %mul3A_864 : i32
      %min3A_866 = arith.constant 49888 : i32
      %min3A_867 = arith.minsi %add3A_865, %min3A_866 : i32
      %multiple_of3A_868 = tpu.assume_multiple %min3A_867, 8 : i32
      %add3A_869 = arith.constant 112 : i32
      %add3A_870 = arith.addi %multiple_of3A_868, %add3A_869 : i32
      %min3A_871 = arith.minsi %reduce_sum3A_522, %add3A_870 : i32
      %while3A_872:18 = scf.while (%while3A_935 = %while3A_847#0, %while3A_936 = %while3A_847#1, %while3A_937 = %while3A_847#2, %while3A_938 = %while3A_847#3, %while3A_939 = %while3A_847#4, %while3A_940 = %while3A_847#5, %while3A_941 = %while3A_847#6, %while3A_942 = %while3A_847#7, %while3A_943 = %while3A_847#8, %while3A_944 = %while3A_847#9, %while3A_945 = %while3A_847#10, %while3A_946 = %while3A_847#11, %while3A_947 = %while3A_847#12, %while3A_948 = %while3A_847#13, %while3A_949 = %while3A_847#14, %while3A_950 = %while3A_847#15, %while3A_951 = %while3A_847#16, %while3A_952 = %while3A_847#17) : (i32, i32, vector<16xf32>, vector<16xf32>, vector<16xf32>, vector<16xf32>, vector<16xf32>, vector<16xf32>, vector<16xf32>, vector<16xf32>, vector<16xf32>, vector<16xf32>, vector<16xf32>, vector<16xf32>, vector<16xf32>, vector<16xf32>, vector<16xf32>, vector<16xf32>) -> (i32, i32, vector<16xf32>, vector<16xf32>, vector<16xf32>, vector<16xf32>, vector<16xf32>, vector<16xf32>, vector<16xf32>, vector<16xf32>, vector<16xf32>, vector<16xf32>, vector<16xf32>, vector<16xf32>, vector<16xf32>, vector<16xf32>, vector<16xf32>, vector<16xf32>) {
        %lt3A_953 = arith.cmpi slt, %while3A_935, %min3A_871 : i32
        scf.condition(%lt3A_953) %while3A_935, %while3A_936, %while3A_937, %while3A_938, %while3A_939, %while3A_940, %while3A_941, %while3A_942, %while3A_943, %while3A_944, %while3A_945, %while3A_946, %while3A_947, %while3A_948, %while3A_949, %while3A_950, %while3A_951, %while3A_952 : i32, i32, vector<16xf32>, vector<16xf32>, vector<16xf32>, vector<16xf32>, vector<16xf32>, vector<16xf32>, vector<16xf32>, vector<16xf32>, vector<16xf32>, vector<16xf32>, vector<16xf32>, vector<16xf32>, vector<16xf32>, vector<16xf32>, vector<16xf32>, vector<16xf32>
      } do {
      ^bb0(%while3A_935: i32, %while3A_936: i32, %while3A_937: vector<16xf32>, %while3A_938: vector<16xf32>, %while3A_939: vector<16xf32>, %while3A_940: vector<16xf32>, %while3A_941: vector<16xf32>, %while3A_942: vector<16xf32>, %while3A_943: vector<16xf32>, %while3A_944: vector<16xf32>, %while3A_945: vector<16xf32>, %while3A_946: vector<16xf32>, %while3A_947: vector<16xf32>, %while3A_948: vector<16xf32>, %while3A_949: vector<16xf32>, %while3A_950: vector<16xf32>, %while3A_951: vector<16xf32>, %while3A_952: vector<16xf32>):
        %add3A_953 = arith.constant 1 : i32
        %add3A_954 = arith.addi %while3A_936, %add3A_953 : i32
        %get3A = arith.index_cast %add3A_954 : i32 to index
        %get3A_955 = memref.load %arg13[%get3A] : memref<17xi32, #tpu.memory_space<smem>>
        %min3A_956 = arith.minsi %get3A_955, %min3A_871 : i32
        %sub3A_957 = arith.subi %while3A_935, %multiple_of3A_868 : i32
        %sub3A_958 = arith.subi %min3A_956, %while3A_935 : i32
        %jit3A_959 = arith.constant 2 : i32
        %div3A_960 = arith.divsi %sub3A_958, %jit3A_959 : i32
        %sign3A_961 = arith.constant 0 : i32
        %sign3A_962 = arith.cmpi sgt, %sub3A_958, %sign3A_961 : i32
        %sign3A_963 = arith.extui %sign3A_962 : i1 to i32
        %sign3A_964 = arith.constant 0 : i32
        %sign3A_965 = arith.cmpi slt, %sub3A_958, %sign3A_964 : i32
        %sign3A_966 = arith.extui %sign3A_965 : i1 to i32
        %sign3A_967 = arith.subi %sign3A_963, %sign3A_966 : i32
        %sign3A_968 = arith.constant 0 : i32
        %sign3A_969 = arith.cmpi sgt, %jit3A_959, %sign3A_968 : i32
        %sign3A_970 = arith.extui %sign3A_969 : i1 to i32
        %sign3A_971 = arith.constant 0 : i32
        %sign3A_972 = arith.cmpi slt, %jit3A_959, %sign3A_971 : i32
        %sign3A_973 = arith.extui %sign3A_972 : i1 to i32
        %sign3A_974 = arith.subi %sign3A_970, %sign3A_973 : i32
        %ne3A_975 = arith.cmpi ne, %sign3A_967, %sign3A_974 : i32
        %rem3A_976 = arith.remsi %sub3A_958, %jit3A_959 : i32
        %ne3A_977 = arith.constant 0 : i32
        %ne3A_978 = arith.cmpi ne, %rem3A_976, %ne3A_977 : i32
        %and3A_979 = arith.andi %ne3A_975, %ne3A_978 : i1
        %sub3A_980 = arith.constant 1 : i32
        %sub3A_981 = arith.subi %div3A_960, %sub3A_980 : i32
        %select_n3A_982 = arith.select %and3A_979, %sub3A_981, %div3A_960 : i32
        %while3A_983 = arith.constant 0 : i32
        %while3A_984 = arith.subi %select_n3A_982, %while3A_983 : i32
        %while3A_985 = arith.addi %while3A_983, %while3A_984 : i32
        %while3A_986 = arith.constant 1 : i32
        %while3A_987 = arith.divsi %while3A_984, %while3A_986 : i32
        %while3A_988 = arith.muli %while3A_987, %while3A_986 : i32
        %while3A_989 = arith.addi %while3A_983, %while3A_988 : i32
        %while3A_990 = arith.constant 1 : i32
        %while3A_991:16 = scf.for %while3A_1109 = %while3A_983 to %while3A_989 step %while3A_990 iter_args(%while3A_1110 = %while3A_937, %while3A_1111 = %while3A_938, %while3A_1112 = %while3A_939, %while3A_1113 = %while3A_940, %while3A_1114 = %while3A_941, %while3A_1115 = %while3A_942, %while3A_1116 = %while3A_943, %while3A_1117 = %while3A_944, %while3A_1118 = %while3A_945, %while3A_1119 = %while3A_946, %while3A_1120 = %while3A_947, %while3A_1121 = %while3A_948, %while3A_1122 = %while3A_949, %while3A_1123 = %while3A_950, %while3A_1124 = %while3A_951, %while3A_1125 = %while3A_952) -> (vector<16xf32>, vector<16xf32>, vector<16xf32>, vector<16xf32>, vector<16xf32>, vector<16xf32>, vector<16xf32>, vector<16xf32>, vector<16xf32>, vector<16xf32>, vector<16xf32>, vector<16xf32>, vector<16xf32>, vector<16xf32>, vector<16xf32>, vector<16xf32>)  : i32 {
          %mul3A_1126 = arith.constant 2 : i32
          %mul3A_1127 = arith.muli %mul3A_1126, %while3A_1109 : i32
          %add3A_1128 = arith.addi %sub3A_957, %mul3A_1127 : i32
          %get3A_1129 = arith.index_cast %add3A_1128 : i32 to index
          %get3A_1130 = arith.constant 0 : index
          %get3A_1131 = tpu.vector_load %arg9[%get3A_1129, %get3A_1130] {strides = array<i32>} : memref<112x256xf32, #tpu.memory_space<vmem>>, vector<16xf32>,
          %add3A_1132 = arith.addf %while3A_1110, %get3A_1131 : vector<16xf32>
          %add3A_1133 = arith.constant 1 : i32
          %add3A_1134 = arith.addi %add3A_1128, %add3A_1133 : i32
          %get3A_1135 = arith.index_cast %add3A_1134 : i32 to index
          %get3A_1136 = arith.constant 0 : index
          %get3A_1137 = tpu.vector_load %arg9[%get3A_1135, %get3A_1136] {strides = array<i32>} : memref<112x256xf32, #tpu.memory_space<vmem>>, vector<16xf32>,
          %add3A_1138 = arith.addf %add3A_1132, %get3A_1137 : vector<16xf32>
          %get3A_1139 = arith.index_cast %add3A_1128 : i32 to index
          %get3A_1140 = arith.constant 16 : index
          %get3A_1141 = tpu.vector_load %arg9[%get3A_1139, %get3A_1140] {strides = array<i32>} : memref<112x256xf32, #tpu.memory_space<vmem>>, vector<16xf32>,
          %add3A_1142 = arith.addf %while3A_1111, %get3A_1141 : vector<16xf32>
          %add3A_1143 = arith.constant 1 : i32
          %add3A_1144 = arith.addi %add3A_1128, %add3A_1143 : i32
          %get3A_1145 = arith.index_cast %add3A_1144 : i32 to index
          %get3A_1146 = arith.constant 16 : index
          %get3A_1147 = tpu.vector_load %arg9[%get3A_1145, %get3A_1146] {strides = array<i32>} : memref<112x256xf32, #tpu.memory_space<vmem>>, vector<16xf32>,
          %add3A_1148 = arith.addf %add3A_1142, %get3A_1147 : vector<16xf32>
          %get3A_1149 = arith.index_cast %add3A_1128 : i32 to index
          %get3A_1150 = arith.constant 32 : index
          %get3A_1151 = tpu.vector_load %arg9[%get3A_1149, %get3A_1150] {strides = array<i32>} : memref<112x256xf32, #tpu.memory_space<vmem>>, vector<16xf32>,
          %add3A_1152 = arith.addf %while3A_1112, %get3A_1151 : vector<16xf32>
          %add3A_1153 = arith.constant 1 : i32
          %add3A_1154 = arith.addi %add3A_1128, %add3A_1153 : i32
          %get3A_1155 = arith.index_cast %add3A_1154 : i32 to index
          %get3A_1156 = arith.constant 32 : index
          %get3A_1157 = tpu.vector_load %arg9[%get3A_1155, %get3A_1156] {strides = array<i32>} : memref<112x256xf32, #tpu.memory_space<vmem>>, vector<16xf32>,
          %add3A_1158 = arith.addf %add3A_1152, %get3A_1157 : vector<16xf32>
          %get3A_1159 = arith.index_cast %add3A_1128 : i32 to index
          %get3A_1160 = arith.constant 48 : index
          %get3A_1161 = tpu.vector_load %arg9[%get3A_1159, %get3A_1160] {strides = array<i32>} : memref<112x256xf32, #tpu.memory_space<vmem>>, vector<16xf32>,
          %add3A_1162 = arith.addf %while3A_1113, %get3A_1161 : vector<16xf32>
          %add3A_1163 = arith.constant 1 : i32
          %add3A_1164 = arith.addi %add3A_1128, %add3A_1163 : i32
          %get3A_1165 = arith.index_cast %add3A_1164 : i32 to index
          %get3A_1166 = arith.constant 48 : index
          %get3A_1167 = tpu.vector_load %arg9[%get3A_1165, %get3A_1166] {strides = array<i32>} : memref<112x256xf32, #tpu.memory_space<vmem>>, vector<16xf32>,
          %add3A_1168 = arith.addf %add3A_1162, %get3A_1167 : vector<16xf32>
          %get3A_1169 = arith.index_cast %add3A_1128 : i32 to index
          %get3A_1170 = arith.constant 64 : index
          %get3A_1171 = tpu.vector_load %arg9[%get3A_1169, %get3A_1170] {strides = array<i32>} : memref<112x256xf32, #tpu.memory_space<vmem>>, vector<16xf32>,
          %add3A_1172 = arith.addf %while3A_1114, %get3A_1171 : vector<16xf32>
          %add3A_1173 = arith.constant 1 : i32
          %add3A_1174 = arith.addi %add3A_1128, %add3A_1173 : i32
          %get3A_1175 = arith.index_cast %add3A_1174 : i32 to index
          %get3A_1176 = arith.constant 64 : index
          %get3A_1177 = tpu.vector_load %arg9[%get3A_1175, %get3A_1176] {strides = array<i32>} : memref<112x256xf32, #tpu.memory_space<vmem>>, vector<16xf32>,
          %add3A_1178 = arith.addf %add3A_1172, %get3A_1177 : vector<16xf32>
          %get3A_1179 = arith.index_cast %add3A_1128 : i32 to index
          %get3A_1180 = arith.constant 80 : index
          %get3A_1181 = tpu.vector_load %arg9[%get3A_1179, %get3A_1180] {strides = array<i32>} : memref<112x256xf32, #tpu.memory_space<vmem>>, vector<16xf32>,
          %add3A_1182 = arith.addf %while3A_1115, %get3A_1181 : vector<16xf32>
          %add3A_1183 = arith.constant 1 : i32
          %add3A_1184 = arith.addi %add3A_1128, %add3A_1183 : i32
          %get3A_1185 = arith.index_cast %add3A_1184 : i32 to index
          %get3A_1186 = arith.constant 80 : index
          %get3A_1187 = tpu.vector_load %arg9[%get3A_1185, %get3A_1186] {strides = array<i32>} : memref<112x256xf32, #tpu.memory_space<vmem>>, vector<16xf32>,
          %add3A_1188 = arith.addf %add3A_1182, %get3A_1187 : vector<16xf32>
          %get3A_1189 = arith.index_cast %add3A_1128 : i32 to index
          %get3A_1190 = arith.constant 96 : index
          %get3A_1191 = tpu.vector_load %arg9[%get3A_1189, %get3A_1190] {strides = array<i32>} : memref<112x256xf32, #tpu.memory_space<vmem>>, vector<16xf32>,
          %add3A_1192 = arith.addf %while3A_1116, %get3A_1191 : vector<16xf32>
          %add3A_1193 = arith.constant 1 : i32
          %add3A_1194 = arith.addi %add3A_1128, %add3A_1193 : i32
          %get3A_1195 = arith.index_cast %add3A_1194 : i32 to index
          %get3A_1196 = arith.constant 96 : index
          %get3A_1197 = tpu.vector_load %arg9[%get3A_1195, %get3A_1196] {strides = array<i32>} : memref<112x256xf32, #tpu.memory_space<vmem>>, vector<16xf32>,
          %add3A_1198 = arith.addf %add3A_1192, %get3A_1197 : vector<16xf32>
          %get3A_1199 = arith.index_cast %add3A_1128 : i32 to index
          %get3A_1200 = arith.constant 112 : index
          %get3A_1201 = tpu.vector_load %arg9[%get3A_1199, %get3A_1200] {strides = array<i32>} : memref<112x256xf32, #tpu.memory_space<vmem>>, vector<16xf32>,
          %add3A_1202 = arith.addf %while3A_1117, %get3A_1201 : vector<16xf32>
          %add3A_1203 = arith.constant 1 : i32
          %add3A_1204 = arith.addi %add3A_1128, %add3A_1203 : i32
          %get3A_1205 = arith.index_cast %add3A_1204 : i32 to index
          %get3A_1206 = arith.constant 112 : index
          %get3A_1207 = tpu.vector_load %arg9[%get3A_1205, %get3A_1206] {strides = array<i32>} : memref<112x256xf32, #tpu.memory_space<vmem>>, vector<16xf32>,
          %add3A_1208 = arith.addf %add3A_1202, %get3A_1207 : vector<16xf32>
          %get3A_1209 = arith.index_cast %add3A_1128 : i32 to index
          %get3A_1210 = arith.constant 128 : index
          %get3A_1211 = tpu.vector_load %arg9[%get3A_1209, %get3A_1210] {strides = array<i32>} : memref<112x256xf32, #tpu.memory_space<vmem>>, vector<16xf32>,
          %add3A_1212 = arith.addf %while3A_1118, %get3A_1211 : vector<16xf32>
          %add3A_1213 = arith.constant 1 : i32
          %add3A_1214 = arith.addi %add3A_1128, %add3A_1213 : i32
          %get3A_1215 = arith.index_cast %add3A_1214 : i32 to index
          %get3A_1216 = arith.constant 128 : index
          %get3A_1217 = tpu.vector_load %arg9[%get3A_1215, %get3A_1216] {strides = array<i32>} : memref<112x256xf32, #tpu.memory_space<vmem>>, vector<16xf32>,
          %add3A_1218 = arith.addf %add3A_1212, %get3A_1217 : vector<16xf32>
          %get3A_1219 = arith.index_cast %add3A_1128 : i32 to index
          %get3A_1220 = arith.constant 144 : index
          %get3A_1221 = tpu.vector_load %arg9[%get3A_1219, %get3A_1220] {strides = array<i32>} : memref<112x256xf32, #tpu.memory_space<vmem>>, vector<16xf32>,
          %add3A_1222 = arith.addf %while3A_1119, %get3A_1221 : vector<16xf32>
          %add3A_1223 = arith.constant 1 : i32
          %add3A_1224 = arith.addi %add3A_1128, %add3A_1223 : i32
          %get3A_1225 = arith.index_cast %add3A_1224 : i32 to index
          %get3A_1226 = arith.constant 144 : index
          %get3A_1227 = tpu.vector_load %arg9[%get3A_1225, %get3A_1226] {strides = array<i32>} : memref<112x256xf32, #tpu.memory_space<vmem>>, vector<16xf32>,
          %add3A_1228 = arith.addf %add3A_1222, %get3A_1227 : vector<16xf32>
          %get3A_1229 = arith.index_cast %add3A_1128 : i32 to index
          %get3A_1230 = arith.constant 160 : index
          %get3A_1231 = tpu.vector_load %arg9[%get3A_1229, %get3A_1230] {strides = array<i32>} : memref<112x256xf32, #tpu.memory_space<vmem>>, vector<16xf32>,
          %add3A_1232 = arith.addf %while3A_1120, %get3A_1231 : vector<16xf32>
          %add3A_1233 = arith.constant 1 : i32
          %add3A_1234 = arith.addi %add3A_1128, %add3A_1233 : i32
          %get3A_1235 = arith.index_cast %add3A_1234 : i32 to index
          %get3A_1236 = arith.constant 160 : index
          %get3A_1237 = tpu.vector_load %arg9[%get3A_1235, %get3A_1236] {strides = array<i32>} : memref<112x256xf32, #tpu.memory_space<vmem>>, vector<16xf32>,
          %add3A_1238 = arith.addf %add3A_1232, %get3A_1237 : vector<16xf32>
          %get3A_1239 = arith.index_cast %add3A_1128 : i32 to index
          %get3A_1240 = arith.constant 176 : index
          %get3A_1241 = tpu.vector_load %arg9[%get3A_1239, %get3A_1240] {strides = array<i32>} : memref<112x256xf32, #tpu.memory_space<vmem>>, vector<16xf32>,
          %add3A_1242 = arith.addf %while3A_1121, %get3A_1241 : vector<16xf32>
          %add3A_1243 = arith.constant 1 : i32
          %add3A_1244 = arith.addi %add3A_1128, %add3A_1243 : i32
          %get3A_1245 = arith.index_cast %add3A_1244 : i32 to index
          %get3A_1246 = arith.constant 176 : index
          %get3A_1247 = tpu.vector_load %arg9[%get3A_1245, %get3A_1246] {strides = array<i32>} : memref<112x256xf32, #tpu.memory_space<vmem>>, vector<16xf32>,
          %add3A_1248 = arith.addf %add3A_1242, %get3A_1247 : vector<16xf32>
          %get3A_1249 = arith.index_cast %add3A_1128 : i32 to index
          %get3A_1250 = arith.constant 192 : index
          %get3A_1251 = tpu.vector_load %arg9[%get3A_1249, %get3A_1250] {strides = array<i32>} : memref<112x256xf32, #tpu.memory_space<vmem>>, vector<16xf32>,
          %add3A_1252 = arith.addf %while3A_1122, %get3A_1251 : vector<16xf32>
          %add3A_1253 = arith.constant 1 : i32
          %add3A_1254 = arith.addi %add3A_1128, %add3A_1253 : i32
          %get3A_1255 = arith.index_cast %add3A_1254 : i32 to index
          %get3A_1256 = arith.constant 192 : index
          %get3A_1257 = tpu.vector_load %arg9[%get3A_1255, %get3A_1256] {strides = array<i32>} : memref<112x256xf32, #tpu.memory_space<vmem>>, vector<16xf32>,
          %add3A_1258 = arith.addf %add3A_1252, %get3A_1257 : vector<16xf32>
          %get3A_1259 = arith.index_cast %add3A_1128 : i32 to index
          %get3A_1260 = arith.constant 208 : index
          %get3A_1261 = tpu.vector_load %arg9[%get3A_1259, %get3A_1260] {strides = array<i32>} : memref<112x256xf32, #tpu.memory_space<vmem>>, vector<16xf32>,
          %add3A_1262 = arith.addf %while3A_1123, %get3A_1261 : vector<16xf32>
          %add3A_1263 = arith.constant 1 : i32
          %add3A_1264 = arith.addi %add3A_1128, %add3A_1263 : i32
          %get3A_1265 = arith.index_cast %add3A_1264 : i32 to index
          %get3A_1266 = arith.constant 208 : index
          %get3A_1267 = tpu.vector_load %arg9[%get3A_1265, %get3A_1266] {strides = array<i32>} : memref<112x256xf32, #tpu.memory_space<vmem>>, vector<16xf32>,
          %add3A_1268 = arith.addf %add3A_1262, %get3A_1267 : vector<16xf32>
          %get3A_1269 = arith.index_cast %add3A_1128 : i32 to index
          %get3A_1270 = arith.constant 224 : index
          %get3A_1271 = tpu.vector_load %arg9[%get3A_1269, %get3A_1270] {strides = array<i32>} : memref<112x256xf32, #tpu.memory_space<vmem>>, vector<16xf32>,
          %add3A_1272 = arith.addf %while3A_1124, %get3A_1271 : vector<16xf32>
          %add3A_1273 = arith.constant 1 : i32
          %add3A_1274 = arith.addi %add3A_1128, %add3A_1273 : i32
          %get3A_1275 = arith.index_cast %add3A_1274 : i32 to index
          %get3A_1276 = arith.constant 224 : index
          %get3A_1277 = tpu.vector_load %arg9[%get3A_1275, %get3A_1276] {strides = array<i32>} : memref<112x256xf32, #tpu.memory_space<vmem>>, vector<16xf32>,
          %add3A_1278 = arith.addf %add3A_1272, %get3A_1277 : vector<16xf32>
          %get3A_1279 = arith.index_cast %add3A_1128 : i32 to index
          %get3A_1280 = arith.constant 240 : index
          %get3A_1281 = tpu.vector_load %arg9[%get3A_1279, %get3A_1280] {strides = array<i32>} : memref<112x256xf32, #tpu.memory_space<vmem>>, vector<16xf32>,
          %add3A_1282 = arith.addf %while3A_1125, %get3A_1281 : vector<16xf32>
          %add3A_1283 = arith.constant 1 : i32
          %add3A_1284 = arith.addi %add3A_1128, %add3A_1283 : i32
          %get3A_1285 = arith.index_cast %add3A_1284 : i32 to index
          %get3A_1286 = arith.constant 240 : index
          %get3A_1287 = tpu.vector_load %arg9[%get3A_1285, %get3A_1286] {strides = array<i32>} : memref<112x256xf32, #tpu.memory_space<vmem>>, vector<16xf32>,
          %add3A_1288 = arith.addf %add3A_1282, %get3A_1287 : vector<16xf32>
          scf.yield %add3A_1138, %add3A_1148, %add3A_1158, %add3A_1168, %add3A_1178, %add3A_1188, %add3A_1198, %add3A_1208, %add3A_1218, %add3A_1228, %add3A_1238, %add3A_1248, %add3A_1258, %add3A_1268, %add3A_1278, %add3A_1288 : vector<16xf32>, vector<16xf32>, vector<16xf32>, vector<16xf32>, vector<16xf32>, vector<16xf32>, vector<16xf32>, vector<16xf32>, vector<16xf32>, vector<16xf32>, vector<16xf32>, vector<16xf32>, vector<16xf32>, vector<16xf32>, vector<16xf32>, vector<16xf32>
        }
        %while3A_992 = arith.constant 1 : i32
        %while3A_993:16 = scf.for %while3A_1109 = %while3A_989 to %while3A_985 step %while3A_992 iter_args(%while3A_1110 = %while3A_991#0, %while3A_1111 = %while3A_991#1, %while3A_1112 = %while3A_991#2, %while3A_1113 = %while3A_991#3, %while3A_1114 = %while3A_991#4, %while3A_1115 = %while3A_991#5, %while3A_1116 = %while3A_991#6, %while3A_1117 = %while3A_991#7, %while3A_1118 = %while3A_991#8, %while3A_1119 = %while3A_991#9, %while3A_1120 = %while3A_991#10, %while3A_1121 = %while3A_991#11, %while3A_1122 = %while3A_991#12, %while3A_1123 = %while3A_991#13, %while3A_1124 = %while3A_991#14, %while3A_1125 = %while3A_991#15) -> (vector<16xf32>, vector<16xf32>, vector<16xf32>, vector<16xf32>, vector<16xf32>, vector<16xf32>, vector<16xf32>, vector<16xf32>, vector<16xf32>, vector<16xf32>, vector<16xf32>, vector<16xf32>, vector<16xf32>, vector<16xf32>, vector<16xf32>, vector<16xf32>)  : i32 {
          %mul3A_1126 = arith.constant 2 : i32
          %mul3A_1127 = arith.muli %mul3A_1126, %while3A_1109 : i32
          %add3A_1128 = arith.addi %sub3A_957, %mul3A_1127 : i32
          %get3A_1129 = arith.index_cast %add3A_1128 : i32 to index
          %get3A_1130 = arith.constant 0 : index
          %get3A_1131 = tpu.vector_load %arg9[%get3A_1129, %get3A_1130] {strides = array<i32>} : memref<112x256xf32, #tpu.memory_space<vmem>>, vector<16xf32>,
          %add3A_1132 = arith.addf %while3A_1110, %get3A_1131 : vector<16xf32>
          %add3A_1133 = arith.constant 1 : i32
          %add3A_1134 = arith.addi %add3A_1128, %add3A_1133 : i32
          %get3A_1135 = arith.index_cast %add3A_1134 : i32 to index
          %get3A_1136 = arith.constant 0 : index
          %get3A_1137 = tpu.vector_load %arg9[%get3A_1135, %get3A_1136] {strides = array<i32>} : memref<112x256xf32, #tpu.memory_space<vmem>>, vector<16xf32>,
          %add3A_1138 = arith.addf %add3A_1132, %get3A_1137 : vector<16xf32>
          %get3A_1139 = arith.index_cast %add3A_1128 : i32 to index
          %get3A_1140 = arith.constant 16 : index
          %get3A_1141 = tpu.vector_load %arg9[%get3A_1139, %get3A_1140] {strides = array<i32>} : memref<112x256xf32, #tpu.memory_space<vmem>>, vector<16xf32>,
          %add3A_1142 = arith.addf %while3A_1111, %get3A_1141 : vector<16xf32>
          %add3A_1143 = arith.constant 1 : i32
          %add3A_1144 = arith.addi %add3A_1128, %add3A_1143 : i32
          %get3A_1145 = arith.index_cast %add3A_1144 : i32 to index
          %get3A_1146 = arith.constant 16 : index
          %get3A_1147 = tpu.vector_load %arg9[%get3A_1145, %get3A_1146] {strides = array<i32>} : memref<112x256xf32, #tpu.memory_space<vmem>>, vector<16xf32>,
          %add3A_1148 = arith.addf %add3A_1142, %get3A_1147 : vector<16xf32>
          %get3A_1149 = arith.index_cast %add3A_1128 : i32 to index
          %get3A_1150 = arith.constant 32 : index
          %get3A_1151 = tpu.vector_load %arg9[%get3A_1149, %get3A_1150] {strides = array<i32>} : memref<112x256xf32, #tpu.memory_space<vmem>>, vector<16xf32>,
          %add3A_1152 = arith.addf %while3A_1112, %get3A_1151 : vector<16xf32>
          %add3A_1153 = arith.constant 1 : i32
          %add3A_1154 = arith.addi %add3A_1128, %add3A_1153 : i32
          %get3A_1155 = arith.index_cast %add3A_1154 : i32 to index
          %get3A_1156 = arith.constant 32 : index
          %get3A_1157 = tpu.vector_load %arg9[%get3A_1155, %get3A_1156] {strides = array<i32>} : memref<112x256xf32, #tpu.memory_space<vmem>>, vector<16xf32>,
          %add3A_1158 = arith.addf %add3A_1152, %get3A_1157 : vector<16xf32>
          %get3A_1159 = arith.index_cast %add3A_1128 : i32 to index
          %get3A_1160 = arith.constant 48 : index
          %get3A_1161 = tpu.vector_load %arg9[%get3A_1159, %get3A_1160] {strides = array<i32>} : memref<112x256xf32, #tpu.memory_space<vmem>>, vector<16xf32>,
          %add3A_1162 = arith.addf %while3A_1113, %get3A_1161 : vector<16xf32>
          %add3A_1163 = arith.constant 1 : i32
          %add3A_1164 = arith.addi %add3A_1128, %add3A_1163 : i32
          %get3A_1165 = arith.index_cast %add3A_1164 : i32 to index
          %get3A_1166 = arith.constant 48 : index
          %get3A_1167 = tpu.vector_load %arg9[%get3A_1165, %get3A_1166] {strides = array<i32>} : memref<112x256xf32, #tpu.memory_space<vmem>>, vector<16xf32>,
          %add3A_1168 = arith.addf %add3A_1162, %get3A_1167 : vector<16xf32>
          %get3A_1169 = arith.index_cast %add3A_1128 : i32 to index
          %get3A_1170 = arith.constant 64 : index
          %get3A_1171 = tpu.vector_load %arg9[%get3A_1169, %get3A_1170] {strides = array<i32>} : memref<112x256xf32, #tpu.memory_space<vmem>>, vector<16xf32>,
          %add3A_1172 = arith.addf %while3A_1114, %get3A_1171 : vector<16xf32>
          %add3A_1173 = arith.constant 1 : i32
          %add3A_1174 = arith.addi %add3A_1128, %add3A_1173 : i32
          %get3A_1175 = arith.index_cast %add3A_1174 : i32 to index
          %get3A_1176 = arith.constant 64 : index
          %get3A_1177 = tpu.vector_load %arg9[%get3A_1175, %get3A_1176] {strides = array<i32>} : memref<112x256xf32, #tpu.memory_space<vmem>>, vector<16xf32>,
          %add3A_1178 = arith.addf %add3A_1172, %get3A_1177 : vector<16xf32>
          %get3A_1179 = arith.index_cast %add3A_1128 : i32 to index
          %get3A_1180 = arith.constant 80 : index
          %get3A_1181 = tpu.vector_load %arg9[%get3A_1179, %get3A_1180] {strides = array<i32>} : memref<112x256xf32, #tpu.memory_space<vmem>>, vector<16xf32>,
          %add3A_1182 = arith.addf %while3A_1115, %get3A_1181 : vector<16xf32>
          %add3A_1183 = arith.constant 1 : i32
          %add3A_1184 = arith.addi %add3A_1128, %add3A_1183 : i32
          %get3A_1185 = arith.index_cast %add3A_1184 : i32 to index
          %get3A_1186 = arith.constant 80 : index
          %get3A_1187 = tpu.vector_load %arg9[%get3A_1185, %get3A_1186] {strides = array<i32>} : memref<112x256xf32, #tpu.memory_space<vmem>>, vector<16xf32>,
          %add3A_1188 = arith.addf %add3A_1182, %get3A_1187 : vector<16xf32>
          %get3A_1189 = arith.index_cast %add3A_1128 : i32 to index
          %get3A_1190 = arith.constant 96 : index
          %get3A_1191 = tpu.vector_load %arg9[%get3A_1189, %get3A_1190] {strides = array<i32>} : memref<112x256xf32, #tpu.memory_space<vmem>>, vector<16xf32>,
          %add3A_1192 = arith.addf %while3A_1116, %get3A_1191 : vector<16xf32>
          %add3A_1193 = arith.constant 1 : i32
          %add3A_1194 = arith.addi %add3A_1128, %add3A_1193 : i32
          %get3A_1195 = arith.index_cast %add3A_1194 : i32 to index
          %get3A_1196 = arith.constant 96 : index
          %get3A_1197 = tpu.vector_load %arg9[%get3A_1195, %get3A_1196] {strides = array<i32>} : memref<112x256xf32, #tpu.memory_space<vmem>>, vector<16xf32>,
          %add3A_1198 = arith.addf %add3A_1192, %get3A_1197 : vector<16xf32>
          %get3A_1199 = arith.index_cast %add3A_1128 : i32 to index
          %get3A_1200 = arith.constant 112 : index
          %get3A_1201 = tpu.vector_load %arg9[%get3A_1199, %get3A_1200] {strides = array<i32>} : memref<112x256xf32, #tpu.memory_space<vmem>>, vector<16xf32>,
          %add3A_1202 = arith.addf %while3A_1117, %get3A_1201 : vector<16xf32>
          %add3A_1203 = arith.constant 1 : i32
          %add3A_1204 = arith.addi %add3A_1128, %add3A_1203 : i32
          %get3A_1205 = arith.index_cast %add3A_1204 : i32 to index
          %get3A_1206 = arith.constant 112 : index
          %get3A_1207 = tpu.vector_load %arg9[%get3A_1205, %get3A_1206] {strides = array<i32>} : memref<112x256xf32, #tpu.memory_space<vmem>>, vector<16xf32>,
          %add3A_1208 = arith.addf %add3A_1202, %get3A_1207 : vector<16xf32>
          %get3A_1209 = arith.index_cast %add3A_1128 : i32 to index
          %get3A_1210 = arith.constant 128 : index
          %get3A_1211 = tpu.vector_load %arg9[%get3A_1209, %get3A_1210] {strides = array<i32>} : memref<112x256xf32, #tpu.memory_space<vmem>>, vector<16xf32>,
          %add3A_1212 = arith.addf %while3A_1118, %get3A_1211 : vector<16xf32>
          %add3A_1213 = arith.constant 1 : i32
          %add3A_1214 = arith.addi %add3A_1128, %add3A_1213 : i32
          %get3A_1215 = arith.index_cast %add3A_1214 : i32 to index
          %get3A_1216 = arith.constant 128 : index
          %get3A_1217 = tpu.vector_load %arg9[%get3A_1215, %get3A_1216] {strides = array<i32>} : memref<112x256xf32, #tpu.memory_space<vmem>>, vector<16xf32>,
          %add3A_1218 = arith.addf %add3A_1212, %get3A_1217 : vector<16xf32>
          %get3A_1219 = arith.index_cast %add3A_1128 : i32 to index
          %get3A_1220 = arith.constant 144 : index
          %get3A_1221 = tpu.vector_load %arg9[%get3A_1219, %get3A_1220] {strides = array<i32>} : memref<112x256xf32, #tpu.memory_space<vmem>>, vector<16xf32>,
          %add3A_1222 = arith.addf %while3A_1119, %get3A_1221 : vector<16xf32>
          %add3A_1223 = arith.constant 1 : i32
          %add3A_1224 = arith.addi %add3A_1128, %add3A_1223 : i32
          %get3A_1225 = arith.index_cast %add3A_1224 : i32 to index
          %get3A_1226 = arith.constant 144 : index
          %get3A_1227 = tpu.vector_load %arg9[%get3A_1225, %get3A_1226] {strides = array<i32>} : memref<112x256xf32, #tpu.memory_space<vmem>>, vector<16xf32>,
          %add3A_1228 = arith.addf %add3A_1222, %get3A_1227 : vector<16xf32>
          %get3A_1229 = arith.index_cast %add3A_1128 : i32 to index
          %get3A_1230 = arith.constant 160 : index
          %get3A_1231 = tpu.vector_load %arg9[%get3A_1229, %get3A_1230] {strides = array<i32>} : memref<112x256xf32, #tpu.memory_space<vmem>>, vector<16xf32>,
          %add3A_1232 = arith.addf %while3A_1120, %get3A_1231 : vector<16xf32>
          %add3A_1233 = arith.constant 1 : i32
          %add3A_1234 = arith.addi %add3A_1128, %add3A_1233 : i32
          %get3A_1235 = arith.index_cast %add3A_1234 : i32 to index
          %get3A_1236 = arith.constant 160 : index
          %get3A_1237 = tpu.vector_load %arg9[%get3A_1235, %get3A_1236] {strides = array<i32>} : memref<112x256xf32, #tpu.memory_space<vmem>>, vector<16xf32>,
          %add3A_1238 = arith.addf %add3A_1232, %get3A_1237 : vector<16xf32>
          %get3A_1239 = arith.index_cast %add3A_1128 : i32 to index
          %get3A_1240 = arith.constant 176 : index
          %get3A_1241 = tpu.vector_load %arg9[%get3A_1239, %get3A_1240] {strides = array<i32>} : memref<112x256xf32, #tpu.memory_space<vmem>>, vector<16xf32>,
          %add3A_1242 = arith.addf %while3A_1121, %get3A_1241 : vector<16xf32>
          %add3A_1243 = arith.constant 1 : i32
          %add3A_1244 = arith.addi %add3A_1128, %add3A_1243 : i32
          %get3A_1245 = arith.index_cast %add3A_1244 : i32 to index
          %get3A_1246 = arith.constant 176 : index
          %get3A_1247 = tpu.vector_load %arg9[%get3A_1245, %get3A_1246] {strides = array<i32>} : memref<112x256xf32, #tpu.memory_space<vmem>>, vector<16xf32>,
          %add3A_1248 = arith.addf %add3A_1242, %get3A_1247 : vector<16xf32>
          %get3A_1249 = arith.index_cast %add3A_1128 : i32 to index
          %get3A_1250 = arith.constant 192 : index
          %get3A_1251 = tpu.vector_load %arg9[%get3A_1249, %get3A_1250] {strides = array<i32>} : memref<112x256xf32, #tpu.memory_space<vmem>>, vector<16xf32>,
          %add3A_1252 = arith.addf %while3A_1122, %get3A_1251 : vector<16xf32>
          %add3A_1253 = arith.constant 1 : i32
          %add3A_1254 = arith.addi %add3A_1128, %add3A_1253 : i32
          %get3A_1255 = arith.index_cast %add3A_1254 : i32 to index
          %get3A_1256 = arith.constant 192 : index
          %get3A_1257 = tpu.vector_load %arg9[%get3A_1255, %get3A_1256] {strides = array<i32>} : memref<112x256xf32, #tpu.memory_space<vmem>>, vector<16xf32>,
          %add3A_1258 = arith.addf %add3A_1252, %get3A_1257 : vector<16xf32>
          %get3A_1259 = arith.index_cast %add3A_1128 : i32 to index
          %get3A_1260 = arith.constant 208 : index
          %get3A_1261 = tpu.vector_load %arg9[%get3A_1259, %get3A_1260] {strides = array<i32>} : memref<112x256xf32, #tpu.memory_space<vmem>>, vector<16xf32>,
          %add3A_1262 = arith.addf %while3A_1123, %get3A_1261 : vector<16xf32>
          %add3A_1263 = arith.constant 1 : i32
          %add3A_1264 = arith.addi %add3A_1128, %add3A_1263 : i32
          %get3A_1265 = arith.index_cast %add3A_1264 : i32 to index
          %get3A_1266 = arith.constant 208 : index
          %get3A_1267 = tpu.vector_load %arg9[%get3A_1265, %get3A_1266] {strides = array<i32>} : memref<112x256xf32, #tpu.memory_space<vmem>>, vector<16xf32>,
          %add3A_1268 = arith.addf %add3A_1262, %get3A_1267 : vector<16xf32>
          %get3A_1269 = arith.index_cast %add3A_1128 : i32 to index
          %get3A_1270 = arith.constant 224 : index
          %get3A_1271 = tpu.vector_load %arg9[%get3A_1269, %get3A_1270] {strides = array<i32>} : memref<112x256xf32, #tpu.memory_space<vmem>>, vector<16xf32>,
          %add3A_1272 = arith.addf %while3A_1124, %get3A_1271 : vector<16xf32>
          %add3A_1273 = arith.constant 1 : i32
          %add3A_1274 = arith.addi %add3A_1128, %add3A_1273 : i32
          %get3A_1275 = arith.index_cast %add3A_1274 : i32 to index
          %get3A_1276 = arith.constant 224 : index
          %get3A_1277 = tpu.vector_load %arg9[%get3A_1275, %get3A_1276] {strides = array<i32>} : memref<112x256xf32, #tpu.memory_space<vmem>>, vector<16xf32>,
          %add3A_1278 = arith.addf %add3A_1272, %get3A_1277 : vector<16xf32>
          %get3A_1279 = arith.index_cast %add3A_1128 : i32 to index
          %get3A_1280 = arith.constant 240 : index
          %get3A_1281 = tpu.vector_load %arg9[%get3A_1279, %get3A_1280] {strides = array<i32>} : memref<112x256xf32, #tpu.memory_space<vmem>>, vector<16xf32>,
          %add3A_1282 = arith.addf %while3A_1125, %get3A_1281 : vector<16xf32>
          %add3A_1283 = arith.constant 1 : i32
          %add3A_1284 = arith.addi %add3A_1128, %add3A_1283 : i32
          %get3A_1285 = arith.index_cast %add3A_1284 : i32 to index
          %get3A_1286 = arith.constant 240 : index
          %get3A_1287 = tpu.vector_load %arg9[%get3A_1285, %get3A_1286] {strides = array<i32>} : memref<112x256xf32, #tpu.memory_space<vmem>>, vector<16xf32>,
          %add3A_1288 = arith.addf %add3A_1282, %get3A_1287 : vector<16xf32>
          scf.yield %add3A_1138, %add3A_1148, %add3A_1158, %add3A_1168, %add3A_1178, %add3A_1188, %add3A_1198, %add3A_1208, %add3A_1218, %add3A_1228, %add3A_1238, %add3A_1248, %add3A_1258, %add3A_1268, %add3A_1278, %add3A_1288 : vector<16xf32>, vector<16xf32>, vector<16xf32>, vector<16xf32>, vector<16xf32>, vector<16xf32>, vector<16xf32>, vector<16xf32>, vector<16xf32>, vector<16xf32>, vector<16xf32>, vector<16xf32>, vector<16xf32>, vector<16xf32>, vector<16xf32>, vector<16xf32>
        }
        %sub3A_994 = arith.constant 1 : i32
        %sub3A_995 = arith.subi %min3A_956, %sub3A_994 : i32
        %sub3A_996 = arith.subi %sub3A_995, %multiple_of3A_868 : i32
        %max3A_997 = arith.constant 0 : i32
        %max3A_998 = arith.maxsi %sub3A_996, %max3A_997 : i32
        %and3A_999 = arith.constant 1 : i32
        %and3A_1000 = arith.andi %sub3A_958, %and3A_999 : i32
        %eq3A_1001 = arith.constant 1 : i32
        %eq3A_1002 = arith.cmpi eq, %and3A_1000, %eq3A_1001 : i32
        %jit3A_1003 = arith.constant 1.000000e+00 : f32
        %jit3A_1004 = arith.constant 0.000000e+00 : f32
        %select_n3A_1005 = arith.select %eq3A_1002, %jit3A_1003, %jit3A_1004 : f32
        %broadcast_in_dim3A_1006 = vector.broadcast %select_n3A_1005 : f32 to vector<16xf32>
        %get3A_1007 = arith.index_cast %max3A_998 : i32 to index
        %get3A_1008 = arith.constant 0 : index
        %get3A_1009 = tpu.vector_load %arg9[%get3A_1007, %get3A_1008] {strides = array<i32>} : memref<112x256xf32, #tpu.memory_space<vmem>>, vector<16xf32>,
        %mul3A_1010 = arith.mulf %get3A_1009, %broadcast_in_dim3A_1006 : vector<16xf32>
        %add3A_1011 = arith.addf %while3A_993#0, %mul3A_1010 : vector<16xf32>
        %get3A_1012 = arith.index_cast %max3A_998 : i32 to index
        %get3A_1013 = arith.constant 16 : index
        %get3A_1014 = tpu.vector_load %arg9[%get3A_1012, %get3A_1013] {strides = array<i32>} : memref<112x256xf32, #tpu.memory_space<vmem>>, vector<16xf32>,
        %mul3A_1015 = arith.mulf %get3A_1014, %broadcast_in_dim3A_1006 : vector<16xf32>
        %add3A_1016 = arith.addf %while3A_993#1, %mul3A_1015 : vector<16xf32>
        %get3A_1017 = arith.index_cast %max3A_998 : i32 to index
        %get3A_1018 = arith.constant 32 : index
        %get3A_1019 = tpu.vector_load %arg9[%get3A_1017, %get3A_1018] {strides = array<i32>} : memref<112x256xf32, #tpu.memory_space<vmem>>, vector<16xf32>,
        %mul3A_1020 = arith.mulf %get3A_1019, %broadcast_in_dim3A_1006 : vector<16xf32>
        %add3A_1021 = arith.addf %while3A_993#2, %mul3A_1020 : vector<16xf32>
        %get3A_1022 = arith.index_cast %max3A_998 : i32 to index
        %get3A_1023 = arith.constant 48 : index
        %get3A_1024 = tpu.vector_load %arg9[%get3A_1022, %get3A_1023] {strides = array<i32>} : memref<112x256xf32, #tpu.memory_space<vmem>>, vector<16xf32>,
        %mul3A_1025 = arith.mulf %get3A_1024, %broadcast_in_dim3A_1006 : vector<16xf32>
        %add3A_1026 = arith.addf %while3A_993#3, %mul3A_1025 : vector<16xf32>
        %get3A_1027 = arith.index_cast %max3A_998 : i32 to index
        %get3A_1028 = arith.constant 64 : index
        %get3A_1029 = tpu.vector_load %arg9[%get3A_1027, %get3A_1028] {strides = array<i32>} : memref<112x256xf32, #tpu.memory_space<vmem>>, vector<16xf32>,
        %mul3A_1030 = arith.mulf %get3A_1029, %broadcast_in_dim3A_1006 : vector<16xf32>
        %add3A_1031 = arith.addf %while3A_993#4, %mul3A_1030 : vector<16xf32>
        %get3A_1032 = arith.index_cast %max3A_998 : i32 to index
        %get3A_1033 = arith.constant 80 : index
        %get3A_1034 = tpu.vector_load %arg9[%get3A_1032, %get3A_1033] {strides = array<i32>} : memref<112x256xf32, #tpu.memory_space<vmem>>, vector<16xf32>,
        %mul3A_1035 = arith.mulf %get3A_1034, %broadcast_in_dim3A_1006 : vector<16xf32>
        %add3A_1036 = arith.addf %while3A_993#5, %mul3A_1035 : vector<16xf32>
        %get3A_1037 = arith.index_cast %max3A_998 : i32 to index
        %get3A_1038 = arith.constant 96 : index
        %get3A_1039 = tpu.vector_load %arg9[%get3A_1037, %get3A_1038] {strides = array<i32>} : memref<112x256xf32, #tpu.memory_space<vmem>>, vector<16xf32>,
        %mul3A_1040 = arith.mulf %get3A_1039, %broadcast_in_dim3A_1006 : vector<16xf32>
        %add3A_1041 = arith.addf %while3A_993#6, %mul3A_1040 : vector<16xf32>
        %get3A_1042 = arith.index_cast %max3A_998 : i32 to index
        %get3A_1043 = arith.constant 112 : index
        %get3A_1044 = tpu.vector_load %arg9[%get3A_1042, %get3A_1043] {strides = array<i32>} : memref<112x256xf32, #tpu.memory_space<vmem>>, vector<16xf32>,
        %mul3A_1045 = arith.mulf %get3A_1044, %broadcast_in_dim3A_1006 : vector<16xf32>
        %add3A_1046 = arith.addf %while3A_993#7, %mul3A_1045 : vector<16xf32>
        %get3A_1047 = arith.index_cast %max3A_998 : i32 to index
        %get3A_1048 = arith.constant 128 : index
        %get3A_1049 = tpu.vector_load %arg9[%get3A_1047, %get3A_1048] {strides = array<i32>} : memref<112x256xf32, #tpu.memory_space<vmem>>, vector<16xf32>,
        %mul3A_1050 = arith.mulf %get3A_1049, %broadcast_in_dim3A_1006 : vector<16xf32>
        %add3A_1051 = arith.addf %while3A_993#8, %mul3A_1050 : vector<16xf32>
        %get3A_1052 = arith.index_cast %max3A_998 : i32 to index
        %get3A_1053 = arith.constant 144 : index
        %get3A_1054 = tpu.vector_load %arg9[%get3A_1052, %get3A_1053] {strides = array<i32>} : memref<112x256xf32, #tpu.memory_space<vmem>>, vector<16xf32>,
        %mul3A_1055 = arith.mulf %get3A_1054, %broadcast_in_dim3A_1006 : vector<16xf32>
        %add3A_1056 = arith.addf %while3A_993#9, %mul3A_1055 : vector<16xf32>
        %get3A_1057 = arith.index_cast %max3A_998 : i32 to index
        %get3A_1058 = arith.constant 160 : index
        %get3A_1059 = tpu.vector_load %arg9[%get3A_1057, %get3A_1058] {strides = array<i32>} : memref<112x256xf32, #tpu.memory_space<vmem>>, vector<16xf32>,
        %mul3A_1060 = arith.mulf %get3A_1059, %broadcast_in_dim3A_1006 : vector<16xf32>
        %add3A_1061 = arith.addf %while3A_993#10, %mul3A_1060 : vector<16xf32>
        %get3A_1062 = arith.index_cast %max3A_998 : i32 to index
        %get3A_1063 = arith.constant 176 : index
        %get3A_1064 = tpu.vector_load %arg9[%get3A_1062, %get3A_1063] {strides = array<i32>} : memref<112x256xf32, #tpu.memory_space<vmem>>, vector<16xf32>,
        %mul3A_1065 = arith.mulf %get3A_1064, %broadcast_in_dim3A_1006 : vector<16xf32>
        %add3A_1066 = arith.addf %while3A_993#11, %mul3A_1065 : vector<16xf32>
        %get3A_1067 = arith.index_cast %max3A_998 : i32 to index
        %get3A_1068 = arith.constant 192 : index
        %get3A_1069 = tpu.vector_load %arg9[%get3A_1067, %get3A_1068] {strides = array<i32>} : memref<112x256xf32, #tpu.memory_space<vmem>>, vector<16xf32>,
        %mul3A_1070 = arith.mulf %get3A_1069, %broadcast_in_dim3A_1006 : vector<16xf32>
        %add3A_1071 = arith.addf %while3A_993#12, %mul3A_1070 : vector<16xf32>
        %get3A_1072 = arith.index_cast %max3A_998 : i32 to index
        %get3A_1073 = arith.constant 208 : index
        %get3A_1074 = tpu.vector_load %arg9[%get3A_1072, %get3A_1073] {strides = array<i32>} : memref<112x256xf32, #tpu.memory_space<vmem>>, vector<16xf32>,
        %mul3A_1075 = arith.mulf %get3A_1074, %broadcast_in_dim3A_1006 : vector<16xf32>
        %add3A_1076 = arith.addf %while3A_993#13, %mul3A_1075 : vector<16xf32>
        %get3A_1077 = arith.index_cast %max3A_998 : i32 to index
        %get3A_1078 = arith.constant 224 : index
        %get3A_1079 = tpu.vector_load %arg9[%get3A_1077, %get3A_1078] {strides = array<i32>} : memref<112x256xf32, #tpu.memory_space<vmem>>, vector<16xf32>,
        %mul3A_1080 = arith.mulf %get3A_1079, %broadcast_in_dim3A_1006 : vector<16xf32>
        %add3A_1081 = arith.addf %while3A_993#14, %mul3A_1080 : vector<16xf32>
        %get3A_1082 = arith.index_cast %max3A_998 : i32 to index
        %get3A_1083 = arith.constant 240 : index
        %get3A_1084 = tpu.vector_load %arg9[%get3A_1082, %get3A_1083] {strides = array<i32>} : memref<112x256xf32, #tpu.memory_space<vmem>>, vector<16xf32>,
        %mul3A_1085 = arith.mulf %get3A_1084, %broadcast_in_dim3A_1006 : vector<16xf32>
        %add3A_1086 = arith.addf %while3A_993#15, %mul3A_1085 : vector<16xf32>
        %eq3A_1087 = arith.cmpi eq, %min3A_956, %get3A_955 : i32
        %convert_element_type3A_1088 = arith.extui %eq3A_1087 : i1 to i32
        %cond3A_1089 = arith.constant 0 : i32
        %cond3A_1090 = arith.cmpi ne, %convert_element_type3A_1088, %cond3A_1089 : i32
        scf.if %cond3A_1090 {
          %eq3A_1109 = vector.broadcast %while3A_936 : i32 to vector<16xi32>
          %eq3A_1110 = arith.cmpi eq, %iota3A, %eq3A_1109 : vector<16xi32>
          %jit3A_1111 = arith.constant 0 : i32
          %convert_element_type3A_1112 = arith.sitofp %jit3A_1111 : i32 to f32
          %broadcast_in_dim3A_1113 = vector.broadcast %convert_element_type3A_1112 : f32 to vector<16xf32>
          %select_n3A_1114 = arith.select %eq3A_1110, %div3A, %broadcast_in_dim3A_1113 : vector<16xi1>, vector<16xf32>
          %reduce_sum3A_1115 = arith.constant true
          %reduce_sum3A_1116 = vector.broadcast %reduce_sum3A_1115 : i1 to vector<16xi1>
          %reduce_sum3A_1117 = tpu.scan <sum>, %select_n3A_1114 masked %reduce_sum3A_1116 : vector<16xf32>, vector<16xi1> -> vector<16xf32>
          %reduce_sum3A_1118 = vector.extract %reduce_sum3A_1117[15] : f32 from vector<16xf32>
          %broadcast_in_dim3A_1119 = vector.broadcast %reduce_sum3A_1118 : f32 to vector<16xf32>
          %mul3A_1120 = arith.mulf %add3A_1011, %broadcast_in_dim3A_1119 : vector<16xf32>
          %swap3A_1121 = arith.index_cast %while3A_936 : i32 to index
          %swap3A_1122 = arith.constant 0 : index
          %swap3A_1123 = tpu.vector_load %arg12[%swap3A_1121, %swap3A_1122] {strides = array<i32>} : memref<16x256xf32, #tpu.memory_space<vmem>>, vector<16xf32>,
          tpu.vector_store %arg12[%swap3A_1121, %swap3A_1122], %mul3A_1120 {strides = array<i32>} : memref<16x256xf32, #tpu.memory_space<vmem>>, vector<16xf32>,
          %mul3A_1124 = arith.mulf %add3A_1016, %broadcast_in_dim3A_1119 : vector<16xf32>
          %swap3A_1125 = arith.index_cast %while3A_936 : i32 to index
          %swap3A_1126 = arith.constant 16 : index
          %swap3A_1127 = tpu.vector_load %arg12[%swap3A_1125, %swap3A_1126] {strides = array<i32>} : memref<16x256xf32, #tpu.memory_space<vmem>>, vector<16xf32>,
          tpu.vector_store %arg12[%swap3A_1125, %swap3A_1126], %mul3A_1124 {strides = array<i32>} : memref<16x256xf32, #tpu.memory_space<vmem>>, vector<16xf32>,
          %mul3A_1128 = arith.mulf %add3A_1021, %broadcast_in_dim3A_1119 : vector<16xf32>
          %swap3A_1129 = arith.index_cast %while3A_936 : i32 to index
          %swap3A_1130 = arith.constant 32 : index
          %swap3A_1131 = tpu.vector_load %arg12[%swap3A_1129, %swap3A_1130] {strides = array<i32>} : memref<16x256xf32, #tpu.memory_space<vmem>>, vector<16xf32>,
          tpu.vector_store %arg12[%swap3A_1129, %swap3A_1130], %mul3A_1128 {strides = array<i32>} : memref<16x256xf32, #tpu.memory_space<vmem>>, vector<16xf32>,
          %mul3A_1132 = arith.mulf %add3A_1026, %broadcast_in_dim3A_1119 : vector<16xf32>
          %swap3A_1133 = arith.index_cast %while3A_936 : i32 to index
          %swap3A_1134 = arith.constant 48 : index
          %swap3A_1135 = tpu.vector_load %arg12[%swap3A_1133, %swap3A_1134] {strides = array<i32>} : memref<16x256xf32, #tpu.memory_space<vmem>>, vector<16xf32>,
          tpu.vector_store %arg12[%swap3A_1133, %swap3A_1134], %mul3A_1132 {strides = array<i32>} : memref<16x256xf32, #tpu.memory_space<vmem>>, vector<16xf32>,
          %mul3A_1136 = arith.mulf %add3A_1031, %broadcast_in_dim3A_1119 : vector<16xf32>
          %swap3A_1137 = arith.index_cast %while3A_936 : i32 to index
          %swap3A_1138 = arith.constant 64 : index
          %swap3A_1139 = tpu.vector_load %arg12[%swap3A_1137, %swap3A_1138] {strides = array<i32>} : memref<16x256xf32, #tpu.memory_space<vmem>>, vector<16xf32>,
          tpu.vector_store %arg12[%swap3A_1137, %swap3A_1138], %mul3A_1136 {strides = array<i32>} : memref<16x256xf32, #tpu.memory_space<vmem>>, vector<16xf32>,
          %mul3A_1140 = arith.mulf %add3A_1036, %broadcast_in_dim3A_1119 : vector<16xf32>
          %swap3A_1141 = arith.index_cast %while3A_936 : i32 to index
          %swap3A_1142 = arith.constant 80 : index
          %swap3A_1143 = tpu.vector_load %arg12[%swap3A_1141, %swap3A_1142] {strides = array<i32>} : memref<16x256xf32, #tpu.memory_space<vmem>>, vector<16xf32>,
          tpu.vector_store %arg12[%swap3A_1141, %swap3A_1142], %mul3A_1140 {strides = array<i32>} : memref<16x256xf32, #tpu.memory_space<vmem>>, vector<16xf32>,
          %mul3A_1144 = arith.mulf %add3A_1041, %broadcast_in_dim3A_1119 : vector<16xf32>
          %swap3A_1145 = arith.index_cast %while3A_936 : i32 to index
          %swap3A_1146 = arith.constant 96 : index
          %swap3A_1147 = tpu.vector_load %arg12[%swap3A_1145, %swap3A_1146] {strides = array<i32>} : memref<16x256xf32, #tpu.memory_space<vmem>>, vector<16xf32>,
          tpu.vector_store %arg12[%swap3A_1145, %swap3A_1146], %mul3A_1144 {strides = array<i32>} : memref<16x256xf32, #tpu.memory_space<vmem>>, vector<16xf32>,
          %mul3A_1148 = arith.mulf %add3A_1046, %broadcast_in_dim3A_1119 : vector<16xf32>
          %swap3A_1149 = arith.index_cast %while3A_936 : i32 to index
          %swap3A_1150 = arith.constant 112 : index
          %swap3A_1151 = tpu.vector_load %arg12[%swap3A_1149, %swap3A_1150] {strides = array<i32>} : memref<16x256xf32, #tpu.memory_space<vmem>>, vector<16xf32>,
          tpu.vector_store %arg12[%swap3A_1149, %swap3A_1150], %mul3A_1148 {strides = array<i32>} : memref<16x256xf32, #tpu.memory_space<vmem>>, vector<16xf32>,
          %mul3A_1152 = arith.mulf %add3A_1051, %broadcast_in_dim3A_1119 : vector<16xf32>
          %swap3A_1153 = arith.index_cast %while3A_936 : i32 to index
          %swap3A_1154 = arith.constant 128 : index
          %swap3A_1155 = tpu.vector_load %arg12[%swap3A_1153, %swap3A_1154] {strides = array<i32>} : memref<16x256xf32, #tpu.memory_space<vmem>>, vector<16xf32>,
          tpu.vector_store %arg12[%swap3A_1153, %swap3A_1154], %mul3A_1152 {strides = array<i32>} : memref<16x256xf32, #tpu.memory_space<vmem>>, vector<16xf32>,
          %mul3A_1156 = arith.mulf %add3A_1056, %broadcast_in_dim3A_1119 : vector<16xf32>
          %swap3A_1157 = arith.index_cast %while3A_936 : i32 to index
          %swap3A_1158 = arith.constant 144 : index
          %swap3A_1159 = tpu.vector_load %arg12[%swap3A_1157, %swap3A_1158] {strides = array<i32>} : memref<16x256xf32, #tpu.memory_space<vmem>>, vector<16xf32>,
          tpu.vector_store %arg12[%swap3A_1157, %swap3A_1158], %mul3A_1156 {strides = array<i32>} : memref<16x256xf32, #tpu.memory_space<vmem>>, vector<16xf32>,
          %mul3A_1160 = arith.mulf %add3A_1061, %broadcast_in_dim3A_1119 : vector<16xf32>
          %swap3A_1161 = arith.index_cast %while3A_936 : i32 to index
          %swap3A_1162 = arith.constant 160 : index
          %swap3A_1163 = tpu.vector_load %arg12[%swap3A_1161, %swap3A_1162] {strides = array<i32>} : memref<16x256xf32, #tpu.memory_space<vmem>>, vector<16xf32>,
          tpu.vector_store %arg12[%swap3A_1161, %swap3A_1162], %mul3A_1160 {strides = array<i32>} : memref<16x256xf32, #tpu.memory_space<vmem>>, vector<16xf32>,
          %mul3A_1164 = arith.mulf %add3A_1066, %broadcast_in_dim3A_1119 : vector<16xf32>
          %swap3A_1165 = arith.index_cast %while3A_936 : i32 to index
          %swap3A_1166 = arith.constant 176 : index
          %swap3A_1167 = tpu.vector_load %arg12[%swap3A_1165, %swap3A_1166] {strides = array<i32>} : memref<16x256xf32, #tpu.memory_space<vmem>>, vector<16xf32>,
          tpu.vector_store %arg12[%swap3A_1165, %swap3A_1166], %mul3A_1164 {strides = array<i32>} : memref<16x256xf32, #tpu.memory_space<vmem>>, vector<16xf32>,
          %mul3A_1168 = arith.mulf %add3A_1071, %broadcast_in_dim3A_1119 : vector<16xf32>
          %swap3A_1169 = arith.index_cast %while3A_936 : i32 to index
          %swap3A_1170 = arith.constant 192 : index
          %swap3A_1171 = tpu.vector_load %arg12[%swap3A_1169, %swap3A_1170] {strides = array<i32>} : memref<16x256xf32, #tpu.memory_space<vmem>>, vector<16xf32>,
          tpu.vector_store %arg12[%swap3A_1169, %swap3A_1170], %mul3A_1168 {strides = array<i32>} : memref<16x256xf32, #tpu.memory_space<vmem>>, vector<16xf32>,
          %mul3A_1172 = arith.mulf %add3A_1076, %broadcast_in_dim3A_1119 : vector<16xf32>
          %swap3A_1173 = arith.index_cast %while3A_936 : i32 to index
          %swap3A_1174 = arith.constant 208 : index
          %swap3A_1175 = tpu.vector_load %arg12[%swap3A_1173, %swap3A_1174] {strides = array<i32>} : memref<16x256xf32, #tpu.memory_space<vmem>>, vector<16xf32>,
          tpu.vector_store %arg12[%swap3A_1173, %swap3A_1174], %mul3A_1172 {strides = array<i32>} : memref<16x256xf32, #tpu.memory_space<vmem>>, vector<16xf32>,
          %mul3A_1176 = arith.mulf %add3A_1081, %broadcast_in_dim3A_1119 : vector<16xf32>
          %swap3A_1177 = arith.index_cast %while3A_936 : i32 to index
          %swap3A_1178 = arith.constant 224 : index
          %swap3A_1179 = tpu.vector_load %arg12[%swap3A_1177, %swap3A_1178] {strides = array<i32>} : memref<16x256xf32, #tpu.memory_space<vmem>>, vector<16xf32>,
          tpu.vector_store %arg12[%swap3A_1177, %swap3A_1178], %mul3A_1176 {strides = array<i32>} : memref<16x256xf32, #tpu.memory_space<vmem>>, vector<16xf32>,
          %mul3A_1180 = arith.mulf %add3A_1086, %broadcast_in_dim3A_1119 : vector<16xf32>
          %swap3A_1181 = arith.index_cast %while3A_936 : i32 to index
          %swap3A_1182 = arith.constant 240 : index
          %swap3A_1183 = tpu.vector_load %arg12[%swap3A_1181, %swap3A_1182] {strides = array<i32>} : memref<16x256xf32, #tpu.memory_space<vmem>>, vector<16xf32>,
          tpu.vector_store %arg12[%swap3A_1181, %swap3A_1182], %mul3A_1180 {strides = array<i32>} : memref<16x256xf32, #tpu.memory_space<vmem>>, vector<16xf32>,
        } else {
        }
        %select_n3A_1091 = arith.select %eq3A_1087, %broadcast_in_dim3A_806, %add3A_1011 : vector<16xf32>
        %select_n3A_1092 = arith.select %eq3A_1087, %broadcast_in_dim3A_806, %add3A_1016 : vector<16xf32>
        %select_n3A_1093 = arith.select %eq3A_1087, %broadcast_in_dim3A_806, %add3A_1021 : vector<16xf32>
        %select_n3A_1094 = arith.select %eq3A_1087, %broadcast_in_dim3A_806, %add3A_1026 : vector<16xf32>
        %select_n3A_1095 = arith.select %eq3A_1087, %broadcast_in_dim3A_806, %add3A_1031 : vector<16xf32>
        %select_n3A_1096 = arith.select %eq3A_1087, %broadcast_in_dim3A_806, %add3A_1036 : vector<16xf32>
        %select_n3A_1097 = arith.select %eq3A_1087, %broadcast_in_dim3A_806, %add3A_1041 : vector<16xf32>
        %select_n3A_1098 = arith.select %eq3A_1087, %broadcast_in_dim3A_806, %add3A_1046 : vector<16xf32>
        %select_n3A_1099 = arith.select %eq3A_1087, %broadcast_in_dim3A_806, %add3A_1051 : vector<16xf32>
        %select_n3A_1100 = arith.select %eq3A_1087, %broadcast_in_dim3A_806, %add3A_1056 : vector<16xf32>
        %select_n3A_1101 = arith.select %eq3A_1087, %broadcast_in_dim3A_806, %add3A_1061 : vector<16xf32>
        %select_n3A_1102 = arith.select %eq3A_1087, %broadcast_in_dim3A_806, %add3A_1066 : vector<16xf32>
        %select_n3A_1103 = arith.select %eq3A_1087, %broadcast_in_dim3A_806, %add3A_1071 : vector<16xf32>
        %select_n3A_1104 = arith.select %eq3A_1087, %broadcast_in_dim3A_806, %add3A_1076 : vector<16xf32>
        %select_n3A_1105 = arith.select %eq3A_1087, %broadcast_in_dim3A_806, %add3A_1081 : vector<16xf32>
        %select_n3A_1106 = arith.select %eq3A_1087, %broadcast_in_dim3A_806, %add3A_1086 : vector<16xf32>
        %convert_element_type3A_1107 = arith.extui %eq3A_1087 : i1 to i32
        %add3A_1108 = arith.addi %while3A_936, %convert_element_type3A_1107 : i32
        scf.yield %min3A_956, %add3A_1108, %select_n3A_1091, %select_n3A_1092, %select_n3A_1093, %select_n3A_1094, %select_n3A_1095, %select_n3A_1096, %select_n3A_1097, %select_n3A_1098, %select_n3A_1099, %select_n3A_1100, %select_n3A_1101, %select_n3A_1102, %select_n3A_1103, %select_n3A_1104, %select_n3A_1105, %select_n3A_1106 : i32, i32, vector<16xf32>, vector<16xf32>, vector<16xf32>, vector<16xf32>, vector<16xf32>, vector<16xf32>, vector<16xf32>, vector<16xf32>, vector<16xf32>, vector<16xf32>, vector<16xf32>, vector<16xf32>, vector<16xf32>, vector<16xf32>, vector<16xf32>, vector<16xf32>
      }
      %add3A_873 = arith.constant 1 : i32
      %add3A_874 = arith.addi %while3A_811, %add3A_873 : i32
      %add3A_875 = arith.constant 4 : i32
      %add3A_876 = arith.addi %add3A_874, %add3A_875 : i32
      %lt3A_877 = arith.cmpi slt, %add3A_876, %select_n3A_786 : i32
      %convert_element_type3A_878 = arith.extui %lt3A_877 : i1 to i32
      %cond3A_879 = arith.constant 0 : i32
      %cond3A_880 = arith.cmpi ne, %convert_element_type3A_878, %cond3A_879 : i32
      scf.if %cond3A_880 {
        %mul3A_935 = arith.constant 112 : i32
        %mul3A_936 = arith.muli %add3A_876, %mul3A_935 : i32
        %add3A_937 = arith.addi %multiple_of3A_757, %mul3A_936 : i32
        %min3A_938 = arith.constant 49888 : i32
        %min3A_939 = arith.minsi %add3A_937, %min3A_938 : i32
        %multiple_of3A_940 = tpu.assume_multiple %min3A_939, 8 : i32
        %dma_start3A_941 = arith.constant 0 : i32
        %dma_start3A_942 = tpu.memref_slice %arg2[%multiple_of3A_940, %dma_start3A_941] : memref<50000x256xf32, #tpu.memory_space<hbm>> -> memref<112x256xf32, #tpu.memory_space<hbm>>
        %dma_start3A_943 = arith.constant 0 : i32
        %dma_start3A_944 = tpu.memref_slice %arg2[%multiple_of3A_940, %dma_start3A_943] : memref<50000x256xf32, #tpu.memory_space<hbm>> -> memref<112x256xf32, #tpu.memory_space<hbm>>
        tpu.enqueue_dma source(%dma_start3A_944 : memref<112x256xf32, #tpu.memory_space<hbm>>) target(%arg9 : memref<112x256xf32, #tpu.memory_space<vmem>>) target_semaphore(%arg15 : memref<!tpu.dma_semaphore, #tpu.memory_space<semaphore_mem>>)
      } else {
      }
      %add3A_881 = arith.constant 2 : i32
      %add3A_882 = arith.addi %while3A_811, %add3A_881 : i32
      %lt3A_883 = arith.cmpi slt, %add3A_882, %select_n3A_786 : i32
      %convert_element_type3A_884 = arith.extui %lt3A_883 : i1 to i32
      %cond3A_885 = arith.constant 0 : i32
      %cond3A_886 = arith.cmpi ne, %convert_element_type3A_884, %cond3A_885 : i32
      scf.if %cond3A_886 {
        %dma_wait3A_935 = arith.constant 0 : i32
        %dma_wait3A_936 = arith.constant 0 : i32
        %dma_wait3A_937 = tpu.memref_slice %arg2[%dma_wait3A_935, %dma_wait3A_936] : memref<50000x256xf32, #tpu.memory_space<hbm>> -> memref<112x256xf32, #tpu.memory_space<hbm>>
        %dma_wait3A_938 = arith.constant 0 : i32
        %dma_wait3A_939 = arith.constant 0 : i32
        %dma_wait3A_940 = tpu.memref_slice %arg2[%dma_wait3A_938, %dma_wait3A_939] : memref<50000x256xf32, #tpu.memory_space<hbm>> -> memref<112x256xf32, #tpu.memory_space<hbm>>
        tpu.wait_dma2 semaphore(%arg16 : memref<!tpu.dma_semaphore, #tpu.memory_space<semaphore_mem>>) src(%dma_wait3A_940 : memref<112x256xf32, #tpu.memory_space<hbm>>) dst(%arg10 : memref<112x256xf32, #tpu.memory_space<vmem>>)
      } else {
      }
      %add3A_887 = arith.constant 2 : i32
      %add3A_888 = arith.addi %while3A_811, %add3A_887 : i32
      %mul3A_889 = arith.constant 112 : i32
      %mul3A_890 = arith.muli %add3A_888, %mul3A_889 : i32
      %add3A_891 = arith.addi %multiple_of3A_757, %mul3A_890 : i32
      %min3A_892 = arith.constant 49888 : i32
      %min3A_893 = arith.minsi %add3A_891, %min3A_892 : i32
      %multiple_of3A_894 = tpu.assume_multiple %min3A_893, 8 : i32
      %add3A_895 = arith.constant 112 : i32
      %add3A_896 = arith.addi %multiple_of3A_894, %add3A_895 : i32
      %min3A_897 = arith.minsi %reduce_sum3A_522, %add3A_896 : i32
      %while3A_898:18 = scf.while (%while3A_935 = %while3A_872#0, %while3A_936 = %while3A_872#1, %while3A_937 = %while3A_872#2, %while3A_938 = %while3A_872#3, %while3A_939 = %while3A_872#4, %while3A_940 = %while3A_872#5, %while3A_941 = %while3A_872#6, %while3A_942 = %while3A_872#7, %while3A_943 = %while3A_872#8, %while3A_944 = %while3A_872#9, %while3A_945 = %while3A_872#10, %while3A_946 = %while3A_872#11, %while3A_947 = %while3A_872#12, %while3A_948 = %while3A_872#13, %while3A_949 = %while3A_872#14, %while3A_950 = %while3A_872#15, %while3A_951 = %while3A_872#16, %while3A_952 = %while3A_872#17) : (i32, i32, vector<16xf32>, vector<16xf32>, vector<16xf32>, vector<16xf32>, vector<16xf32>, vector<16xf32>, vector<16xf32>, vector<16xf32>, vector<16xf32>, vector<16xf32>, vector<16xf32>, vector<16xf32>, vector<16xf32>, vector<16xf32>, vector<16xf32>, vector<16xf32>) -> (i32, i32, vector<16xf32>, vector<16xf32>, vector<16xf32>, vector<16xf32>, vector<16xf32>, vector<16xf32>, vector<16xf32>, vector<16xf32>, vector<16xf32>, vector<16xf32>, vector<16xf32>, vector<16xf32>, vector<16xf32>, vector<16xf32>, vector<16xf32>, vector<16xf32>) {
        %lt3A_953 = arith.cmpi slt, %while3A_935, %min3A_897 : i32
        scf.condition(%lt3A_953) %while3A_935, %while3A_936, %while3A_937, %while3A_938, %while3A_939, %while3A_940, %while3A_941, %while3A_942, %while3A_943, %while3A_944, %while3A_945, %while3A_946, %while3A_947, %while3A_948, %while3A_949, %while3A_950, %while3A_951, %while3A_952 : i32, i32, vector<16xf32>, vector<16xf32>, vector<16xf32>, vector<16xf32>, vector<16xf32>, vector<16xf32>, vector<16xf32>, vector<16xf32>, vector<16xf32>, vector<16xf32>, vector<16xf32>, vector<16xf32>, vector<16xf32>, vector<16xf32>, vector<16xf32>, vector<16xf32>
      } do {
      ^bb0(%while3A_935: i32, %while3A_936: i32, %while3A_937: vector<16xf32>, %while3A_938: vector<16xf32>, %while3A_939: vector<16xf32>, %while3A_940: vector<16xf32>, %while3A_941: vector<16xf32>, %while3A_942: vector<16xf32>, %while3A_943: vector<16xf32>, %while3A_944: vector<16xf32>, %while3A_945: vector<16xf32>, %while3A_946: vector<16xf32>, %while3A_947: vector<16xf32>, %while3A_948: vector<16xf32>, %while3A_949: vector<16xf32>, %while3A_950: vector<16xf32>, %while3A_951: vector<16xf32>, %while3A_952: vector<16xf32>):
        %add3A_953 = arith.constant 1 : i32
        %add3A_954 = arith.addi %while3A_936, %add3A_953 : i32
        %get3A = arith.index_cast %add3A_954 : i32 to index
        %get3A_955 = memref.load %arg13[%get3A] : memref<17xi32, #tpu.memory_space<smem>>
        %min3A_956 = arith.minsi %get3A_955, %min3A_897 : i32
        %sub3A_957 = arith.subi %while3A_935, %multiple_of3A_894 : i32
        %sub3A_958 = arith.subi %min3A_956, %while3A_935 : i32
        %jit3A_959 = arith.constant 2 : i32
        %div3A_960 = arith.divsi %sub3A_958, %jit3A_959 : i32
        %sign3A_961 = arith.constant 0 : i32
        %sign3A_962 = arith.cmpi sgt, %sub3A_958, %sign3A_961 : i32
        %sign3A_963 = arith.extui %sign3A_962 : i1 to i32
        %sign3A_964 = arith.constant 0 : i32
        %sign3A_965 = arith.cmpi slt, %sub3A_958, %sign3A_964 : i32
        %sign3A_966 = arith.extui %sign3A_965 : i1 to i32
        %sign3A_967 = arith.subi %sign3A_963, %sign3A_966 : i32
        %sign3A_968 = arith.constant 0 : i32
        %sign3A_969 = arith.cmpi sgt, %jit3A_959, %sign3A_968 : i32
        %sign3A_970 = arith.extui %sign3A_969 : i1 to i32
        %sign3A_971 = arith.constant 0 : i32
        %sign3A_972 = arith.cmpi slt, %jit3A_959, %sign3A_971 : i32
        %sign3A_973 = arith.extui %sign3A_972 : i1 to i32
        %sign3A_974 = arith.subi %sign3A_970, %sign3A_973 : i32
        %ne3A_975 = arith.cmpi ne, %sign3A_967, %sign3A_974 : i32
        %rem3A_976 = arith.remsi %sub3A_958, %jit3A_959 : i32
        %ne3A_977 = arith.constant 0 : i32
        %ne3A_978 = arith.cmpi ne, %rem3A_976, %ne3A_977 : i32
        %and3A_979 = arith.andi %ne3A_975, %ne3A_978 : i1
        %sub3A_980 = arith.constant 1 : i32
        %sub3A_981 = arith.subi %div3A_960, %sub3A_980 : i32
        %select_n3A_982 = arith.select %and3A_979, %sub3A_981, %div3A_960 : i32
        %while3A_983 = arith.constant 0 : i32
        %while3A_984 = arith.subi %select_n3A_982, %while3A_983 : i32
        %while3A_985 = arith.addi %while3A_983, %while3A_984 : i32
        %while3A_986 = arith.constant 1 : i32
        %while3A_987 = arith.divsi %while3A_984, %while3A_986 : i32
        %while3A_988 = arith.muli %while3A_987, %while3A_986 : i32
        %while3A_989 = arith.addi %while3A_983, %while3A_988 : i32
        %while3A_990 = arith.constant 1 : i32
        %while3A_991:16 = scf.for %while3A_1109 = %while3A_983 to %while3A_989 step %while3A_990 iter_args(%while3A_1110 = %while3A_937, %while3A_1111 = %while3A_938, %while3A_1112 = %while3A_939, %while3A_1113 = %while3A_940, %while3A_1114 = %while3A_941, %while3A_1115 = %while3A_942, %while3A_1116 = %while3A_943, %while3A_1117 = %while3A_944, %while3A_1118 = %while3A_945, %while3A_1119 = %while3A_946, %while3A_1120 = %while3A_947, %while3A_1121 = %while3A_948, %while3A_1122 = %while3A_949, %while3A_1123 = %while3A_950, %while3A_1124 = %while3A_951, %while3A_1125 = %while3A_952) -> (vector<16xf32>, vector<16xf32>, vector<16xf32>, vector<16xf32>, vector<16xf32>, vector<16xf32>, vector<16xf32>, vector<16xf32>, vector<16xf32>, vector<16xf32>, vector<16xf32>, vector<16xf32>, vector<16xf32>, vector<16xf32>, vector<16xf32>, vector<16xf32>)  : i32 {
          %mul3A_1126 = arith.constant 2 : i32
          %mul3A_1127 = arith.muli %mul3A_1126, %while3A_1109 : i32
          %add3A_1128 = arith.addi %sub3A_957, %mul3A_1127 : i32
          %get3A_1129 = arith.index_cast %add3A_1128 : i32 to index
          %get3A_1130 = arith.constant 0 : index
          %get3A_1131 = tpu.vector_load %arg10[%get3A_1129, %get3A_1130] {strides = array<i32>} : memref<112x256xf32, #tpu.memory_space<vmem>>, vector<16xf32>,
          %add3A_1132 = arith.addf %while3A_1110, %get3A_1131 : vector<16xf32>
          %add3A_1133 = arith.constant 1 : i32
          %add3A_1134 = arith.addi %add3A_1128, %add3A_1133 : i32
          %get3A_1135 = arith.index_cast %add3A_1134 : i32 to index
          %get3A_1136 = arith.constant 0 : index
          %get3A_1137 = tpu.vector_load %arg10[%get3A_1135, %get3A_1136] {strides = array<i32>} : memref<112x256xf32, #tpu.memory_space<vmem>>, vector<16xf32>,
          %add3A_1138 = arith.addf %add3A_1132, %get3A_1137 : vector<16xf32>
          %get3A_1139 = arith.index_cast %add3A_1128 : i32 to index
          %get3A_1140 = arith.constant 16 : index
          %get3A_1141 = tpu.vector_load %arg10[%get3A_1139, %get3A_1140] {strides = array<i32>} : memref<112x256xf32, #tpu.memory_space<vmem>>, vector<16xf32>,
          %add3A_1142 = arith.addf %while3A_1111, %get3A_1141 : vector<16xf32>
          %add3A_1143 = arith.constant 1 : i32
          %add3A_1144 = arith.addi %add3A_1128, %add3A_1143 : i32
          %get3A_1145 = arith.index_cast %add3A_1144 : i32 to index
          %get3A_1146 = arith.constant 16 : index
          %get3A_1147 = tpu.vector_load %arg10[%get3A_1145, %get3A_1146] {strides = array<i32>} : memref<112x256xf32, #tpu.memory_space<vmem>>, vector<16xf32>,
          %add3A_1148 = arith.addf %add3A_1142, %get3A_1147 : vector<16xf32>
          %get3A_1149 = arith.index_cast %add3A_1128 : i32 to index
          %get3A_1150 = arith.constant 32 : index
          %get3A_1151 = tpu.vector_load %arg10[%get3A_1149, %get3A_1150] {strides = array<i32>} : memref<112x256xf32, #tpu.memory_space<vmem>>, vector<16xf32>,
          %add3A_1152 = arith.addf %while3A_1112, %get3A_1151 : vector<16xf32>
          %add3A_1153 = arith.constant 1 : i32
          %add3A_1154 = arith.addi %add3A_1128, %add3A_1153 : i32
          %get3A_1155 = arith.index_cast %add3A_1154 : i32 to index
          %get3A_1156 = arith.constant 32 : index
          %get3A_1157 = tpu.vector_load %arg10[%get3A_1155, %get3A_1156] {strides = array<i32>} : memref<112x256xf32, #tpu.memory_space<vmem>>, vector<16xf32>,
          %add3A_1158 = arith.addf %add3A_1152, %get3A_1157 : vector<16xf32>
          %get3A_1159 = arith.index_cast %add3A_1128 : i32 to index
          %get3A_1160 = arith.constant 48 : index
          %get3A_1161 = tpu.vector_load %arg10[%get3A_1159, %get3A_1160] {strides = array<i32>} : memref<112x256xf32, #tpu.memory_space<vmem>>, vector<16xf32>,
          %add3A_1162 = arith.addf %while3A_1113, %get3A_1161 : vector<16xf32>
          %add3A_1163 = arith.constant 1 : i32
          %add3A_1164 = arith.addi %add3A_1128, %add3A_1163 : i32
          %get3A_1165 = arith.index_cast %add3A_1164 : i32 to index
          %get3A_1166 = arith.constant 48 : index
          %get3A_1167 = tpu.vector_load %arg10[%get3A_1165, %get3A_1166] {strides = array<i32>} : memref<112x256xf32, #tpu.memory_space<vmem>>, vector<16xf32>,
          %add3A_1168 = arith.addf %add3A_1162, %get3A_1167 : vector<16xf32>
          %get3A_1169 = arith.index_cast %add3A_1128 : i32 to index
          %get3A_1170 = arith.constant 64 : index
          %get3A_1171 = tpu.vector_load %arg10[%get3A_1169, %get3A_1170] {strides = array<i32>} : memref<112x256xf32, #tpu.memory_space<vmem>>, vector<16xf32>,
          %add3A_1172 = arith.addf %while3A_1114, %get3A_1171 : vector<16xf32>
          %add3A_1173 = arith.constant 1 : i32
          %add3A_1174 = arith.addi %add3A_1128, %add3A_1173 : i32
          %get3A_1175 = arith.index_cast %add3A_1174 : i32 to index
          %get3A_1176 = arith.constant 64 : index
          %get3A_1177 = tpu.vector_load %arg10[%get3A_1175, %get3A_1176] {strides = array<i32>} : memref<112x256xf32, #tpu.memory_space<vmem>>, vector<16xf32>,
          %add3A_1178 = arith.addf %add3A_1172, %get3A_1177 : vector<16xf32>
          %get3A_1179 = arith.index_cast %add3A_1128 : i32 to index
          %get3A_1180 = arith.constant 80 : index
          %get3A_1181 = tpu.vector_load %arg10[%get3A_1179, %get3A_1180] {strides = array<i32>} : memref<112x256xf32, #tpu.memory_space<vmem>>, vector<16xf32>,
          %add3A_1182 = arith.addf %while3A_1115, %get3A_1181 : vector<16xf32>
          %add3A_1183 = arith.constant 1 : i32
          %add3A_1184 = arith.addi %add3A_1128, %add3A_1183 : i32
          %get3A_1185 = arith.index_cast %add3A_1184 : i32 to index
          %get3A_1186 = arith.constant 80 : index
          %get3A_1187 = tpu.vector_load %arg10[%get3A_1185, %get3A_1186] {strides = array<i32>} : memref<112x256xf32, #tpu.memory_space<vmem>>, vector<16xf32>,
          %add3A_1188 = arith.addf %add3A_1182, %get3A_1187 : vector<16xf32>
          %get3A_1189 = arith.index_cast %add3A_1128 : i32 to index
          %get3A_1190 = arith.constant 96 : index
          %get3A_1191 = tpu.vector_load %arg10[%get3A_1189, %get3A_1190] {strides = array<i32>} : memref<112x256xf32, #tpu.memory_space<vmem>>, vector<16xf32>,
          %add3A_1192 = arith.addf %while3A_1116, %get3A_1191 : vector<16xf32>
          %add3A_1193 = arith.constant 1 : i32
          %add3A_1194 = arith.addi %add3A_1128, %add3A_1193 : i32
          %get3A_1195 = arith.index_cast %add3A_1194 : i32 to index
          %get3A_1196 = arith.constant 96 : index
          %get3A_1197 = tpu.vector_load %arg10[%get3A_1195, %get3A_1196] {strides = array<i32>} : memref<112x256xf32, #tpu.memory_space<vmem>>, vector<16xf32>,
          %add3A_1198 = arith.addf %add3A_1192, %get3A_1197 : vector<16xf32>
          %get3A_1199 = arith.index_cast %add3A_1128 : i32 to index
          %get3A_1200 = arith.constant 112 : index
          %get3A_1201 = tpu.vector_load %arg10[%get3A_1199, %get3A_1200] {strides = array<i32>} : memref<112x256xf32, #tpu.memory_space<vmem>>, vector<16xf32>,
          %add3A_1202 = arith.addf %while3A_1117, %get3A_1201 : vector<16xf32>
          %add3A_1203 = arith.constant 1 : i32
          %add3A_1204 = arith.addi %add3A_1128, %add3A_1203 : i32
          %get3A_1205 = arith.index_cast %add3A_1204 : i32 to index
          %get3A_1206 = arith.constant 112 : index
          %get3A_1207 = tpu.vector_load %arg10[%get3A_1205, %get3A_1206] {strides = array<i32>} : memref<112x256xf32, #tpu.memory_space<vmem>>, vector<16xf32>,
          %add3A_1208 = arith.addf %add3A_1202, %get3A_1207 : vector<16xf32>
          %get3A_1209 = arith.index_cast %add3A_1128 : i32 to index
          %get3A_1210 = arith.constant 128 : index
          %get3A_1211 = tpu.vector_load %arg10[%get3A_1209, %get3A_1210] {strides = array<i32>} : memref<112x256xf32, #tpu.memory_space<vmem>>, vector<16xf32>,
          %add3A_1212 = arith.addf %while3A_1118, %get3A_1211 : vector<16xf32>
          %add3A_1213 = arith.constant 1 : i32
          %add3A_1214 = arith.addi %add3A_1128, %add3A_1213 : i32
          %get3A_1215 = arith.index_cast %add3A_1214 : i32 to index
          %get3A_1216 = arith.constant 128 : index
          %get3A_1217 = tpu.vector_load %arg10[%get3A_1215, %get3A_1216] {strides = array<i32>} : memref<112x256xf32, #tpu.memory_space<vmem>>, vector<16xf32>,
          %add3A_1218 = arith.addf %add3A_1212, %get3A_1217 : vector<16xf32>
          %get3A_1219 = arith.index_cast %add3A_1128 : i32 to index
          %get3A_1220 = arith.constant 144 : index
          %get3A_1221 = tpu.vector_load %arg10[%get3A_1219, %get3A_1220] {strides = array<i32>} : memref<112x256xf32, #tpu.memory_space<vmem>>, vector<16xf32>,
          %add3A_1222 = arith.addf %while3A_1119, %get3A_1221 : vector<16xf32>
          %add3A_1223 = arith.constant 1 : i32
          %add3A_1224 = arith.addi %add3A_1128, %add3A_1223 : i32
          %get3A_1225 = arith.index_cast %add3A_1224 : i32 to index
          %get3A_1226 = arith.constant 144 : index
          %get3A_1227 = tpu.vector_load %arg10[%get3A_1225, %get3A_1226] {strides = array<i32>} : memref<112x256xf32, #tpu.memory_space<vmem>>, vector<16xf32>,
          %add3A_1228 = arith.addf %add3A_1222, %get3A_1227 : vector<16xf32>
          %get3A_1229 = arith.index_cast %add3A_1128 : i32 to index
          %get3A_1230 = arith.constant 160 : index
          %get3A_1231 = tpu.vector_load %arg10[%get3A_1229, %get3A_1230] {strides = array<i32>} : memref<112x256xf32, #tpu.memory_space<vmem>>, vector<16xf32>,
          %add3A_1232 = arith.addf %while3A_1120, %get3A_1231 : vector<16xf32>
          %add3A_1233 = arith.constant 1 : i32
          %add3A_1234 = arith.addi %add3A_1128, %add3A_1233 : i32
          %get3A_1235 = arith.index_cast %add3A_1234 : i32 to index
          %get3A_1236 = arith.constant 160 : index
          %get3A_1237 = tpu.vector_load %arg10[%get3A_1235, %get3A_1236] {strides = array<i32>} : memref<112x256xf32, #tpu.memory_space<vmem>>, vector<16xf32>,
          %add3A_1238 = arith.addf %add3A_1232, %get3A_1237 : vector<16xf32>
          %get3A_1239 = arith.index_cast %add3A_1128 : i32 to index
          %get3A_1240 = arith.constant 176 : index
          %get3A_1241 = tpu.vector_load %arg10[%get3A_1239, %get3A_1240] {strides = array<i32>} : memref<112x256xf32, #tpu.memory_space<vmem>>, vector<16xf32>,
          %add3A_1242 = arith.addf %while3A_1121, %get3A_1241 : vector<16xf32>
          %add3A_1243 = arith.constant 1 : i32
          %add3A_1244 = arith.addi %add3A_1128, %add3A_1243 : i32
          %get3A_1245 = arith.index_cast %add3A_1244 : i32 to index
          %get3A_1246 = arith.constant 176 : index
          %get3A_1247 = tpu.vector_load %arg10[%get3A_1245, %get3A_1246] {strides = array<i32>} : memref<112x256xf32, #tpu.memory_space<vmem>>, vector<16xf32>,
          %add3A_1248 = arith.addf %add3A_1242, %get3A_1247 : vector<16xf32>
          %get3A_1249 = arith.index_cast %add3A_1128 : i32 to index
          %get3A_1250 = arith.constant 192 : index
          %get3A_1251 = tpu.vector_load %arg10[%get3A_1249, %get3A_1250] {strides = array<i32>} : memref<112x256xf32, #tpu.memory_space<vmem>>, vector<16xf32>,
          %add3A_1252 = arith.addf %while3A_1122, %get3A_1251 : vector<16xf32>
          %add3A_1253 = arith.constant 1 : i32
          %add3A_1254 = arith.addi %add3A_1128, %add3A_1253 : i32
          %get3A_1255 = arith.index_cast %add3A_1254 : i32 to index
          %get3A_1256 = arith.constant 192 : index
          %get3A_1257 = tpu.vector_load %arg10[%get3A_1255, %get3A_1256] {strides = array<i32>} : memref<112x256xf32, #tpu.memory_space<vmem>>, vector<16xf32>,
          %add3A_1258 = arith.addf %add3A_1252, %get3A_1257 : vector<16xf32>
          %get3A_1259 = arith.index_cast %add3A_1128 : i32 to index
          %get3A_1260 = arith.constant 208 : index
          %get3A_1261 = tpu.vector_load %arg10[%get3A_1259, %get3A_1260] {strides = array<i32>} : memref<112x256xf32, #tpu.memory_space<vmem>>, vector<16xf32>,
          %add3A_1262 = arith.addf %while3A_1123, %get3A_1261 : vector<16xf32>
          %add3A_1263 = arith.constant 1 : i32
          %add3A_1264 = arith.addi %add3A_1128, %add3A_1263 : i32
          %get3A_1265 = arith.index_cast %add3A_1264 : i32 to index
          %get3A_1266 = arith.constant 208 : index
          %get3A_1267 = tpu.vector_load %arg10[%get3A_1265, %get3A_1266] {strides = array<i32>} : memref<112x256xf32, #tpu.memory_space<vmem>>, vector<16xf32>,
          %add3A_1268 = arith.addf %add3A_1262, %get3A_1267 : vector<16xf32>
          %get3A_1269 = arith.index_cast %add3A_1128 : i32 to index
          %get3A_1270 = arith.constant 224 : index
          %get3A_1271 = tpu.vector_load %arg10[%get3A_1269, %get3A_1270] {strides = array<i32>} : memref<112x256xf32, #tpu.memory_space<vmem>>, vector<16xf32>,
          %add3A_1272 = arith.addf %while3A_1124, %get3A_1271 : vector<16xf32>
          %add3A_1273 = arith.constant 1 : i32
          %add3A_1274 = arith.addi %add3A_1128, %add3A_1273 : i32
          %get3A_1275 = arith.index_cast %add3A_1274 : i32 to index
          %get3A_1276 = arith.constant 224 : index
          %get3A_1277 = tpu.vector_load %arg10[%get3A_1275, %get3A_1276] {strides = array<i32>} : memref<112x256xf32, #tpu.memory_space<vmem>>, vector<16xf32>,
          %add3A_1278 = arith.addf %add3A_1272, %get3A_1277 : vector<16xf32>
          %get3A_1279 = arith.index_cast %add3A_1128 : i32 to index
          %get3A_1280 = arith.constant 240 : index
          %get3A_1281 = tpu.vector_load %arg10[%get3A_1279, %get3A_1280] {strides = array<i32>} : memref<112x256xf32, #tpu.memory_space<vmem>>, vector<16xf32>,
          %add3A_1282 = arith.addf %while3A_1125, %get3A_1281 : vector<16xf32>
          %add3A_1283 = arith.constant 1 : i32
          %add3A_1284 = arith.addi %add3A_1128, %add3A_1283 : i32
          %get3A_1285 = arith.index_cast %add3A_1284 : i32 to index
          %get3A_1286 = arith.constant 240 : index
          %get3A_1287 = tpu.vector_load %arg10[%get3A_1285, %get3A_1286] {strides = array<i32>} : memref<112x256xf32, #tpu.memory_space<vmem>>, vector<16xf32>,
          %add3A_1288 = arith.addf %add3A_1282, %get3A_1287 : vector<16xf32>
          scf.yield %add3A_1138, %add3A_1148, %add3A_1158, %add3A_1168, %add3A_1178, %add3A_1188, %add3A_1198, %add3A_1208, %add3A_1218, %add3A_1228, %add3A_1238, %add3A_1248, %add3A_1258, %add3A_1268, %add3A_1278, %add3A_1288 : vector<16xf32>, vector<16xf32>, vector<16xf32>, vector<16xf32>, vector<16xf32>, vector<16xf32>, vector<16xf32>, vector<16xf32>, vector<16xf32>, vector<16xf32>, vector<16xf32>, vector<16xf32>, vector<16xf32>, vector<16xf32>, vector<16xf32>, vector<16xf32>
        }
        %while3A_992 = arith.constant 1 : i32
        %while3A_993:16 = scf.for %while3A_1109 = %while3A_989 to %while3A_985 step %while3A_992 iter_args(%while3A_1110 = %while3A_991#0, %while3A_1111 = %while3A_991#1, %while3A_1112 = %while3A_991#2, %while3A_1113 = %while3A_991#3, %while3A_1114 = %while3A_991#4, %while3A_1115 = %while3A_991#5, %while3A_1116 = %while3A_991#6, %while3A_1117 = %while3A_991#7, %while3A_1118 = %while3A_991#8, %while3A_1119 = %while3A_991#9, %while3A_1120 = %while3A_991#10, %while3A_1121 = %while3A_991#11, %while3A_1122 = %while3A_991#12, %while3A_1123 = %while3A_991#13, %while3A_1124 = %while3A_991#14, %while3A_1125 = %while3A_991#15) -> (vector<16xf32>, vector<16xf32>, vector<16xf32>, vector<16xf32>, vector<16xf32>, vector<16xf32>, vector<16xf32>, vector<16xf32>, vector<16xf32>, vector<16xf32>, vector<16xf32>, vector<16xf32>, vector<16xf32>, vector<16xf32>, vector<16xf32>, vector<16xf32>)  : i32 {
          %mul3A_1126 = arith.constant 2 : i32
          %mul3A_1127 = arith.muli %mul3A_1126, %while3A_1109 : i32
          %add3A_1128 = arith.addi %sub3A_957, %mul3A_1127 : i32
          %get3A_1129 = arith.index_cast %add3A_1128 : i32 to index
          %get3A_1130 = arith.constant 0 : index
          %get3A_1131 = tpu.vector_load %arg10[%get3A_1129, %get3A_1130] {strides = array<i32>} : memref<112x256xf32, #tpu.memory_space<vmem>>, vector<16xf32>,
          %add3A_1132 = arith.addf %while3A_1110, %get3A_1131 : vector<16xf32>
          %add3A_1133 = arith.constant 1 : i32
          %add3A_1134 = arith.addi %add3A_1128, %add3A_1133 : i32
          %get3A_1135 = arith.index_cast %add3A_1134 : i32 to index
          %get3A_1136 = arith.constant 0 : index
          %get3A_1137 = tpu.vector_load %arg10[%get3A_1135, %get3A_1136] {strides = array<i32>} : memref<112x256xf32, #tpu.memory_space<vmem>>, vector<16xf32>,
          %add3A_1138 = arith.addf %add3A_1132, %get3A_1137 : vector<16xf32>
          %get3A_1139 = arith.index_cast %add3A_1128 : i32 to index
          %get3A_1140 = arith.constant 16 : index
          %get3A_1141 = tpu.vector_load %arg10[%get3A_1139, %get3A_1140] {strides = array<i32>} : memref<112x256xf32, #tpu.memory_space<vmem>>, vector<16xf32>,
          %add3A_1142 = arith.addf %while3A_1111, %get3A_1141 : vector<16xf32>
          %add3A_1143 = arith.constant 1 : i32
          %add3A_1144 = arith.addi %add3A_1128, %add3A_1143 : i32
          %get3A_1145 = arith.index_cast %add3A_1144 : i32 to index
          %get3A_1146 = arith.constant 16 : index
          %get3A_1147 = tpu.vector_load %arg10[%get3A_1145, %get3A_1146] {strides = array<i32>} : memref<112x256xf32, #tpu.memory_space<vmem>>, vector<16xf32>,
          %add3A_1148 = arith.addf %add3A_1142, %get3A_1147 : vector<16xf32>
          %get3A_1149 = arith.index_cast %add3A_1128 : i32 to index
          %get3A_1150 = arith.constant 32 : index
          %get3A_1151 = tpu.vector_load %arg10[%get3A_1149, %get3A_1150] {strides = array<i32>} : memref<112x256xf32, #tpu.memory_space<vmem>>, vector<16xf32>,
          %add3A_1152 = arith.addf %while3A_1112, %get3A_1151 : vector<16xf32>
          %add3A_1153 = arith.constant 1 : i32
          %add3A_1154 = arith.addi %add3A_1128, %add3A_1153 : i32
          %get3A_1155 = arith.index_cast %add3A_1154 : i32 to index
          %get3A_1156 = arith.constant 32 : index
          %get3A_1157 = tpu.vector_load %arg10[%get3A_1155, %get3A_1156] {strides = array<i32>} : memref<112x256xf32, #tpu.memory_space<vmem>>, vector<16xf32>,
          %add3A_1158 = arith.addf %add3A_1152, %get3A_1157 : vector<16xf32>
          %get3A_1159 = arith.index_cast %add3A_1128 : i32 to index
          %get3A_1160 = arith.constant 48 : index
          %get3A_1161 = tpu.vector_load %arg10[%get3A_1159, %get3A_1160] {strides = array<i32>} : memref<112x256xf32, #tpu.memory_space<vmem>>, vector<16xf32>,
          %add3A_1162 = arith.addf %while3A_1113, %get3A_1161 : vector<16xf32>
          %add3A_1163 = arith.constant 1 : i32
          %add3A_1164 = arith.addi %add3A_1128, %add3A_1163 : i32
          %get3A_1165 = arith.index_cast %add3A_1164 : i32 to index
          %get3A_1166 = arith.constant 48 : index
          %get3A_1167 = tpu.vector_load %arg10[%get3A_1165, %get3A_1166] {strides = array<i32>} : memref<112x256xf32, #tpu.memory_space<vmem>>, vector<16xf32>,
          %add3A_1168 = arith.addf %add3A_1162, %get3A_1167 : vector<16xf32>
          %get3A_1169 = arith.index_cast %add3A_1128 : i32 to index
          %get3A_1170 = arith.constant 64 : index
          %get3A_1171 = tpu.vector_load %arg10[%get3A_1169, %get3A_1170] {strides = array<i32>} : memref<112x256xf32, #tpu.memory_space<vmem>>, vector<16xf32>,
          %add3A_1172 = arith.addf %while3A_1114, %get3A_1171 : vector<16xf32>
          %add3A_1173 = arith.constant 1 : i32
          %add3A_1174 = arith.addi %add3A_1128, %add3A_1173 : i32
          %get3A_1175 = arith.index_cast %add3A_1174 : i32 to index
          %get3A_1176 = arith.constant 64 : index
          %get3A_1177 = tpu.vector_load %arg10[%get3A_1175, %get3A_1176] {strides = array<i32>} : memref<112x256xf32, #tpu.memory_space<vmem>>, vector<16xf32>,
          %add3A_1178 = arith.addf %add3A_1172, %get3A_1177 : vector<16xf32>
          %get3A_1179 = arith.index_cast %add3A_1128 : i32 to index
          %get3A_1180 = arith.constant 80 : index
          %get3A_1181 = tpu.vector_load %arg10[%get3A_1179, %get3A_1180] {strides = array<i32>} : memref<112x256xf32, #tpu.memory_space<vmem>>, vector<16xf32>,
          %add3A_1182 = arith.addf %while3A_1115, %get3A_1181 : vector<16xf32>
          %add3A_1183 = arith.constant 1 : i32
          %add3A_1184 = arith.addi %add3A_1128, %add3A_1183 : i32
          %get3A_1185 = arith.index_cast %add3A_1184 : i32 to index
          %get3A_1186 = arith.constant 80 : index
          %get3A_1187 = tpu.vector_load %arg10[%get3A_1185, %get3A_1186] {strides = array<i32>} : memref<112x256xf32, #tpu.memory_space<vmem>>, vector<16xf32>,
          %add3A_1188 = arith.addf %add3A_1182, %get3A_1187 : vector<16xf32>
          %get3A_1189 = arith.index_cast %add3A_1128 : i32 to index
          %get3A_1190 = arith.constant 96 : index
          %get3A_1191 = tpu.vector_load %arg10[%get3A_1189, %get3A_1190] {strides = array<i32>} : memref<112x256xf32, #tpu.memory_space<vmem>>, vector<16xf32>,
          %add3A_1192 = arith.addf %while3A_1116, %get3A_1191 : vector<16xf32>
          %add3A_1193 = arith.constant 1 : i32
          %add3A_1194 = arith.addi %add3A_1128, %add3A_1193 : i32
          %get3A_1195 = arith.index_cast %add3A_1194 : i32 to index
          %get3A_1196 = arith.constant 96 : index
          %get3A_1197 = tpu.vector_load %arg10[%get3A_1195, %get3A_1196] {strides = array<i32>} : memref<112x256xf32, #tpu.memory_space<vmem>>, vector<16xf32>,
          %add3A_1198 = arith.addf %add3A_1192, %get3A_1197 : vector<16xf32>
          %get3A_1199 = arith.index_cast %add3A_1128 : i32 to index
          %get3A_1200 = arith.constant 112 : index
          %get3A_1201 = tpu.vector_load %arg10[%get3A_1199, %get3A_1200] {strides = array<i32>} : memref<112x256xf32, #tpu.memory_space<vmem>>, vector<16xf32>,
          %add3A_1202 = arith.addf %while3A_1117, %get3A_1201 : vector<16xf32>
          %add3A_1203 = arith.constant 1 : i32
          %add3A_1204 = arith.addi %add3A_1128, %add3A_1203 : i32
          %get3A_1205 = arith.index_cast %add3A_1204 : i32 to index
          %get3A_1206 = arith.constant 112 : index
          %get3A_1207 = tpu.vector_load %arg10[%get3A_1205, %get3A_1206] {strides = array<i32>} : memref<112x256xf32, #tpu.memory_space<vmem>>, vector<16xf32>,
          %add3A_1208 = arith.addf %add3A_1202, %get3A_1207 : vector<16xf32>
          %get3A_1209 = arith.index_cast %add3A_1128 : i32 to index
          %get3A_1210 = arith.constant 128 : index
          %get3A_1211 = tpu.vector_load %arg10[%get3A_1209, %get3A_1210] {strides = array<i32>} : memref<112x256xf32, #tpu.memory_space<vmem>>, vector<16xf32>,
          %add3A_1212 = arith.addf %while3A_1118, %get3A_1211 : vector<16xf32>
          %add3A_1213 = arith.constant 1 : i32
          %add3A_1214 = arith.addi %add3A_1128, %add3A_1213 : i32
          %get3A_1215 = arith.index_cast %add3A_1214 : i32 to index
          %get3A_1216 = arith.constant 128 : index
          %get3A_1217 = tpu.vector_load %arg10[%get3A_1215, %get3A_1216] {strides = array<i32>} : memref<112x256xf32, #tpu.memory_space<vmem>>, vector<16xf32>,
          %add3A_1218 = arith.addf %add3A_1212, %get3A_1217 : vector<16xf32>
          %get3A_1219 = arith.index_cast %add3A_1128 : i32 to index
          %get3A_1220 = arith.constant 144 : index
          %get3A_1221 = tpu.vector_load %arg10[%get3A_1219, %get3A_1220] {strides = array<i32>} : memref<112x256xf32, #tpu.memory_space<vmem>>, vector<16xf32>,
          %add3A_1222 = arith.addf %while3A_1119, %get3A_1221 : vector<16xf32>
          %add3A_1223 = arith.constant 1 : i32
          %add3A_1224 = arith.addi %add3A_1128, %add3A_1223 : i32
          %get3A_1225 = arith.index_cast %add3A_1224 : i32 to index
          %get3A_1226 = arith.constant 144 : index
          %get3A_1227 = tpu.vector_load %arg10[%get3A_1225, %get3A_1226] {strides = array<i32>} : memref<112x256xf32, #tpu.memory_space<vmem>>, vector<16xf32>,
          %add3A_1228 = arith.addf %add3A_1222, %get3A_1227 : vector<16xf32>
          %get3A_1229 = arith.index_cast %add3A_1128 : i32 to index
          %get3A_1230 = arith.constant 160 : index
          %get3A_1231 = tpu.vector_load %arg10[%get3A_1229, %get3A_1230] {strides = array<i32>} : memref<112x256xf32, #tpu.memory_space<vmem>>, vector<16xf32>,
          %add3A_1232 = arith.addf %while3A_1120, %get3A_1231 : vector<16xf32>
          %add3A_1233 = arith.constant 1 : i32
          %add3A_1234 = arith.addi %add3A_1128, %add3A_1233 : i32
          %get3A_1235 = arith.index_cast %add3A_1234 : i32 to index
          %get3A_1236 = arith.constant 160 : index
          %get3A_1237 = tpu.vector_load %arg10[%get3A_1235, %get3A_1236] {strides = array<i32>} : memref<112x256xf32, #tpu.memory_space<vmem>>, vector<16xf32>,
          %add3A_1238 = arith.addf %add3A_1232, %get3A_1237 : vector<16xf32>
          %get3A_1239 = arith.index_cast %add3A_1128 : i32 to index
          %get3A_1240 = arith.constant 176 : index
          %get3A_1241 = tpu.vector_load %arg10[%get3A_1239, %get3A_1240] {strides = array<i32>} : memref<112x256xf32, #tpu.memory_space<vmem>>, vector<16xf32>,
          %add3A_1242 = arith.addf %while3A_1121, %get3A_1241 : vector<16xf32>
          %add3A_1243 = arith.constant 1 : i32
          %add3A_1244 = arith.addi %add3A_1128, %add3A_1243 : i32
          %get3A_1245 = arith.index_cast %add3A_1244 : i32 to index
          %get3A_1246 = arith.constant 176 : index
          %get3A_1247 = tpu.vector_load %arg10[%get3A_1245, %get3A_1246] {strides = array<i32>} : memref<112x256xf32, #tpu.memory_space<vmem>>, vector<16xf32>,
          %add3A_1248 = arith.addf %add3A_1242, %get3A_1247 : vector<16xf32>
          %get3A_1249 = arith.index_cast %add3A_1128 : i32 to index
          %get3A_1250 = arith.constant 192 : index
          %get3A_1251 = tpu.vector_load %arg10[%get3A_1249, %get3A_1250] {strides = array<i32>} : memref<112x256xf32, #tpu.memory_space<vmem>>, vector<16xf32>,
          %add3A_1252 = arith.addf %while3A_1122, %get3A_1251 : vector<16xf32>
          %add3A_1253 = arith.constant 1 : i32
          %add3A_1254 = arith.addi %add3A_1128, %add3A_1253 : i32
          %get3A_1255 = arith.index_cast %add3A_1254 : i32 to index
          %get3A_1256 = arith.constant 192 : index
          %get3A_1257 = tpu.vector_load %arg10[%get3A_1255, %get3A_1256] {strides = array<i32>} : memref<112x256xf32, #tpu.memory_space<vmem>>, vector<16xf32>,
          %add3A_1258 = arith.addf %add3A_1252, %get3A_1257 : vector<16xf32>
          %get3A_1259 = arith.index_cast %add3A_1128 : i32 to index
          %get3A_1260 = arith.constant 208 : index
          %get3A_1261 = tpu.vector_load %arg10[%get3A_1259, %get3A_1260] {strides = array<i32>} : memref<112x256xf32, #tpu.memory_space<vmem>>, vector<16xf32>,
          %add3A_1262 = arith.addf %while3A_1123, %get3A_1261 : vector<16xf32>
          %add3A_1263 = arith.constant 1 : i32
          %add3A_1264 = arith.addi %add3A_1128, %add3A_1263 : i32
          %get3A_1265 = arith.index_cast %add3A_1264 : i32 to index
          %get3A_1266 = arith.constant 208 : index
          %get3A_1267 = tpu.vector_load %arg10[%get3A_1265, %get3A_1266] {strides = array<i32>} : memref<112x256xf32, #tpu.memory_space<vmem>>, vector<16xf32>,
          %add3A_1268 = arith.addf %add3A_1262, %get3A_1267 : vector<16xf32>
          %get3A_1269 = arith.index_cast %add3A_1128 : i32 to index
          %get3A_1270 = arith.constant 224 : index
          %get3A_1271 = tpu.vector_load %arg10[%get3A_1269, %get3A_1270] {strides = array<i32>} : memref<112x256xf32, #tpu.memory_space<vmem>>, vector<16xf32>,
          %add3A_1272 = arith.addf %while3A_1124, %get3A_1271 : vector<16xf32>
          %add3A_1273 = arith.constant 1 : i32
          %add3A_1274 = arith.addi %add3A_1128, %add3A_1273 : i32
          %get3A_1275 = arith.index_cast %add3A_1274 : i32 to index
          %get3A_1276 = arith.constant 224 : index
          %get3A_1277 = tpu.vector_load %arg10[%get3A_1275, %get3A_1276] {strides = array<i32>} : memref<112x256xf32, #tpu.memory_space<vmem>>, vector<16xf32>,
          %add3A_1278 = arith.addf %add3A_1272, %get3A_1277 : vector<16xf32>
          %get3A_1279 = arith.index_cast %add3A_1128 : i32 to index
          %get3A_1280 = arith.constant 240 : index
          %get3A_1281 = tpu.vector_load %arg10[%get3A_1279, %get3A_1280] {strides = array<i32>} : memref<112x256xf32, #tpu.memory_space<vmem>>, vector<16xf32>,
          %add3A_1282 = arith.addf %while3A_1125, %get3A_1281 : vector<16xf32>
          %add3A_1283 = arith.constant 1 : i32
          %add3A_1284 = arith.addi %add3A_1128, %add3A_1283 : i32
          %get3A_1285 = arith.index_cast %add3A_1284 : i32 to index
          %get3A_1286 = arith.constant 240 : index
          %get3A_1287 = tpu.vector_load %arg10[%get3A_1285, %get3A_1286] {strides = array<i32>} : memref<112x256xf32, #tpu.memory_space<vmem>>, vector<16xf32>,
          %add3A_1288 = arith.addf %add3A_1282, %get3A_1287 : vector<16xf32>
          scf.yield %add3A_1138, %add3A_1148, %add3A_1158, %add3A_1168, %add3A_1178, %add3A_1188, %add3A_1198, %add3A_1208, %add3A_1218, %add3A_1228, %add3A_1238, %add3A_1248, %add3A_1258, %add3A_1268, %add3A_1278, %add3A_1288 : vector<16xf32>, vector<16xf32>, vector<16xf32>, vector<16xf32>, vector<16xf32>, vector<16xf32>, vector<16xf32>, vector<16xf32>, vector<16xf32>, vector<16xf32>, vector<16xf32>, vector<16xf32>, vector<16xf32>, vector<16xf32>, vector<16xf32>, vector<16xf32>
        }
        %sub3A_994 = arith.constant 1 : i32
        %sub3A_995 = arith.subi %min3A_956, %sub3A_994 : i32
        %sub3A_996 = arith.subi %sub3A_995, %multiple_of3A_894 : i32
        %max3A_997 = arith.constant 0 : i32
        %max3A_998 = arith.maxsi %sub3A_996, %max3A_997 : i32
        %and3A_999 = arith.constant 1 : i32
        %and3A_1000 = arith.andi %sub3A_958, %and3A_999 : i32
        %eq3A_1001 = arith.constant 1 : i32
        %eq3A_1002 = arith.cmpi eq, %and3A_1000, %eq3A_1001 : i32
        %jit3A_1003 = arith.constant 1.000000e+00 : f32
        %jit3A_1004 = arith.constant 0.000000e+00 : f32
        %select_n3A_1005 = arith.select %eq3A_1002, %jit3A_1003, %jit3A_1004 : f32
        %broadcast_in_dim3A_1006 = vector.broadcast %select_n3A_1005 : f32 to vector<16xf32>
        %get3A_1007 = arith.index_cast %max3A_998 : i32 to index
        %get3A_1008 = arith.constant 0 : index
        %get3A_1009 = tpu.vector_load %arg10[%get3A_1007, %get3A_1008] {strides = array<i32>} : memref<112x256xf32, #tpu.memory_space<vmem>>, vector<16xf32>,
        %mul3A_1010 = arith.mulf %get3A_1009, %broadcast_in_dim3A_1006 : vector<16xf32>
        %add3A_1011 = arith.addf %while3A_993#0, %mul3A_1010 : vector<16xf32>
        %get3A_1012 = arith.index_cast %max3A_998 : i32 to index
        %get3A_1013 = arith.constant 16 : index
        %get3A_1014 = tpu.vector_load %arg10[%get3A_1012, %get3A_1013] {strides = array<i32>} : memref<112x256xf32, #tpu.memory_space<vmem>>, vector<16xf32>,
        %mul3A_1015 = arith.mulf %get3A_1014, %broadcast_in_dim3A_1006 : vector<16xf32>
        %add3A_1016 = arith.addf %while3A_993#1, %mul3A_1015 : vector<16xf32>
        %get3A_1017 = arith.index_cast %max3A_998 : i32 to index
        %get3A_1018 = arith.constant 32 : index
        %get3A_1019 = tpu.vector_load %arg10[%get3A_1017, %get3A_1018] {strides = array<i32>} : memref<112x256xf32, #tpu.memory_space<vmem>>, vector<16xf32>,
        %mul3A_1020 = arith.mulf %get3A_1019, %broadcast_in_dim3A_1006 : vector<16xf32>
        %add3A_1021 = arith.addf %while3A_993#2, %mul3A_1020 : vector<16xf32>
        %get3A_1022 = arith.index_cast %max3A_998 : i32 to index
        %get3A_1023 = arith.constant 48 : index
        %get3A_1024 = tpu.vector_load %arg10[%get3A_1022, %get3A_1023] {strides = array<i32>} : memref<112x256xf32, #tpu.memory_space<vmem>>, vector<16xf32>,
        %mul3A_1025 = arith.mulf %get3A_1024, %broadcast_in_dim3A_1006 : vector<16xf32>
        %add3A_1026 = arith.addf %while3A_993#3, %mul3A_1025 : vector<16xf32>
        %get3A_1027 = arith.index_cast %max3A_998 : i32 to index
        %get3A_1028 = arith.constant 64 : index
        %get3A_1029 = tpu.vector_load %arg10[%get3A_1027, %get3A_1028] {strides = array<i32>} : memref<112x256xf32, #tpu.memory_space<vmem>>, vector<16xf32>,
        %mul3A_1030 = arith.mulf %get3A_1029, %broadcast_in_dim3A_1006 : vector<16xf32>
        %add3A_1031 = arith.addf %while3A_993#4, %mul3A_1030 : vector<16xf32>
        %get3A_1032 = arith.index_cast %max3A_998 : i32 to index
        %get3A_1033 = arith.constant 80 : index
        %get3A_1034 = tpu.vector_load %arg10[%get3A_1032, %get3A_1033] {strides = array<i32>} : memref<112x256xf32, #tpu.memory_space<vmem>>, vector<16xf32>,
        %mul3A_1035 = arith.mulf %get3A_1034, %broadcast_in_dim3A_1006 : vector<16xf32>
        %add3A_1036 = arith.addf %while3A_993#5, %mul3A_1035 : vector<16xf32>
        %get3A_1037 = arith.index_cast %max3A_998 : i32 to index
        %get3A_1038 = arith.constant 96 : index
        %get3A_1039 = tpu.vector_load %arg10[%get3A_1037, %get3A_1038] {strides = array<i32>} : memref<112x256xf32, #tpu.memory_space<vmem>>, vector<16xf32>,
        %mul3A_1040 = arith.mulf %get3A_1039, %broadcast_in_dim3A_1006 : vector<16xf32>
        %add3A_1041 = arith.addf %while3A_993#6, %mul3A_1040 : vector<16xf32>
        %get3A_1042 = arith.index_cast %max3A_998 : i32 to index
        %get3A_1043 = arith.constant 112 : index
        %get3A_1044 = tpu.vector_load %arg10[%get3A_1042, %get3A_1043] {strides = array<i32>} : memref<112x256xf32, #tpu.memory_space<vmem>>, vector<16xf32>,
        %mul3A_1045 = arith.mulf %get3A_1044, %broadcast_in_dim3A_1006 : vector<16xf32>
        %add3A_1046 = arith.addf %while3A_993#7, %mul3A_1045 : vector<16xf32>
        %get3A_1047 = arith.index_cast %max3A_998 : i32 to index
        %get3A_1048 = arith.constant 128 : index
        %get3A_1049 = tpu.vector_load %arg10[%get3A_1047, %get3A_1048] {strides = array<i32>} : memref<112x256xf32, #tpu.memory_space<vmem>>, vector<16xf32>,
        %mul3A_1050 = arith.mulf %get3A_1049, %broadcast_in_dim3A_1006 : vector<16xf32>
        %add3A_1051 = arith.addf %while3A_993#8, %mul3A_1050 : vector<16xf32>
        %get3A_1052 = arith.index_cast %max3A_998 : i32 to index
        %get3A_1053 = arith.constant 144 : index
        %get3A_1054 = tpu.vector_load %arg10[%get3A_1052, %get3A_1053] {strides = array<i32>} : memref<112x256xf32, #tpu.memory_space<vmem>>, vector<16xf32>,
        %mul3A_1055 = arith.mulf %get3A_1054, %broadcast_in_dim3A_1006 : vector<16xf32>
        %add3A_1056 = arith.addf %while3A_993#9, %mul3A_1055 : vector<16xf32>
        %get3A_1057 = arith.index_cast %max3A_998 : i32 to index
        %get3A_1058 = arith.constant 160 : index
        %get3A_1059 = tpu.vector_load %arg10[%get3A_1057, %get3A_1058] {strides = array<i32>} : memref<112x256xf32, #tpu.memory_space<vmem>>, vector<16xf32>,
        %mul3A_1060 = arith.mulf %get3A_1059, %broadcast_in_dim3A_1006 : vector<16xf32>
        %add3A_1061 = arith.addf %while3A_993#10, %mul3A_1060 : vector<16xf32>
        %get3A_1062 = arith.index_cast %max3A_998 : i32 to index
        %get3A_1063 = arith.constant 176 : index
        %get3A_1064 = tpu.vector_load %arg10[%get3A_1062, %get3A_1063] {strides = array<i32>} : memref<112x256xf32, #tpu.memory_space<vmem>>, vector<16xf32>,
        %mul3A_1065 = arith.mulf %get3A_1064, %broadcast_in_dim3A_1006 : vector<16xf32>
        %add3A_1066 = arith.addf %while3A_993#11, %mul3A_1065 : vector<16xf32>
        %get3A_1067 = arith.index_cast %max3A_998 : i32 to index
        %get3A_1068 = arith.constant 192 : index
        %get3A_1069 = tpu.vector_load %arg10[%get3A_1067, %get3A_1068] {strides = array<i32>} : memref<112x256xf32, #tpu.memory_space<vmem>>, vector<16xf32>,
        %mul3A_1070 = arith.mulf %get3A_1069, %broadcast_in_dim3A_1006 : vector<16xf32>
        %add3A_1071 = arith.addf %while3A_993#12, %mul3A_1070 : vector<16xf32>
        %get3A_1072 = arith.index_cast %max3A_998 : i32 to index
        %get3A_1073 = arith.constant 208 : index
        %get3A_1074 = tpu.vector_load %arg10[%get3A_1072, %get3A_1073] {strides = array<i32>} : memref<112x256xf32, #tpu.memory_space<vmem>>, vector<16xf32>,
        %mul3A_1075 = arith.mulf %get3A_1074, %broadcast_in_dim3A_1006 : vector<16xf32>
        %add3A_1076 = arith.addf %while3A_993#13, %mul3A_1075 : vector<16xf32>
        %get3A_1077 = arith.index_cast %max3A_998 : i32 to index
        %get3A_1078 = arith.constant 224 : index
        %get3A_1079 = tpu.vector_load %arg10[%get3A_1077, %get3A_1078] {strides = array<i32>} : memref<112x256xf32, #tpu.memory_space<vmem>>, vector<16xf32>,
        %mul3A_1080 = arith.mulf %get3A_1079, %broadcast_in_dim3A_1006 : vector<16xf32>
        %add3A_1081 = arith.addf %while3A_993#14, %mul3A_1080 : vector<16xf32>
        %get3A_1082 = arith.index_cast %max3A_998 : i32 to index
        %get3A_1083 = arith.constant 240 : index
        %get3A_1084 = tpu.vector_load %arg10[%get3A_1082, %get3A_1083] {strides = array<i32>} : memref<112x256xf32, #tpu.memory_space<vmem>>, vector<16xf32>,
        %mul3A_1085 = arith.mulf %get3A_1084, %broadcast_in_dim3A_1006 : vector<16xf32>
        %add3A_1086 = arith.addf %while3A_993#15, %mul3A_1085 : vector<16xf32>
        %eq3A_1087 = arith.cmpi eq, %min3A_956, %get3A_955 : i32
        %convert_element_type3A_1088 = arith.extui %eq3A_1087 : i1 to i32
        %cond3A_1089 = arith.constant 0 : i32
        %cond3A_1090 = arith.cmpi ne, %convert_element_type3A_1088, %cond3A_1089 : i32
        scf.if %cond3A_1090 {
          %eq3A_1109 = vector.broadcast %while3A_936 : i32 to vector<16xi32>
          %eq3A_1110 = arith.cmpi eq, %iota3A, %eq3A_1109 : vector<16xi32>
          %jit3A_1111 = arith.constant 0 : i32
          %convert_element_type3A_1112 = arith.sitofp %jit3A_1111 : i32 to f32
          %broadcast_in_dim3A_1113 = vector.broadcast %convert_element_type3A_1112 : f32 to vector<16xf32>
          %select_n3A_1114 = arith.select %eq3A_1110, %div3A, %broadcast_in_dim3A_1113 : vector<16xi1>, vector<16xf32>
          %reduce_sum3A_1115 = arith.constant true
          %reduce_sum3A_1116 = vector.broadcast %reduce_sum3A_1115 : i1 to vector<16xi1>
          %reduce_sum3A_1117 = tpu.scan <sum>, %select_n3A_1114 masked %reduce_sum3A_1116 : vector<16xf32>, vector<16xi1> -> vector<16xf32>
          %reduce_sum3A_1118 = vector.extract %reduce_sum3A_1117[15] : f32 from vector<16xf32>
          %broadcast_in_dim3A_1119 = vector.broadcast %reduce_sum3A_1118 : f32 to vector<16xf32>
          %mul3A_1120 = arith.mulf %add3A_1011, %broadcast_in_dim3A_1119 : vector<16xf32>
          %swap3A_1121 = arith.index_cast %while3A_936 : i32 to index
          %swap3A_1122 = arith.constant 0 : index
          %swap3A_1123 = tpu.vector_load %arg12[%swap3A_1121, %swap3A_1122] {strides = array<i32>} : memref<16x256xf32, #tpu.memory_space<vmem>>, vector<16xf32>,
          tpu.vector_store %arg12[%swap3A_1121, %swap3A_1122], %mul3A_1120 {strides = array<i32>} : memref<16x256xf32, #tpu.memory_space<vmem>>, vector<16xf32>,
          %mul3A_1124 = arith.mulf %add3A_1016, %broadcast_in_dim3A_1119 : vector<16xf32>
          %swap3A_1125 = arith.index_cast %while3A_936 : i32 to index
          %swap3A_1126 = arith.constant 16 : index
          %swap3A_1127 = tpu.vector_load %arg12[%swap3A_1125, %swap3A_1126] {strides = array<i32>} : memref<16x256xf32, #tpu.memory_space<vmem>>, vector<16xf32>,
          tpu.vector_store %arg12[%swap3A_1125, %swap3A_1126], %mul3A_1124 {strides = array<i32>} : memref<16x256xf32, #tpu.memory_space<vmem>>, vector<16xf32>,
          %mul3A_1128 = arith.mulf %add3A_1021, %broadcast_in_dim3A_1119 : vector<16xf32>
          %swap3A_1129 = arith.index_cast %while3A_936 : i32 to index
          %swap3A_1130 = arith.constant 32 : index
          %swap3A_1131 = tpu.vector_load %arg12[%swap3A_1129, %swap3A_1130] {strides = array<i32>} : memref<16x256xf32, #tpu.memory_space<vmem>>, vector<16xf32>,
          tpu.vector_store %arg12[%swap3A_1129, %swap3A_1130], %mul3A_1128 {strides = array<i32>} : memref<16x256xf32, #tpu.memory_space<vmem>>, vector<16xf32>,
          %mul3A_1132 = arith.mulf %add3A_1026, %broadcast_in_dim3A_1119 : vector<16xf32>
          %swap3A_1133 = arith.index_cast %while3A_936 : i32 to index
          %swap3A_1134 = arith.constant 48 : index
          %swap3A_1135 = tpu.vector_load %arg12[%swap3A_1133, %swap3A_1134] {strides = array<i32>} : memref<16x256xf32, #tpu.memory_space<vmem>>, vector<16xf32>,
          tpu.vector_store %arg12[%swap3A_1133, %swap3A_1134], %mul3A_1132 {strides = array<i32>} : memref<16x256xf32, #tpu.memory_space<vmem>>, vector<16xf32>,
          %mul3A_1136 = arith.mulf %add3A_1031, %broadcast_in_dim3A_1119 : vector<16xf32>
          %swap3A_1137 = arith.index_cast %while3A_936 : i32 to index
          %swap3A_1138 = arith.constant 64 : index
          %swap3A_1139 = tpu.vector_load %arg12[%swap3A_1137, %swap3A_1138] {strides = array<i32>} : memref<16x256xf32, #tpu.memory_space<vmem>>, vector<16xf32>,
          tpu.vector_store %arg12[%swap3A_1137, %swap3A_1138], %mul3A_1136 {strides = array<i32>} : memref<16x256xf32, #tpu.memory_space<vmem>>, vector<16xf32>,
          %mul3A_1140 = arith.mulf %add3A_1036, %broadcast_in_dim3A_1119 : vector<16xf32>
          %swap3A_1141 = arith.index_cast %while3A_936 : i32 to index
          %swap3A_1142 = arith.constant 80 : index
          %swap3A_1143 = tpu.vector_load %arg12[%swap3A_1141, %swap3A_1142] {strides = array<i32>} : memref<16x256xf32, #tpu.memory_space<vmem>>, vector<16xf32>,
          tpu.vector_store %arg12[%swap3A_1141, %swap3A_1142], %mul3A_1140 {strides = array<i32>} : memref<16x256xf32, #tpu.memory_space<vmem>>, vector<16xf32>,
          %mul3A_1144 = arith.mulf %add3A_1041, %broadcast_in_dim3A_1119 : vector<16xf32>
          %swap3A_1145 = arith.index_cast %while3A_936 : i32 to index
          %swap3A_1146 = arith.constant 96 : index
          %swap3A_1147 = tpu.vector_load %arg12[%swap3A_1145, %swap3A_1146] {strides = array<i32>} : memref<16x256xf32, #tpu.memory_space<vmem>>, vector<16xf32>,
          tpu.vector_store %arg12[%swap3A_1145, %swap3A_1146], %mul3A_1144 {strides = array<i32>} : memref<16x256xf32, #tpu.memory_space<vmem>>, vector<16xf32>,
          %mul3A_1148 = arith.mulf %add3A_1046, %broadcast_in_dim3A_1119 : vector<16xf32>
          %swap3A_1149 = arith.index_cast %while3A_936 : i32 to index
          %swap3A_1150 = arith.constant 112 : index
          %swap3A_1151 = tpu.vector_load %arg12[%swap3A_1149, %swap3A_1150] {strides = array<i32>} : memref<16x256xf32, #tpu.memory_space<vmem>>, vector<16xf32>,
          tpu.vector_store %arg12[%swap3A_1149, %swap3A_1150], %mul3A_1148 {strides = array<i32>} : memref<16x256xf32, #tpu.memory_space<vmem>>, vector<16xf32>,
          %mul3A_1152 = arith.mulf %add3A_1051, %broadcast_in_dim3A_1119 : vector<16xf32>
          %swap3A_1153 = arith.index_cast %while3A_936 : i32 to index
          %swap3A_1154 = arith.constant 128 : index
          %swap3A_1155 = tpu.vector_load %arg12[%swap3A_1153, %swap3A_1154] {strides = array<i32>} : memref<16x256xf32, #tpu.memory_space<vmem>>, vector<16xf32>,
          tpu.vector_store %arg12[%swap3A_1153, %swap3A_1154], %mul3A_1152 {strides = array<i32>} : memref<16x256xf32, #tpu.memory_space<vmem>>, vector<16xf32>,
          %mul3A_1156 = arith.mulf %add3A_1056, %broadcast_in_dim3A_1119 : vector<16xf32>
          %swap3A_1157 = arith.index_cast %while3A_936 : i32 to index
          %swap3A_1158 = arith.constant 144 : index
          %swap3A_1159 = tpu.vector_load %arg12[%swap3A_1157, %swap3A_1158] {strides = array<i32>} : memref<16x256xf32, #tpu.memory_space<vmem>>, vector<16xf32>,
          tpu.vector_store %arg12[%swap3A_1157, %swap3A_1158], %mul3A_1156 {strides = array<i32>} : memref<16x256xf32, #tpu.memory_space<vmem>>, vector<16xf32>,
          %mul3A_1160 = arith.mulf %add3A_1061, %broadcast_in_dim3A_1119 : vector<16xf32>
          %swap3A_1161 = arith.index_cast %while3A_936 : i32 to index
          %swap3A_1162 = arith.constant 160 : index
          %swap3A_1163 = tpu.vector_load %arg12[%swap3A_1161, %swap3A_1162] {strides = array<i32>} : memref<16x256xf32, #tpu.memory_space<vmem>>, vector<16xf32>,
          tpu.vector_store %arg12[%swap3A_1161, %swap3A_1162], %mul3A_1160 {strides = array<i32>} : memref<16x256xf32, #tpu.memory_space<vmem>>, vector<16xf32>,
          %mul3A_1164 = arith.mulf %add3A_1066, %broadcast_in_dim3A_1119 : vector<16xf32>
          %swap3A_1165 = arith.index_cast %while3A_936 : i32 to index
          %swap3A_1166 = arith.constant 176 : index
          %swap3A_1167 = tpu.vector_load %arg12[%swap3A_1165, %swap3A_1166] {strides = array<i32>} : memref<16x256xf32, #tpu.memory_space<vmem>>, vector<16xf32>,
          tpu.vector_store %arg12[%swap3A_1165, %swap3A_1166], %mul3A_1164 {strides = array<i32>} : memref<16x256xf32, #tpu.memory_space<vmem>>, vector<16xf32>,
          %mul3A_1168 = arith.mulf %add3A_1071, %broadcast_in_dim3A_1119 : vector<16xf32>
          %swap3A_1169 = arith.index_cast %while3A_936 : i32 to index
          %swap3A_1170 = arith.constant 192 : index
          %swap3A_1171 = tpu.vector_load %arg12[%swap3A_1169, %swap3A_1170] {strides = array<i32>} : memref<16x256xf32, #tpu.memory_space<vmem>>, vector<16xf32>,
          tpu.vector_store %arg12[%swap3A_1169, %swap3A_1170], %mul3A_1168 {strides = array<i32>} : memref<16x256xf32, #tpu.memory_space<vmem>>, vector<16xf32>,
          %mul3A_1172 = arith.mulf %add3A_1076, %broadcast_in_dim3A_1119 : vector<16xf32>
          %swap3A_1173 = arith.index_cast %while3A_936 : i32 to index
          %swap3A_1174 = arith.constant 208 : index
          %swap3A_1175 = tpu.vector_load %arg12[%swap3A_1173, %swap3A_1174] {strides = array<i32>} : memref<16x256xf32, #tpu.memory_space<vmem>>, vector<16xf32>,
          tpu.vector_store %arg12[%swap3A_1173, %swap3A_1174], %mul3A_1172 {strides = array<i32>} : memref<16x256xf32, #tpu.memory_space<vmem>>, vector<16xf32>,
          %mul3A_1176 = arith.mulf %add3A_1081, %broadcast_in_dim3A_1119 : vector<16xf32>
          %swap3A_1177 = arith.index_cast %while3A_936 : i32 to index
          %swap3A_1178 = arith.constant 224 : index
          %swap3A_1179 = tpu.vector_load %arg12[%swap3A_1177, %swap3A_1178] {strides = array<i32>} : memref<16x256xf32, #tpu.memory_space<vmem>>, vector<16xf32>,
          tpu.vector_store %arg12[%swap3A_1177, %swap3A_1178], %mul3A_1176 {strides = array<i32>} : memref<16x256xf32, #tpu.memory_space<vmem>>, vector<16xf32>,
          %mul3A_1180 = arith.mulf %add3A_1086, %broadcast_in_dim3A_1119 : vector<16xf32>
          %swap3A_1181 = arith.index_cast %while3A_936 : i32 to index
          %swap3A_1182 = arith.constant 240 : index
          %swap3A_1183 = tpu.vector_load %arg12[%swap3A_1181, %swap3A_1182] {strides = array<i32>} : memref<16x256xf32, #tpu.memory_space<vmem>>, vector<16xf32>,
          tpu.vector_store %arg12[%swap3A_1181, %swap3A_1182], %mul3A_1180 {strides = array<i32>} : memref<16x256xf32, #tpu.memory_space<vmem>>, vector<16xf32>,
        } else {
        }
        %select_n3A_1091 = arith.select %eq3A_1087, %broadcast_in_dim3A_806, %add3A_1011 : vector<16xf32>
        %select_n3A_1092 = arith.select %eq3A_1087, %broadcast_in_dim3A_806, %add3A_1016 : vector<16xf32>
        %select_n3A_1093 = arith.select %eq3A_1087, %broadcast_in_dim3A_806, %add3A_1021 : vector<16xf32>
        %select_n3A_1094 = arith.select %eq3A_1087, %broadcast_in_dim3A_806, %add3A_1026 : vector<16xf32>
        %select_n3A_1095 = arith.select %eq3A_1087, %broadcast_in_dim3A_806, %add3A_1031 : vector<16xf32>
        %select_n3A_1096 = arith.select %eq3A_1087, %broadcast_in_dim3A_806, %add3A_1036 : vector<16xf32>
        %select_n3A_1097 = arith.select %eq3A_1087, %broadcast_in_dim3A_806, %add3A_1041 : vector<16xf32>
        %select_n3A_1098 = arith.select %eq3A_1087, %broadcast_in_dim3A_806, %add3A_1046 : vector<16xf32>
        %select_n3A_1099 = arith.select %eq3A_1087, %broadcast_in_dim3A_806, %add3A_1051 : vector<16xf32>
        %select_n3A_1100 = arith.select %eq3A_1087, %broadcast_in_dim3A_806, %add3A_1056 : vector<16xf32>
        %select_n3A_1101 = arith.select %eq3A_1087, %broadcast_in_dim3A_806, %add3A_1061 : vector<16xf32>
        %select_n3A_1102 = arith.select %eq3A_1087, %broadcast_in_dim3A_806, %add3A_1066 : vector<16xf32>
        %select_n3A_1103 = arith.select %eq3A_1087, %broadcast_in_dim3A_806, %add3A_1071 : vector<16xf32>
        %select_n3A_1104 = arith.select %eq3A_1087, %broadcast_in_dim3A_806, %add3A_1076 : vector<16xf32>
        %select_n3A_1105 = arith.select %eq3A_1087, %broadcast_in_dim3A_806, %add3A_1081 : vector<16xf32>
        %select_n3A_1106 = arith.select %eq3A_1087, %broadcast_in_dim3A_806, %add3A_1086 : vector<16xf32>
        %convert_element_type3A_1107 = arith.extui %eq3A_1087 : i1 to i32
        %add3A_1108 = arith.addi %while3A_936, %convert_element_type3A_1107 : i32
        scf.yield %min3A_956, %add3A_1108, %select_n3A_1091, %select_n3A_1092, %select_n3A_1093, %select_n3A_1094, %select_n3A_1095, %select_n3A_1096, %select_n3A_1097, %select_n3A_1098, %select_n3A_1099, %select_n3A_1100, %select_n3A_1101, %select_n3A_1102, %select_n3A_1103, %select_n3A_1104, %select_n3A_1105, %select_n3A_1106 : i32, i32, vector<16xf32>, vector<16xf32>, vector<16xf32>, vector<16xf32>, vector<16xf32>, vector<16xf32>, vector<16xf32>, vector<16xf32>, vector<16xf32>, vector<16xf32>, vector<16xf32>, vector<16xf32>, vector<16xf32>, vector<16xf32>, vector<16xf32>, vector<16xf32>
      }
      %add3A_899 = arith.constant 2 : i32
      %add3A_900 = arith.addi %while3A_811, %add3A_899 : i32
      %add3A_901 = arith.constant 4 : i32
      %add3A_902 = arith.addi %add3A_900, %add3A_901 : i32
      %lt3A_903 = arith.cmpi slt, %add3A_902, %select_n3A_786 : i32
      %convert_element_type3A_904 = arith.extui %lt3A_903 : i1 to i32
      %cond3A_905 = arith.constant 0 : i32
      %cond3A_906 = arith.cmpi ne, %convert_element_type3A_904, %cond3A_905 : i32
      scf.if %cond3A_906 {
        %mul3A_935 = arith.constant 112 : i32
        %mul3A_936 = arith.muli %add3A_902, %mul3A_935 : i32
        %add3A_937 = arith.addi %multiple_of3A_757, %mul3A_936 : i32
        %min3A_938 = arith.constant 49888 : i32
        %min3A_939 = arith.minsi %add3A_937, %min3A_938 : i32
        %multiple_of3A_940 = tpu.assume_multiple %min3A_939, 8 : i32
        %dma_start3A_941 = arith.constant 0 : i32
        %dma_start3A_942 = tpu.memref_slice %arg2[%multiple_of3A_940, %dma_start3A_941] : memref<50000x256xf32, #tpu.memory_space<hbm>> -> memref<112x256xf32, #tpu.memory_space<hbm>>
        %dma_start3A_943 = arith.constant 0 : i32
        %dma_start3A_944 = tpu.memref_slice %arg2[%multiple_of3A_940, %dma_start3A_943] : memref<50000x256xf32, #tpu.memory_space<hbm>> -> memref<112x256xf32, #tpu.memory_space<hbm>>
        tpu.enqueue_dma source(%dma_start3A_944 : memref<112x256xf32, #tpu.memory_space<hbm>>) target(%arg10 : memref<112x256xf32, #tpu.memory_space<vmem>>) target_semaphore(%arg16 : memref<!tpu.dma_semaphore, #tpu.memory_space<semaphore_mem>>)
      } else {
      }
      %add3A_907 = arith.constant 3 : i32
      %add3A_908 = arith.addi %while3A_811, %add3A_907 : i32
      %lt3A_909 = arith.cmpi slt, %add3A_908, %select_n3A_786 : i32
      %convert_element_type3A_910 = arith.extui %lt3A_909 : i1 to i32
      %cond3A_911 = arith.constant 0 : i32
      %cond3A_912 = arith.cmpi ne, %convert_element_type3A_910, %cond3A_911 : i32
      scf.if %cond3A_912 {
        %dma_wait3A_935 = arith.constant 0 : i32
        %dma_wait3A_936 = arith.constant 0 : i32
        %dma_wait3A_937 = tpu.memref_slice %arg2[%dma_wait3A_935, %dma_wait3A_936] : memref<50000x256xf32, #tpu.memory_space<hbm>> -> memref<112x256xf32, #tpu.memory_space<hbm>>
        %dma_wait3A_938 = arith.constant 0 : i32
        %dma_wait3A_939 = arith.constant 0 : i32
        %dma_wait3A_940 = tpu.memref_slice %arg2[%dma_wait3A_938, %dma_wait3A_939] : memref<50000x256xf32, #tpu.memory_space<hbm>> -> memref<112x256xf32, #tpu.memory_space<hbm>>
        tpu.wait_dma2 semaphore(%arg17 : memref<!tpu.dma_semaphore, #tpu.memory_space<semaphore_mem>>) src(%dma_wait3A_940 : memref<112x256xf32, #tpu.memory_space<hbm>>) dst(%arg11 : memref<112x256xf32, #tpu.memory_space<vmem>>)
      } else {
      }
      %add3A_913 = arith.constant 3 : i32
      %add3A_914 = arith.addi %while3A_811, %add3A_913 : i32
      %mul3A_915 = arith.constant 112 : i32
      %mul3A_916 = arith.muli %add3A_914, %mul3A_915 : i32
      %add3A_917 = arith.addi %multiple_of3A_757, %mul3A_916 : i32
      %min3A_918 = arith.constant 49888 : i32
      %min3A_919 = arith.minsi %add3A_917, %min3A_918 : i32
      %multiple_of3A_920 = tpu.assume_multiple %min3A_919, 8 : i32
      %add3A_921 = arith.constant 112 : i32
      %add3A_922 = arith.addi %multiple_of3A_920, %add3A_921 : i32
      %min3A_923 = arith.minsi %reduce_sum3A_522, %add3A_922 : i32
      %while3A_924:18 = scf.while (%while3A_935 = %while3A_898#0, %while3A_936 = %while3A_898#1, %while3A_937 = %while3A_898#2, %while3A_938 = %while3A_898#3, %while3A_939 = %while3A_898#4, %while3A_940 = %while3A_898#5, %while3A_941 = %while3A_898#6, %while3A_942 = %while3A_898#7, %while3A_943 = %while3A_898#8, %while3A_944 = %while3A_898#9, %while3A_945 = %while3A_898#10, %while3A_946 = %while3A_898#11, %while3A_947 = %while3A_898#12, %while3A_948 = %while3A_898#13, %while3A_949 = %while3A_898#14, %while3A_950 = %while3A_898#15, %while3A_951 = %while3A_898#16, %while3A_952 = %while3A_898#17) : (i32, i32, vector<16xf32>, vector<16xf32>, vector<16xf32>, vector<16xf32>, vector<16xf32>, vector<16xf32>, vector<16xf32>, vector<16xf32>, vector<16xf32>, vector<16xf32>, vector<16xf32>, vector<16xf32>, vector<16xf32>, vector<16xf32>, vector<16xf32>, vector<16xf32>) -> (i32, i32, vector<16xf32>, vector<16xf32>, vector<16xf32>, vector<16xf32>, vector<16xf32>, vector<16xf32>, vector<16xf32>, vector<16xf32>, vector<16xf32>, vector<16xf32>, vector<16xf32>, vector<16xf32>, vector<16xf32>, vector<16xf32>, vector<16xf32>, vector<16xf32>) {
        %lt3A_953 = arith.cmpi slt, %while3A_935, %min3A_923 : i32
        scf.condition(%lt3A_953) %while3A_935, %while3A_936, %while3A_937, %while3A_938, %while3A_939, %while3A_940, %while3A_941, %while3A_942, %while3A_943, %while3A_944, %while3A_945, %while3A_946, %while3A_947, %while3A_948, %while3A_949, %while3A_950, %while3A_951, %while3A_952 : i32, i32, vector<16xf32>, vector<16xf32>, vector<16xf32>, vector<16xf32>, vector<16xf32>, vector<16xf32>, vector<16xf32>, vector<16xf32>, vector<16xf32>, vector<16xf32>, vector<16xf32>, vector<16xf32>, vector<16xf32>, vector<16xf32>, vector<16xf32>, vector<16xf32>
      } do {
      ^bb0(%while3A_935: i32, %while3A_936: i32, %while3A_937: vector<16xf32>, %while3A_938: vector<16xf32>, %while3A_939: vector<16xf32>, %while3A_940: vector<16xf32>, %while3A_941: vector<16xf32>, %while3A_942: vector<16xf32>, %while3A_943: vector<16xf32>, %while3A_944: vector<16xf32>, %while3A_945: vector<16xf32>, %while3A_946: vector<16xf32>, %while3A_947: vector<16xf32>, %while3A_948: vector<16xf32>, %while3A_949: vector<16xf32>, %while3A_950: vector<16xf32>, %while3A_951: vector<16xf32>, %while3A_952: vector<16xf32>):
        %add3A_953 = arith.constant 1 : i32
        %add3A_954 = arith.addi %while3A_936, %add3A_953 : i32
        %get3A = arith.index_cast %add3A_954 : i32 to index
        %get3A_955 = memref.load %arg13[%get3A] : memref<17xi32, #tpu.memory_space<smem>>
        %min3A_956 = arith.minsi %get3A_955, %min3A_923 : i32
        %sub3A_957 = arith.subi %while3A_935, %multiple_of3A_920 : i32
        %sub3A_958 = arith.subi %min3A_956, %while3A_935 : i32
        %jit3A_959 = arith.constant 2 : i32
        %div3A_960 = arith.divsi %sub3A_958, %jit3A_959 : i32
        %sign3A_961 = arith.constant 0 : i32
        %sign3A_962 = arith.cmpi sgt, %sub3A_958, %sign3A_961 : i32
        %sign3A_963 = arith.extui %sign3A_962 : i1 to i32
        %sign3A_964 = arith.constant 0 : i32
        %sign3A_965 = arith.cmpi slt, %sub3A_958, %sign3A_964 : i32
        %sign3A_966 = arith.extui %sign3A_965 : i1 to i32
        %sign3A_967 = arith.subi %sign3A_963, %sign3A_966 : i32
        %sign3A_968 = arith.constant 0 : i32
        %sign3A_969 = arith.cmpi sgt, %jit3A_959, %sign3A_968 : i32
        %sign3A_970 = arith.extui %sign3A_969 : i1 to i32
        %sign3A_971 = arith.constant 0 : i32
        %sign3A_972 = arith.cmpi slt, %jit3A_959, %sign3A_971 : i32
        %sign3A_973 = arith.extui %sign3A_972 : i1 to i32
        %sign3A_974 = arith.subi %sign3A_970, %sign3A_973 : i32
        %ne3A_975 = arith.cmpi ne, %sign3A_967, %sign3A_974 : i32
        %rem3A_976 = arith.remsi %sub3A_958, %jit3A_959 : i32
        %ne3A_977 = arith.constant 0 : i32
        %ne3A_978 = arith.cmpi ne, %rem3A_976, %ne3A_977 : i32
        %and3A_979 = arith.andi %ne3A_975, %ne3A_978 : i1
        %sub3A_980 = arith.constant 1 : i32
        %sub3A_981 = arith.subi %div3A_960, %sub3A_980 : i32
        %select_n3A_982 = arith.select %and3A_979, %sub3A_981, %div3A_960 : i32
        %while3A_983 = arith.constant 0 : i32
        %while3A_984 = arith.subi %select_n3A_982, %while3A_983 : i32
        %while3A_985 = arith.addi %while3A_983, %while3A_984 : i32
        %while3A_986 = arith.constant 1 : i32
        %while3A_987 = arith.divsi %while3A_984, %while3A_986 : i32
        %while3A_988 = arith.muli %while3A_987, %while3A_986 : i32
        %while3A_989 = arith.addi %while3A_983, %while3A_988 : i32
        %while3A_990 = arith.constant 1 : i32
        %while3A_991:16 = scf.for %while3A_1109 = %while3A_983 to %while3A_989 step %while3A_990 iter_args(%while3A_1110 = %while3A_937, %while3A_1111 = %while3A_938, %while3A_1112 = %while3A_939, %while3A_1113 = %while3A_940, %while3A_1114 = %while3A_941, %while3A_1115 = %while3A_942, %while3A_1116 = %while3A_943, %while3A_1117 = %while3A_944, %while3A_1118 = %while3A_945, %while3A_1119 = %while3A_946, %while3A_1120 = %while3A_947, %while3A_1121 = %while3A_948, %while3A_1122 = %while3A_949, %while3A_1123 = %while3A_950, %while3A_1124 = %while3A_951, %while3A_1125 = %while3A_952) -> (vector<16xf32>, vector<16xf32>, vector<16xf32>, vector<16xf32>, vector<16xf32>, vector<16xf32>, vector<16xf32>, vector<16xf32>, vector<16xf32>, vector<16xf32>, vector<16xf32>, vector<16xf32>, vector<16xf32>, vector<16xf32>, vector<16xf32>, vector<16xf32>)  : i32 {
          %mul3A_1126 = arith.constant 2 : i32
          %mul3A_1127 = arith.muli %mul3A_1126, %while3A_1109 : i32
          %add3A_1128 = arith.addi %sub3A_957, %mul3A_1127 : i32
          %get3A_1129 = arith.index_cast %add3A_1128 : i32 to index
          %get3A_1130 = arith.constant 0 : index
          %get3A_1131 = tpu.vector_load %arg11[%get3A_1129, %get3A_1130] {strides = array<i32>} : memref<112x256xf32, #tpu.memory_space<vmem>>, vector<16xf32>,
          %add3A_1132 = arith.addf %while3A_1110, %get3A_1131 : vector<16xf32>
          %add3A_1133 = arith.constant 1 : i32
          %add3A_1134 = arith.addi %add3A_1128, %add3A_1133 : i32
          %get3A_1135 = arith.index_cast %add3A_1134 : i32 to index
          %get3A_1136 = arith.constant 0 : index
          %get3A_1137 = tpu.vector_load %arg11[%get3A_1135, %get3A_1136] {strides = array<i32>} : memref<112x256xf32, #tpu.memory_space<vmem>>, vector<16xf32>,
          %add3A_1138 = arith.addf %add3A_1132, %get3A_1137 : vector<16xf32>
          %get3A_1139 = arith.index_cast %add3A_1128 : i32 to index
          %get3A_1140 = arith.constant 16 : index
          %get3A_1141 = tpu.vector_load %arg11[%get3A_1139, %get3A_1140] {strides = array<i32>} : memref<112x256xf32, #tpu.memory_space<vmem>>, vector<16xf32>,
          %add3A_1142 = arith.addf %while3A_1111, %get3A_1141 : vector<16xf32>
          %add3A_1143 = arith.constant 1 : i32
          %add3A_1144 = arith.addi %add3A_1128, %add3A_1143 : i32
          %get3A_1145 = arith.index_cast %add3A_1144 : i32 to index
          %get3A_1146 = arith.constant 16 : index
          %get3A_1147 = tpu.vector_load %arg11[%get3A_1145, %get3A_1146] {strides = array<i32>} : memref<112x256xf32, #tpu.memory_space<vmem>>, vector<16xf32>,
          %add3A_1148 = arith.addf %add3A_1142, %get3A_1147 : vector<16xf32>
          %get3A_1149 = arith.index_cast %add3A_1128 : i32 to index
          %get3A_1150 = arith.constant 32 : index
          %get3A_1151 = tpu.vector_load %arg11[%get3A_1149, %get3A_1150] {strides = array<i32>} : memref<112x256xf32, #tpu.memory_space<vmem>>, vector<16xf32>,
          %add3A_1152 = arith.addf %while3A_1112, %get3A_1151 : vector<16xf32>
          %add3A_1153 = arith.constant 1 : i32
          %add3A_1154 = arith.addi %add3A_1128, %add3A_1153 : i32
          %get3A_1155 = arith.index_cast %add3A_1154 : i32 to index
          %get3A_1156 = arith.constant 32 : index
          %get3A_1157 = tpu.vector_load %arg11[%get3A_1155, %get3A_1156] {strides = array<i32>} : memref<112x256xf32, #tpu.memory_space<vmem>>, vector<16xf32>,
          %add3A_1158 = arith.addf %add3A_1152, %get3A_1157 : vector<16xf32>
          %get3A_1159 = arith.index_cast %add3A_1128 : i32 to index
          %get3A_1160 = arith.constant 48 : index
          %get3A_1161 = tpu.vector_load %arg11[%get3A_1159, %get3A_1160] {strides = array<i32>} : memref<112x256xf32, #tpu.memory_space<vmem>>, vector<16xf32>,
          %add3A_1162 = arith.addf %while3A_1113, %get3A_1161 : vector<16xf32>
          %add3A_1163 = arith.constant 1 : i32
          %add3A_1164 = arith.addi %add3A_1128, %add3A_1163 : i32
          %get3A_1165 = arith.index_cast %add3A_1164 : i32 to index
          %get3A_1166 = arith.constant 48 : index
          %get3A_1167 = tpu.vector_load %arg11[%get3A_1165, %get3A_1166] {strides = array<i32>} : memref<112x256xf32, #tpu.memory_space<vmem>>, vector<16xf32>,
          %add3A_1168 = arith.addf %add3A_1162, %get3A_1167 : vector<16xf32>
          %get3A_1169 = arith.index_cast %add3A_1128 : i32 to index
          %get3A_1170 = arith.constant 64 : index
          %get3A_1171 = tpu.vector_load %arg11[%get3A_1169, %get3A_1170] {strides = array<i32>} : memref<112x256xf32, #tpu.memory_space<vmem>>, vector<16xf32>,
          %add3A_1172 = arith.addf %while3A_1114, %get3A_1171 : vector<16xf32>
          %add3A_1173 = arith.constant 1 : i32
          %add3A_1174 = arith.addi %add3A_1128, %add3A_1173 : i32
          %get3A_1175 = arith.index_cast %add3A_1174 : i32 to index
          %get3A_1176 = arith.constant 64 : index
          %get3A_1177 = tpu.vector_load %arg11[%get3A_1175, %get3A_1176] {strides = array<i32>} : memref<112x256xf32, #tpu.memory_space<vmem>>, vector<16xf32>,
          %add3A_1178 = arith.addf %add3A_1172, %get3A_1177 : vector<16xf32>
          %get3A_1179 = arith.index_cast %add3A_1128 : i32 to index
          %get3A_1180 = arith.constant 80 : index
          %get3A_1181 = tpu.vector_load %arg11[%get3A_1179, %get3A_1180] {strides = array<i32>} : memref<112x256xf32, #tpu.memory_space<vmem>>, vector<16xf32>,
          %add3A_1182 = arith.addf %while3A_1115, %get3A_1181 : vector<16xf32>
          %add3A_1183 = arith.constant 1 : i32
          %add3A_1184 = arith.addi %add3A_1128, %add3A_1183 : i32
          %get3A_1185 = arith.index_cast %add3A_1184 : i32 to index
          %get3A_1186 = arith.constant 80 : index
          %get3A_1187 = tpu.vector_load %arg11[%get3A_1185, %get3A_1186] {strides = array<i32>} : memref<112x256xf32, #tpu.memory_space<vmem>>, vector<16xf32>,
          %add3A_1188 = arith.addf %add3A_1182, %get3A_1187 : vector<16xf32>
          %get3A_1189 = arith.index_cast %add3A_1128 : i32 to index
          %get3A_1190 = arith.constant 96 : index
          %get3A_1191 = tpu.vector_load %arg11[%get3A_1189, %get3A_1190] {strides = array<i32>} : memref<112x256xf32, #tpu.memory_space<vmem>>, vector<16xf32>,
          %add3A_1192 = arith.addf %while3A_1116, %get3A_1191 : vector<16xf32>
          %add3A_1193 = arith.constant 1 : i32
          %add3A_1194 = arith.addi %add3A_1128, %add3A_1193 : i32
          %get3A_1195 = arith.index_cast %add3A_1194 : i32 to index
          %get3A_1196 = arith.constant 96 : index
          %get3A_1197 = tpu.vector_load %arg11[%get3A_1195, %get3A_1196] {strides = array<i32>} : memref<112x256xf32, #tpu.memory_space<vmem>>, vector<16xf32>,
          %add3A_1198 = arith.addf %add3A_1192, %get3A_1197 : vector<16xf32>
          %get3A_1199 = arith.index_cast %add3A_1128 : i32 to index
          %get3A_1200 = arith.constant 112 : index
          %get3A_1201 = tpu.vector_load %arg11[%get3A_1199, %get3A_1200] {strides = array<i32>} : memref<112x256xf32, #tpu.memory_space<vmem>>, vector<16xf32>,
          %add3A_1202 = arith.addf %while3A_1117, %get3A_1201 : vector<16xf32>
          %add3A_1203 = arith.constant 1 : i32
          %add3A_1204 = arith.addi %add3A_1128, %add3A_1203 : i32
          %get3A_1205 = arith.index_cast %add3A_1204 : i32 to index
          %get3A_1206 = arith.constant 112 : index
          %get3A_1207 = tpu.vector_load %arg11[%get3A_1205, %get3A_1206] {strides = array<i32>} : memref<112x256xf32, #tpu.memory_space<vmem>>, vector<16xf32>,
          %add3A_1208 = arith.addf %add3A_1202, %get3A_1207 : vector<16xf32>
          %get3A_1209 = arith.index_cast %add3A_1128 : i32 to index
          %get3A_1210 = arith.constant 128 : index
          %get3A_1211 = tpu.vector_load %arg11[%get3A_1209, %get3A_1210] {strides = array<i32>} : memref<112x256xf32, #tpu.memory_space<vmem>>, vector<16xf32>,
          %add3A_1212 = arith.addf %while3A_1118, %get3A_1211 : vector<16xf32>
          %add3A_1213 = arith.constant 1 : i32
          %add3A_1214 = arith.addi %add3A_1128, %add3A_1213 : i32
          %get3A_1215 = arith.index_cast %add3A_1214 : i32 to index
          %get3A_1216 = arith.constant 128 : index
          %get3A_1217 = tpu.vector_load %arg11[%get3A_1215, %get3A_1216] {strides = array<i32>} : memref<112x256xf32, #tpu.memory_space<vmem>>, vector<16xf32>,
          %add3A_1218 = arith.addf %add3A_1212, %get3A_1217 : vector<16xf32>
          %get3A_1219 = arith.index_cast %add3A_1128 : i32 to index
          %get3A_1220 = arith.constant 144 : index
          %get3A_1221 = tpu.vector_load %arg11[%get3A_1219, %get3A_1220] {strides = array<i32>} : memref<112x256xf32, #tpu.memory_space<vmem>>, vector<16xf32>,
          %add3A_1222 = arith.addf %while3A_1119, %get3A_1221 : vector<16xf32>
          %add3A_1223 = arith.constant 1 : i32
          %add3A_1224 = arith.addi %add3A_1128, %add3A_1223 : i32
          %get3A_1225 = arith.index_cast %add3A_1224 : i32 to index
          %get3A_1226 = arith.constant 144 : index
          %get3A_1227 = tpu.vector_load %arg11[%get3A_1225, %get3A_1226] {strides = array<i32>} : memref<112x256xf32, #tpu.memory_space<vmem>>, vector<16xf32>,
          %add3A_1228 = arith.addf %add3A_1222, %get3A_1227 : vector<16xf32>
          %get3A_1229 = arith.index_cast %add3A_1128 : i32 to index
          %get3A_1230 = arith.constant 160 : index
          %get3A_1231 = tpu.vector_load %arg11[%get3A_1229, %get3A_1230] {strides = array<i32>} : memref<112x256xf32, #tpu.memory_space<vmem>>, vector<16xf32>,
          %add3A_1232 = arith.addf %while3A_1120, %get3A_1231 : vector<16xf32>
          %add3A_1233 = arith.constant 1 : i32
          %add3A_1234 = arith.addi %add3A_1128, %add3A_1233 : i32
          %get3A_1235 = arith.index_cast %add3A_1234 : i32 to index
          %get3A_1236 = arith.constant 160 : index
          %get3A_1237 = tpu.vector_load %arg11[%get3A_1235, %get3A_1236] {strides = array<i32>} : memref<112x256xf32, #tpu.memory_space<vmem>>, vector<16xf32>,
          %add3A_1238 = arith.addf %add3A_1232, %get3A_1237 : vector<16xf32>
          %get3A_1239 = arith.index_cast %add3A_1128 : i32 to index
          %get3A_1240 = arith.constant 176 : index
          %get3A_1241 = tpu.vector_load %arg11[%get3A_1239, %get3A_1240] {strides = array<i32>} : memref<112x256xf32, #tpu.memory_space<vmem>>, vector<16xf32>,
          %add3A_1242 = arith.addf %while3A_1121, %get3A_1241 : vector<16xf32>
          %add3A_1243 = arith.constant 1 : i32
          %add3A_1244 = arith.addi %add3A_1128, %add3A_1243 : i32
          %get3A_1245 = arith.index_cast %add3A_1244 : i32 to index
          %get3A_1246 = arith.constant 176 : index
          %get3A_1247 = tpu.vector_load %arg11[%get3A_1245, %get3A_1246] {strides = array<i32>} : memref<112x256xf32, #tpu.memory_space<vmem>>, vector<16xf32>,
          %add3A_1248 = arith.addf %add3A_1242, %get3A_1247 : vector<16xf32>
          %get3A_1249 = arith.index_cast %add3A_1128 : i32 to index
          %get3A_1250 = arith.constant 192 : index
          %get3A_1251 = tpu.vector_load %arg11[%get3A_1249, %get3A_1250] {strides = array<i32>} : memref<112x256xf32, #tpu.memory_space<vmem>>, vector<16xf32>,
          %add3A_1252 = arith.addf %while3A_1122, %get3A_1251 : vector<16xf32>
          %add3A_1253 = arith.constant 1 : i32
          %add3A_1254 = arith.addi %add3A_1128, %add3A_1253 : i32
          %get3A_1255 = arith.index_cast %add3A_1254 : i32 to index
          %get3A_1256 = arith.constant 192 : index
          %get3A_1257 = tpu.vector_load %arg11[%get3A_1255, %get3A_1256] {strides = array<i32>} : memref<112x256xf32, #tpu.memory_space<vmem>>, vector<16xf32>,
          %add3A_1258 = arith.addf %add3A_1252, %get3A_1257 : vector<16xf32>
          %get3A_1259 = arith.index_cast %add3A_1128 : i32 to index
          %get3A_1260 = arith.constant 208 : index
          %get3A_1261 = tpu.vector_load %arg11[%get3A_1259, %get3A_1260] {strides = array<i32>} : memref<112x256xf32, #tpu.memory_space<vmem>>, vector<16xf32>,
          %add3A_1262 = arith.addf %while3A_1123, %get3A_1261 : vector<16xf32>
          %add3A_1263 = arith.constant 1 : i32
          %add3A_1264 = arith.addi %add3A_1128, %add3A_1263 : i32
          %get3A_1265 = arith.index_cast %add3A_1264 : i32 to index
          %get3A_1266 = arith.constant 208 : index
          %get3A_1267 = tpu.vector_load %arg11[%get3A_1265, %get3A_1266] {strides = array<i32>} : memref<112x256xf32, #tpu.memory_space<vmem>>, vector<16xf32>,
          %add3A_1268 = arith.addf %add3A_1262, %get3A_1267 : vector<16xf32>
          %get3A_1269 = arith.index_cast %add3A_1128 : i32 to index
          %get3A_1270 = arith.constant 224 : index
          %get3A_1271 = tpu.vector_load %arg11[%get3A_1269, %get3A_1270] {strides = array<i32>} : memref<112x256xf32, #tpu.memory_space<vmem>>, vector<16xf32>,
          %add3A_1272 = arith.addf %while3A_1124, %get3A_1271 : vector<16xf32>
          %add3A_1273 = arith.constant 1 : i32
          %add3A_1274 = arith.addi %add3A_1128, %add3A_1273 : i32
          %get3A_1275 = arith.index_cast %add3A_1274 : i32 to index
          %get3A_1276 = arith.constant 224 : index
          %get3A_1277 = tpu.vector_load %arg11[%get3A_1275, %get3A_1276] {strides = array<i32>} : memref<112x256xf32, #tpu.memory_space<vmem>>, vector<16xf32>,
          %add3A_1278 = arith.addf %add3A_1272, %get3A_1277 : vector<16xf32>
          %get3A_1279 = arith.index_cast %add3A_1128 : i32 to index
          %get3A_1280 = arith.constant 240 : index
          %get3A_1281 = tpu.vector_load %arg11[%get3A_1279, %get3A_1280] {strides = array<i32>} : memref<112x256xf32, #tpu.memory_space<vmem>>, vector<16xf32>,
          %add3A_1282 = arith.addf %while3A_1125, %get3A_1281 : vector<16xf32>
          %add3A_1283 = arith.constant 1 : i32
          %add3A_1284 = arith.addi %add3A_1128, %add3A_1283 : i32
          %get3A_1285 = arith.index_cast %add3A_1284 : i32 to index
          %get3A_1286 = arith.constant 240 : index
          %get3A_1287 = tpu.vector_load %arg11[%get3A_1285, %get3A_1286] {strides = array<i32>} : memref<112x256xf32, #tpu.memory_space<vmem>>, vector<16xf32>,
          %add3A_1288 = arith.addf %add3A_1282, %get3A_1287 : vector<16xf32>
          scf.yield %add3A_1138, %add3A_1148, %add3A_1158, %add3A_1168, %add3A_1178, %add3A_1188, %add3A_1198, %add3A_1208, %add3A_1218, %add3A_1228, %add3A_1238, %add3A_1248, %add3A_1258, %add3A_1268, %add3A_1278, %add3A_1288 : vector<16xf32>, vector<16xf32>, vector<16xf32>, vector<16xf32>, vector<16xf32>, vector<16xf32>, vector<16xf32>, vector<16xf32>, vector<16xf32>, vector<16xf32>, vector<16xf32>, vector<16xf32>, vector<16xf32>, vector<16xf32>, vector<16xf32>, vector<16xf32>
        }
        %while3A_992 = arith.constant 1 : i32
        %while3A_993:16 = scf.for %while3A_1109 = %while3A_989 to %while3A_985 step %while3A_992 iter_args(%while3A_1110 = %while3A_991#0, %while3A_1111 = %while3A_991#1, %while3A_1112 = %while3A_991#2, %while3A_1113 = %while3A_991#3, %while3A_1114 = %while3A_991#4, %while3A_1115 = %while3A_991#5, %while3A_1116 = %while3A_991#6, %while3A_1117 = %while3A_991#7, %while3A_1118 = %while3A_991#8, %while3A_1119 = %while3A_991#9, %while3A_1120 = %while3A_991#10, %while3A_1121 = %while3A_991#11, %while3A_1122 = %while3A_991#12, %while3A_1123 = %while3A_991#13, %while3A_1124 = %while3A_991#14, %while3A_1125 = %while3A_991#15) -> (vector<16xf32>, vector<16xf32>, vector<16xf32>, vector<16xf32>, vector<16xf32>, vector<16xf32>, vector<16xf32>, vector<16xf32>, vector<16xf32>, vector<16xf32>, vector<16xf32>, vector<16xf32>, vector<16xf32>, vector<16xf32>, vector<16xf32>, vector<16xf32>)  : i32 {
          %mul3A_1126 = arith.constant 2 : i32
          %mul3A_1127 = arith.muli %mul3A_1126, %while3A_1109 : i32
          %add3A_1128 = arith.addi %sub3A_957, %mul3A_1127 : i32
          %get3A_1129 = arith.index_cast %add3A_1128 : i32 to index
          %get3A_1130 = arith.constant 0 : index
          %get3A_1131 = tpu.vector_load %arg11[%get3A_1129, %get3A_1130] {strides = array<i32>} : memref<112x256xf32, #tpu.memory_space<vmem>>, vector<16xf32>,
          %add3A_1132 = arith.addf %while3A_1110, %get3A_1131 : vector<16xf32>
          %add3A_1133 = arith.constant 1 : i32
          %add3A_1134 = arith.addi %add3A_1128, %add3A_1133 : i32
          %get3A_1135 = arith.index_cast %add3A_1134 : i32 to index
          %get3A_1136 = arith.constant 0 : index
          %get3A_1137 = tpu.vector_load %arg11[%get3A_1135, %get3A_1136] {strides = array<i32>} : memref<112x256xf32, #tpu.memory_space<vmem>>, vector<16xf32>,
          %add3A_1138 = arith.addf %add3A_1132, %get3A_1137 : vector<16xf32>
          %get3A_1139 = arith.index_cast %add3A_1128 : i32 to index
          %get3A_1140 = arith.constant 16 : index
          %get3A_1141 = tpu.vector_load %arg11[%get3A_1139, %get3A_1140] {strides = array<i32>} : memref<112x256xf32, #tpu.memory_space<vmem>>, vector<16xf32>,
          %add3A_1142 = arith.addf %while3A_1111, %get3A_1141 : vector<16xf32>
          %add3A_1143 = arith.constant 1 : i32
          %add3A_1144 = arith.addi %add3A_1128, %add3A_1143 : i32
          %get3A_1145 = arith.index_cast %add3A_1144 : i32 to index
          %get3A_1146 = arith.constant 16 : index
          %get3A_1147 = tpu.vector_load %arg11[%get3A_1145, %get3A_1146] {strides = array<i32>} : memref<112x256xf32, #tpu.memory_space<vmem>>, vector<16xf32>,
          %add3A_1148 = arith.addf %add3A_1142, %get3A_1147 : vector<16xf32>
          %get3A_1149 = arith.index_cast %add3A_1128 : i32 to index
          %get3A_1150 = arith.constant 32 : index
          %get3A_1151 = tpu.vector_load %arg11[%get3A_1149, %get3A_1150] {strides = array<i32>} : memref<112x256xf32, #tpu.memory_space<vmem>>, vector<16xf32>,
          %add3A_1152 = arith.addf %while3A_1112, %get3A_1151 : vector<16xf32>
          %add3A_1153 = arith.constant 1 : i32
          %add3A_1154 = arith.addi %add3A_1128, %add3A_1153 : i32
          %get3A_1155 = arith.index_cast %add3A_1154 : i32 to index
          %get3A_1156 = arith.constant 32 : index
          %get3A_1157 = tpu.vector_load %arg11[%get3A_1155, %get3A_1156] {strides = array<i32>} : memref<112x256xf32, #tpu.memory_space<vmem>>, vector<16xf32>,
          %add3A_1158 = arith.addf %add3A_1152, %get3A_1157 : vector<16xf32>
          %get3A_1159 = arith.index_cast %add3A_1128 : i32 to index
          %get3A_1160 = arith.constant 48 : index
          %get3A_1161 = tpu.vector_load %arg11[%get3A_1159, %get3A_1160] {strides = array<i32>} : memref<112x256xf32, #tpu.memory_space<vmem>>, vector<16xf32>,
          %add3A_1162 = arith.addf %while3A_1113, %get3A_1161 : vector<16xf32>
          %add3A_1163 = arith.constant 1 : i32
          %add3A_1164 = arith.addi %add3A_1128, %add3A_1163 : i32
          %get3A_1165 = arith.index_cast %add3A_1164 : i32 to index
          %get3A_1166 = arith.constant 48 : index
          %get3A_1167 = tpu.vector_load %arg11[%get3A_1165, %get3A_1166] {strides = array<i32>} : memref<112x256xf32, #tpu.memory_space<vmem>>, vector<16xf32>,
          %add3A_1168 = arith.addf %add3A_1162, %get3A_1167 : vector<16xf32>
          %get3A_1169 = arith.index_cast %add3A_1128 : i32 to index
          %get3A_1170 = arith.constant 64 : index
          %get3A_1171 = tpu.vector_load %arg11[%get3A_1169, %get3A_1170] {strides = array<i32>} : memref<112x256xf32, #tpu.memory_space<vmem>>, vector<16xf32>,
          %add3A_1172 = arith.addf %while3A_1114, %get3A_1171 : vector<16xf32>
          %add3A_1173 = arith.constant 1 : i32
          %add3A_1174 = arith.addi %add3A_1128, %add3A_1173 : i32
          %get3A_1175 = arith.index_cast %add3A_1174 : i32 to index
          %get3A_1176 = arith.constant 64 : index
          %get3A_1177 = tpu.vector_load %arg11[%get3A_1175, %get3A_1176] {strides = array<i32>} : memref<112x256xf32, #tpu.memory_space<vmem>>, vector<16xf32>,
          %add3A_1178 = arith.addf %add3A_1172, %get3A_1177 : vector<16xf32>
          %get3A_1179 = arith.index_cast %add3A_1128 : i32 to index
          %get3A_1180 = arith.constant 80 : index
          %get3A_1181 = tpu.vector_load %arg11[%get3A_1179, %get3A_1180] {strides = array<i32>} : memref<112x256xf32, #tpu.memory_space<vmem>>, vector<16xf32>,
          %add3A_1182 = arith.addf %while3A_1115, %get3A_1181 : vector<16xf32>
          %add3A_1183 = arith.constant 1 : i32
          %add3A_1184 = arith.addi %add3A_1128, %add3A_1183 : i32
          %get3A_1185 = arith.index_cast %add3A_1184 : i32 to index
          %get3A_1186 = arith.constant 80 : index
          %get3A_1187 = tpu.vector_load %arg11[%get3A_1185, %get3A_1186] {strides = array<i32>} : memref<112x256xf32, #tpu.memory_space<vmem>>, vector<16xf32>,
          %add3A_1188 = arith.addf %add3A_1182, %get3A_1187 : vector<16xf32>
          %get3A_1189 = arith.index_cast %add3A_1128 : i32 to index
          %get3A_1190 = arith.constant 96 : index
          %get3A_1191 = tpu.vector_load %arg11[%get3A_1189, %get3A_1190] {strides = array<i32>} : memref<112x256xf32, #tpu.memory_space<vmem>>, vector<16xf32>,
          %add3A_1192 = arith.addf %while3A_1116, %get3A_1191 : vector<16xf32>
          %add3A_1193 = arith.constant 1 : i32
          %add3A_1194 = arith.addi %add3A_1128, %add3A_1193 : i32
          %get3A_1195 = arith.index_cast %add3A_1194 : i32 to index
          %get3A_1196 = arith.constant 96 : index
          %get3A_1197 = tpu.vector_load %arg11[%get3A_1195, %get3A_1196] {strides = array<i32>} : memref<112x256xf32, #tpu.memory_space<vmem>>, vector<16xf32>,
          %add3A_1198 = arith.addf %add3A_1192, %get3A_1197 : vector<16xf32>
          %get3A_1199 = arith.index_cast %add3A_1128 : i32 to index
          %get3A_1200 = arith.constant 112 : index
          %get3A_1201 = tpu.vector_load %arg11[%get3A_1199, %get3A_1200] {strides = array<i32>} : memref<112x256xf32, #tpu.memory_space<vmem>>, vector<16xf32>,
          %add3A_1202 = arith.addf %while3A_1117, %get3A_1201 : vector<16xf32>
          %add3A_1203 = arith.constant 1 : i32
          %add3A_1204 = arith.addi %add3A_1128, %add3A_1203 : i32
          %get3A_1205 = arith.index_cast %add3A_1204 : i32 to index
          %get3A_1206 = arith.constant 112 : index
          %get3A_1207 = tpu.vector_load %arg11[%get3A_1205, %get3A_1206] {strides = array<i32>} : memref<112x256xf32, #tpu.memory_space<vmem>>, vector<16xf32>,
          %add3A_1208 = arith.addf %add3A_1202, %get3A_1207 : vector<16xf32>
          %get3A_1209 = arith.index_cast %add3A_1128 : i32 to index
          %get3A_1210 = arith.constant 128 : index
          %get3A_1211 = tpu.vector_load %arg11[%get3A_1209, %get3A_1210] {strides = array<i32>} : memref<112x256xf32, #tpu.memory_space<vmem>>, vector<16xf32>,
          %add3A_1212 = arith.addf %while3A_1118, %get3A_1211 : vector<16xf32>
          %add3A_1213 = arith.constant 1 : i32
          %add3A_1214 = arith.addi %add3A_1128, %add3A_1213 : i32
          %get3A_1215 = arith.index_cast %add3A_1214 : i32 to index
          %get3A_1216 = arith.constant 128 : index
          %get3A_1217 = tpu.vector_load %arg11[%get3A_1215, %get3A_1216] {strides = array<i32>} : memref<112x256xf32, #tpu.memory_space<vmem>>, vector<16xf32>,
          %add3A_1218 = arith.addf %add3A_1212, %get3A_1217 : vector<16xf32>
          %get3A_1219 = arith.index_cast %add3A_1128 : i32 to index
          %get3A_1220 = arith.constant 144 : index
          %get3A_1221 = tpu.vector_load %arg11[%get3A_1219, %get3A_1220] {strides = array<i32>} : memref<112x256xf32, #tpu.memory_space<vmem>>, vector<16xf32>,
          %add3A_1222 = arith.addf %while3A_1119, %get3A_1221 : vector<16xf32>
          %add3A_1223 = arith.constant 1 : i32
          %add3A_1224 = arith.addi %add3A_1128, %add3A_1223 : i32
          %get3A_1225 = arith.index_cast %add3A_1224 : i32 to index
          %get3A_1226 = arith.constant 144 : index
          %get3A_1227 = tpu.vector_load %arg11[%get3A_1225, %get3A_1226] {strides = array<i32>} : memref<112x256xf32, #tpu.memory_space<vmem>>, vector<16xf32>,
          %add3A_1228 = arith.addf %add3A_1222, %get3A_1227 : vector<16xf32>
          %get3A_1229 = arith.index_cast %add3A_1128 : i32 to index
          %get3A_1230 = arith.constant 160 : index
          %get3A_1231 = tpu.vector_load %arg11[%get3A_1229, %get3A_1230] {strides = array<i32>} : memref<112x256xf32, #tpu.memory_space<vmem>>, vector<16xf32>,
          %add3A_1232 = arith.addf %while3A_1120, %get3A_1231 : vector<16xf32>
          %add3A_1233 = arith.constant 1 : i32
          %add3A_1234 = arith.addi %add3A_1128, %add3A_1233 : i32
          %get3A_1235 = arith.index_cast %add3A_1234 : i32 to index
          %get3A_1236 = arith.constant 160 : index
          %get3A_1237 = tpu.vector_load %arg11[%get3A_1235, %get3A_1236] {strides = array<i32>} : memref<112x256xf32, #tpu.memory_space<vmem>>, vector<16xf32>,
          %add3A_1238 = arith.addf %add3A_1232, %get3A_1237 : vector<16xf32>
          %get3A_1239 = arith.index_cast %add3A_1128 : i32 to index
          %get3A_1240 = arith.constant 176 : index
          %get3A_1241 = tpu.vector_load %arg11[%get3A_1239, %get3A_1240] {strides = array<i32>} : memref<112x256xf32, #tpu.memory_space<vmem>>, vector<16xf32>,
          %add3A_1242 = arith.addf %while3A_1121, %get3A_1241 : vector<16xf32>
          %add3A_1243 = arith.constant 1 : i32
          %add3A_1244 = arith.addi %add3A_1128, %add3A_1243 : i32
          %get3A_1245 = arith.index_cast %add3A_1244 : i32 to index
          %get3A_1246 = arith.constant 176 : index
          %get3A_1247 = tpu.vector_load %arg11[%get3A_1245, %get3A_1246] {strides = array<i32>} : memref<112x256xf32, #tpu.memory_space<vmem>>, vector<16xf32>,
          %add3A_1248 = arith.addf %add3A_1242, %get3A_1247 : vector<16xf32>
          %get3A_1249 = arith.index_cast %add3A_1128 : i32 to index
          %get3A_1250 = arith.constant 192 : index
          %get3A_1251 = tpu.vector_load %arg11[%get3A_1249, %get3A_1250] {strides = array<i32>} : memref<112x256xf32, #tpu.memory_space<vmem>>, vector<16xf32>,
          %add3A_1252 = arith.addf %while3A_1122, %get3A_1251 : vector<16xf32>
          %add3A_1253 = arith.constant 1 : i32
          %add3A_1254 = arith.addi %add3A_1128, %add3A_1253 : i32
          %get3A_1255 = arith.index_cast %add3A_1254 : i32 to index
          %get3A_1256 = arith.constant 192 : index
          %get3A_1257 = tpu.vector_load %arg11[%get3A_1255, %get3A_1256] {strides = array<i32>} : memref<112x256xf32, #tpu.memory_space<vmem>>, vector<16xf32>,
          %add3A_1258 = arith.addf %add3A_1252, %get3A_1257 : vector<16xf32>
          %get3A_1259 = arith.index_cast %add3A_1128 : i32 to index
          %get3A_1260 = arith.constant 208 : index
          %get3A_1261 = tpu.vector_load %arg11[%get3A_1259, %get3A_1260] {strides = array<i32>} : memref<112x256xf32, #tpu.memory_space<vmem>>, vector<16xf32>,
          %add3A_1262 = arith.addf %while3A_1123, %get3A_1261 : vector<16xf32>
          %add3A_1263 = arith.constant 1 : i32
          %add3A_1264 = arith.addi %add3A_1128, %add3A_1263 : i32
          %get3A_1265 = arith.index_cast %add3A_1264 : i32 to index
          %get3A_1266 = arith.constant 208 : index
          %get3A_1267 = tpu.vector_load %arg11[%get3A_1265, %get3A_1266] {strides = array<i32>} : memref<112x256xf32, #tpu.memory_space<vmem>>, vector<16xf32>,
          %add3A_1268 = arith.addf %add3A_1262, %get3A_1267 : vector<16xf32>
          %get3A_1269 = arith.index_cast %add3A_1128 : i32 to index
          %get3A_1270 = arith.constant 224 : index
          %get3A_1271 = tpu.vector_load %arg11[%get3A_1269, %get3A_1270] {strides = array<i32>} : memref<112x256xf32, #tpu.memory_space<vmem>>, vector<16xf32>,
          %add3A_1272 = arith.addf %while3A_1124, %get3A_1271 : vector<16xf32>
          %add3A_1273 = arith.constant 1 : i32
          %add3A_1274 = arith.addi %add3A_1128, %add3A_1273 : i32
          %get3A_1275 = arith.index_cast %add3A_1274 : i32 to index
          %get3A_1276 = arith.constant 224 : index
          %get3A_1277 = tpu.vector_load %arg11[%get3A_1275, %get3A_1276] {strides = array<i32>} : memref<112x256xf32, #tpu.memory_space<vmem>>, vector<16xf32>,
          %add3A_1278 = arith.addf %add3A_1272, %get3A_1277 : vector<16xf32>
          %get3A_1279 = arith.index_cast %add3A_1128 : i32 to index
          %get3A_1280 = arith.constant 240 : index
          %get3A_1281 = tpu.vector_load %arg11[%get3A_1279, %get3A_1280] {strides = array<i32>} : memref<112x256xf32, #tpu.memory_space<vmem>>, vector<16xf32>,
          %add3A_1282 = arith.addf %while3A_1125, %get3A_1281 : vector<16xf32>
          %add3A_1283 = arith.constant 1 : i32
          %add3A_1284 = arith.addi %add3A_1128, %add3A_1283 : i32
          %get3A_1285 = arith.index_cast %add3A_1284 : i32 to index
          %get3A_1286 = arith.constant 240 : index
          %get3A_1287 = tpu.vector_load %arg11[%get3A_1285, %get3A_1286] {strides = array<i32>} : memref<112x256xf32, #tpu.memory_space<vmem>>, vector<16xf32>,
          %add3A_1288 = arith.addf %add3A_1282, %get3A_1287 : vector<16xf32>
          scf.yield %add3A_1138, %add3A_1148, %add3A_1158, %add3A_1168, %add3A_1178, %add3A_1188, %add3A_1198, %add3A_1208, %add3A_1218, %add3A_1228, %add3A_1238, %add3A_1248, %add3A_1258, %add3A_1268, %add3A_1278, %add3A_1288 : vector<16xf32>, vector<16xf32>, vector<16xf32>, vector<16xf32>, vector<16xf32>, vector<16xf32>, vector<16xf32>, vector<16xf32>, vector<16xf32>, vector<16xf32>, vector<16xf32>, vector<16xf32>, vector<16xf32>, vector<16xf32>, vector<16xf32>, vector<16xf32>
        }
        %sub3A_994 = arith.constant 1 : i32
        %sub3A_995 = arith.subi %min3A_956, %sub3A_994 : i32
        %sub3A_996 = arith.subi %sub3A_995, %multiple_of3A_920 : i32
        %max3A_997 = arith.constant 0 : i32
        %max3A_998 = arith.maxsi %sub3A_996, %max3A_997 : i32
        %and3A_999 = arith.constant 1 : i32
        %and3A_1000 = arith.andi %sub3A_958, %and3A_999 : i32
        %eq3A_1001 = arith.constant 1 : i32
        %eq3A_1002 = arith.cmpi eq, %and3A_1000, %eq3A_1001 : i32
        %jit3A_1003 = arith.constant 1.000000e+00 : f32
        %jit3A_1004 = arith.constant 0.000000e+00 : f32
        %select_n3A_1005 = arith.select %eq3A_1002, %jit3A_1003, %jit3A_1004 : f32
        %broadcast_in_dim3A_1006 = vector.broadcast %select_n3A_1005 : f32 to vector<16xf32>
        %get3A_1007 = arith.index_cast %max3A_998 : i32 to index
        %get3A_1008 = arith.constant 0 : index
        %get3A_1009 = tpu.vector_load %arg11[%get3A_1007, %get3A_1008] {strides = array<i32>} : memref<112x256xf32, #tpu.memory_space<vmem>>, vector<16xf32>,
        %mul3A_1010 = arith.mulf %get3A_1009, %broadcast_in_dim3A_1006 : vector<16xf32>
        %add3A_1011 = arith.addf %while3A_993#0, %mul3A_1010 : vector<16xf32>
        %get3A_1012 = arith.index_cast %max3A_998 : i32 to index
        %get3A_1013 = arith.constant 16 : index
        %get3A_1014 = tpu.vector_load %arg11[%get3A_1012, %get3A_1013] {strides = array<i32>} : memref<112x256xf32, #tpu.memory_space<vmem>>, vector<16xf32>,
        %mul3A_1015 = arith.mulf %get3A_1014, %broadcast_in_dim3A_1006 : vector<16xf32>
        %add3A_1016 = arith.addf %while3A_993#1, %mul3A_1015 : vector<16xf32>
        %get3A_1017 = arith.index_cast %max3A_998 : i32 to index
        %get3A_1018 = arith.constant 32 : index
        %get3A_1019 = tpu.vector_load %arg11[%get3A_1017, %get3A_1018] {strides = array<i32>} : memref<112x256xf32, #tpu.memory_space<vmem>>, vector<16xf32>,
        %mul3A_1020 = arith.mulf %get3A_1019, %broadcast_in_dim3A_1006 : vector<16xf32>
        %add3A_1021 = arith.addf %while3A_993#2, %mul3A_1020 : vector<16xf32>
        %get3A_1022 = arith.index_cast %max3A_998 : i32 to index
        %get3A_1023 = arith.constant 48 : index
        %get3A_1024 = tpu.vector_load %arg11[%get3A_1022, %get3A_1023] {strides = array<i32>} : memref<112x256xf32, #tpu.memory_space<vmem>>, vector<16xf32>,
        %mul3A_1025 = arith.mulf %get3A_1024, %broadcast_in_dim3A_1006 : vector<16xf32>
        %add3A_1026 = arith.addf %while3A_993#3, %mul3A_1025 : vector<16xf32>
        %get3A_1027 = arith.index_cast %max3A_998 : i32 to index
        %get3A_1028 = arith.constant 64 : index
        %get3A_1029 = tpu.vector_load %arg11[%get3A_1027, %get3A_1028] {strides = array<i32>} : memref<112x256xf32, #tpu.memory_space<vmem>>, vector<16xf32>,
        %mul3A_1030 = arith.mulf %get3A_1029, %broadcast_in_dim3A_1006 : vector<16xf32>
        %add3A_1031 = arith.addf %while3A_993#4, %mul3A_1030 : vector<16xf32>
        %get3A_1032 = arith.index_cast %max3A_998 : i32 to index
        %get3A_1033 = arith.constant 80 : index
        %get3A_1034 = tpu.vector_load %arg11[%get3A_1032, %get3A_1033] {strides = array<i32>} : memref<112x256xf32, #tpu.memory_space<vmem>>, vector<16xf32>,
        %mul3A_1035 = arith.mulf %get3A_1034, %broadcast_in_dim3A_1006 : vector<16xf32>
        %add3A_1036 = arith.addf %while3A_993#5, %mul3A_1035 : vector<16xf32>
        %get3A_1037 = arith.index_cast %max3A_998 : i32 to index
        %get3A_1038 = arith.constant 96 : index
        %get3A_1039 = tpu.vector_load %arg11[%get3A_1037, %get3A_1038] {strides = array<i32>} : memref<112x256xf32, #tpu.memory_space<vmem>>, vector<16xf32>,
        %mul3A_1040 = arith.mulf %get3A_1039, %broadcast_in_dim3A_1006 : vector<16xf32>
        %add3A_1041 = arith.addf %while3A_993#6, %mul3A_1040 : vector<16xf32>
        %get3A_1042 = arith.index_cast %max3A_998 : i32 to index
        %get3A_1043 = arith.constant 112 : index
        %get3A_1044 = tpu.vector_load %arg11[%get3A_1042, %get3A_1043] {strides = array<i32>} : memref<112x256xf32, #tpu.memory_space<vmem>>, vector<16xf32>,
        %mul3A_1045 = arith.mulf %get3A_1044, %broadcast_in_dim3A_1006 : vector<16xf32>
        %add3A_1046 = arith.addf %while3A_993#7, %mul3A_1045 : vector<16xf32>
        %get3A_1047 = arith.index_cast %max3A_998 : i32 to index
        %get3A_1048 = arith.constant 128 : index
        %get3A_1049 = tpu.vector_load %arg11[%get3A_1047, %get3A_1048] {strides = array<i32>} : memref<112x256xf32, #tpu.memory_space<vmem>>, vector<16xf32>,
        %mul3A_1050 = arith.mulf %get3A_1049, %broadcast_in_dim3A_1006 : vector<16xf32>
        %add3A_1051 = arith.addf %while3A_993#8, %mul3A_1050 : vector<16xf32>
        %get3A_1052 = arith.index_cast %max3A_998 : i32 to index
        %get3A_1053 = arith.constant 144 : index
        %get3A_1054 = tpu.vector_load %arg11[%get3A_1052, %get3A_1053] {strides = array<i32>} : memref<112x256xf32, #tpu.memory_space<vmem>>, vector<16xf32>,
        %mul3A_1055 = arith.mulf %get3A_1054, %broadcast_in_dim3A_1006 : vector<16xf32>
        %add3A_1056 = arith.addf %while3A_993#9, %mul3A_1055 : vector<16xf32>
        %get3A_1057 = arith.index_cast %max3A_998 : i32 to index
        %get3A_1058 = arith.constant 160 : index
        %get3A_1059 = tpu.vector_load %arg11[%get3A_1057, %get3A_1058] {strides = array<i32>} : memref<112x256xf32, #tpu.memory_space<vmem>>, vector<16xf32>,
        %mul3A_1060 = arith.mulf %get3A_1059, %broadcast_in_dim3A_1006 : vector<16xf32>
        %add3A_1061 = arith.addf %while3A_993#10, %mul3A_1060 : vector<16xf32>
        %get3A_1062 = arith.index_cast %max3A_998 : i32 to index
        %get3A_1063 = arith.constant 176 : index
        %get3A_1064 = tpu.vector_load %arg11[%get3A_1062, %get3A_1063] {strides = array<i32>} : memref<112x256xf32, #tpu.memory_space<vmem>>, vector<16xf32>,
        %mul3A_1065 = arith.mulf %get3A_1064, %broadcast_in_dim3A_1006 : vector<16xf32>
        %add3A_1066 = arith.addf %while3A_993#11, %mul3A_1065 : vector<16xf32>
        %get3A_1067 = arith.index_cast %max3A_998 : i32 to index
        %get3A_1068 = arith.constant 192 : index
        %get3A_1069 = tpu.vector_load %arg11[%get3A_1067, %get3A_1068] {strides = array<i32>} : memref<112x256xf32, #tpu.memory_space<vmem>>, vector<16xf32>,
        %mul3A_1070 = arith.mulf %get3A_1069, %broadcast_in_dim3A_1006 : vector<16xf32>
        %add3A_1071 = arith.addf %while3A_993#12, %mul3A_1070 : vector<16xf32>
        %get3A_1072 = arith.index_cast %max3A_998 : i32 to index
        %get3A_1073 = arith.constant 208 : index
        %get3A_1074 = tpu.vector_load %arg11[%get3A_1072, %get3A_1073] {strides = array<i32>} : memref<112x256xf32, #tpu.memory_space<vmem>>, vector<16xf32>,
        %mul3A_1075 = arith.mulf %get3A_1074, %broadcast_in_dim3A_1006 : vector<16xf32>
        %add3A_1076 = arith.addf %while3A_993#13, %mul3A_1075 : vector<16xf32>
        %get3A_1077 = arith.index_cast %max3A_998 : i32 to index
        %get3A_1078 = arith.constant 224 : index
        %get3A_1079 = tpu.vector_load %arg11[%get3A_1077, %get3A_1078] {strides = array<i32>} : memref<112x256xf32, #tpu.memory_space<vmem>>, vector<16xf32>,
        %mul3A_1080 = arith.mulf %get3A_1079, %broadcast_in_dim3A_1006 : vector<16xf32>
        %add3A_1081 = arith.addf %while3A_993#14, %mul3A_1080 : vector<16xf32>
        %get3A_1082 = arith.index_cast %max3A_998 : i32 to index
        %get3A_1083 = arith.constant 240 : index
        %get3A_1084 = tpu.vector_load %arg11[%get3A_1082, %get3A_1083] {strides = array<i32>} : memref<112x256xf32, #tpu.memory_space<vmem>>, vector<16xf32>,
        %mul3A_1085 = arith.mulf %get3A_1084, %broadcast_in_dim3A_1006 : vector<16xf32>
        %add3A_1086 = arith.addf %while3A_993#15, %mul3A_1085 : vector<16xf32>
        %eq3A_1087 = arith.cmpi eq, %min3A_956, %get3A_955 : i32
        %convert_element_type3A_1088 = arith.extui %eq3A_1087 : i1 to i32
        %cond3A_1089 = arith.constant 0 : i32
        %cond3A_1090 = arith.cmpi ne, %convert_element_type3A_1088, %cond3A_1089 : i32
        scf.if %cond3A_1090 {
          %eq3A_1109 = vector.broadcast %while3A_936 : i32 to vector<16xi32>
          %eq3A_1110 = arith.cmpi eq, %iota3A, %eq3A_1109 : vector<16xi32>
          %jit3A_1111 = arith.constant 0 : i32
          %convert_element_type3A_1112 = arith.sitofp %jit3A_1111 : i32 to f32
          %broadcast_in_dim3A_1113 = vector.broadcast %convert_element_type3A_1112 : f32 to vector<16xf32>
          %select_n3A_1114 = arith.select %eq3A_1110, %div3A, %broadcast_in_dim3A_1113 : vector<16xi1>, vector<16xf32>
          %reduce_sum3A_1115 = arith.constant true
          %reduce_sum3A_1116 = vector.broadcast %reduce_sum3A_1115 : i1 to vector<16xi1>
          %reduce_sum3A_1117 = tpu.scan <sum>, %select_n3A_1114 masked %reduce_sum3A_1116 : vector<16xf32>, vector<16xi1> -> vector<16xf32>
          %reduce_sum3A_1118 = vector.extract %reduce_sum3A_1117[15] : f32 from vector<16xf32>
          %broadcast_in_dim3A_1119 = vector.broadcast %reduce_sum3A_1118 : f32 to vector<16xf32>
          %mul3A_1120 = arith.mulf %add3A_1011, %broadcast_in_dim3A_1119 : vector<16xf32>
          %swap3A_1121 = arith.index_cast %while3A_936 : i32 to index
          %swap3A_1122 = arith.constant 0 : index
          %swap3A_1123 = tpu.vector_load %arg12[%swap3A_1121, %swap3A_1122] {strides = array<i32>} : memref<16x256xf32, #tpu.memory_space<vmem>>, vector<16xf32>,
          tpu.vector_store %arg12[%swap3A_1121, %swap3A_1122], %mul3A_1120 {strides = array<i32>} : memref<16x256xf32, #tpu.memory_space<vmem>>, vector<16xf32>,
          %mul3A_1124 = arith.mulf %add3A_1016, %broadcast_in_dim3A_1119 : vector<16xf32>
          %swap3A_1125 = arith.index_cast %while3A_936 : i32 to index
          %swap3A_1126 = arith.constant 16 : index
          %swap3A_1127 = tpu.vector_load %arg12[%swap3A_1125, %swap3A_1126] {strides = array<i32>} : memref<16x256xf32, #tpu.memory_space<vmem>>, vector<16xf32>,
          tpu.vector_store %arg12[%swap3A_1125, %swap3A_1126], %mul3A_1124 {strides = array<i32>} : memref<16x256xf32, #tpu.memory_space<vmem>>, vector<16xf32>,
          %mul3A_1128 = arith.mulf %add3A_1021, %broadcast_in_dim3A_1119 : vector<16xf32>
          %swap3A_1129 = arith.index_cast %while3A_936 : i32 to index
          %swap3A_1130 = arith.constant 32 : index
          %swap3A_1131 = tpu.vector_load %arg12[%swap3A_1129, %swap3A_1130] {strides = array<i32>} : memref<16x256xf32, #tpu.memory_space<vmem>>, vector<16xf32>,
          tpu.vector_store %arg12[%swap3A_1129, %swap3A_1130], %mul3A_1128 {strides = array<i32>} : memref<16x256xf32, #tpu.memory_space<vmem>>, vector<16xf32>,
          %mul3A_1132 = arith.mulf %add3A_1026, %broadcast_in_dim3A_1119 : vector<16xf32>
          %swap3A_1133 = arith.index_cast %while3A_936 : i32 to index
          %swap3A_1134 = arith.constant 48 : index
          %swap3A_1135 = tpu.vector_load %arg12[%swap3A_1133, %swap3A_1134] {strides = array<i32>} : memref<16x256xf32, #tpu.memory_space<vmem>>, vector<16xf32>,
          tpu.vector_store %arg12[%swap3A_1133, %swap3A_1134], %mul3A_1132 {strides = array<i32>} : memref<16x256xf32, #tpu.memory_space<vmem>>, vector<16xf32>,
          %mul3A_1136 = arith.mulf %add3A_1031, %broadcast_in_dim3A_1119 : vector<16xf32>
          %swap3A_1137 = arith.index_cast %while3A_936 : i32 to index
          %swap3A_1138 = arith.constant 64 : index
          %swap3A_1139 = tpu.vector_load %arg12[%swap3A_1137, %swap3A_1138] {strides = array<i32>} : memref<16x256xf32, #tpu.memory_space<vmem>>, vector<16xf32>,
          tpu.vector_store %arg12[%swap3A_1137, %swap3A_1138], %mul3A_1136 {strides = array<i32>} : memref<16x256xf32, #tpu.memory_space<vmem>>, vector<16xf32>,
          %mul3A_1140 = arith.mulf %add3A_1036, %broadcast_in_dim3A_1119 : vector<16xf32>
          %swap3A_1141 = arith.index_cast %while3A_936 : i32 to index
          %swap3A_1142 = arith.constant 80 : index
          %swap3A_1143 = tpu.vector_load %arg12[%swap3A_1141, %swap3A_1142] {strides = array<i32>} : memref<16x256xf32, #tpu.memory_space<vmem>>, vector<16xf32>,
          tpu.vector_store %arg12[%swap3A_1141, %swap3A_1142], %mul3A_1140 {strides = array<i32>} : memref<16x256xf32, #tpu.memory_space<vmem>>, vector<16xf32>,
          %mul3A_1144 = arith.mulf %add3A_1041, %broadcast_in_dim3A_1119 : vector<16xf32>
          %swap3A_1145 = arith.index_cast %while3A_936 : i32 to index
          %swap3A_1146 = arith.constant 96 : index
          %swap3A_1147 = tpu.vector_load %arg12[%swap3A_1145, %swap3A_1146] {strides = array<i32>} : memref<16x256xf32, #tpu.memory_space<vmem>>, vector<16xf32>,
          tpu.vector_store %arg12[%swap3A_1145, %swap3A_1146], %mul3A_1144 {strides = array<i32>} : memref<16x256xf32, #tpu.memory_space<vmem>>, vector<16xf32>,
          %mul3A_1148 = arith.mulf %add3A_1046, %broadcast_in_dim3A_1119 : vector<16xf32>
          %swap3A_1149 = arith.index_cast %while3A_936 : i32 to index
          %swap3A_1150 = arith.constant 112 : index
          %swap3A_1151 = tpu.vector_load %arg12[%swap3A_1149, %swap3A_1150] {strides = array<i32>} : memref<16x256xf32, #tpu.memory_space<vmem>>, vector<16xf32>,
          tpu.vector_store %arg12[%swap3A_1149, %swap3A_1150], %mul3A_1148 {strides = array<i32>} : memref<16x256xf32, #tpu.memory_space<vmem>>, vector<16xf32>,
          %mul3A_1152 = arith.mulf %add3A_1051, %broadcast_in_dim3A_1119 : vector<16xf32>
          %swap3A_1153 = arith.index_cast %while3A_936 : i32 to index
          %swap3A_1154 = arith.constant 128 : index
          %swap3A_1155 = tpu.vector_load %arg12[%swap3A_1153, %swap3A_1154] {strides = array<i32>} : memref<16x256xf32, #tpu.memory_space<vmem>>, vector<16xf32>,
          tpu.vector_store %arg12[%swap3A_1153, %swap3A_1154], %mul3A_1152 {strides = array<i32>} : memref<16x256xf32, #tpu.memory_space<vmem>>, vector<16xf32>,
          %mul3A_1156 = arith.mulf %add3A_1056, %broadcast_in_dim3A_1119 : vector<16xf32>
          %swap3A_1157 = arith.index_cast %while3A_936 : i32 to index
          %swap3A_1158 = arith.constant 144 : index
          %swap3A_1159 = tpu.vector_load %arg12[%swap3A_1157, %swap3A_1158] {strides = array<i32>} : memref<16x256xf32, #tpu.memory_space<vmem>>, vector<16xf32>,
          tpu.vector_store %arg12[%swap3A_1157, %swap3A_1158], %mul3A_1156 {strides = array<i32>} : memref<16x256xf32, #tpu.memory_space<vmem>>, vector<16xf32>,
          %mul3A_1160 = arith.mulf %add3A_1061, %broadcast_in_dim3A_1119 : vector<16xf32>
          %swap3A_1161 = arith.index_cast %while3A_936 : i32 to index
          %swap3A_1162 = arith.constant 160 : index
          %swap3A_1163 = tpu.vector_load %arg12[%swap3A_1161, %swap3A_1162] {strides = array<i32>} : memref<16x256xf32, #tpu.memory_space<vmem>>, vector<16xf32>,
          tpu.vector_store %arg12[%swap3A_1161, %swap3A_1162], %mul3A_1160 {strides = array<i32>} : memref<16x256xf32, #tpu.memory_space<vmem>>, vector<16xf32>,
          %mul3A_1164 = arith.mulf %add3A_1066, %broadcast_in_dim3A_1119 : vector<16xf32>
          %swap3A_1165 = arith.index_cast %while3A_936 : i32 to index
          %swap3A_1166 = arith.constant 176 : index
          %swap3A_1167 = tpu.vector_load %arg12[%swap3A_1165, %swap3A_1166] {strides = array<i32>} : memref<16x256xf32, #tpu.memory_space<vmem>>, vector<16xf32>,
          tpu.vector_store %arg12[%swap3A_1165, %swap3A_1166], %mul3A_1164 {strides = array<i32>} : memref<16x256xf32, #tpu.memory_space<vmem>>, vector<16xf32>,
          %mul3A_1168 = arith.mulf %add3A_1071, %broadcast_in_dim3A_1119 : vector<16xf32>
          %swap3A_1169 = arith.index_cast %while3A_936 : i32 to index
          %swap3A_1170 = arith.constant 192 : index
          %swap3A_1171 = tpu.vector_load %arg12[%swap3A_1169, %swap3A_1170] {strides = array<i32>} : memref<16x256xf32, #tpu.memory_space<vmem>>, vector<16xf32>,
          tpu.vector_store %arg12[%swap3A_1169, %swap3A_1170], %mul3A_1168 {strides = array<i32>} : memref<16x256xf32, #tpu.memory_space<vmem>>, vector<16xf32>,
          %mul3A_1172 = arith.mulf %add3A_1076, %broadcast_in_dim3A_1119 : vector<16xf32>
          %swap3A_1173 = arith.index_cast %while3A_936 : i32 to index
          %swap3A_1174 = arith.constant 208 : index
          %swap3A_1175 = tpu.vector_load %arg12[%swap3A_1173, %swap3A_1174] {strides = array<i32>} : memref<16x256xf32, #tpu.memory_space<vmem>>, vector<16xf32>,
          tpu.vector_store %arg12[%swap3A_1173, %swap3A_1174], %mul3A_1172 {strides = array<i32>} : memref<16x256xf32, #tpu.memory_space<vmem>>, vector<16xf32>,
          %mul3A_1176 = arith.mulf %add3A_1081, %broadcast_in_dim3A_1119 : vector<16xf32>
          %swap3A_1177 = arith.index_cast %while3A_936 : i32 to index
          %swap3A_1178 = arith.constant 224 : index
          %swap3A_1179 = tpu.vector_load %arg12[%swap3A_1177, %swap3A_1178] {strides = array<i32>} : memref<16x256xf32, #tpu.memory_space<vmem>>, vector<16xf32>,
          tpu.vector_store %arg12[%swap3A_1177, %swap3A_1178], %mul3A_1176 {strides = array<i32>} : memref<16x256xf32, #tpu.memory_space<vmem>>, vector<16xf32>,
          %mul3A_1180 = arith.mulf %add3A_1086, %broadcast_in_dim3A_1119 : vector<16xf32>
          %swap3A_1181 = arith.index_cast %while3A_936 : i32 to index
          %swap3A_1182 = arith.constant 240 : index
          %swap3A_1183 = tpu.vector_load %arg12[%swap3A_1181, %swap3A_1182] {strides = array<i32>} : memref<16x256xf32, #tpu.memory_space<vmem>>, vector<16xf32>,
          tpu.vector_store %arg12[%swap3A_1181, %swap3A_1182], %mul3A_1180 {strides = array<i32>} : memref<16x256xf32, #tpu.memory_space<vmem>>, vector<16xf32>,
        } else {
        }
        %select_n3A_1091 = arith.select %eq3A_1087, %broadcast_in_dim3A_806, %add3A_1011 : vector<16xf32>
        %select_n3A_1092 = arith.select %eq3A_1087, %broadcast_in_dim3A_806, %add3A_1016 : vector<16xf32>
        %select_n3A_1093 = arith.select %eq3A_1087, %broadcast_in_dim3A_806, %add3A_1021 : vector<16xf32>
        %select_n3A_1094 = arith.select %eq3A_1087, %broadcast_in_dim3A_806, %add3A_1026 : vector<16xf32>
        %select_n3A_1095 = arith.select %eq3A_1087, %broadcast_in_dim3A_806, %add3A_1031 : vector<16xf32>
        %select_n3A_1096 = arith.select %eq3A_1087, %broadcast_in_dim3A_806, %add3A_1036 : vector<16xf32>
        %select_n3A_1097 = arith.select %eq3A_1087, %broadcast_in_dim3A_806, %add3A_1041 : vector<16xf32>
        %select_n3A_1098 = arith.select %eq3A_1087, %broadcast_in_dim3A_806, %add3A_1046 : vector<16xf32>
        %select_n3A_1099 = arith.select %eq3A_1087, %broadcast_in_dim3A_806, %add3A_1051 : vector<16xf32>
        %select_n3A_1100 = arith.select %eq3A_1087, %broadcast_in_dim3A_806, %add3A_1056 : vector<16xf32>
        %select_n3A_1101 = arith.select %eq3A_1087, %broadcast_in_dim3A_806, %add3A_1061 : vector<16xf32>
        %select_n3A_1102 = arith.select %eq3A_1087, %broadcast_in_dim3A_806, %add3A_1066 : vector<16xf32>
        %select_n3A_1103 = arith.select %eq3A_1087, %broadcast_in_dim3A_806, %add3A_1071 : vector<16xf32>
        %select_n3A_1104 = arith.select %eq3A_1087, %broadcast_in_dim3A_806, %add3A_1076 : vector<16xf32>
        %select_n3A_1105 = arith.select %eq3A_1087, %broadcast_in_dim3A_806, %add3A_1081 : vector<16xf32>
        %select_n3A_1106 = arith.select %eq3A_1087, %broadcast_in_dim3A_806, %add3A_1086 : vector<16xf32>
        %convert_element_type3A_1107 = arith.extui %eq3A_1087 : i1 to i32
        %add3A_1108 = arith.addi %while3A_936, %convert_element_type3A_1107 : i32
        scf.yield %min3A_956, %add3A_1108, %select_n3A_1091, %select_n3A_1092, %select_n3A_1093, %select_n3A_1094, %select_n3A_1095, %select_n3A_1096, %select_n3A_1097, %select_n3A_1098, %select_n3A_1099, %select_n3A_1100, %select_n3A_1101, %select_n3A_1102, %select_n3A_1103, %select_n3A_1104, %select_n3A_1105, %select_n3A_1106 : i32, i32, vector<16xf32>, vector<16xf32>, vector<16xf32>, vector<16xf32>, vector<16xf32>, vector<16xf32>, vector<16xf32>, vector<16xf32>, vector<16xf32>, vector<16xf32>, vector<16xf32>, vector<16xf32>, vector<16xf32>, vector<16xf32>, vector<16xf32>, vector<16xf32>
      }
      %add3A_925 = arith.constant 3 : i32
      %add3A_926 = arith.addi %while3A_811, %add3A_925 : i32
      %add3A_927 = arith.constant 4 : i32
      %add3A_928 = arith.addi %add3A_926, %add3A_927 : i32
      %lt3A_929 = arith.cmpi slt, %add3A_928, %select_n3A_786 : i32
      %convert_element_type3A_930 = arith.extui %lt3A_929 : i1 to i32
      %cond3A_931 = arith.constant 0 : i32
      %cond3A_932 = arith.cmpi ne, %convert_element_type3A_930, %cond3A_931 : i32
      scf.if %cond3A_932 {
        %mul3A_935 = arith.constant 112 : i32
        %mul3A_936 = arith.muli %add3A_928, %mul3A_935 : i32
        %add3A_937 = arith.addi %multiple_of3A_757, %mul3A_936 : i32
        %min3A_938 = arith.constant 49888 : i32
        %min3A_939 = arith.minsi %add3A_937, %min3A_938 : i32
        %multiple_of3A_940 = tpu.assume_multiple %min3A_939, 8 : i32
        %dma_start3A_941 = arith.constant 0 : i32
        %dma_start3A_942 = tpu.memref_slice %arg2[%multiple_of3A_940, %dma_start3A_941] : memref<50000x256xf32, #tpu.memory_space<hbm>> -> memref<112x256xf32, #tpu.memory_space<hbm>>
        %dma_start3A_943 = arith.constant 0 : i32
        %dma_start3A_944 = tpu.memref_slice %arg2[%multiple_of3A_940, %dma_start3A_943] : memref<50000x256xf32, #tpu.memory_space<hbm>> -> memref<112x256xf32, #tpu.memory_space<hbm>>
        tpu.enqueue_dma source(%dma_start3A_944 : memref<112x256xf32, #tpu.memory_space<hbm>>) target(%arg11 : memref<112x256xf32, #tpu.memory_space<vmem>>) target_semaphore(%arg17 : memref<!tpu.dma_semaphore, #tpu.memory_space<semaphore_mem>>)
      } else {
      }
      %add3A_933 = arith.constant 4 : i32
      %add3A_934 = arith.addi %while3A_811, %add3A_933 : i32
      scf.yield %add3A_934, %while3A_924#0, %while3A_924#1, %while3A_924#2, %while3A_924#3, %while3A_924#4, %while3A_924#5, %while3A_924#6, %while3A_924#7, %while3A_924#8, %while3A_924#9, %while3A_924#10, %while3A_924#11, %while3A_924#12, %while3A_924#13, %while3A_924#14, %while3A_924#15, %while3A_924#16, %while3A_924#17 : i32, i32, i32, vector<16xf32>, vector<16xf32>, vector<16xf32>, vector<16xf32>, vector<16xf32>, vector<16xf32>, vector<16xf32>, vector<16xf32>, vector<16xf32>, vector<16xf32>, vector<16xf32>, vector<16xf32>, vector<16xf32>, vector<16xf32>, vector<16xf32>, vector<16xf32>
    }
    %while3A_809 = scf.while (%while3A_811 = %while3A_808#2) : (i32) -> i32 {
      %lt3A = arith.constant 16 : i32
      %lt3A_812 = arith.cmpi slt, %while3A_811, %lt3A : i32
      scf.condition(%lt3A_812) %while3A_811 : i32
    } do {
    ^bb0(%while3A_811: i32):
      %swap3A_812 = arith.index_cast %while3A_811 : i32 to index
      %swap3A_813 = arith.constant 0 : index
      %swap3A_814 = tpu.vector_load %arg12[%swap3A_812, %swap3A_813] {strides = array<i32>} : memref<16x256xf32, #tpu.memory_space<vmem>>, vector<16xf32>,
      tpu.vector_store %arg12[%swap3A_812, %swap3A_813], %broadcast_in_dim3A_806 {strides = array<i32>} : memref<16x256xf32, #tpu.memory_space<vmem>>, vector<16xf32>,
      %swap3A_815 = arith.index_cast %while3A_811 : i32 to index
      %swap3A_816 = arith.constant 16 : index
      %swap3A_817 = tpu.vector_load %arg12[%swap3A_815, %swap3A_816] {strides = array<i32>} : memref<16x256xf32, #tpu.memory_space<vmem>>, vector<16xf32>,
      tpu.vector_store %arg12[%swap3A_815, %swap3A_816], %broadcast_in_dim3A_806 {strides = array<i32>} : memref<16x256xf32, #tpu.memory_space<vmem>>, vector<16xf32>,
      %swap3A_818 = arith.index_cast %while3A_811 : i32 to index
      %swap3A_819 = arith.constant 32 : index
      %swap3A_820 = tpu.vector_load %arg12[%swap3A_818, %swap3A_819] {strides = array<i32>} : memref<16x256xf32, #tpu.memory_space<vmem>>, vector<16xf32>,
      tpu.vector_store %arg12[%swap3A_818, %swap3A_819], %broadcast_in_dim3A_806 {strides = array<i32>} : memref<16x256xf32, #tpu.memory_space<vmem>>, vector<16xf32>,
      %swap3A_821 = arith.index_cast %while3A_811 : i32 to index
      %swap3A_822 = arith.constant 48 : index
      %swap3A_823 = tpu.vector_load %arg12[%swap3A_821, %swap3A_822] {strides = array<i32>} : memref<16x256xf32, #tpu.memory_space<vmem>>, vector<16xf32>,
      tpu.vector_store %arg12[%swap3A_821, %swap3A_822], %broadcast_in_dim3A_806 {strides = array<i32>} : memref<16x256xf32, #tpu.memory_space<vmem>>, vector<16xf32>,
      %swap3A_824 = arith.index_cast %while3A_811 : i32 to index
      %swap3A_825 = arith.constant 64 : index
      %swap3A_826 = tpu.vector_load %arg12[%swap3A_824, %swap3A_825] {strides = array<i32>} : memref<16x256xf32, #tpu.memory_space<vmem>>, vector<16xf32>,
      tpu.vector_store %arg12[%swap3A_824, %swap3A_825], %broadcast_in_dim3A_806 {strides = array<i32>} : memref<16x256xf32, #tpu.memory_space<vmem>>, vector<16xf32>,
      %swap3A_827 = arith.index_cast %while3A_811 : i32 to index
      %swap3A_828 = arith.constant 80 : index
      %swap3A_829 = tpu.vector_load %arg12[%swap3A_827, %swap3A_828] {strides = array<i32>} : memref<16x256xf32, #tpu.memory_space<vmem>>, vector<16xf32>,
      tpu.vector_store %arg12[%swap3A_827, %swap3A_828], %broadcast_in_dim3A_806 {strides = array<i32>} : memref<16x256xf32, #tpu.memory_space<vmem>>, vector<16xf32>,
      %swap3A_830 = arith.index_cast %while3A_811 : i32 to index
      %swap3A_831 = arith.constant 96 : index
      %swap3A_832 = tpu.vector_load %arg12[%swap3A_830, %swap3A_831] {strides = array<i32>} : memref<16x256xf32, #tpu.memory_space<vmem>>, vector<16xf32>,
      tpu.vector_store %arg12[%swap3A_830, %swap3A_831], %broadcast_in_dim3A_806 {strides = array<i32>} : memref<16x256xf32, #tpu.memory_space<vmem>>, vector<16xf32>,
      %swap3A_833 = arith.index_cast %while3A_811 : i32 to index
      %swap3A_834 = arith.constant 112 : index
      %swap3A_835 = tpu.vector_load %arg12[%swap3A_833, %swap3A_834] {strides = array<i32>} : memref<16x256xf32, #tpu.memory_space<vmem>>, vector<16xf32>,
      tpu.vector_store %arg12[%swap3A_833, %swap3A_834], %broadcast_in_dim3A_806 {strides = array<i32>} : memref<16x256xf32, #tpu.memory_space<vmem>>, vector<16xf32>,
      %swap3A_836 = arith.index_cast %while3A_811 : i32 to index
      %swap3A_837 = arith.constant 128 : index
      %swap3A_838 = tpu.vector_load %arg12[%swap3A_836, %swap3A_837] {strides = array<i32>} : memref<16x256xf32, #tpu.memory_space<vmem>>, vector<16xf32>,
      tpu.vector_store %arg12[%swap3A_836, %swap3A_837], %broadcast_in_dim3A_806 {strides = array<i32>} : memref<16x256xf32, #tpu.memory_space<vmem>>, vector<16xf32>,
      %swap3A_839 = arith.index_cast %while3A_811 : i32 to index
      %swap3A_840 = arith.constant 144 : index
      %swap3A_841 = tpu.vector_load %arg12[%swap3A_839, %swap3A_840] {strides = array<i32>} : memref<16x256xf32, #tpu.memory_space<vmem>>, vector<16xf32>,
      tpu.vector_store %arg12[%swap3A_839, %swap3A_840], %broadcast_in_dim3A_806 {strides = array<i32>} : memref<16x256xf32, #tpu.memory_space<vmem>>, vector<16xf32>,
      %swap3A_842 = arith.index_cast %while3A_811 : i32 to index
      %swap3A_843 = arith.constant 160 : index
      %swap3A_844 = tpu.vector_load %arg12[%swap3A_842, %swap3A_843] {strides = array<i32>} : memref<16x256xf32, #tpu.memory_space<vmem>>, vector<16xf32>,
      tpu.vector_store %arg12[%swap3A_842, %swap3A_843], %broadcast_in_dim3A_806 {strides = array<i32>} : memref<16x256xf32, #tpu.memory_space<vmem>>, vector<16xf32>,
      %swap3A_845 = arith.index_cast %while3A_811 : i32 to index
      %swap3A_846 = arith.constant 176 : index
      %swap3A_847 = tpu.vector_load %arg12[%swap3A_845, %swap3A_846] {strides = array<i32>} : memref<16x256xf32, #tpu.memory_space<vmem>>, vector<16xf32>,
      tpu.vector_store %arg12[%swap3A_845, %swap3A_846], %broadcast_in_dim3A_806 {strides = array<i32>} : memref<16x256xf32, #tpu.memory_space<vmem>>, vector<16xf32>,
      %swap3A_848 = arith.index_cast %while3A_811 : i32 to index
      %swap3A_849 = arith.constant 192 : index
      %swap3A_850 = tpu.vector_load %arg12[%swap3A_848, %swap3A_849] {strides = array<i32>} : memref<16x256xf32, #tpu.memory_space<vmem>>, vector<16xf32>,
      tpu.vector_store %arg12[%swap3A_848, %swap3A_849], %broadcast_in_dim3A_806 {strides = array<i32>} : memref<16x256xf32, #tpu.memory_space<vmem>>, vector<16xf32>,
      %swap3A_851 = arith.index_cast %while3A_811 : i32 to index
      %swap3A_852 = arith.constant 208 : index
      %swap3A_853 = tpu.vector_load %arg12[%swap3A_851, %swap3A_852] {strides = array<i32>} : memref<16x256xf32, #tpu.memory_space<vmem>>, vector<16xf32>,
      tpu.vector_store %arg12[%swap3A_851, %swap3A_852], %broadcast_in_dim3A_806 {strides = array<i32>} : memref<16x256xf32, #tpu.memory_space<vmem>>, vector<16xf32>,
      %swap3A_854 = arith.index_cast %while3A_811 : i32 to index
      %swap3A_855 = arith.constant 224 : index
      %swap3A_856 = tpu.vector_load %arg12[%swap3A_854, %swap3A_855] {strides = array<i32>} : memref<16x256xf32, #tpu.memory_space<vmem>>, vector<16xf32>,
      tpu.vector_store %arg12[%swap3A_854, %swap3A_855], %broadcast_in_dim3A_806 {strides = array<i32>} : memref<16x256xf32, #tpu.memory_space<vmem>>, vector<16xf32>,
      %swap3A_857 = arith.index_cast %while3A_811 : i32 to index
      %swap3A_858 = arith.constant 240 : index
      %swap3A_859 = tpu.vector_load %arg12[%swap3A_857, %swap3A_858] {strides = array<i32>} : memref<16x256xf32, #tpu.memory_space<vmem>>, vector<16xf32>,
      tpu.vector_store %arg12[%swap3A_857, %swap3A_858], %broadcast_in_dim3A_806 {strides = array<i32>} : memref<16x256xf32, #tpu.memory_space<vmem>>, vector<16xf32>,
      %add3A_860 = arith.constant 1 : i32
      %add3A_861 = arith.addi %while3A_811, %add3A_860 : i32
      scf.yield %add3A_861 : i32
    }
    %multiple_of3A_810 = tpu.assume_multiple %mul3A_2, 8 : i32
    "tpu.region"() ({
      %run_scoped3A = tpu.sem_alloc : memref<!tpu.dma_semaphore, #tpu.memory_space<semaphore_mem>>
      %dma_start3A_811 = arith.constant 0 : i32
      %dma_start3A_812 = tpu.memref_slice %arg5[%multiple_of3A_810, %dma_start3A_811] : memref<512x256xf32, #tpu.memory_space<hbm>> -> memref<16x256xf32, #tpu.memory_space<hbm>>
      %dma_start3A_813 = arith.constant 0 : i32
      %dma_start3A_814 = tpu.memref_slice %arg5[%multiple_of3A_810, %dma_start3A_813] : memref<512x256xf32, #tpu.memory_space<hbm>> -> memref<16x256xf32, #tpu.memory_space<hbm>>
      tpu.enqueue_dma source(%arg12 : memref<16x256xf32, #tpu.memory_space<vmem>>) target(%dma_start3A_814 : memref<16x256xf32, #tpu.memory_space<hbm>>) target_semaphore(%run_scoped3A : memref<!tpu.dma_semaphore, #tpu.memory_space<semaphore_mem>>)
      %dma_wait3A_815 = arith.constant 0 : i32
      %dma_wait3A_816 = tpu.memref_slice %arg5[%multiple_of3A_810, %dma_wait3A_815] : memref<512x256xf32, #tpu.memory_space<hbm>> -> memref<16x256xf32, #tpu.memory_space<hbm>>
      %dma_wait3A_817 = arith.constant 0 : i32
      %dma_wait3A_818 = tpu.memref_slice %arg5[%multiple_of3A_810, %dma_wait3A_817] : memref<512x256xf32, #tpu.memory_space<hbm>> -> memref<16x256xf32, #tpu.memory_space<hbm>>
      tpu.wait_dma2 semaphore(%run_scoped3A : memref<!tpu.dma_semaphore, #tpu.memory_space<semaphore_mem>>) src(%arg12 : memref<16x256xf32, #tpu.memory_space<vmem>>) dst(%dma_wait3A_818 : memref<16x256xf32, #tpu.memory_space<hbm>>)
      tpu.yield
    }) : () -> ()
    return
  }
}

</mosaic_0001>

<sc_bundles>
// kernel: kernel.3.cloned.1.call-start
scs
__scs_entry_jumppad:
0x0: {  	(pc) =	sbr.rel $0x88, $3  }
0x1: {  	(tag) =	ssettag $0x0;
	lr =	simm.s32 $0x1  }
0x2: {  	[smem:$0x3F9F] =	sst lr;
	_ =	strace $0xD0000000  }
0x3: {  	_ = 	snop  }
0x4: {  	_ = 	snop  }
0x5: {  	_ = 	snop  }
0x6: {  	_ = 	snop  }
0x7: {  	_ = 	snop  }
__scs_overlays_trampoline_lowered:
0x8: {  	[smem:$0x3FAE] =	sst s0  }
0x9: {  	[smem:$0x3FAF] =	sst s1  }
0xa: {  	[smem:$0x3FB0] =	sst s2  }
0xb: {  	[smem:$0x3FB1] =	sst s3  }
0xc: {  	[smem:$0x3FB2] =	sst s4  }
0xd: {  	[smem:$0x3FB3] =	sst s5  }
0xe: {  	[smem:$0x3FB4] =	sst s6  }
0xf: {  	[smem:$0x3FB5] =	sst s7  }
0x10: {  	[smem:$0x3FB6] =	sst s8  }
0x11: {  	[smem:$0x3FB7] =	sst s9;
	s0 =	simm.s32 @!p0 $0x0  }
0x12: {  	s1 =	sld [smem:$0x3F9D];
	s0 =	simm.s32 @p0 $0x1  }
0x13: {  	[smem:$0x3FB8] =	sst s0;
	s0 =	simm.s32 @!p1 $0x0  }
0x14: {  	s2 =	sld [smem:$0x3F9C];
	s0 =	simm.s32 @p1 $0x1  }
0x15: {  	[smem:$0x3FB9] =	sst s0;
	s0 =	simm.s32 @!p2 $0x0  }
0x16: {  	s3 =	sld [smem:$0x3FDB];
	s0 =	simm.s32 @p2 $0x1  }
0x17: {  	s4 =	simm.s32 $0x1BF5;
	[smem:$0x3FBB] =	sst s0  }
0x18: {  	s0 =	sld [smem:$0x3F9E];
	_ =	swait.ge [sflag:s4], $0x0  }
0x19: {  	s7 =	sld [smem:$0x3F9F]  }
0x1a: {  	s8 =	sadd.s32 $0xFFFFE003, lr  }
0x1b: {  	s9 =	sadd.s32 $0xFFFFFEF7, lr;
	s5 =	simm.s32 $0xFFFFFFFF;
	p2 =	slt.u32 s8, $0xFFFFF086  }
0x1c: {  	p1 =	slt.u32 s9, $0xF7A;
	s5 =	simm.s32 @!p2 $0x0  }
0x1d: {  	s5 =	simm.s32 @p1 $0x1;
	p0 =	seq.s32 s7, s2  }
0x1e: {  	s7 =	smul.u32 @!p0 $0xF7A, s2;
	p2 =	seq.s32 @!p0 s5, $0x0  }
0x1f: {  	s9 =	smul.u32 $0xF7A, s1;
	s8 =	simm.s32 @!p0 $0x1BF5;
	p2 =	por !p2, p0  }
0x20: {  	[sflag:s8] =	ssyncset.s32 @!p0 $0xFFFFF086;
	s6 =	sadd.s32 @!p0 s3, s7;
	s7 =	simm.s32 @!p0 $0x108  }
0x21: {  	s3 =	sadd.s32 s3, s9;
	s6 =	sadd.s32 @!p0 $0x88, s6;
	s7 =	simm.s32 @p2 $0x1082  }
0x22: {  	[simem:s7], [sflag:s8] =	dma.local @!p0 [hbm:s6], $0xF7A  }
0x23: {  	s9 =	sor.u32 $0xD0000000, s2;
	s6 =	simm.s32 $0x108;
	_ =	swait.ge @!p0 [sflag:s8], $0x0  }
0x24: {  	s3 =	sadd.s32 $0x88, s3;
	s6 =	simm.s32 @!p1 $0x1082;
	[sflag:s4] =	ssyncset.s32 $0xFFFFF086  }
0x25: {  	[simem:s6], [sflag:s4] =	dma.local [hbm:s3], $0xF7A  }
0x26: {  	[smem:$0x3F9F] =	sst s1;
	(tag) =	ssettag s2;
	_ =	strace s9  }
0x27: {  	s1 =	sld [smem:$0x3FAF]  }
0x28: {  	s2 =	sld [smem:$0x3FB0]  }
0x29: {  	s4 =	sld [smem:$0x3FB2]  }
0x2a: {  	p0 =	seq.s32 s5, $0x0;
	s5 =	sld [smem:$0x3FB3]  }
0x2b: {  	s6 =	sld [smem:$0x3FB4]  }
0x2c: {  	s7 =	sld [smem:$0x3FB5]  }
0x2d: {  	s3 =	simm.s32 $0x108;
	s8 =	sld [smem:$0x3FB6]  }
0x2e: {  	s3 =	simm.s32 @!p0 $0x1082;
	s9 =	sld [smem:$0x3FB7]  }
0x2f: {  	lr =	sadd.s32 s0, s3;
	s0 =	sld [smem:$0x3FAE]  }
0x30: {  	s3 =	sld [smem:$0x3FB1]  }
0x31: {  	[smem:$0x3FBA] =	sst s10  }
0x32: {  	s10 =	sld [smem:$0x3FB8];
	_ =	sdelay $0x3  }
0x33: {  	p0 =	seq.s32 s10, $0x1;
	s10 =	sld [smem:$0x3FBA];
	_ =	sdelay $0x3  }
0x34: {  	[smem:$0x3FBA] =	sst s10  }
0x35: {  	s10 =	sld [smem:$0x3FB9];
	_ =	sdelay $0x3  }
0x36: {  	p1 =	seq.s32 s10, $0x1;
	s10 =	sld [smem:$0x3FBA];
	_ =	sdelay $0x3  }
0x37: {  	[smem:$0x3FBA] =	sst s10  }
0x38: {  	s10 =	sld [smem:$0x3FBB]  }
0x39: {  	_ = 	snop;
	(pc) =	sbr.ind lr, $3  }
0x3a: {  	_ = 	snop  }
0x3b: {  	_ = 	snop  }
0x3c: {  	p2 =	seq.s32 s10, $0x1;
	s10 =	sld [smem:$0x3FBA]  }
0x3d: {  	_ =	shalt  }
0x3e: {  	_ =	shalt  }
0x3f: {  	_ =	shalt  }
0x40: {  	_ =	shalt  }
0x41: {  	_ =	shalt  }
0x42: {  	_ =	shalt  }
0x43: {  	_ =	shalt  }
0x44: {  	_ =	shalt  }
0x45: {  	_ =	shalt  }
0x46: {  	_ =	shalt  }
0x47: {  	_ =	shalt  }
0x48: {  	_ =	shalt  }
0x49: {  	_ =	shalt  }
0x4a: {  	_ =	shalt  }
0x4b: {  	_ =	shalt  }
0x4c: {  	_ =	shalt  }
0x4d: {  	_ =	shalt  }
0x4e: {  	_ =	shalt  }
0x4f: {  	_ =	shalt  }
0x50: {  	_ =	shalt  }
0x51: {  	_ =	shalt  }
0x52: {  	_ =	shalt  }
0x53: {  	_ =	shalt  }
0x54: {  	_ =	shalt  }
0x55: {  	_ =	shalt  }
0x56: {  	_ =	shalt  }
0x57: {  	_ =	shalt  }
0x58: {  	_ =	shalt  }
0x59: {  	_ =	shalt  }
0x5a: {  	_ =	shalt  }
0x5b: {  	_ =	shalt  }
0x5c: {  	_ =	shalt  }
0x5d: {  	_ =	shalt  }
0x5e: {  	_ =	shalt  }
0x5f: {  	_ =	shalt  }
0x60: {  	_ =	shalt  }
0x61: {  	_ =	shalt  }
0x62: {  	_ =	shalt  }
0x63: {  	_ =	shalt  }
0x64: {  	_ =	shalt  }
0x65: {  	_ =	shalt  }
0x66: {  	_ =	shalt  }
0x67: {  	_ =	shalt  }
0x68: {  	_ =	shalt  }
0x69: {  	_ =	shalt  }
0x6a: {  	_ =	shalt  }
0x6b: {  	_ =	shalt  }
0x6c: {  	_ =	shalt  }
0x6d: {  	_ =	shalt  }
0x6e: {  	_ =	shalt  }
0x6f: {  	_ =	shalt  }
0x70: {  	_ =	shalt  }
0x71: {  	_ =	shalt  }
0x72: {  	_ =	shalt  }
0x73: {  	_ =	shalt  }
0x74: {  	_ =	shalt  }
0x75: {  	_ =	shalt  }
0x76: {  	_ =	shalt  }
0x77: {  	_ =	shalt  }
0x78: {  	_ =	shalt  }
0x79: {  	_ =	shalt  }
0x7a: {  	_ =	shalt  }
0x7b: {  	_ =	shalt  }
0x7c: {  	_ =	shalt  }
0x7d: {  	_ =	shalt  }
0x7e: {  	_ =	shalt  }
0x7f: {  	_ =	shalt  }
0x80: {  	_ =	shalt  }
0x81: {  	_ =	shalt  }
0x82: {  	_ =	shalt  }
0x83: {  	_ =	shalt  }
0x84: {  	_ =	shalt  }
0x85: {  	_ =	shalt  }
0x86: {  	_ =	shalt  }
0x87: {  	_ =	shalt  }
.Lfunc_end0:
.L_simem_size_0:
called_computation_lowered:
.L_overlay_start_0:
0x88: {  	s2 =	sld [smem:$0x3FD9]  }
0x89: {  	s3 =	sld [smem:$0x3FFE];
	_ =	sdelay $0x1  }
0x8a: {  	s1 =	srdreg.scid  }
0x8b: {  	s0 =	sand.u32 $0x1, s1  }
0x8c: {  	s17 =	sshll.u32 s0, $0xA;
	s2 =	sadd.s32 s3, s2  }
0x8d: {  	s2 =	sadd.s32 s2, s17  }
0x8e: {  	[smem:$0x3FC6] =	sst s2  }
0x8f: {  	_ = 	snop  }
0x90: {  	s2 =	sld [smem:$0x3FC9]  }
0x91: {  	s18 =	sld [smem:$0x3FC8]  }
0x92: {  	s4 =	sld [smem:$0x3FD0];
	(tm) =	ssettm $0x1  }
0x93: {  	s5 =	sld [smem:$0x3FFB];
	_ =	sdelay $0x3  }
0x94: {  	_ =	strace s5  }
0x95: {  	s5 =	sld [smem:$0x3FFC];
	_ =	sdelay $0x3  }
0x96: {  	_ =	strace s5  }
0x97: {  	s5 =	sld [smem:$0x3FFD];
	_ =	sdelay $0x3  }
0x98: {  	_ =	strace s5  }
0x99: {  	_ =	strace $0x8FFFFFFF  }
0x9a: {  	s19 =	sld [smem:$0x3FDB];
	_ =	sdelay $0x1  }
0x9b: {  	s6 =	simm.s32 $_scs_section_size  }
0x9c: {  	s7 =	simm.s32 $_size__tile_overlayer_lowered;
	s8 =	simm.s32 $_tile_overlayer_lowered  }
0x9d: {  	s22 =	simm.s32 $0x1BFF;
	s21 =	sshll.u32 s8, $0x1;
	s5 =	sadd.s32 s6, s19  }
0x9e: {  	s9 =	simm.s32 $0x0;
	s20 =	sshll.u32 s7, $0x1;
	s7 =	sadd.s32 s21, s5  }
0x9f: {  	[timem:s9], [sflag:s22] =	dma.local [hbm:s7], s20  }
0xa0: {  	_ =	swait.ge [sflag:s22], s20  }
0xa1: {  	s6 =	ssub.s32 $0x0, s20;
	[sflag:s22] =	ssyncset.done $0x0  }
0xa2: {  	[sflag:s22] =	ssyncadd.s32 s6;
	_ =	sdelay $0x1  }
0xa3: {  	s23 =	simm.s32 $0x1B8B  }
0xa4: {  	_ =	swait.ge [sflag:s23], $0x1  }
0xa5: {  	[sflag:s23] =	ssyncset.done $0x0  }
0xa6: {  	s25 =	simm.s32 $0x1B8E;
	s24 =	sld [smem:$0x3FFE];
	[sflag:s23] =	ssyncadd.s32 $0xFFFFFFFF  }
0xa7: {  	s26 =	simm.s32 $execute0_lowered;
	[smem:$0x3FD2] =	sst s25  }
0xa8: {  	s7 =	sshll.u32 s26, $0x1;
	_ =	strace $0x80000046;
	[dreg:$0x1] =	wrdreg $0xFFFFFFFF  }
0xa9: {  	s28 =	simm.s32 $_size_execute0_lowered;
	s5 =	sadd.s32 s5, s7;
	[dreg:$0x0] =	wrdreg $0x0  }
0xaa: {  	s7 =	sshll.u32 s28, $0x1;
	[dreg:$0x2] =	wrdreg s5  }
0xab: {  	[dreg:$0x3] =	wrdreg s7  }
0xac: {  	[dreg:$0x4] =	wrdreg $0xC0  }
0xad: {  	_ =	task [dreg:s9], $0x5FFFF  }
0xae: {  	[dreg:$0x1] =	wrdreg $0xFFFFFFFF  }
0xaf: {  	[dreg:$0x0] =	wrdreg $0x60  }
0xb0: {  	[dreg:$0x2] =	wrdreg s2  }
0xb1: {  	[dreg:$0x3] =	wrdreg s18  }
0xb2: {  	[dreg:$0x4] =	wrdreg s24  }
0xb3: {  	[dreg:$0x5] =	wrdreg s4  }
0xb4: {  	[dreg:$0x6] =	wrdreg $0x9  }
0xb5: {  	_ =	task.clear_ibuf [dreg:s9], $0x7FFFF;
	_ =	strace $0x90000046  }
0xb6: {  	s29 =	simm.s32 $0x9;
	_ =	strace $0x80000048  }
0xb7: {  	_ =	swait.ge [sflag:s29], $0x1  }
0xb8: {  	[sflag:s29] =	ssyncadd.s32 $0xFFFFFFFF  }
0xb9: {  	_ =	strace $0x90000048  }
0xba: {  	_ =	sfence  }
0xbb: {  	s30 =	sld [smem:$0x0];
	_ =	sdelay $0x2  }
0xbc: {  	s31 =	sshll.u32 s1, $0xD;
	s1 =	sshrl.u32 s1, $0x2  }
0xbd: {  	s3 =	sand.u32 $0x4000, s31;
	s1 =	sadd.s32 s1, s30  }
0xbe: {  	s0 =	sor.u32 s3, s0;
	s1 =	sshll.u32 s1, $0x11  }
0xbf: {  	s0 =	sor.u32 s1, s0  }
0xc0: {  	s0 =	sadd.s32 $0x8F2B, s0  }
0xc1: {  	[sflag:s0] =	ssyncadd.remote.s32 $0x1  }
0xc2: {  	_ =	sfence.sel $0xFFFF  }
0xc3: {  	[dreg:$0x0] =	wrdreg $0xFFFFFFFF;
	(pc) =	sbr.abs _section_cstart, $3  }
0xc4: {  	[dreg:$0x1] =	wrdreg $0xFFFFFFFF  }
0xc5: {  	_ =	task.clear_ibuf [dreg:s9], $0x2FFFF;
	_ =	strace $0x9FFFFFFF  }
0xc6: {  	(tm) =	ssettm $0x7FFFFFFF  }
0xc7: {  	_ =	shalt  }
tec
execute0_lowered:
.L_overlay_start_1:
0x0: {  	(tag) =	ssettag $0x1  }
0x1: {  	s1 =	rddreg [dreg:$0x0]  }
0x2: {  	s2 =	rddreg [dreg:$0x1]  }
0x3: {  	s0 =	rddreg [dreg:$0x2]  }
0x4: {  	s3 =	rddreg [dreg:$0x3];
	s5 =	srdreg.scid;
	s4 =	simm.s32 $0x0  }
0x5: {  	s7 =	stileid.u32;
	s9 =	simm.s32 $0x380;
	s26 =	simm.s32 $0x5  }
0x6: {  	v3 =	vlaneseq.u32;
	v2 =	vimm.s32 $0x0;
	s5 =	sand.u32 $0x1, s5;
	[smem:$0x7FF] =	sst s4;
	s7 =	sshll.u32 s7, $0x4  }
0x7: {  	vm0 =	vmmov $0x1;
	vm4 =	vcmask $0xF14;
	vm5 =	vcmask $0x1318;
	s0 =	sadd.s32 $0x400, s0;
	s6 =	sshll.u32 s5, $0x8;
	_ =	strace $0x80000047  }
.Ltmp0:
0x8: {  	vm6 =	vcmask $0x171C;
	vm7 =	vcmask $0x1B20;
	vm8 =	vcmask $0x1F24;
	s5 =	ssub.s32 $0x2, s5;
	s7 =	sor.u32 s7, s6;
	(pc) =	sbr.rel .LBB2_1-.Ltmp0, $4  }
0x9: {  	vm9 =	vcmask $0x2328;
	vm10 =	vcmask $0x272C;
	vm11 =	vcmask $0x2B30;
	s30 =	sshrl.u32 s5, $0x1;
	s6 =	sshll.u32 s7, $0x5;
	s31 =	sor.u32 $0x1, s7  }
0xa: {  	[dreg:$0x5] =	wrdreg s0;
	s0 =	ssub.s32 s5, s30;
	v0 =	vor.u32 s7, v3;
	s3 =	sadd.s32 s3, s6;
	v1 =	vadd.s32 s31, v3;
	v3 =	vmul.u32 $0x48, v3  }
0xb: {  	vm12 =	vcmask $0x2F34;
	vm13 =	vcmask $0x3338;
	vm14 =	vcmask $0x373C;
	s28 =	simm.s32 $0x1;
	s0 =	smax.u32 s0, $0x1;
	[dreg:$0x6] =	wrdreg s3  }
0xc: {  	vm15 =	vmmov $0x7fff;
	v5 =	vimm.f32 $0.0e+00;
	s8 =	simm.s32 $0x0;
	s7 =	simm.s32 $0x6;
	[dreg:$0x7] =	wrdreg s0;
	v4 =	vadd.s32 $0x48, v3  }
.LBB2_13:
0xd: {  	_ = 	snop  }
.LBB2_50:
0xe: {  	s3 =	sor.u32 s12, s11;
	[tilespmem:s0+$0x470] =	vst @p0 v5  }
0xf: {  	s31 =	sadd.s32 $0x1C880, s3;
	[tilespmem:s3+$0x1C880] =	vst v5  }
0x10: {  	[tilespmem:s31+$0x10] =	vst v5  }
0x11: {  	[tilespmem:s31+$0x20] =	vst v5  }
0x12: {  	[tilespmem:s31+$0x30] =	vst v5  }
0x13: {  	[tilespmem:s31+$0x40] =	vst v5  }
0x14: {  	[tilespmem:s31+$0x50] =	vst v5  }
0x15: {  	[tilespmem:s31+$0x60] =	vst v5  }
0x16: {  	[tilespmem:s31+$0x70] =	vst v5  }
0x17: {  	[tilespmem:s31+$0x400] =	vst v5  }
0x18: {  	[tilespmem:s31+$0x410] =	vst v5  }
0x19: {  	[tilespmem:s31+$0x420] =	vst v5  }
0x1a: {  	[tilespmem:s31+$0x430] =	vst v5  }
0x1b: {  	[tilespmem:s31+$0x440] =	vst v5  }
0x1c: {  	[tilespmem:s31+$0x450] =	vst v5  }
0x1d: {  	[tilespmem:s31+$0x460] =	vst v5  }
0x1e: {  	[tilespmem:s31+$0x470] =	vst v5  }
.LBB2_51:
0x1f: {  	s0 =	rddreg [dreg:$0x6];
	s3 =	simm.s32 $0x1C880  }
0x20: {  	[hbm4b:s0+s4] =	stream.linear.scatter [tilespmem:s3], [sflag:$0x6], $0x1000, $0x38;
	[tilespmem:$0x1D880] =	vst v63  }
0x21: {  	_ =	swait.ge [sflag:s7], $0x1000  }
0x22: {  	s8 =	sadd.s32 $0x1, s8;
	s31 =	rddreg [dreg:$0x7]  }
0x23: {  	p0 =	sne.s32 s8, s31  }
.Ltmp1:
0x24: {  	_ = 	snop;
	(pc) =	sbr.rel @!p0 .LBB2_52-.Ltmp1, $3  }
0x25: {  	_ =	sdelay $0x1  }
0x26: {  	[sflag:s7] =	ssyncset.done $0x0  }
0x27: {  	[sflag:s7] =	ssyncadd.s32 $0xFFFFF000  }
.LBB2_1:
0x28: {  	s0 =	rddreg [dreg:$0x5]  }
0x29: {  	[tilespmem:s4], [sflag:$0x6] =	stream.linear.gather [hbm4b:s0+s4], $0x380, $0x38;
	[tilespmem:$0x1D880] =	vst v63  }
0x2a: {  	_ =	swait.ge [sflag:s7], $0x380  }
0x2b: {  	[sflag:s7] =	ssyncset.done $0x0  }
0x2c: {  	v7 =	vimm.s32 $0x30E;
	v8 =	vimm.s32 $0x30E;
	v6 =	vimm.s32 $0x0;
	s0 =	simm.s32 $0xA;
	[sflag:s7] =	ssyncadd.s32 $0xFFFFFC80  }
.LBB2_2:
0x2d: {  	v9 =	vadd.s32 v6, v8  }
0x2e: {  	v10 =	vand.u32 $0x1, v9  }
0x2f: {  	vm2 =	vlt.s32 v9, $0x1;
	vm1 =	veq.s32 v10, $0x1;
	v10 =	vshrl.u32 v9, $0x1F  }
0x30: {  	v9 =	vadd.s32 v10, v9;
	vm1 =	vmand vm2, vm1  }
0x31: {  	v9 =	vshra.s32 v9, $0x1;
	v10 =	vsel vm1, $0xFFFFFFFF, v2  }
0x32: {  	v9 =	vadd.s32 v10, v9  }
0x33: {  	vm1 =	vlt.s32 v9, $0x30D  }
0x34: {  	v9 =	vnsel vm1, $0x30D, v9;
	_ =	sdelay $0x4  }
0x35: {  	v10 =	vld.idx.msk [tilespmem:v9+s4+$0x0], $0xffff;
	_ =	sdelay $0x1  }
0x36: {  	p0 =	sne.s32 s0, $0x1  }
.Ltmp2:
0x37: {  	_ = 	snop;
	(pc) =	sbr.rel @p0 .LBB2_2-.Ltmp2, $4  }
0x38: {  	_ = 	snop  }
0x39: {  	vm1 =	vlt.s32 v6, v8;
	vm2 =	vge.s32 v10, v0;
	vm3 =	vlt.s32 v10, v0  }
0x3a: {  	v10 =	vadd.s32 $0x1, v9;
	vm3 =	vmand vm1, vm3;
	vm1 =	vmand vm1, vm2  }
0x3b: {  	s0 =	sadd.s32 $0xFFFFFFFF, s0;
	v6 =	vsel vm3, v10, v6;
	v8 =	vsel vm1, v9, v8  }
0x3c: {  	v8 =	vimm.s32 $0x0  }
0x3d: {  	s0 =	simm.s32 $0x9;
	v9 =	vadd.s32 v8, v7  }
.LBB2_4:
0x3e: {  	p0 =	sne.s32 s0, $0x1;
	v10 =	vand.u32 $0x1, v9  }
0x3f: {  	v11 =	vshrl.u32 v9, $0x1F;
	vm1 =	vlt.s32 v9, $0x1;
	vm2 =	veq.s32 v10, $0x1  }
0x40: {  	v9 =	vadd.s32 v11, v9;
	vm1 =	vmand vm1, vm2  }
0x41: {  	v9 =	vshra.s32 v9, $0x1;
	v10 =	vsel vm1, $0xFFFFFFFF, v2  }
0x42: {  	v9 =	vadd.s32 v10, v9  }
0x43: {  	vm1 =	vlt.s32 v9, $0x30D  }
0x44: {  	v9 =	vnsel vm1, $0x30D, v9  }
0x45: {  	v10 =	vadd.s32 $0x1, v9;
	_ =	sdelay $0x3  }
0x46: {  	v11 =	vld.idx.msk [tilespmem:v9+s4+$0x0], $0xffff;
	_ =	sdelay $0x4  }
.Ltmp3:
0x47: {  	(pc) =	sbr.rel @p0 .LBB2_4-.Ltmp3, $4  }
0x48: {  	vm1 =	vlt.s32 v8, v7;
	vm2 =	vge.s32 v11, v1;
	vm3 =	vlt.s32 v11, v1  }
0x49: {  	vm3 =	vmand vm1, vm3;
	vm1 =	vmand vm1, vm2  }
0x4a: {  	v8 =	vsel vm3, v10, v8;
	v7 =	vsel vm1, v9, v7  }
0x4b: {  	s0 =	sadd.s32 $0xFFFFFFFF, s0;
	v9 =	vadd.s32 v8, v7  }
0x4c: {  	v6 =	vshll.u32 v6, $0x6  }
0x4d: {  	v6 =	vadd.s32 $0xFFFFFFC0, v6  }
0x4e: {  	vm1 =	vgt.s32 v6, $0x0  }
0x4f: {  	v6 =	vnsel vm1, $0x0, v6  }
0x50: {  	v6 =	vmin.u32 v6, $0xC308  }
0x51: {  	v10 =	vnsel vm0, $0x0, v6  }
0x52: {  	(xrf0) =	vadd.scan.msk.s32 $0xffff, v10;
	_ =	sdelay $0x1  }
0x53: {  	vm1 =	vcmask $0x308  }
0x54: {  	v10 =	vsel vm1, $0x0, v6  }
0x55: {  	(xrf0) =	vadd.scan.msk.s32 $0xffff, v10;
	_ =	sdelay $0x1  }
0x56: {  	vm1 =	vcmask $0x70C;
	v10, _, _ =	vpop (xrf0)  }
0x57: {  	(v2sf) =	vpush v10, $0xF;
	v10 =	vsel vm1, $0x0, v6;
	_ =	sdelay $0x1  }
0x58: {  	(xrf0) =	vadd.scan.msk.s32 $0xffff, v10  }
0x59: {  	vm1 =	vcmask $0xB10;
	v10, _, _ =	vpop (xrf0)  }
0x5a: {  	(v2sf) =	vpush v10, $0xF;
	v10 =	vsel vm1, $0x0, v6  }
0x5b: {  	(xrf0) =	vadd.scan.msk.s32 $0xffff, v10;
	v10 =	vand.u32 $0x1, v9;
	_ =	sdelay $0x2  }
0x5c: {  	v11 =	vshrl.u32 v9, $0x1F;
	vm2 =	veq.s32 v10, $0x1;
	v10, _, _ =	vpop (xrf0)  }
0x5d: {  	vm1 =	vlt.s32 v9, $0x1;
	(v2sf) =	vpush v10, $0xF;
	v10 =	vsel vm4, $0x0, v6  }
0x5e: {  	v9 =	vadd.s32 v11, v9;
	vm1 =	vmand vm1, vm2;
	(xrf0) =	vadd.scan.msk.s32 $0xffff, v10  }
0x5f: {  	v9 =	vshra.s32 v9, $0x1;
	v11 =	vsel vm1, $0xFFFFFFFF, v2  }
0x60: {  	v9 =	vadd.s32 v11, v9;
	v10, _, _ =	vpop (xrf0)  }
0x61: {  	vm1 =	vlt.s32 v9, $0x30D;
	(v2sf) =	vpush v10, $0xF;
	v10 =	vsel vm5, $0x0, v6  }
0x62: {  	v9 =	vnsel vm1, $0x30D, v9;
	(xrf0) =	vadd.scan.msk.s32 $0xffff, v10;
	_ =	sdelay $0x1  }
0x63: {  	s0 =	spop (v2sf);
	v10, _, _ =	vpop (xrf0)  }
0x64: {  	s0 =	sshrl.u32 s0, $0x3;
	(v2sf) =	vpush v10, $0xF;
	v10 =	vsel vm6, $0x0, v6  }
0x65: {  	s0 =	sadd.s32 s2, s0;
	(xrf0) =	vadd.scan.msk.s32 $0xffff, v10  }
0x66: {  	v11 =	vld.idx.msk [tilespmem:v9+s4+$0x0], $0xffff;
	[tilespmem:s9], [sflag:$0x5] =	stream.linear.gather [hbm4b:s0+s4], $0x48, $0x38  }
0x67: {  	s20 =	spop (v2sf);
	v10, _, _ =	vpop (xrf0)  }
0x68: {  	s0 =	sshrl.u32 s20, $0x3;
	(v2sf) =	vpush v10, $0xF;
	v10 =	vsel vm7, $0x0, v6  }
0x69: {  	s3 =	simm.s32 $0x3C8;
	s0 =	sadd.s32 s2, s0;
	(xrf0) =	vadd.scan.msk.s32 $0xffff, v10  }
0x6a: {  	[tilespmem:s3], [sflag:$0x5] =	stream.linear.gather [hbm4b:s0+s4], $0x48, $0x38;
	[tilespmem:$0x1D880] =	vst v63  }
0x6b: {  	s21 =	spop (v2sf);
	v10, _, _ =	vpop (xrf0)  }
0x6c: {  	s0 =	sshrl.u32 s21, $0x3;
	(v2sf) =	vpush v10, $0xF;
	v10 =	vsel vm8, $0x0, v6  }
0x6d: {  	s22 =	simm.s32 $0x410;
	s0 =	sadd.s32 s2, s0;
	(xrf0) =	vadd.scan.msk.s32 $0xffff, v10  }
0x6e: {  	[tilespmem:s22], [sflag:$0x5] =	stream.linear.gather [hbm4b:s0+s4], $0x48, $0x38;
	[tilespmem:$0x1D880] =	vst v63  }
0x6f: {  	s23 =	spop (v2sf);
	v10, _, _ =	vpop (xrf0)  }
0x70: {  	s0 =	sshrl.u32 s23, $0x3;
	(v2sf) =	vpush v10, $0xF;
	v10 =	vsel vm9, $0x0, v6  }
0x71: {  	s24 =	simm.s32 $0x458;
	s0 =	sadd.s32 s2, s0;
	(xrf0) =	vadd.scan.msk.s32 $0xffff, v10  }
0x72: {  	[tilespmem:s24], [sflag:$0x5] =	stream.linear.gather [hbm4b:s0+s4], $0x48, $0x38;
	[tilespmem:$0x1D880] =	vst v63  }
0x73: {  	s25 =	spop (v2sf);
	v10, _, _ =	vpop (xrf0)  }
0x74: {  	s0 =	sshrl.u32 s25, $0x3;
	(v2sf) =	vpush v10, $0xF;
	v10 =	vsel vm10, $0x0, v6  }
0x75: {  	s29 =	simm.s32 $0x4A0;
	s0 =	sadd.s32 s2, s0;
	(xrf0) =	vadd.scan.msk.s32 $0xffff, v10  }
0x76: {  	[tilespmem:s29], [sflag:$0x5] =	stream.linear.gather [hbm4b:s0+s4], $0x48, $0x38;
	[tilespmem:$0x1D880] =	vst v63  }
0x77: {  	s30 =	spop (v2sf);
	v10, _, _ =	vpop (xrf0)  }
0x78: {  	s0 =	sshrl.u32 s30, $0x3;
	(v2sf) =	vpush v10, $0xF;
	v10 =	vsel vm11, $0x0, v6  }
0x79: {  	s31 =	simm.s32 $0x4E8;
	s0 =	sadd.s32 s2, s0;
	(xrf0) =	vadd.scan.msk.s32 $0xffff, v10  }
0x7a: {  	[tilespmem:s31], [sflag:$0x5] =	stream.linear.gather [hbm4b:s0+s4], $0x48, $0x38;
	[tilespmem:$0x1D880] =	vst v63  }
0x7b: {  	s3 =	spop (v2sf);
	v10, _, _ =	vpop (xrf0)  }
0x7c: {  	s0 =	sshrl.u32 s3, $0x3;
	(v2sf) =	vpush v10, $0xF;
	v10 =	vsel vm12, $0x0, v6  }
0x7d: {  	s5 =	simm.s32 $0x530;
	s0 =	sadd.s32 s2, s0;
	(xrf0) =	vadd.scan.msk.s32 $0xffff, v10  }
0x7e: {  	[tilespmem:s5], [sflag:$0x5] =	stream.linear.gather [hbm4b:s0+s4], $0x48, $0x38;
	[tilespmem:$0x1D880] =	vst v63  }
0x7f: {  	s6 =	spop (v2sf);
	v10, _, _ =	vpop (xrf0)  }
0x80: {  	s0 =	sshrl.u32 s6, $0x3;
	(v2sf) =	vpush v10, $0xF;
	v10 =	vsel vm13, $0x0, v6  }
0x81: {  	s10 =	simm.s32 $0x578;
	s0 =	sadd.s32 s2, s0;
	(xrf0) =	vadd.scan.msk.s32 $0xffff, v10  }
0x82: {  	[tilespmem:s10], [sflag:$0x5] =	stream.linear.gather [hbm4b:s0+s4], $0x48, $0x38;
	[tilespmem:$0x1D880] =	vst v63  }
0x83: {  	vm1 =	vlt.s32 v8, v7;
	s11 =	spop (v2sf);
	v7, _, _ =	vpop (xrf0)  }
0x84: {  	vm2 =	vlt.s32 v11, v1;
	s0 =	sshrl.u32 s11, $0x3;
	(v2sf) =	vpush v7, $0xF;
	v7 =	vsel vm14, $0x0, v6  }
0x85: {  	s12 =	simm.s32 $0x5C0;
	v9 =	vadd.s32 $0x1, v9;
	vm1 =	vmand vm1, vm2;
	s0 =	sadd.s32 s2, s0;
	(xrf0) =	vadd.scan.msk.s32 $0xffff, v7  }
0x86: {  	v7 =	vsel vm1, v9, v8;
	[tilespmem:s12], [sflag:$0x5] =	stream.linear.gather [hbm4b:s0+s4], $0x48, $0x38;
	[tilespmem:$0x1D880] =	vst v63  }
0x87: {  	v7 =	vshll.u32 v7, $0x6;
	s13 =	spop (v2sf);
	v8, _, _ =	vpop (xrf0)  }
0x88: {  	v7 =	vadd.s32 $0xFFFFFFC0, v7;
	s0 =	sshrl.u32 s13, $0x3;
	(v2sf) =	vpush v8, $0xF;
	v8 =	vsel vm15, $0x0, v6  }
0x89: {  	s14 =	simm.s32 $0x608;
	vm1 =	vgt.s32 v7, $0x0;
	s0 =	sadd.s32 s2, s0;
	(xrf0) =	vadd.scan.msk.s32 $0xffff, v8  }
0x8a: {  	v7 =	vnsel vm1, $0x0, v7;
	[tilespmem:s14], [sflag:$0x5] =	stream.linear.gather [hbm4b:s0+s4], $0x48, $0x38;
	[tilespmem:$0x1D880] =	vst v63  }
0x8b: {  	v7 =	vmin.u32 v7, $0xC308;
	s15 =	spop (v2sf);
	v8, _, _ =	vpop (xrf0)  }
0x8c: {  	s0 =	sshrl.u32 s15, $0x3;
	(v2sf) =	vpush v8, $0xF;
	v8 =	vsel vm15, $0x0, v7  }
0x8d: {  	s16 =	simm.s32 $0x650;
	s0 =	sadd.s32 s2, s0;
	(xrf0) =	vadd.scan.msk.s32 $0xffff, v8  }
0x8e: {  	[tilespmem:s16], [sflag:$0x5] =	stream.linear.gather [hbm4b:s0+s4], $0x48, $0x38;
	[tilespmem:$0x1D880] =	vst v63  }
0x8f: {  	v8, _, _ =	vpop (xrf0);
	s17 =	spop (v2sf)  }
0x90: {  	s0 =	sshrl.u32 s17, $0x3;
	(v2sf) =	vpush v8, $0xF  }
0x91: {  	s18 =	simm.s32 $0x698;
	s0 =	sadd.s32 s2, s0  }
0x92: {  	[tilespmem:s18], [sflag:$0x5] =	stream.linear.gather [hbm4b:s0+s4], $0x48, $0x38;
	[tilespmem:$0x1D880] =	vst v63  }
0x93: {  	s19 =	spop (v2sf);
	v8, _, _ =	vpop (xrf0)  }
0x94: {  	s0 =	sshrl.u32 s19, $0x3;
	(v2sf) =	vpush v8, $0xF  }
0x95: {  	s20 =	simm.s32 $0x6E0;
	s0 =	sadd.s32 s2, s0  }
0x96: {  	[tilespmem:s20], [sflag:$0x5] =	stream.linear.gather [hbm4b:s0+s4], $0x48, $0x38;
	[tilespmem:$0x1D880] =	vst v63  }
0x97: {  	s21 =	spop (v2sf)  }
0x98: {  	s0 =	sshrl.u32 s21, $0x3  }
0x99: {  	s22 =	simm.s32 $0x728;
	s0 =	sadd.s32 s2, s0  }
0x9a: {  	[tilespmem:s22], [sflag:$0x5] =	stream.linear.gather [hbm4b:s0+s4], $0x48, $0x38;
	[tilespmem:$0x1D880] =	vst v63  }
0x9b: {  	s23 =	spop (v2sf)  }
0x9c: {  	s0 =	sshrl.u32 s23, $0x3  }
0x9d: {  	s24 =	simm.s32 $0x770;
	s0 =	sadd.s32 s2, s0  }
0x9e: {  	[tilespmem:s24], [sflag:$0x5] =	stream.linear.gather [hbm4b:s0+s4], $0x48, $0x38;
	[tilespmem:$0x1D880] =	vst v63  }
0x9f: {  	s25 =	spop (v2sf)  }
0xa0: {  	s0 =	sshrl.u32 s25, $0x3  }
0xa1: {  	s29 =	simm.s32 $0x7B8;
	s0 =	sadd.s32 s2, s0  }
0xa2: {  	[tilespmem:s29], [sflag:$0x5] =	stream.linear.gather [hbm4b:s0+s4], $0x48, $0x38;
	[tilespmem:$0x1D880] =	vst v63  }
0xa3: {  	s30 =	spop (v2sf)  }
0xa4: {  	s0 =	sshrl.u32 s30, $0x3  }
0xa5: {  	s31 =	simm.s32 $0x800;
	s0 =	sadd.s32 s2, s0  }
0xa6: {  	[tilespmem:s31], [sflag:$0x5] =	stream.linear.gather [hbm4b:s0+s4], $0x48, $0x38;
	[tilespmem:$0x1D880] =	vst v63  }
0xa7: {  	_ =	swait.ge [sflag:s26], $0x48  }
0xa8: {  	[sflag:s26] =	ssyncset.done $0x0  }
0xa9: {  	[sflag:s26] =	ssyncadd.s32 $0xFFFFFFB8  }
0xaa: {  	_ =	swait.ge [sflag:s26], $0x48  }
0xab: {  	[sflag:s26] =	ssyncset.done $0x0  }
0xac: {  	[sflag:s26] =	ssyncadd.s32 $0xFFFFFFB8  }
0xad: {  	_ =	swait.ge [sflag:s26], $0x48  }
0xae: {  	[sflag:s26] =	ssyncset.done $0x0  }
0xaf: {  	[sflag:s26] =	ssyncadd.s32 $0xFFFFFFB8  }
0xb0: {  	_ =	swait.ge [sflag:s26], $0x48  }
0xb1: {  	[sflag:s26] =	ssyncset.done $0x0  }
0xb2: {  	[sflag:s26] =	ssyncadd.s32 $0xFFFFFFB8  }
0xb3: {  	_ =	swait.ge [sflag:s26], $0x48  }
0xb4: {  	[sflag:s26] =	ssyncset.done $0x0  }
0xb5: {  	[sflag:s26] =	ssyncadd.s32 $0xFFFFFFB8  }
0xb6: {  	_ =	swait.ge [sflag:s26], $0x48  }
0xb7: {  	[sflag:s26] =	ssyncset.done $0x0  }
0xb8: {  	[sflag:s26] =	ssyncadd.s32 $0xFFFFFFB8  }
0xb9: {  	_ =	swait.ge [sflag:s26], $0x48  }
0xba: {  	[sflag:s26] =	ssyncset.done $0x0  }
0xbb: {  	[sflag:s26] =	ssyncadd.s32 $0xFFFFFFB8  }
0xbc: {  	_ =	swait.ge [sflag:s26], $0x48  }
0xbd: {  	[sflag:s26] =	ssyncset.done $0x0  }
0xbe: {  	[sflag:s26] =	ssyncadd.s32 $0xFFFFFFB8  }
0xbf: {  	_ =	swait.ge [sflag:s26], $0x48  }
0xc0: {  	[sflag:s26] =	ssyncset.done $0x0  }
0xc1: {  	[sflag:s26] =	ssyncadd.s32 $0xFFFFFFB8  }
0xc2: {  	_ =	swait.ge [sflag:s26], $0x48  }
0xc3: {  	[sflag:s26] =	ssyncset.done $0x0  }
0xc4: {  	[sflag:s26] =	ssyncadd.s32 $0xFFFFFFB8  }
0xc5: {  	_ =	swait.ge [sflag:s26], $0x48  }
0xc6: {  	[sflag:s26] =	ssyncset.done $0x0  }
0xc7: {  	[sflag:s26] =	ssyncadd.s32 $0xFFFFFFB8  }
0xc8: {  	_ =	swait.ge [sflag:s26], $0x48  }
0xc9: {  	[sflag:s26] =	ssyncset.done $0x0  }
0xca: {  	[sflag:s26] =	ssyncadd.s32 $0xFFFFFFB8  }
0xcb: {  	_ =	swait.ge [sflag:s26], $0x48  }
0xcc: {  	[sflag:s26] =	ssyncset.done $0x0  }
0xcd: {  	[sflag:s26] =	ssyncadd.s32 $0xFFFFFFB8  }
0xce: {  	_ =	swait.ge [sflag:s26], $0x48  }
0xcf: {  	[sflag:s26] =	ssyncset.done $0x0  }
0xd0: {  	[sflag:s26] =	ssyncadd.s32 $0xFFFFFFB8  }
0xd1: {  	_ =	swait.ge [sflag:s26], $0x48  }
0xd2: {  	[sflag:s26] =	ssyncset.done $0x0  }
0xd3: {  	[sflag:s26] =	ssyncadd.s32 $0xFFFFFFB8  }
0xd4: {  	_ =	swait.ge [sflag:s26], $0x48  }
0xd5: {  	[sflag:s26] =	ssyncset.done $0x0  }
0xd6: {  	[sflag:s26] =	ssyncadd.s32 $0xFFFFFFB8  }
0xd7: {  	_ =	swait.ge [sflag:s26], $0x48  }
0xd8: {  	v9 =	vimm.s32 $0x48;
	v8 =	vimm.s32 $0x0;
	[sflag:s26] =	ssyncset.done $0x0  }
0xd9: {  	v11 =	vimm.s32 $0x48;
	v10 =	vimm.s32 $0x0;
	v12 =	vadd.s32 v8, v9;
	s0 =	simm.s32 $0x6;
	[sflag:s26] =	ssyncadd.s32 $0xFFFFFFB8  }
.LBB2_6:
0xda: {  	p0 =	sne.s32 s0, $0x1;
	v13 =	vand.u32 $0x1, v12  }
0xdb: {  	v14 =	vshrl.u32 v12, $0x1F;
	vm1 =	vlt.s32 v12, $0x1;
	vm2 =	veq.s32 v13, $0x1  }
0xdc: {  	v12 =	vadd.s32 v14, v12;
	vm1 =	vmand vm1, vm2  }
0xdd: {  	v12 =	vshra.s32 v12, $0x1;
	v13 =	vsel vm1, $0xFFFFFFFF, v2  }
0xde: {  	v12 =	vadd.s32 v13, v12  }
0xdf: {  	v13 =	vadd.s32 v3, v12;
	v14 =	vadd.s32 $0x1, v12;
	_ =	sdelay $0x4  }
0xe0: {  	v13 =	vld.idx.msk [tilespmem:v13+s9+$0x0], $0xffff;
	_ =	sdelay $0x4  }
.Ltmp4:
0xe1: {  	(pc) =	sbr.rel @p0 .LBB2_6-.Ltmp4, $4  }
0xe2: {  	vm1 =	vlt.s32 v10, v11;
	vm2 =	vge.s32 v13, v0;
	vm3 =	vlt.s32 v13, v0  }
0xe3: {  	vm3 =	vmand vm1, vm3;
	vm1 =	vmand vm1, vm2  }
0xe4: {  	v10 =	vsel vm3, v14, v10;
	v11 =	vsel vm1, v12, v11  }
0xe5: {  	s0 =	sadd.s32 $0xFFFFFFFF, s0;
	v12 =	vadd.s32 v10, v11  }
0xe6: {  	v13 =	vand.u32 $0x1, v12  }
0xe7: {  	v14 =	vshrl.u32 v12, $0x1F;
	vm1 =	vlt.s32 v12, $0x1;
	vm2 =	veq.s32 v13, $0x1  }
0xe8: {  	v62 =	vadd.s32 v14, v12;
	vm1 =	vmand vm1, vm2  }
0xe9: {  	v12 =	vshra.s32 v62, $0x1;
	v63 =	vsel vm1, $0xFFFFFFFF, v2  }
0xea: {  	v12 =	vadd.s32 v63, v12  }
0xeb: {  	v13 =	vadd.s32 v3, v12;
	_ =	sdelay $0x4  }
0xec: {  	v13 =	vld.idx.msk [tilespmem:v13+s9+$0x0], $0xffff;
	_ =	sdelay $0x4  }
0xed: {  	vm1 =	vlt.s32 v10, v11;
	vm2 =	vlt.s32 v13, v0  }
0xee: {  	v11 =	vadd.s32 $0x1, v12;
	vm1 =	vmand vm1, vm2  }
0xef: {  	s0 =	simm.s32 $0x6;
	v10 =	vsel vm1, v11, v10;
	v11 =	vadd.s32 v8, v9  }
.LBB2_8:
0xf0: {  	p0 =	sne.s32 s0, $0x1;
	v12 =	vand.u32 $0x1, v11  }
0xf1: {  	v13 =	vshrl.u32 v11, $0x1F;
	vm1 =	vlt.s32 v11, $0x1;
	vm2 =	veq.s32 v12, $0x1  }
0xf2: {  	v11 =	vadd.s32 v13, v11;
	vm1 =	vmand vm1, vm2  }
0xf3: {  	v11 =	vshra.s32 v11, $0x1;
	v12 =	vsel vm1, $0xFFFFFFFF, v2  }
0xf4: {  	v11 =	vadd.s32 v12, v11  }
0xf5: {  	v12 =	vadd.s32 v4, v11;
	v13 =	vadd.s32 $0x1, v11;
	_ =	sdelay $0x4  }
0xf6: {  	v12 =	vld.idx.msk [tilespmem:v12+s9+$0x0], $0xffff;
	_ =	sdelay $0x4  }
.Ltmp5:
0xf7: {  	(pc) =	sbr.rel @p0 .LBB2_8-.Ltmp5, $4  }
0xf8: {  	vm1 =	vlt.s32 v8, v9;
	vm2 =	vge.s32 v12, v1;
	vm3 =	vlt.s32 v12, v1  }
0xf9: {  	vm3 =	vmand vm1, vm3;
	vm1 =	vmand vm1, vm2  }
0xfa: {  	v8 =	vsel vm3, v13, v8;
	v9 =	vsel vm1, v11, v9  }
0xfb: {  	s0 =	sadd.s32 $0xFFFFFFFF, s0;
	v11 =	vadd.s32 v8, v9  }
0xfc: {  	v12 =	vand.u32 $0x1, v11  }
0xfd: {  	v13 =	vshrl.u32 v11, $0x1F;
	vm1 =	vlt.s32 v11, $0x1;
	vm2 =	veq.s32 v12, $0x1  }
0xfe: {  	v49 =	vadd.s32 v13, v11;
	vm1 =	vmand vm1, vm2  }
0xff: {  	v11 =	vshra.s32 v49, $0x1;
	v50 =	vsel vm1, $0xFFFFFFFF, v2  }
0x100: {  	v11 =	vadd.s32 v50, v11  }
0x101: {  	v12 =	vadd.s32 v4, v11;
	_ =	sdelay $0x4  }
0x102: {  	v6 =	vadd.s32 v6, v10;
	v12 =	vld.idx.msk [tilespmem:v12+s9+$0x0], $0xffff  }
0x103: {  	v10 =	vnsel vm0, $0x0, v6  }
0x104: {  	(xrf0) =	vadd.scan.msk.s32 $0xffff, v10;
	_ =	sdelay $0x2  }
0x105: {  	vm1 =	vlt.s32 v8, v9;
	vm2 =	vlt.s32 v12, v1  }
0x106: {  	v51 =	vadd.s32 $0x1, v11;
	vm1 =	vmand vm1, vm2  }
0x107: {  	v8 =	vsel vm1, v51, v8  }
0x108: {  	v52, _, _ =	vpop (xrf0);
	v7 =	vadd.s32 v7, v8  }
0x109: {  	(v2sf) =	vpush v52, $0xF;
	v8 =	vsel vm15, $0x0, v7  }
0x10a: {  	vm1 =	vcmask $0x308;
	(xrf0) =	vadd.scan.msk.s32 $0xffff, v8;
	v8 =	vnsel vm0, $0x0, v7  }
0x10b: {  	(xrf0) =	vadd.scan.msk.s32 $0xffff, v8;
	v8 =	vsel vm1, $0x0, v7;
	vm1 =	vcmask $0x70C  }
0x10c: {  	(xrf0) =	vadd.scan.msk.s32 $0xffff, v8;
	v8 =	vsel vm1, $0x0, v7;
	vm1 =	vcmask $0xB10  }
0x10d: {  	(xrf0) =	vadd.scan.msk.s32 $0xffff, v8;
	v8 =	vsel vm1, $0x0, v7  }
0x10e: {  	(xrf0) =	vadd.scan.msk.s32 $0xffff, v8;
	v8 =	vsel vm4, $0x0, v7;
	_ =	sdelay $0x2  }
0x10f: {  	(xrf0) =	vadd.scan.msk.s32 $0xffff, v8;
	v8, _, _ =	vpop (xrf0)  }
0x110: {  	v53 =	vsel vm5, $0x0, v7;
	(v2sf) =	vpush v8, $0xF  }
0x111: {  	v54 =	vsel vm6, $0x0, v7;
	(xrf0) =	vadd.scan.msk.s32 $0xffff, v53;
	v8, _, _ =	vpop (xrf0)  }
0x112: {  	v55 =	vsel vm7, $0x0, v7;
	(xrf0) =	vadd.scan.msk.s32 $0xffff, v54;
	(v2sf) =	vpush v8, $0xF  }
0x113: {  	v56 =	vsel vm8, $0x0, v7;
	v8, _, _ =	vpop (xrf0);
	(xrf0) =	vadd.scan.msk.s32 $0xffff, v55  }
0x114: {  	v57 =	vsel vm9, $0x0, v7;
	(v2sf) =	vpush v8, $0xF;
	v8, _, _ =	vpop (xrf0);
	(xrf0) =	vadd.scan.msk.s32 $0xffff, v56  }
0x115: {  	(v2sf) =	vpush v8, $0xF;
	v8, _, _ =	vpop (xrf0);
	(xrf0) =	vadd.scan.msk.s32 $0xffff, v57  }
0x116: {  	v58 =	vsel vm10, $0x0, v7;
	s18 =	spop (v2sf);
	(v2sf) =	vpush v8, $0xF;
	v8, _, _ =	vpop (xrf0)  }
0x117: {  	s0 =	sand.u32 $0x7, s18;
	(v2sf) =	vpush v8, $0xF;
	v8, _, _ =	vpop (xrf0);
	(xrf0) =	vadd.scan.msk.s32 $0xffff, v58  }
0x118: {  	v59 =	vsel vm11, $0x0, v7;
	s3 =	sshra.s32 s18, $0x1F;
	p0 =	slt.s32 s18, $0x1;
	p1 =	sne.s32 s0, $0x0;
	(v2sf) =	vpush v8, $0xF;
	v8, _, _ =	vpop (xrf0)  }
0x119: {  	v60 =	vsel vm12, $0x0, v7;
	s25 =	sshrl.u32 s3, $0x1D;
	p0 =	por !p0, !p1;
	(xrf0) =	vadd.scan.msk.s32 $0xffff, v59;
	(v2sf) =	vpush v8, $0xF;
	v8, _, _ =	vpop (xrf0)  }
0x11a: {  	s3 =	simm.s32 $0x1;
	s0 =	sadd.s32 s25, s18;
	p0 =	por !p0, !p0;
	(xrf0) =	vadd.scan.msk.s32 $0xffff, v60;
	(v2sf) =	vpush v8, $0xF;
	v8, _, _ =	vpop (xrf0)  }
0x11b: {  	v61 =	vsel vm13, $0x0, v7;
	s5 =	sshrl.u32 s0, $0x3;
	s3 =	simm.s32 @!p0 $0x0;
	(v2sf) =	vpush v8, $0xF;
	v8, _, _ =	vpop (xrf0)  }
0x11c: {  	s3 =	ssub.s32 s5, s3;
	(xrf0) =	vadd.scan.msk.s32 $0xffff, v61;
	(v2sf) =	vpush v8, $0xF;
	v8 =	vsel vm14, $0x0, v7  }
0x11d: {  	s5 =	sshll.u32 s3, $0x3;
	v62, _, _ =	vpop (xrf0);
	(xrf0) =	vadd.scan.msk.s32 $0xffff, v8  }
0x11e: {  	p0 =	slt.s32 s5, $0xC2E0;
	s3 =	smov.u32 s5  }
0x11f: {  	s3 =	simm.s32 @!p0 $0xC2E0;
	(v2sf) =	vpush v62, $0xF;
	v8, _, _ =	vpop (xrf0);
	s0 =	spop (v2sf)  }
0x120: {  	v63, _, _ =	vpop (xrf0);
	(v2sf) =	vpush v8, $0xF;
	s14 =	ssub.s32 s0, s3  }
0x121: {  	s10 =	spop (v2sf);
	(v2sf) =	vpush v63, $0xF;
	s16 =	sadd.s32 $0x6F, s14  }
0x122: {  	[smem:$0x0] =	sst s18;
	v8, _, _ =	vpop (xrf0);
	s30 =	smulhi.u32 $0x92492493, s16;
	s17 =	sshra.s32 s16, $0x1F  }
0x123: {  	s11 =	spop (v2sf);
	(v2sf) =	vpush v8, $0xF;
	v8, _, _ =	vpop (xrf0);
	s14 =	ssub.s32 $0xFFFFFF91, s14;
	s17 =	smul.u32 $0x92492493, s17  }
0x124: {  	[smem:$0x1] =	sst s10;
	s12 =	spop (v2sf);
	(v2sf) =	vpush v8, $0xF;
	s10 =	sadd.s32 s14, s30  }
0x125: {  	s10 =	sadd.s32 s17, s10  }
0x126: {  	[smem:$0x2] =	sst s11;
	s13 =	spop (v2sf);
	s10 =	sadd.s32 s16, s10  }
0x127: {  	[smem:$0x3] =	sst s12;
	s20 =	sshrl.u32 s10, $0x1F;
	s10 =	sshra.s32 s10, $0x6  }
0x128: {  	v6 =	vsub.s32 v7, v6;
	s15 =	spop (v2sf);
	[smem:$0x4] =	sst s13;
	s10 =	sadd.s32 s20, s10  }
0x129: {  	v6 =	vcvt.s32.f32 v6;
	p6 =	slt.s32 s16, $0x1;
	s19 =	spop (v2sf);
	s22 =	smul.u32 $0xFFFFFF90, s10  }
0x12a: {  	s11 =	simm.s32 $0x1;
	[smem:$0x5] =	sst s15;
	s31 =	spop (v2sf)  }
0x12b: {  	v6 =	vmax.f32 v6, $1.000000000e+00;
	[smem:$0x6] =	sst s19;
	s6 =	spop (v2sf);
	p5 =	sne.s32 s22, s14  }
0x12c: {  	(erf) = vrcp.f32 v6;
	[smem:$0x7] =	sst s31;
	s17 =	spop (v2sf);
	p0 =	por !p6, !p5  }
0x12d: {  	[smem:$0x8] =	sst s6;
	s21 =	spop (v2sf);
	p0 =	por !p0, !p0  }
0x12e: {  	[smem:$0x9] =	sst s17;
	s23 =	spop (v2sf);
	s11 =	simm.s32 @!p0 $0x0  }
0x12f: {  	[smem:$0xA] =	sst s21;
	s24 =	spop (v2sf);
	s29 =	ssub.s32 s10, s11  }
0x130: {  	[smem:$0xB] =	sst s23;
	s25 =	spop (v2sf);
	p0 =	slt.s32 s29, $0x1  }
.Ltmp6:
0x131: {  	[smem:$0xC] =	sst s24;
	(pc) =	sbr.rel @p0 .LBB2_10-.Ltmp6, $4  }
0x132: {  	s30 =	spop (v2sf);
	[smem:$0xD] =	sst s25  }
0x133: {  	[smem:$0xE] =	sst s30;
	s31 =	spop (v2sf)  }
0x134: {  	[smem:$0xF] =	sst s31  }
0x135: {  	v6 =	vpop (erf);
	[smem:$0x10] =	sst s0  }
0x136: {  	s10 =	sshll.u32 s3, $0x5;
	p0 =	seq.s32 s29, $0x1  }
0x137: {  	s6 =	simm.s32 $0x880;
	s10 =	sadd.s32 s1, s10;
	p1 =	slt.s32 @!p0 s5, $0xC270  }
0x138: {  	[tilespmem:s6], [sflag:$0x1] =	stream.linear.gather [hbm4b:s10+s4], $0x7000, $0x38;
	[tilespmem:$0x1D880] =	vst v63  }
0x139: {  	p1 =	por !p1, p0;
	s10 =	smov.u32 s5  }
0x13a: {  	s10 =	simm.s32 @p1 $0xC270  }
0x13b: {  	p1 =	slt.u32 @!p0 s29, $0x3;
	s10 =	sshll.u32 @!p0 s10, $0x8  }
0x13c: {  	p3 =	por p1, p0;
	s10 =	sadd.s32 @!p0 $0x7000, s10  }
0x13d: {  	s11 =	simm.s32 @!p0 $0x0;
	p2 =	slt.s32 @!p3 s5, $0xC200;
	s10 =	sshrl.u32 @!p0 s10, $0x3  }
0x13e: {  	s12 =	simm.s32 @!p0 $0x7880;
	p2 =	por @!p0 !p2, p1;
	s10 =	sadd.s32 @!p0 s1, s10  }
0x13f: {  	[tilespmem:s12], [sflag:$0x2] =	stream.linear.gather @!p0 [hbm4b:s10+s11], $0x7000, $0x38;
	[tilespmem:$0x1D880] =	vst v63  }
0x140: {  	p2 =	por !p2, p0;
	s10 =	smov.u32 s5  }
0x141: {  	s10 =	simm.s32 @!p2 $0xC200  }
0x142: {  	p4 =	sne.s32 @!p3 s29, $0x3;
	s10 =	sshll.u32 @!p3 s10, $0x8  }
0x143: {  	p2 =	por @!p0 !p4, p1;
	s10 =	sadd.s32 @!p3 $0xE000, s10  }
0x144: {  	s11 =	simm.s32 @!p3 $0x0;
	p2 =	por p2, p0;
	s10 =	sshrl.u32 @!p3 s10, $0x3  }
0x145: {  	s12 =	simm.s32 @!p3 $0xE880;
	p5 =	slt.s32 @!p2 s5, $0xC190;
	s10 =	sadd.s32 @!p3 s1, s10  }
0x146: {  	[tilespmem:s12], [sflag:$0x3] =	stream.linear.gather @!p3 [hbm4b:s10+s11], $0x7000, $0x38;
	[tilespmem:$0x1D880] =	vst v63  }
0x147: {  	p3 =	por @!p3 !p5, !p4  }
0x148: {  	p1 =	por @!p0 !p3, p1  }
0x149: {  	p0 =	por !p1, p0  }
0x14a: {  	s5 =	simm.s32 @p0 $0xC190  }
0x14b: {  	[dreg:$0x8] =	wrdreg s8;
	v7 =	vimm.f32 $0.0e+00;
	s5 =	sshll.u32 @!p2 s5, $0x8  }
.Ltmp7:
0x14c: {  	v8 =	vimm.f32 $0.0e+00;
	v9 =	vimm.f32 $0.0e+00;
	v10 =	vimm.f32 $0.0e+00;
	s13 =	sadd.s32 $0x150, s3;
	s5 =	sadd.s32 @!p2 $0x15000, s5;
	(pc) =	sbr.rel .LBB2_15-.Ltmp7, $4  }
0x14d: {  	v11 =	vimm.f32 $0.0e+00;
	v12 =	vimm.f32 $0.0e+00;
	v21 =	vimm.f32 $0.0e+00;
	s14 =	smov.u32 s3;
	s15 =	simm.s32 $0x0;
	s5 =	sshrl.u32 @!p2 s5, $0x3  }
0x14e: {  	v22 =	vimm.f32 $0.0e+00;
	v13 =	vimm.f32 $0.0e+00;
	v14 =	vimm.f32 $0.0e+00;
	s10 =	simm.s32 @!p2 $0x0;
	s11 =	simm.s32 @!p2 $0x15880;
	s5 =	sadd.s32 @!p2 s1, s5  }
0x14f: {  	v15 =	vimm.f32 $0.0e+00;
	v16 =	vimm.f32 $0.0e+00;
	v17 =	vimm.f32 $0.0e+00;
	[tilespmem:s11], [sflag:$0x4] =	stream.linear.gather @!p2 [hbm4b:s5+s10], $0x7000, $0x38;
	[tilespmem:$0x1D880] =	vst v63  }
0x150: {  	v18 =	vimm.f32 $0.0e+00;
	v19 =	vimm.f32 $0.0e+00;
	v20 =	vimm.f32 $0.0e+00;
	s12 =	sadd.s32 $0xE0, s3;
	s11 =	sadd.s32 $0x70, s3;
	s10 =	simm.s32 $0x0  }
.LBB2_40:
0x151: {  	s18 =	smov.u32 s17  }
.LBB2_47:
0x152: {  	s5 =	sadd.s32 $0x7, s15  }
0x153: {  	p0 =	sge.s32 s5, s29  }
0x154: {  	s5 =	smul.u32 @!p0 $0x70, s5;
	_ =	sdelay $0x1  }
0x155: {  	s5 =	sadd.s32 @!p0 s3, s5  }
0x156: {  	p1 =	slt.s32 @!p0 s5, $0xC2E0  }
0x157: {  	p1 =	por !p1, p0  }
0x158: {  	s5 =	simm.s32 @p1 $0xC2E0  }
0x159: {  	s5 =	sshll.u32 @!p0 s5, $0x5  }
0x15a: {  	s6 =	simm.s32 @!p0 $0x0;
	s7 =	simm.s32 @!p0 $0x15880;
	s5 =	sadd.s32 @!p0 s1, s5  }
0x15b: {  	[tilespmem:s7], [sflag:$0x4] =	stream.linear.gather @!p0 [hbm4b:s5+s6], $0x7000, $0x38;
	[tilespmem:$0x1D880] =	vst v63  }
0x15c: {  	p0 =	slt.s32 s16, s29  }
.Ltmp8:
0x15d: {  	_ = 	snop;
	(pc) =	sbr.rel @!p0 .LBB2_11-.Ltmp8, $3  }
0x15e: {  	_ =	sdelay $0x1  }
0x15f: {  	s14 =	sadd.s32 $0x1C0, s14;
	s11 =	sadd.s32 $0x1C0, s11  }
0x160: {  	s12 =	sadd.s32 $0x1C0, s12;
	s13 =	sadd.s32 $0x1C0, s13;
	s15 =	smov.u32 s16  }
.LBB2_15:
0x161: {  	s5 =	smul.u32 $0x70, s15;
	_ =	sdelay $0x1  }
0x162: {  	s5 =	sadd.s32 s3, s5  }
0x163: {  	p0 =	slt.s32 s5, $0xC2E0  }
0x164: {  	s5 =	simm.s32 @!p0 $0xC2E0  }
0x165: {  	s16 =	sadd.s32 $0x70, s5  }
0x166: {  	p0 =	slt.s32 s0, s16  }
0x167: {  	s16 =	smov.u32 @p0 s0  }
0x168: {  	p0 =	sge.s32 s18, s16  }
.Ltmp9:
0x169: {  	_ = 	snop;
	(pc) =	sbr.rel @p0 .LBB2_16-.Ltmp9, $4  }
0x16a: {  	_ = 	snop  }
0x16b: {  	_ =	swait.ge [sflag:s28], $0x7000  }
0x16c: {  	[sflag:s28] =	ssyncset.done $0x0  }
0x16d: {  	[sflag:s28] =	ssyncadd.s32 $0xFFFF9000  }
.Ltmp10:
0x16e: {  	(pc) =	sbr.rel .LBB2_18-.Ltmp10, $4  }
0x16f: {  	p0 =	slt.s32 s14, $0xC2E0;
	s17 =	smov.u32 s14  }
0x170: {  	s17 =	simm.s32 @!p0 $0xC2E0  }
0x171: {  	s19 =	sshll.u32 s17, $0x7;
	s17 =	sshll.u32 s17, $0x8  }
0x172: {  	s21 =	sxor.u32 $0xFFFFFFFF, s5;
	s19 =	ssub.s32 $0x0, s19;
	s20 =	ssub.s32 $0x0, s17  }
.LBB2_21:
0x173: {  	v12 =	vadd.f32 v27, v12;
	v11 =	vadd.f32 v28, v11;
	v62 =	vld [tilespmem:s30+$0xCE0]  }
0x174: {  	v22 =	vadd.f32 v29, v22;
	v21 =	vadd.f32 v31, v21;
	v63 =	vld [tilespmem:s30+$0xCF0]  }
0x175: {  	v10 =	vadd.f32 v23, v10;
	v9 =	vadd.f32 v24, v9  }
0x176: {  	v8 =	vadd.f32 v25, v8;
	v7 =	vadd.f32 v26, v7  }
0x177: {  	v12 =	vadd.f32 v32, v12;
	v11 =	vadd.f32 v33, v11  }
0x178: {  	v10 =	vadd.f32 v30, v10;
	v9 =	vadd.f32 v34, v9  }
0x179: {  	v8 =	vadd.f32 v62, v8;
	v7 =	vadd.f32 v63, v7  }
.LBB2_22:
0x17a: {  	s5 =	sadd.s32 s21, s17  }
0x17b: {  	p2 =	sgt.s32 s5, $0x0  }
0x17c: {  	s5 =	simm.s32 @!p2 $0x0  }
0x17d: {  	p2 =	sgt.s32 s22, s16;
	s6 =	sshll.u32 s5, $0x8;
	s5 =	sshll.u32 s5, $0x7  }
0x17e: {  	v23 =	vmov @!p2 s10;
	v24 =	vlaneseq.u32 @!p2;
	s6 =	sand.u32 $0xFFFFF800, s6;
	s5 =	sand.u32 $0x380, s5  }
0x17f: {  	vm1 =	veq.s32 @!p2 v23, v24;
	s5 =	sor.u32 s5, s6  }
0x180: {  	v24 =	vnsel @!p2 vm1, $0x0, v6;
	v23 =	vld [tilespmem:s5+$0x880]  }
0x181: {  	v25 =	vld [tilespmem:s5+$0x890];
	(xrf2) =	vadd.scan.msk.f32 @!p2 $0xffff, v24  }
0x182: {  	v52 =	vld [tilespmem:s5+$0x8A0]  }
0x183: {  	v26 =	vld [tilespmem:s5+$0x8B0]  }
0x184: {  	v27 =	vld [tilespmem:s5+$0x8C0]  }
0x185: {  	v28 =	vld [tilespmem:s5+$0x8D0]  }
0x186: {  	s6 =	simm.f32 $1.000000000e+00;
	v29 =	vld [tilespmem:s5+$0x8E0]  }
0x187: {  	v30 =	vld [tilespmem:s5+$0x8F0];
	s6 =	simm.s32 @!p1 $0x0  }
0x188: {  	v33 =	vld [tilespmem:s5+$0xCA0];
	v23 =	vmul.f32 s6, v23  }
0x189: {  	v57 =	vld [tilespmem:s5+$0xCD0]  }
0x18a: {  	v31 =	vld [tilespmem:s5+$0xC80];
	v20 =	vadd.f32 v23, v20;
	v23 =	vmul.f32 s6, v26  }
0x18b: {  	v55 =	vld [tilespmem:s5+$0xCC0];
	v25 =	vmul.f32 s6, v25;
	v54 =	vmul.f32 s6, v27;
	v26, _, _ =	vpop @!p2 (xrf2)  }
0x18c: {  	v32 =	vld [tilespmem:s5+$0xC90];
	v17 =	vadd.f32 v23, v17;
	v23 =	vmul.f32 s6, v28;
	v26 =	vbroadcast @!p2 v26, $0xF  }
0x18d: {  	s18 =	sshll.u32 @!p2 s10, $0x8;
	s23 =	sshll.u32 @!p2 s10, $0x7;
	v53 =	vld [tilespmem:s5+$0xCB0];
	v24 =	vmul.f32 s6, v52;
	v61 =	vmul.f32 s6, v33;
	v16 =	vadd.f32 v54, v16  }
0x18e: {  	s18 =	sand.u32 @!p2 $0xFFFFF800, s18;
	s23 =	sand.u32 @!p2 $0x380, s23;
	v59 =	vld [tilespmem:s5+$0xCE0];
	v62 =	vmul.f32 s6, v57;
	v15 =	vadd.f32 v23, v15;
	v34 =	vmul.f32 @!p2 v20, v26  }
0x18f: {  	v35 =	vld [tilespmem:s5+$0xCF0];
	s5 =	sor.u32 @!p2 s23, s18;
	v19 =	vadd.f32 v25, v19;
	v12 =	vadd.f32 v61, v12;
	v25 =	vmul.f32 @!p2 v16, v26  }
0x190: {  	s18 =	sadd.s32 @!p2 $0x1C880, s5;
	v27 =	vmul.f32 s6, v55;
	v9 =	vadd.f32 v62, v9;
	v28 =	vmul.f32 @!p2 v15, v26;
	[tilespmem:s5+$0x1C880] =	vst @!p2 v34  }
0x191: {  	v56 =	vmul.f32 s6, v29;
	v18 =	vadd.f32 v24, v18;
	v24 =	vmul.f32 @!p2 v12, v26;
	[tilespmem:s18+$0x40] =	vst @!p2 v25  }
0x192: {  	v58 =	vmul.f32 s6, v30;
	v10 =	vadd.f32 v27, v10;
	v27 =	vmul.f32 @!p2 v9, v26;
	[tilespmem:s18+$0x50] =	vst @!p2 v28  }
0x193: {  	v14 =	vadd.f32 v56, v14;
	v23 =	vmul.f32 s6, v31;
	v31 =	vmul.f32 @!p2 v19, v26;
	[tilespmem:s18+$0x420] =	vst @!p2 v24  }
0x194: {  	v60 =	vmul.f32 s6, v32;
	v13 =	vadd.f32 v58, v13;
	v32 =	vmul.f32 @!p2 v18, v26;
	[tilespmem:s18+$0x450] =	vst @!p2 v27  }
0x195: {  	v22 =	vadd.f32 v23, v22;
	v23 =	vmul.f32 s6, v53;
	v25 =	vmul.f32 @!p2 v14, v26;
	[tilespmem:s18+$0x10] =	vst @!p2 v31  }
0x196: {  	v63 =	vmul.f32 s6, v35;
	v21 =	vadd.f32 v60, v21;
	v28 =	vmul.f32 @!p2 v13, v26;
	[tilespmem:s18+$0x20] =	vst @!p2 v32  }
0x197: {  	v11 =	vadd.f32 v23, v11;
	v23 =	vmul.f32 s6, v59;
	v31 =	vmul.f32 @!p2 v17, v26;
	[tilespmem:s18+$0x60] =	vst @!p2 v25  }
0x198: {  	v7 =	vadd.f32 v63, v7;
	v9 =	vpsel !p2, $0x0, v9;
	v25 =	vmul.f32 @!p2 v22, v26;
	[tilespmem:s18+$0x70] =	vst @!p2 v28  }
0x199: {  	v12 =	vpsel !p2, $0x0, v12;
	v8 =	vadd.f32 v23, v8;
	v23 =	vmul.f32 @!p2 v21, v26;
	[tilespmem:s18+$0x30] =	vst @!p2 v31  }
0x19a: {  	v15 =	vpsel !p2, $0x0, v15;
	v16 =	vpsel !p2, $0x0, v16;
	[tilespmem:s18+$0x400] =	vst @!p2 v25;
	v25 =	vmul.f32 @!p2 v11, v26  }
.Ltmp11:
0x19b: {  	v18 =	vpsel !p2, $0x0, v18;
	v19 =	vpsel !p2, $0x0, v19;
	[tilespmem:s18+$0x410] =	vst @!p2 v23;
	v23 =	vmul.f32 @!p2 v10, v26;
	(pc) =	sbr.rel @!p0 .LBB2_23-.Ltmp11, $4  }
0x19c: {  	v20 =	vpsel !p2, $0x0, v20;
	v13 =	vpsel !p2, $0x0, v13;
	v24 =	vmul.f32 @!p2 v8, v26;
	[tilespmem:s18+$0x430] =	vst @!p2 v25  }
0x19d: {  	p1 =	sle.s32 s22, s16;
	v14 =	vpsel !p2, $0x0, v14;
	s5 =	simm.s32 $0x1;
	v17 =	vpsel !p2, $0x0, v17;
	v26 =	vmul.f32 @!p2 v7, v26;
	[tilespmem:s18+$0x440] =	vst @!p2 v23  }
0x19e: {  	s5 =	simm.s32 @!p1 $0x0;
	v21 =	vpsel !p2, $0x0, v21;
	v22 =	vpsel !p2, $0x0, v22;
	v7 =	vpsel !p2, $0x0, v7;
	[tilespmem:s18+$0x460] =	vst @!p2 v24  }
0x19f: {  	s10 =	sadd.s32 s5, s10;
	v8 =	vpsel !p2, $0x0, v8;
	v10 =	vpsel !p2, $0x0, v10;
	v11 =	vpsel !p2, $0x0, v11;
	[tilespmem:s18+$0x470] =	vst @!p2 v26;
	s18 =	smov.u32 s17  }
.LBB2_18:
0x1a0: {  	s22 =	sld [smem:s10+$0x1];
	_ =	sdelay $0x2  }
0x1a1: {  	s17 =	smov.u32 s16;
	p0 =	slt.s32 s22, s16  }
0x1a2: {  	s17 =	smov.u32 @p0 s22  }
0x1a3: {  	s23 =	simm.s32 $0x1;
	p1 =	sne.s32 s22, s18;
	s5 =	ssub.s32 s17, s18  }
0x1a4: {  	s23 =	simm.s32 @!p1 $0x0;
	s24 =	sshra.s32 s5, $0x1F  }
0x1a5: {  	s30 =	sand.u32 $0x1, s5;
	s23 =	sor.u32 s23, s24  }
0x1a6: {  	p1 =	seq.s32 s30, $0x1;
	p2 =	sne.s32 s23, $0x1  }
0x1a7: {  	s31 =	sshrl.u32 s5, $0x1F;
	p2 =	por !p2, !p1  }
0x1a8: {  	s5 =	sadd.s32 s31, s5;
	s23 =	simm.s32 $0x1;
	p2 =	por !p2, !p2  }
0x1a9: {  	s5 =	sshra.s32 s5, $0x1;
	s23 =	simm.s32 @!p2 $0x0  }
0x1aa: {  	s23 =	ssub.s32 s5, s23  }
0x1ab: {  	p2 =	slt.s32 s23, $0x1  }
.Ltmp12:
0x1ac: {  	_ = 	snop;
	(pc) =	sbr.rel @p2 .LBB2_22-.Ltmp12, $1  }
0x1ad: {  	_ =	sdelay $0x3  }
0x1ae: {  	s5 =	sshll.u32 s18, $0x7;
	s25 =	sshll.u32 s18, $0x8  }
0x1af: {  	s5 =	sadd.s32 s5, s19;
	s25 =	sadd.s32 s25, s20  }
0x1b0: {  	s18 =	sand.u32 $0xFFFFF800, s25;
	s24 =	sand.u32 $0x380, s5  }
0x1b1: {  	s18 =	sor.u32 s24, s18  }
0x1b2: {  	v29 =	vld [tilespmem:s18+$0x880]  }
0x1b3: {  	v30 =	vld [tilespmem:s18+$0x890]  }
0x1b4: {  	v31 =	vld [tilespmem:s18+$0x8A0]  }
0x1b5: {  	v32 =	vld [tilespmem:s18+$0x8B0]  }
0x1b6: {  	v33 =	vld [tilespmem:s18+$0x8C0]  }
0x1b7: {  	v34 =	vld [tilespmem:s18+$0x8D0]  }
0x1b8: {  	v35 =	vld [tilespmem:s18+$0x8E0]  }
0x1b9: {  	v36 =	vld [tilespmem:s18+$0x8F0]  }
0x1ba: {  	v37 =	vld [tilespmem:s18+$0xC80]  }
0x1bb: {  	v38 =	vld [tilespmem:s18+$0xC90]  }
0x1bc: {  	v27 =	vld [tilespmem:s18+$0xCA0]  }
0x1bd: {  	v28 =	vld [tilespmem:s18+$0xCB0]  }
0x1be: {  	v23 =	vld [tilespmem:s18+$0xCC0]  }
0x1bf: {  	s31 =	sadd.s32 $0x100, s25;
	s30 =	sadd.s32 $0x80, s5;
	v24 =	vld [tilespmem:s18+$0xCD0]  }
0x1c0: {  	s24 =	sand.u32 $0xFFFFF800, s31;
	s30 =	sand.u32 $0x380, s30;
	v25 =	vld [tilespmem:s18+$0xCE0]  }
0x1c1: {  	s30 =	sor.u32 s30, s24;
	v26 =	vld [tilespmem:s18+$0xCF0]  }
0x1c2: {  	v39 =	vld [tilespmem:s30+$0x880]  }
0x1c3: {  	v40 =	vld [tilespmem:s30+$0x890]  }
0x1c4: {  	v41 =	vld [tilespmem:s30+$0x8A0]  }
0x1c5: {  	v42 =	vld [tilespmem:s30+$0x8B0]  }
0x1c6: {  	v43 =	vld [tilespmem:s30+$0x8C0]  }
0x1c7: {  	v44 =	vld [tilespmem:s30+$0x8E0];
	v20 =	vadd.f32 v29, v20;
	v19 =	vadd.f32 v30, v19  }
0x1c8: {  	v63 =	vld [tilespmem:s30+$0x8F0];
	v18 =	vadd.f32 v31, v18;
	v17 =	vadd.f32 v32, v17  }
0x1c9: {  	v30 =	vld [tilespmem:s30+$0x8D0];
	v16 =	vadd.f32 v33, v16;
	v15 =	vadd.f32 v34, v15  }
0x1ca: {  	p2 =	sgt.s32 s23, $0x1;
	v29 =	vld [tilespmem:s30+$0xC80];
	v14 =	vadd.f32 v35, v14;
	v13 =	vadd.f32 v36, v13  }
.Ltmp13:
0x1cb: {  	v31 =	vld [tilespmem:s30+$0xC90];
	v22 =	vadd.f32 v37, v22;
	v21 =	vadd.f32 v38, v21;
	(pc) =	sbr.rel @!p2 .LBB2_21-.Ltmp13, $4  }
0x1cc: {  	v32 =	vld [tilespmem:s30+$0xCA0];
	v20 =	vadd.f32 v39, v20;
	v19 =	vadd.f32 v40, v19  }
0x1cd: {  	v33 =	vld [tilespmem:s30+$0xCB0];
	v18 =	vadd.f32 v41, v18;
	v17 =	vadd.f32 v42, v17  }
0x1ce: {  	v34 =	vld [tilespmem:s30+$0xCD0];
	v16 =	vadd.f32 v43, v16;
	v14 =	vadd.f32 v44, v14  }
0x1cf: {  	s25 =	sadd.s32 $0x200, s25;
	s18 =	simm.s32 $0x1;
	s24 =	sadd.s32 $0x100, s5;
	v13 =	vadd.f32 v63, v13;
	v15 =	vadd.f32 v30, v15;
	v30 =	vld [tilespmem:s30+$0xCC0]  }
.LBB2_20:
0x1d0: {  	s5 =	sand.u32 $0xFFFFF800, s25;
	s6 =	sand.u32 $0x380, s24;
	v12 =	vadd.f32 v27, v12;
	v11 =	vadd.f32 v28, v11;
	v27 =	vld [tilespmem:s30+$0xCE0]  }
0x1d1: {  	v22 =	vadd.f32 v29, v22;
	v21 =	vadd.f32 v31, v21;
	s5 =	sor.u32 s6, s5;
	v28 =	vld [tilespmem:s30+$0xCF0]  }
0x1d2: {  	v29 =	vld [tilespmem:s5+$0x880];
	v12 =	vadd.f32 v32, v12;
	v11 =	vadd.f32 v33, v11  }
0x1d3: {  	v10 =	vadd.f32 v23, v10;
	v9 =	vadd.f32 v24, v9;
	v31 =	vld [tilespmem:s5+$0x890]  }
0x1d4: {  	v8 =	vadd.f32 v25, v8;
	v7 =	vadd.f32 v26, v7;
	v32 =	vld [tilespmem:s5+$0x8A0]  }
0x1d5: {  	v10 =	vadd.f32 v30, v10;
	v9 =	vadd.f32 v34, v9;
	v33 =	vld [tilespmem:s5+$0x8B0]  }
0x1d6: {  	v8 =	vadd.f32 v27, v8;
	v30 =	vld [tilespmem:s5+$0x8C0];
	v7 =	vadd.f32 v28, v7  }
0x1d7: {  	v34 =	vld [tilespmem:s5+$0x8D0]  }
0x1d8: {  	v35 =	vld [tilespmem:s5+$0x8E0]  }
0x1d9: {  	v36 =	vld [tilespmem:s5+$0x8F0]  }
0x1da: {  	v37 =	vld [tilespmem:s5+$0xC80]  }
0x1db: {  	v38 =	vld [tilespmem:s5+$0xC90]  }
0x1dc: {  	v27 =	vld [tilespmem:s5+$0xCA0]  }
0x1dd: {  	v28 =	vld [tilespmem:s5+$0xCB0]  }
0x1de: {  	v23 =	vld [tilespmem:s5+$0xCC0]  }
0x1df: {  	s6 =	sadd.s32 $0x100, s25;
	s30 =	sadd.s32 $0x80, s24;
	v24 =	vld [tilespmem:s5+$0xCD0]  }
0x1e0: {  	s6 =	sand.u32 $0xFFFFF800, s6;
	s30 =	sand.u32 $0x380, s30;
	v25 =	vld [tilespmem:s5+$0xCE0]  }
0x1e1: {  	s30 =	sor.u32 s30, s6;
	v26 =	vld [tilespmem:s5+$0xCF0]  }
0x1e2: {  	v39 =	vld [tilespmem:s30+$0x880]  }
0x1e3: {  	v40 =	vld [tilespmem:s30+$0x890]  }
0x1e4: {  	v41 =	vld [tilespmem:s30+$0x8A0]  }
0x1e5: {  	v42 =	vld [tilespmem:s30+$0x8B0]  }
0x1e6: {  	v43 =	vld [tilespmem:s30+$0x8C0]  }
0x1e7: {  	v20 =	vadd.f32 v29, v20;
	v19 =	vadd.f32 v31, v19;
	v44 =	vld [tilespmem:s30+$0x8D0]  }
0x1e8: {  	v18 =	vadd.f32 v32, v18;
	v17 =	vadd.f32 v33, v17;
	v45 =	vld [tilespmem:s30+$0x8E0]  }
0x1e9: {  	s18 =	sadd.s32 $0x1, s18;
	v20 =	vadd.f32 v39, v20;
	v19 =	vadd.f32 v40, v19;
	v39 =	vld [tilespmem:s30+$0x8F0]  }
0x1ea: {  	p2 =	slt.s32 s18, s23;
	v18 =	vadd.f32 v41, v18;
	v17 =	vadd.f32 v42, v17;
	v29 =	vld [tilespmem:s30+$0xC80]  }
.Ltmp14:
0x1eb: {  	v16 =	vadd.f32 v30, v16;
	v15 =	vadd.f32 v34, v15;
	v31 =	vld [tilespmem:s30+$0xC90];
	(pc) =	sbr.rel @p2 .LBB2_20-.Ltmp14, $4  }
0x1ec: {  	v14 =	vadd.f32 v35, v14;
	v13 =	vadd.f32 v36, v13;
	v32 =	vld [tilespmem:s30+$0xCA0]  }
0x1ed: {  	v16 =	vadd.f32 v43, v16;
	v15 =	vadd.f32 v44, v15;
	v33 =	vld [tilespmem:s30+$0xCB0]  }
0x1ee: {  	v14 =	vadd.f32 v45, v14;
	v13 =	vadd.f32 v39, v13;
	v30 =	vld [tilespmem:s30+$0xCC0]  }
0x1ef: {  	s24 =	sadd.s32 $0x100, s24;
	s25 =	sadd.s32 $0x200, s25;
	v22 =	vadd.f32 v37, v22;
	v21 =	vadd.f32 v38, v21;
	v34 =	vld [tilespmem:s30+$0xCD0]  }
.Ltmp15:
0x1f0: {  	_ = 	snop;
	(pc) =	sbr.rel .LBB2_21-.Ltmp15, $1  }
0x1f1: {  	_ =	sdelay $0x3  }
.LBB2_16:
0x1f2: {  	s17 =	smov.u32 s18  }
.LBB2_23:
0x1f3: {  	s16 =	sadd.s32 $0x4, s15  }
0x1f4: {  	p0 =	sge.s32 s16, s29  }
0x1f5: {  	s5 =	smul.u32 @!p0 $0x70, s16;
	_ =	sdelay $0x1  }
0x1f6: {  	s5 =	sadd.s32 @!p0 s3, s5  }
0x1f7: {  	p1 =	slt.s32 @!p0 s5, $0xC2E0  }
0x1f8: {  	p1 =	por !p1, p0  }
0x1f9: {  	s6 =	sor.u32 $0x1, s15;
	s5 =	simm.s32 @p1 $0xC2E0  }
0x1fa: {  	s20 =	smul.u32 $0x70, s6;
	s5 =	sshll.u32 @!p0 s5, $0x5  }
0x1fb: {  	s18 =	simm.s32 @!p0 $0x0;
	s19 =	simm.s32 @!p0 $0x880;
	s5 =	sadd.s32 @!p0 s1, s5  }
0x1fc: {  	[tilespmem:s19], [sflag:$0x1] =	stream.linear.gather @!p0 [hbm4b:s5+s18], $0x7000, $0x38;
	[tilespmem:$0x1D880] =	vst v63  }
0x1fd: {  	s5 =	sadd.s32 s3, s20  }
0x1fe: {  	p0 =	slt.s32 s5, $0xC2E0  }
0x1ff: {  	s5 =	simm.s32 @!p0 $0xC2E0  }
0x200: {  	s19 =	sadd.s32 $0x70, s5  }
0x201: {  	p1 =	slt.s32 s0, s19  }
0x202: {  	s19 =	smov.u32 @p1 s0  }
0x203: {  	p1 =	sge.s32 s17, s19  }
.Ltmp16:
0x204: {  	p0 =	sge.s32 s6, s29;
	(pc) =	sbr.rel @p1 .LBB2_24-.Ltmp16, $4  }
0x205: {  	s6 =	simm.s32 @!p0 $0x2  }
0x206: {  	_ =	swait.ge @!p0 [sflag:s6], $0x7000  }
0x207: {  	[sflag:s6] =	ssyncset.done @!p0 $0x0  }
0x208: {  	[sflag:s6] =	ssyncadd.s32 @!p0 $0xFFFF9000  }
.Ltmp17:
0x209: {  	(pc) =	sbr.rel .LBB2_26-.Ltmp17, $4  }
0x20a: {  	p0 =	slt.s32 s11, $0xC2E0;
	s6 =	smov.u32 s11  }
0x20b: {  	s6 =	simm.s32 @!p0 $0xC2E0  }
0x20c: {  	s18 =	sshll.u32 s6, $0x7;
	s6 =	sshll.u32 s6, $0x8  }
0x20d: {  	s22 =	sxor.u32 $0xFFFFFFFF, s5;
	s20 =	ssub.s32 $0x0, s18;
	s21 =	ssub.s32 $0x0, s6  }
.LBB2_29:
0x20e: {  	v12 =	vadd.f32 v27, v12;
	v11 =	vadd.f32 v28, v11;
	v62 =	vld [tilespmem:s5+$0x7CE0]  }
0x20f: {  	v22 =	vadd.f32 v29, v22;
	v21 =	vadd.f32 v31, v21;
	v63 =	vld [tilespmem:s5+$0x7CF0]  }
0x210: {  	v10 =	vadd.f32 v23, v10;
	v9 =	vadd.f32 v24, v9  }
0x211: {  	v8 =	vadd.f32 v25, v8;
	v7 =	vadd.f32 v26, v7  }
0x212: {  	v12 =	vadd.f32 v32, v12;
	v11 =	vadd.f32 v33, v11  }
0x213: {  	v10 =	vadd.f32 v30, v10;
	v9 =	vadd.f32 v34, v9  }
0x214: {  	v8 =	vadd.f32 v62, v8;
	v7 =	vadd.f32 v63, v7  }
.LBB2_30:
0x215: {  	s5 =	sadd.s32 s22, s18  }
0x216: {  	p2 =	sgt.s32 s5, $0x0  }
0x217: {  	s5 =	simm.s32 @!p2 $0x0  }
0x218: {  	p2 =	sgt.s32 s23, s19;
	s6 =	sshll.u32 s5, $0x8;
	s5 =	sshll.u32 s5, $0x7  }
0x219: {  	v23 =	vmov @!p2 s10;
	v24 =	vlaneseq.u32 @!p2;
	s6 =	sand.u32 $0xFFFFF800, s6;
	s5 =	sand.u32 $0x380, s5  }
0x21a: {  	vm1 =	veq.s32 @!p2 v23, v24;
	s5 =	sor.u32 s5, s6  }
0x21b: {  	v24 =	vnsel @!p2 vm1, $0x0, v6;
	v23 =	vld [tilespmem:s5+$0x7880]  }
0x21c: {  	v25 =	vld [tilespmem:s5+$0x7890];
	(xrf2) =	vadd.scan.msk.f32 @!p2 $0xffff, v24  }
0x21d: {  	v52 =	vld [tilespmem:s5+$0x78A0]  }
0x21e: {  	v26 =	vld [tilespmem:s5+$0x78B0]  }
0x21f: {  	v27 =	vld [tilespmem:s5+$0x78C0]  }
0x220: {  	v28 =	vld [tilespmem:s5+$0x78D0]  }
0x221: {  	s6 =	simm.f32 $1.000000000e+00;
	v29 =	vld [tilespmem:s5+$0x78E0]  }
0x222: {  	v30 =	vld [tilespmem:s5+$0x78F0];
	s6 =	simm.s32 @!p1 $0x0  }
0x223: {  	v33 =	vld [tilespmem:s5+$0x7CA0];
	v23 =	vmul.f32 s6, v23  }
0x224: {  	v57 =	vld [tilespmem:s5+$0x7CD0]  }
0x225: {  	v31 =	vld [tilespmem:s5+$0x7C80];
	v20 =	vadd.f32 v23, v20;
	v23 =	vmul.f32 s6, v26  }
0x226: {  	v55 =	vld [tilespmem:s5+$0x7CC0];
	v25 =	vmul.f32 s6, v25;
	v54 =	vmul.f32 s6, v27;
	v26, _, _ =	vpop @!p2 (xrf2)  }
0x227: {  	v32 =	vld [tilespmem:s5+$0x7C90];
	v17 =	vadd.f32 v23, v17;
	v23 =	vmul.f32 s6, v28;
	v26 =	vbroadcast @!p2 v26, $0xF  }
0x228: {  	s7 =	sshll.u32 @!p2 s10, $0x8;
	s17 =	sshll.u32 @!p2 s10, $0x7;
	v53 =	vld [tilespmem:s5+$0x7CB0];
	v24 =	vmul.f32 s6, v52;
	v61 =	vmul.f32 s6, v33;
	v16 =	vadd.f32 v54, v16  }
0x229: {  	s7 =	sand.u32 @!p2 $0xFFFFF800, s7;
	s17 =	sand.u32 @!p2 $0x380, s17;
	v59 =	vld [tilespmem:s5+$0x7CE0];
	v62 =	vmul.f32 s6, v57;
	v15 =	vadd.f32 v23, v15;
	v34 =	vmul.f32 @!p2 v20, v26  }
0x22a: {  	v35 =	vld [tilespmem:s5+$0x7CF0];
	s5 =	sor.u32 @!p2 s17, s7;
	v19 =	vadd.f32 v25, v19;
	v12 =	vadd.f32 v61, v12;
	v25 =	vmul.f32 @!p2 v16, v26  }
0x22b: {  	s7 =	sadd.s32 @!p2 $0x1C880, s5;
	v27 =	vmul.f32 s6, v55;
	v9 =	vadd.f32 v62, v9;
	v28 =	vmul.f32 @!p2 v15, v26;
	[tilespmem:s5+$0x1C880] =	vst @!p2 v34  }
0x22c: {  	v56 =	vmul.f32 s6, v29;
	v18 =	vadd.f32 v24, v18;
	v24 =	vmul.f32 @!p2 v12, v26;
	[tilespmem:s7+$0x40] =	vst @!p2 v25  }
0x22d: {  	v58 =	vmul.f32 s6, v30;
	v10 =	vadd.f32 v27, v10;
	v27 =	vmul.f32 @!p2 v9, v26;
	[tilespmem:s7+$0x50] =	vst @!p2 v28  }
0x22e: {  	v14 =	vadd.f32 v56, v14;
	v23 =	vmul.f32 s6, v31;
	v31 =	vmul.f32 @!p2 v19, v26;
	[tilespmem:s7+$0x420] =	vst @!p2 v24  }
0x22f: {  	v60 =	vmul.f32 s6, v32;
	v13 =	vadd.f32 v58, v13;
	v32 =	vmul.f32 @!p2 v18, v26;
	[tilespmem:s7+$0x450] =	vst @!p2 v27  }
0x230: {  	v22 =	vadd.f32 v23, v22;
	v23 =	vmul.f32 s6, v53;
	v25 =	vmul.f32 @!p2 v14, v26;
	[tilespmem:s7+$0x10] =	vst @!p2 v31  }
0x231: {  	v63 =	vmul.f32 s6, v35;
	v21 =	vadd.f32 v60, v21;
	v28 =	vmul.f32 @!p2 v13, v26;
	[tilespmem:s7+$0x20] =	vst @!p2 v32  }
0x232: {  	v11 =	vadd.f32 v23, v11;
	v23 =	vmul.f32 s6, v59;
	v31 =	vmul.f32 @!p2 v17, v26;
	[tilespmem:s7+$0x60] =	vst @!p2 v25  }
0x233: {  	v7 =	vadd.f32 v63, v7;
	v9 =	vpsel !p2, $0x0, v9;
	v25 =	vmul.f32 @!p2 v22, v26;
	[tilespmem:s7+$0x70] =	vst @!p2 v28  }
0x234: {  	v12 =	vpsel !p2, $0x0, v12;
	v8 =	vadd.f32 v23, v8;
	v23 =	vmul.f32 @!p2 v21, v26;
	[tilespmem:s7+$0x30] =	vst @!p2 v31  }
0x235: {  	v15 =	vpsel !p2, $0x0, v15;
	v16 =	vpsel !p2, $0x0, v16;
	[tilespmem:s7+$0x400] =	vst @!p2 v25;
	v25 =	vmul.f32 @!p2 v11, v26  }
.Ltmp18:
0x236: {  	v18 =	vpsel !p2, $0x0, v18;
	v19 =	vpsel !p2, $0x0, v19;
	[tilespmem:s7+$0x410] =	vst @!p2 v23;
	v23 =	vmul.f32 @!p2 v10, v26;
	(pc) =	sbr.rel @!p0 .LBB2_31-.Ltmp18, $4  }
0x237: {  	v20 =	vpsel !p2, $0x0, v20;
	v13 =	vpsel !p2, $0x0, v13;
	v24 =	vmul.f32 @!p2 v8, v26;
	[tilespmem:s7+$0x430] =	vst @!p2 v25  }
0x238: {  	p1 =	sle.s32 s23, s19;
	v14 =	vpsel !p2, $0x0, v14;
	s5 =	simm.s32 $0x1;
	v17 =	vpsel !p2, $0x0, v17;
	v26 =	vmul.f32 @!p2 v7, v26;
	[tilespmem:s7+$0x440] =	vst @!p2 v23  }
0x239: {  	s5 =	simm.s32 @!p1 $0x0;
	v21 =	vpsel !p2, $0x0, v21;
	v22 =	vpsel !p2, $0x0, v22;
	v7 =	vpsel !p2, $0x0, v7;
	[tilespmem:s7+$0x460] =	vst @!p2 v24  }
0x23a: {  	s17 =	smov.u32 s18;
	s10 =	sadd.s32 s5, s10;
	v8 =	vpsel !p2, $0x0, v8;
	v10 =	vpsel !p2, $0x0, v10;
	v11 =	vpsel !p2, $0x0, v11;
	[tilespmem:s7+$0x470] =	vst @!p2 v26  }
.LBB2_26:
0x23b: {  	s23 =	sld [smem:s10+$0x1];
	_ =	sdelay $0x2  }
0x23c: {  	s18 =	smov.u32 s19;
	p0 =	slt.s32 s23, s19  }
0x23d: {  	s18 =	smov.u32 @p0 s23  }
0x23e: {  	s6 =	simm.s32 $0x1;
	p1 =	sne.s32 s23, s17;
	s5 =	ssub.s32 s18, s17  }
0x23f: {  	s6 =	simm.s32 @!p1 $0x0;
	s24 =	sshra.s32 s5, $0x1F  }
0x240: {  	s30 =	sand.u32 $0x1, s5;
	s6 =	sor.u32 s6, s24  }
0x241: {  	p1 =	seq.s32 s30, $0x1;
	p2 =	sne.s32 s6, $0x1  }
0x242: {  	s31 =	sshrl.u32 s5, $0x1F;
	p2 =	por !p2, !p1  }
0x243: {  	s5 =	sadd.s32 s31, s5;
	s6 =	simm.s32 $0x1;
	p2 =	por !p2, !p2  }
0x244: {  	s5 =	sshra.s32 s5, $0x1;
	s6 =	simm.s32 @!p2 $0x0  }
0x245: {  	s24 =	ssub.s32 s5, s6  }
0x246: {  	p2 =	slt.s32 s24, $0x1  }
.Ltmp19:
0x247: {  	_ = 	snop;
	(pc) =	sbr.rel @p2 .LBB2_30-.Ltmp19, $1  }
0x248: {  	_ =	sdelay $0x3  }
0x249: {  	s5 =	sshll.u32 s17, $0x7;
	s6 =	sshll.u32 s17, $0x8  }
0x24a: {  	s25 =	sadd.s32 s5, s20;
	s6 =	sadd.s32 s6, s21  }
0x24b: {  	s7 =	sand.u32 $0xFFFFF800, s6;
	s8 =	sand.u32 $0x380, s25  }
0x24c: {  	s17 =	sor.u32 s8, s7  }
0x24d: {  	v29 =	vld [tilespmem:s17+$0x7880]  }
0x24e: {  	v30 =	vld [tilespmem:s17+$0x7890]  }
0x24f: {  	v31 =	vld [tilespmem:s17+$0x78A0]  }
0x250: {  	v32 =	vld [tilespmem:s17+$0x78B0]  }
0x251: {  	v33 =	vld [tilespmem:s17+$0x78C0]  }
0x252: {  	v34 =	vld [tilespmem:s17+$0x78D0]  }
0x253: {  	v35 =	vld [tilespmem:s17+$0x78E0]  }
0x254: {  	v36 =	vld [tilespmem:s17+$0x78F0]  }
0x255: {  	v37 =	vld [tilespmem:s17+$0x7C80]  }
0x256: {  	v38 =	vld [tilespmem:s17+$0x7C90]  }
0x257: {  	v27 =	vld [tilespmem:s17+$0x7CA0]  }
0x258: {  	v28 =	vld [tilespmem:s17+$0x7CB0]  }
0x259: {  	v23 =	vld [tilespmem:s17+$0x7CC0]  }
0x25a: {  	s31 =	sadd.s32 $0x100, s6;
	s30 =	sadd.s32 $0x80, s25;
	v24 =	vld [tilespmem:s17+$0x7CD0]  }
0x25b: {  	s5 =	sand.u32 $0xFFFFF800, s31;
	s30 =	sand.u32 $0x380, s30;
	v25 =	vld [tilespmem:s17+$0x7CE0]  }
0x25c: {  	s5 =	sor.u32 s30, s5;
	v26 =	vld [tilespmem:s17+$0x7CF0]  }
0x25d: {  	v39 =	vld [tilespmem:s5+$0x7880]  }
0x25e: {  	v40 =	vld [tilespmem:s5+$0x7890]  }
0x25f: {  	v41 =	vld [tilespmem:s5+$0x78A0]  }
0x260: {  	v42 =	vld [tilespmem:s5+$0x78B0]  }
0x261: {  	v43 =	vld [tilespmem:s5+$0x78C0]  }
0x262: {  	v44 =	vld [tilespmem:s5+$0x78E0];
	v20 =	vadd.f32 v29, v20;
	v19 =	vadd.f32 v30, v19  }
0x263: {  	v63 =	vld [tilespmem:s5+$0x78F0];
	v18 =	vadd.f32 v31, v18;
	v17 =	vadd.f32 v32, v17  }
0x264: {  	v30 =	vld [tilespmem:s5+$0x78D0];
	v16 =	vadd.f32 v33, v16;
	v15 =	vadd.f32 v34, v15  }
0x265: {  	p2 =	sgt.s32 s24, $0x1;
	v29 =	vld [tilespmem:s5+$0x7C80];
	v14 =	vadd.f32 v35, v14;
	v13 =	vadd.f32 v36, v13  }
.Ltmp20:
0x266: {  	v31 =	vld [tilespmem:s5+$0x7C90];
	v22 =	vadd.f32 v37, v22;
	v21 =	vadd.f32 v38, v21;
	(pc) =	sbr.rel @!p2 .LBB2_29-.Ltmp20, $4  }
0x267: {  	v32 =	vld [tilespmem:s5+$0x7CA0];
	v20 =	vadd.f32 v39, v20;
	v19 =	vadd.f32 v40, v19  }
0x268: {  	v33 =	vld [tilespmem:s5+$0x7CB0];
	v18 =	vadd.f32 v41, v18;
	v17 =	vadd.f32 v42, v17  }
0x269: {  	v34 =	vld [tilespmem:s5+$0x7CD0];
	v16 =	vadd.f32 v43, v16;
	v14 =	vadd.f32 v44, v14  }
0x26a: {  	s25 =	sadd.s32 $0x100, s25;
	s17 =	simm.s32 $0x1;
	s30 =	sadd.s32 $0x200, s6;
	v13 =	vadd.f32 v63, v13;
	v15 =	vadd.f32 v30, v15;
	v30 =	vld [tilespmem:s5+$0x7CC0]  }
.LBB2_28:
0x26b: {  	s6 =	sand.u32 $0xFFFFF800, s30;
	s7 =	sand.u32 $0x380, s25;
	v12 =	vadd.f32 v27, v12;
	v11 =	vadd.f32 v28, v11;
	v27 =	vld [tilespmem:s5+$0x7CE0]  }
0x26c: {  	v22 =	vadd.f32 v29, v22;
	v21 =	vadd.f32 v31, v21;
	s6 =	sor.u32 s7, s6;
	v28 =	vld [tilespmem:s5+$0x7CF0]  }
0x26d: {  	v29 =	vld [tilespmem:s6+$0x7880];
	v12 =	vadd.f32 v32, v12;
	v11 =	vadd.f32 v33, v11  }
0x26e: {  	v10 =	vadd.f32 v23, v10;
	v9 =	vadd.f32 v24, v9;
	v31 =	vld [tilespmem:s6+$0x7890]  }
0x26f: {  	v8 =	vadd.f32 v25, v8;
	v7 =	vadd.f32 v26, v7;
	v32 =	vld [tilespmem:s6+$0x78A0]  }
0x270: {  	v10 =	vadd.f32 v30, v10;
	v9 =	vadd.f32 v34, v9;
	v33 =	vld [tilespmem:s6+$0x78B0]  }
0x271: {  	v8 =	vadd.f32 v27, v8;
	v30 =	vld [tilespmem:s6+$0x78C0];
	v7 =	vadd.f32 v28, v7  }
0x272: {  	v34 =	vld [tilespmem:s6+$0x78D0]  }
0x273: {  	v35 =	vld [tilespmem:s6+$0x78E0]  }
0x274: {  	v36 =	vld [tilespmem:s6+$0x78F0]  }
0x275: {  	v37 =	vld [tilespmem:s6+$0x7C80]  }
0x276: {  	v38 =	vld [tilespmem:s6+$0x7C90]  }
0x277: {  	v27 =	vld [tilespmem:s6+$0x7CA0]  }
0x278: {  	v28 =	vld [tilespmem:s6+$0x7CB0]  }
0x279: {  	v23 =	vld [tilespmem:s6+$0x7CC0]  }
0x27a: {  	s5 =	sadd.s32 $0x100, s30;
	s7 =	sadd.s32 $0x80, s25;
	v24 =	vld [tilespmem:s6+$0x7CD0]  }
0x27b: {  	s5 =	sand.u32 $0xFFFFF800, s5;
	s7 =	sand.u32 $0x380, s7;
	v25 =	vld [tilespmem:s6+$0x7CE0]  }
0x27c: {  	s5 =	sor.u32 s7, s5;
	v26 =	vld [tilespmem:s6+$0x7CF0]  }
0x27d: {  	v39 =	vld [tilespmem:s5+$0x7880]  }
0x27e: {  	v40 =	vld [tilespmem:s5+$0x7890]  }
0x27f: {  	v41 =	vld [tilespmem:s5+$0x78A0]  }
0x280: {  	v42 =	vld [tilespmem:s5+$0x78B0]  }
0x281: {  	v43 =	vld [tilespmem:s5+$0x78C0]  }
0x282: {  	v20 =	vadd.f32 v29, v20;
	v19 =	vadd.f32 v31, v19;
	v44 =	vld [tilespmem:s5+$0x78D0]  }
0x283: {  	v18 =	vadd.f32 v32, v18;
	v17 =	vadd.f32 v33, v17;
	v45 =	vld [tilespmem:s5+$0x78E0]  }
0x284: {  	s17 =	sadd.s32 $0x1, s17;
	v20 =	vadd.f32 v39, v20;
	v19 =	vadd.f32 v40, v19;
	v39 =	vld [tilespmem:s5+$0x78F0]  }
0x285: {  	p2 =	slt.s32 s17, s24;
	v18 =	vadd.f32 v41, v18;
	v17 =	vadd.f32 v42, v17;
	v29 =	vld [tilespmem:s5+$0x7C80]  }
.Ltmp21:
0x286: {  	v16 =	vadd.f32 v30, v16;
	v15 =	vadd.f32 v34, v15;
	v31 =	vld [tilespmem:s5+$0x7C90];
	(pc) =	sbr.rel @p2 .LBB2_28-.Ltmp21, $4  }
0x287: {  	v14 =	vadd.f32 v35, v14;
	v13 =	vadd.f32 v36, v13;
	v32 =	vld [tilespmem:s5+$0x7CA0]  }
0x288: {  	v16 =	vadd.f32 v43, v16;
	v15 =	vadd.f32 v44, v15;
	v33 =	vld [tilespmem:s5+$0x7CB0]  }
0x289: {  	v14 =	vadd.f32 v45, v14;
	v13 =	vadd.f32 v39, v13;
	v30 =	vld [tilespmem:s5+$0x7CC0]  }
0x28a: {  	s25 =	sadd.s32 $0x100, s25;
	s30 =	sadd.s32 $0x200, s30;
	v22 =	vadd.f32 v37, v22;
	v21 =	vadd.f32 v38, v21;
	v34 =	vld [tilespmem:s5+$0x7CD0]  }
.Ltmp22:
0x28b: {  	_ = 	snop;
	(pc) =	sbr.rel .LBB2_29-.Ltmp22, $1  }
0x28c: {  	_ =	sdelay $0x3  }
.LBB2_24:
0x28d: {  	s18 =	smov.u32 s17  }
.LBB2_31:
0x28e: {  	s5 =	sadd.s32 $0x5, s15  }
0x28f: {  	p0 =	sge.s32 s5, s29  }
0x290: {  	s5 =	smul.u32 @!p0 $0x70, s5;
	_ =	sdelay $0x1  }
0x291: {  	s5 =	sadd.s32 @!p0 s3, s5  }
0x292: {  	p1 =	slt.s32 @!p0 s5, $0xC2E0  }
0x293: {  	p1 =	por !p1, p0  }
0x294: {  	s6 =	sor.u32 $0x2, s15;
	s5 =	simm.s32 @p1 $0xC2E0  }
0x295: {  	s19 =	smul.u32 $0x70, s6;
	s5 =	sshll.u32 @!p0 s5, $0x5  }
0x296: {  	s7 =	simm.s32 @!p0 $0x0;
	s17 =	simm.s32 @!p0 $0x7880;
	s5 =	sadd.s32 @!p0 s1, s5  }
0x297: {  	[tilespmem:s17], [sflag:$0x2] =	stream.linear.gather @!p0 [hbm4b:s5+s7], $0x7000, $0x38;
	[tilespmem:$0x1D880] =	vst v63  }
0x298: {  	s5 =	sadd.s32 s3, s19  }
0x299: {  	p0 =	slt.s32 s5, $0xC2E0  }
0x29a: {  	s5 =	simm.s32 @!p0 $0xC2E0  }
0x29b: {  	s19 =	sadd.s32 $0x70, s5  }
0x29c: {  	p1 =	slt.s32 s0, s19  }
0x29d: {  	s19 =	smov.u32 @p1 s0  }
0x29e: {  	p1 =	sge.s32 s18, s19  }
.Ltmp23:
0x29f: {  	p0 =	sge.s32 s6, s29;
	(pc) =	sbr.rel @p1 .LBB2_32-.Ltmp23, $4  }
0x2a0: {  	s6 =	simm.s32 @!p0 $0x3  }
0x2a1: {  	_ =	swait.ge @!p0 [sflag:s6], $0x7000  }
0x2a2: {  	[sflag:s6] =	ssyncset.done @!p0 $0x0  }
0x2a3: {  	[sflag:s6] =	ssyncadd.s32 @!p0 $0xFFFF9000  }
.Ltmp24:
0x2a4: {  	(pc) =	sbr.rel .LBB2_34-.Ltmp24, $4  }
0x2a5: {  	p0 =	slt.s32 s12, $0xC2E0;
	s6 =	smov.u32 s12  }
0x2a6: {  	s6 =	simm.s32 @!p0 $0xC2E0  }
0x2a7: {  	s7 =	sshll.u32 s6, $0x7;
	s6 =	sshll.u32 s6, $0x8  }
0x2a8: {  	s22 =	sxor.u32 $0xFFFFFFFF, s5;
	s20 =	ssub.s32 $0x0, s7;
	s21 =	ssub.s32 $0x0, s6  }
.LBB2_37:
0x2a9: {  	v12 =	vadd.f32 v27, v12;
	v11 =	vadd.f32 v28, v11;
	v62 =	vld [tilespmem:s5+$0xECE0]  }
0x2aa: {  	v22 =	vadd.f32 v29, v22;
	v21 =	vadd.f32 v31, v21;
	v63 =	vld [tilespmem:s5+$0xECF0]  }
0x2ab: {  	v10 =	vadd.f32 v23, v10;
	v9 =	vadd.f32 v24, v9  }
0x2ac: {  	v8 =	vadd.f32 v25, v8;
	v7 =	vadd.f32 v26, v7  }
0x2ad: {  	v12 =	vadd.f32 v32, v12;
	v11 =	vadd.f32 v33, v11  }
0x2ae: {  	v10 =	vadd.f32 v30, v10;
	v9 =	vadd.f32 v34, v9  }
0x2af: {  	v8 =	vadd.f32 v62, v8;
	v7 =	vadd.f32 v63, v7  }
.LBB2_38:
0x2b0: {  	s5 =	sadd.s32 s22, s17  }
0x2b1: {  	p2 =	sgt.s32 s5, $0x0  }
0x2b2: {  	s5 =	simm.s32 @!p2 $0x0  }
0x2b3: {  	p2 =	sgt.s32 s23, s19;
	s6 =	sshll.u32 s5, $0x8;
	s5 =	sshll.u32 s5, $0x7  }
0x2b4: {  	v23 =	vmov @!p2 s10;
	v24 =	vlaneseq.u32 @!p2;
	s6 =	sand.u32 $0xFFFFF800, s6;
	s5 =	sand.u32 $0x380, s5  }
0x2b5: {  	vm1 =	veq.s32 @!p2 v23, v24;
	s5 =	sor.u32 s5, s6  }
0x2b6: {  	v24 =	vnsel @!p2 vm1, $0x0, v6;
	v23 =	vld [tilespmem:s5+$0xE880]  }
0x2b7: {  	v25 =	vld [tilespmem:s5+$0xE890];
	(xrf2) =	vadd.scan.msk.f32 @!p2 $0xffff, v24  }
0x2b8: {  	v52 =	vld [tilespmem:s5+$0xE8A0]  }
0x2b9: {  	v26 =	vld [tilespmem:s5+$0xE8B0]  }
0x2ba: {  	v27 =	vld [tilespmem:s5+$0xE8C0]  }
0x2bb: {  	v28 =	vld [tilespmem:s5+$0xE8D0]  }
0x2bc: {  	s6 =	simm.f32 $1.000000000e+00;
	v29 =	vld [tilespmem:s5+$0xE8E0]  }
0x2bd: {  	v30 =	vld [tilespmem:s5+$0xE8F0];
	s6 =	simm.s32 @!p1 $0x0  }
0x2be: {  	v33 =	vld [tilespmem:s5+$0xECA0];
	v23 =	vmul.f32 s6, v23  }
0x2bf: {  	v57 =	vld [tilespmem:s5+$0xECD0]  }
0x2c0: {  	v31 =	vld [tilespmem:s5+$0xEC80];
	v20 =	vadd.f32 v23, v20;
	v23 =	vmul.f32 s6, v26  }
0x2c1: {  	v55 =	vld [tilespmem:s5+$0xECC0];
	v25 =	vmul.f32 s6, v25;
	v54 =	vmul.f32 s6, v27;
	v26, _, _ =	vpop @!p2 (xrf2)  }
0x2c2: {  	v32 =	vld [tilespmem:s5+$0xEC90];
	v17 =	vadd.f32 v23, v17;
	v23 =	vmul.f32 s6, v28;
	v26 =	vbroadcast @!p2 v26, $0xF  }
0x2c3: {  	s7 =	sshll.u32 @!p2 s10, $0x8;
	s18 =	sshll.u32 @!p2 s10, $0x7;
	v53 =	vld [tilespmem:s5+$0xECB0];
	v24 =	vmul.f32 s6, v52;
	v61 =	vmul.f32 s6, v33;
	v16 =	vadd.f32 v54, v16  }
0x2c4: {  	s7 =	sand.u32 @!p2 $0xFFFFF800, s7;
	s18 =	sand.u32 @!p2 $0x380, s18;
	v59 =	vld [tilespmem:s5+$0xECE0];
	v62 =	vmul.f32 s6, v57;
	v15 =	vadd.f32 v23, v15;
	v34 =	vmul.f32 @!p2 v20, v26  }
0x2c5: {  	v35 =	vld [tilespmem:s5+$0xECF0];
	s5 =	sor.u32 @!p2 s18, s7;
	v19 =	vadd.f32 v25, v19;
	v12 =	vadd.f32 v61, v12;
	v25 =	vmul.f32 @!p2 v16, v26  }
0x2c6: {  	s7 =	sadd.s32 @!p2 $0x1C880, s5;
	v27 =	vmul.f32 s6, v55;
	v9 =	vadd.f32 v62, v9;
	v28 =	vmul.f32 @!p2 v15, v26;
	[tilespmem:s5+$0x1C880] =	vst @!p2 v34  }
0x2c7: {  	v56 =	vmul.f32 s6, v29;
	v18 =	vadd.f32 v24, v18;
	v24 =	vmul.f32 @!p2 v12, v26;
	[tilespmem:s7+$0x40] =	vst @!p2 v25  }
0x2c8: {  	v58 =	vmul.f32 s6, v30;
	v10 =	vadd.f32 v27, v10;
	v27 =	vmul.f32 @!p2 v9, v26;
	[tilespmem:s7+$0x50] =	vst @!p2 v28  }
0x2c9: {  	v14 =	vadd.f32 v56, v14;
	v23 =	vmul.f32 s6, v31;
	v31 =	vmul.f32 @!p2 v19, v26;
	[tilespmem:s7+$0x420] =	vst @!p2 v24  }
0x2ca: {  	v60 =	vmul.f32 s6, v32;
	v13 =	vadd.f32 v58, v13;
	v32 =	vmul.f32 @!p2 v18, v26;
	[tilespmem:s7+$0x450] =	vst @!p2 v27  }
0x2cb: {  	v22 =	vadd.f32 v23, v22;
	v23 =	vmul.f32 s6, v53;
	v25 =	vmul.f32 @!p2 v14, v26;
	[tilespmem:s7+$0x10] =	vst @!p2 v31  }
0x2cc: {  	v63 =	vmul.f32 s6, v35;
	v21 =	vadd.f32 v60, v21;
	v28 =	vmul.f32 @!p2 v13, v26;
	[tilespmem:s7+$0x20] =	vst @!p2 v32  }
0x2cd: {  	v11 =	vadd.f32 v23, v11;
	v23 =	vmul.f32 s6, v59;
	v31 =	vmul.f32 @!p2 v17, v26;
	[tilespmem:s7+$0x60] =	vst @!p2 v25  }
0x2ce: {  	v7 =	vadd.f32 v63, v7;
	v9 =	vpsel !p2, $0x0, v9;
	v25 =	vmul.f32 @!p2 v22, v26;
	[tilespmem:s7+$0x70] =	vst @!p2 v28  }
0x2cf: {  	v12 =	vpsel !p2, $0x0, v12;
	v8 =	vadd.f32 v23, v8;
	v23 =	vmul.f32 @!p2 v21, v26;
	[tilespmem:s7+$0x30] =	vst @!p2 v31  }
0x2d0: {  	v15 =	vpsel !p2, $0x0, v15;
	v16 =	vpsel !p2, $0x0, v16;
	[tilespmem:s7+$0x400] =	vst @!p2 v25;
	v25 =	vmul.f32 @!p2 v11, v26  }
.Ltmp25:
0x2d1: {  	v18 =	vpsel !p2, $0x0, v18;
	v19 =	vpsel !p2, $0x0, v19;
	[tilespmem:s7+$0x410] =	vst @!p2 v23;
	v23 =	vmul.f32 @!p2 v10, v26;
	(pc) =	sbr.rel @!p0 .LBB2_39-.Ltmp25, $4  }
0x2d2: {  	v20 =	vpsel !p2, $0x0, v20;
	v13 =	vpsel !p2, $0x0, v13;
	v24 =	vmul.f32 @!p2 v8, v26;
	[tilespmem:s7+$0x430] =	vst @!p2 v25  }
0x2d3: {  	p1 =	sle.s32 s23, s19;
	v14 =	vpsel !p2, $0x0, v14;
	s5 =	simm.s32 $0x1;
	v17 =	vpsel !p2, $0x0, v17;
	v26 =	vmul.f32 @!p2 v7, v26;
	[tilespmem:s7+$0x440] =	vst @!p2 v23  }
0x2d4: {  	s5 =	simm.s32 @!p1 $0x0;
	v21 =	vpsel !p2, $0x0, v21;
	v22 =	vpsel !p2, $0x0, v22;
	v7 =	vpsel !p2, $0x0, v7;
	[tilespmem:s7+$0x460] =	vst @!p2 v24  }
0x2d5: {  	s18 =	smov.u32 s17;
	s10 =	sadd.s32 s5, s10;
	v8 =	vpsel !p2, $0x0, v8;
	v10 =	vpsel !p2, $0x0, v10;
	v11 =	vpsel !p2, $0x0, v11;
	[tilespmem:s7+$0x470] =	vst @!p2 v26  }
.LBB2_34:
0x2d6: {  	s23 =	sld [smem:s10+$0x1];
	_ =	sdelay $0x2  }
0x2d7: {  	s17 =	smov.u32 s19;
	p0 =	slt.s32 s23, s19  }
0x2d8: {  	s17 =	smov.u32 @p0 s23  }
0x2d9: {  	s6 =	simm.s32 $0x1;
	p1 =	sne.s32 s23, s18;
	s5 =	ssub.s32 s17, s18  }
0x2da: {  	s6 =	simm.s32 @!p1 $0x0;
	s7 =	sshra.s32 s5, $0x1F  }
0x2db: {  	s30 =	sand.u32 $0x1, s5;
	s6 =	sor.u32 s6, s7  }
0x2dc: {  	p1 =	seq.s32 s30, $0x1;
	p2 =	sne.s32 s6, $0x1  }
0x2dd: {  	s31 =	sshrl.u32 s5, $0x1F;
	p2 =	por !p2, !p1  }
0x2de: {  	s5 =	sadd.s32 s31, s5;
	s6 =	simm.s32 $0x1;
	p2 =	por !p2, !p2  }
0x2df: {  	s5 =	sshra.s32 s5, $0x1;
	s6 =	simm.s32 @!p2 $0x0  }
0x2e0: {  	s24 =	ssub.s32 s5, s6  }
0x2e1: {  	p2 =	slt.s32 s24, $0x1  }
.Ltmp26:
0x2e2: {  	_ = 	snop;
	(pc) =	sbr.rel @p2 .LBB2_38-.Ltmp26, $1  }
0x2e3: {  	_ =	sdelay $0x3  }
0x2e4: {  	s5 =	sshll.u32 s18, $0x7;
	s6 =	sshll.u32 s18, $0x8  }
0x2e5: {  	s7 =	sadd.s32 s5, s20;
	s6 =	sadd.s32 s6, s21  }
0x2e6: {  	s18 =	sand.u32 $0xFFFFF800, s6;
	s25 =	sand.u32 $0x380, s7  }
0x2e7: {  	s18 =	sor.u32 s25, s18  }
0x2e8: {  	v29 =	vld [tilespmem:s18+$0xE880]  }
0x2e9: {  	v30 =	vld [tilespmem:s18+$0xE890]  }
0x2ea: {  	v31 =	vld [tilespmem:s18+$0xE8A0]  }
0x2eb: {  	v32 =	vld [tilespmem:s18+$0xE8B0]  }
0x2ec: {  	v33 =	vld [tilespmem:s18+$0xE8C0]  }
0x2ed: {  	v34 =	vld [tilespmem:s18+$0xE8D0]  }
0x2ee: {  	v35 =	vld [tilespmem:s18+$0xE8E0]  }
0x2ef: {  	v36 =	vld [tilespmem:s18+$0xE8F0]  }
0x2f0: {  	v37 =	vld [tilespmem:s18+$0xEC80]  }
0x2f1: {  	v38 =	vld [tilespmem:s18+$0xEC90]  }
0x2f2: {  	v27 =	vld [tilespmem:s18+$0xECA0]  }
0x2f3: {  	v28 =	vld [tilespmem:s18+$0xECB0]  }
0x2f4: {  	v23 =	vld [tilespmem:s18+$0xECC0]  }
0x2f5: {  	s31 =	sadd.s32 $0x100, s6;
	s25 =	sadd.s32 $0x80, s7;
	v24 =	vld [tilespmem:s18+$0xECD0]  }
0x2f6: {  	s5 =	sand.u32 $0xFFFFF800, s31;
	s25 =	sand.u32 $0x380, s25;
	v25 =	vld [tilespmem:s18+$0xECE0]  }
0x2f7: {  	v26 =	vld [tilespmem:s18+$0xECF0];
	s5 =	sor.u32 s25, s5  }
0x2f8: {  	v39 =	vld [tilespmem:s5+$0xE880]  }
0x2f9: {  	v40 =	vld [tilespmem:s5+$0xE890]  }
0x2fa: {  	v41 =	vld [tilespmem:s5+$0xE8A0]  }
0x2fb: {  	v42 =	vld [tilespmem:s5+$0xE8B0]  }
0x2fc: {  	v43 =	vld [tilespmem:s5+$0xE8C0]  }
0x2fd: {  	v44 =	vld [tilespmem:s5+$0xE8E0];
	v20 =	vadd.f32 v29, v20;
	v19 =	vadd.f32 v30, v19  }
0x2fe: {  	v63 =	vld [tilespmem:s5+$0xE8F0];
	v18 =	vadd.f32 v31, v18;
	v17 =	vadd.f32 v32, v17  }
0x2ff: {  	v30 =	vld [tilespmem:s5+$0xE8D0];
	v16 =	vadd.f32 v33, v16;
	v15 =	vadd.f32 v34, v15  }
0x300: {  	p2 =	sgt.s32 s24, $0x1;
	v29 =	vld [tilespmem:s5+$0xEC80];
	v14 =	vadd.f32 v35, v14;
	v13 =	vadd.f32 v36, v13  }
.Ltmp27:
0x301: {  	v31 =	vld [tilespmem:s5+$0xEC90];
	v22 =	vadd.f32 v37, v22;
	v21 =	vadd.f32 v38, v21;
	(pc) =	sbr.rel @!p2 .LBB2_37-.Ltmp27, $4  }
0x302: {  	v32 =	vld [tilespmem:s5+$0xECA0];
	v20 =	vadd.f32 v39, v20;
	v19 =	vadd.f32 v40, v19  }
0x303: {  	v33 =	vld [tilespmem:s5+$0xECB0];
	v18 =	vadd.f32 v41, v18;
	v17 =	vadd.f32 v42, v17  }
0x304: {  	v34 =	vld [tilespmem:s5+$0xECD0];
	v16 =	vadd.f32 v43, v16;
	v14 =	vadd.f32 v44, v14  }
0x305: {  	s30 =	sadd.s32 $0x200, s6;
	s18 =	simm.s32 $0x1;
	s25 =	sadd.s32 $0x100, s7;
	v13 =	vadd.f32 v63, v13;
	v15 =	vadd.f32 v30, v15;
	v30 =	vld [tilespmem:s5+$0xECC0]  }
.LBB2_36:
0x306: {  	s6 =	sand.u32 $0xFFFFF800, s30;
	s7 =	sand.u32 $0x380, s25;
	v12 =	vadd.f32 v27, v12;
	v11 =	vadd.f32 v28, v11;
	v27 =	vld [tilespmem:s5+$0xECE0]  }
0x307: {  	v22 =	vadd.f32 v29, v22;
	v21 =	vadd.f32 v31, v21;
	s6 =	sor.u32 s7, s6;
	v28 =	vld [tilespmem:s5+$0xECF0]  }
0x308: {  	v29 =	vld [tilespmem:s6+$0xE880];
	v12 =	vadd.f32 v32, v12;
	v11 =	vadd.f32 v33, v11  }
0x309: {  	v10 =	vadd.f32 v23, v10;
	v9 =	vadd.f32 v24, v9;
	v31 =	vld [tilespmem:s6+$0xE890]  }
0x30a: {  	v8 =	vadd.f32 v25, v8;
	v7 =	vadd.f32 v26, v7;
	v32 =	vld [tilespmem:s6+$0xE8A0]  }
0x30b: {  	v10 =	vadd.f32 v30, v10;
	v9 =	vadd.f32 v34, v9;
	v33 =	vld [tilespmem:s6+$0xE8B0]  }
0x30c: {  	v8 =	vadd.f32 v27, v8;
	v30 =	vld [tilespmem:s6+$0xE8C0];
	v7 =	vadd.f32 v28, v7  }
0x30d: {  	v34 =	vld [tilespmem:s6+$0xE8D0]  }
0x30e: {  	v35 =	vld [tilespmem:s6+$0xE8E0]  }
0x30f: {  	v36 =	vld [tilespmem:s6+$0xE8F0]  }
0x310: {  	v37 =	vld [tilespmem:s6+$0xEC80]  }
0x311: {  	v38 =	vld [tilespmem:s6+$0xEC90]  }
0x312: {  	v27 =	vld [tilespmem:s6+$0xECA0]  }
0x313: {  	v28 =	vld [tilespmem:s6+$0xECB0]  }
0x314: {  	v23 =	vld [tilespmem:s6+$0xECC0]  }
0x315: {  	s5 =	sadd.s32 $0x100, s30;
	s7 =	sadd.s32 $0x80, s25;
	v24 =	vld [tilespmem:s6+$0xECD0]  }
0x316: {  	s5 =	sand.u32 $0xFFFFF800, s5;
	s7 =	sand.u32 $0x380, s7;
	v25 =	vld [tilespmem:s6+$0xECE0]  }
0x317: {  	s5 =	sor.u32 s7, s5;
	v26 =	vld [tilespmem:s6+$0xECF0]  }
0x318: {  	v39 =	vld [tilespmem:s5+$0xE880]  }
0x319: {  	v40 =	vld [tilespmem:s5+$0xE890]  }
0x31a: {  	v41 =	vld [tilespmem:s5+$0xE8A0]  }
0x31b: {  	v42 =	vld [tilespmem:s5+$0xE8B0]  }
0x31c: {  	v43 =	vld [tilespmem:s5+$0xE8C0]  }
0x31d: {  	v20 =	vadd.f32 v29, v20;
	v19 =	vadd.f32 v31, v19;
	v44 =	vld [tilespmem:s5+$0xE8D0]  }
0x31e: {  	v18 =	vadd.f32 v32, v18;
	v17 =	vadd.f32 v33, v17;
	v45 =	vld [tilespmem:s5+$0xE8E0]  }
0x31f: {  	s18 =	sadd.s32 $0x1, s18;
	v20 =	vadd.f32 v39, v20;
	v19 =	vadd.f32 v40, v19;
	v39 =	vld [tilespmem:s5+$0xE8F0]  }
0x320: {  	p2 =	slt.s32 s18, s24;
	v18 =	vadd.f32 v41, v18;
	v17 =	vadd.f32 v42, v17;
	v29 =	vld [tilespmem:s5+$0xEC80]  }
.Ltmp28:
0x321: {  	v16 =	vadd.f32 v30, v16;
	v15 =	vadd.f32 v34, v15;
	v31 =	vld [tilespmem:s5+$0xEC90];
	(pc) =	sbr.rel @p2 .LBB2_36-.Ltmp28, $4  }
0x322: {  	v14 =	vadd.f32 v35, v14;
	v13 =	vadd.f32 v36, v13;
	v32 =	vld [tilespmem:s5+$0xECA0]  }
0x323: {  	v16 =	vadd.f32 v43, v16;
	v15 =	vadd.f32 v44, v15;
	v33 =	vld [tilespmem:s5+$0xECB0]  }
0x324: {  	v14 =	vadd.f32 v45, v14;
	v13 =	vadd.f32 v39, v13;
	v30 =	vld [tilespmem:s5+$0xECC0]  }
0x325: {  	s25 =	sadd.s32 $0x100, s25;
	s30 =	sadd.s32 $0x200, s30;
	v22 =	vadd.f32 v37, v22;
	v21 =	vadd.f32 v38, v21;
	v34 =	vld [tilespmem:s5+$0xECD0]  }
.Ltmp29:
0x326: {  	_ = 	snop;
	(pc) =	sbr.rel .LBB2_37-.Ltmp29, $1  }
0x327: {  	_ =	sdelay $0x3  }
.LBB2_32:
0x328: {  	s17 =	smov.u32 s18  }
.LBB2_39:
0x329: {  	s5 =	sadd.s32 $0x6, s15  }
0x32a: {  	p0 =	sge.s32 s5, s29  }
0x32b: {  	s5 =	smul.u32 @!p0 $0x70, s5;
	_ =	sdelay $0x1  }
0x32c: {  	s5 =	sadd.s32 @!p0 s3, s5  }
0x32d: {  	p1 =	slt.s32 @!p0 s5, $0xC2E0  }
0x32e: {  	p1 =	por !p1, p0  }
0x32f: {  	s6 =	sor.u32 $0x3, s15;
	s5 =	simm.s32 @p1 $0xC2E0  }
0x330: {  	s19 =	smul.u32 $0x70, s6;
	s5 =	sshll.u32 @!p0 s5, $0x5  }
0x331: {  	s7 =	simm.s32 @!p0 $0x0;
	s18 =	simm.s32 @!p0 $0xE880;
	s5 =	sadd.s32 @!p0 s1, s5  }
0x332: {  	[tilespmem:s18], [sflag:$0x3] =	stream.linear.gather @!p0 [hbm4b:s5+s7], $0x7000, $0x38;
	[tilespmem:$0x1D880] =	vst v63  }
0x333: {  	s5 =	sadd.s32 s3, s19  }
0x334: {  	p0 =	slt.s32 s5, $0xC2E0  }
0x335: {  	s5 =	simm.s32 @!p0 $0xC2E0  }
0x336: {  	s19 =	sadd.s32 $0x70, s5  }
0x337: {  	p1 =	slt.s32 s0, s19  }
0x338: {  	s19 =	smov.u32 @p1 s0  }
0x339: {  	p1 =	sge.s32 s17, s19  }
.Ltmp30:
0x33a: {  	p0 =	sge.s32 s6, s29;
	(pc) =	sbr.rel @p1 .LBB2_40-.Ltmp30, $4  }
0x33b: {  	s6 =	simm.s32 @!p0 $0x4  }
0x33c: {  	_ =	swait.ge @!p0 [sflag:s6], $0x7000  }
0x33d: {  	[sflag:s6] =	ssyncset.done @!p0 $0x0  }
0x33e: {  	[sflag:s6] =	ssyncadd.s32 @!p0 $0xFFFF9000  }
.Ltmp31:
0x33f: {  	(pc) =	sbr.rel .LBB2_42-.Ltmp31, $4  }
0x340: {  	p0 =	slt.s32 s13, $0xC2E0;
	s6 =	smov.u32 s13  }
0x341: {  	s6 =	simm.s32 @!p0 $0xC2E0  }
0x342: {  	s7 =	sshll.u32 s6, $0x7;
	s6 =	sshll.u32 s6, $0x8  }
0x343: {  	s22 =	sxor.u32 $0xFFFFFFFF, s5;
	s20 =	ssub.s32 $0x0, s7;
	s21 =	ssub.s32 $0x0, s6  }
.LBB2_45:
0x344: {  	v22 =	vadd.f32 v29, v22;
	v21 =	vadd.f32 v30, v21;
	v61 =	vld [tilespmem:s5+$0x450]  }
0x345: {  	v12 =	vadd.f32 v27, v12;
	v11 =	vadd.f32 v28, v11;
	v62 =	vld [tilespmem:s5+$0x460]  }
0x346: {  	v63 =	vld [tilespmem:s5+$0x470];
	v10 =	vadd.f32 v23, v10;
	v9 =	vadd.f32 v25, v9  }
0x347: {  	v8 =	vadd.f32 v24, v8;
	v7 =	vadd.f32 v26, v7  }
0x348: {  	v22 =	vadd.f32 v31, v22;
	v21 =	vadd.f32 v33, v21  }
0x349: {  	v12 =	vadd.f32 v34, v12;
	v11 =	vadd.f32 v35, v11  }
0x34a: {  	v10 =	vadd.f32 v32, v10;
	v9 =	vadd.f32 v61, v9  }
0x34b: {  	v8 =	vadd.f32 v62, v8;
	v7 =	vadd.f32 v63, v7  }
.LBB2_46:
0x34c: {  	s5 =	sadd.s32 s22, s18  }
0x34d: {  	p2 =	sgt.s32 s5, $0x0  }
0x34e: {  	s5 =	simm.s32 @!p2 $0x0  }
0x34f: {  	p2 =	sgt.s32 s23, s19;
	s6 =	sshll.u32 s5, $0x8;
	s5 =	sshll.u32 s5, $0x7  }
0x350: {  	v23 =	vmov @!p2 s10;
	v24 =	vlaneseq.u32 @!p2;
	s6 =	sand.u32 $0xFFFFF800, s6;
	s5 =	sand.u32 $0x380, s5  }
0x351: {  	vm1 =	veq.s32 @!p2 v23, v24;
	s5 =	sor.u32 s5, s6  }
0x352: {  	v24 =	vnsel @!p2 vm1, $0x0, v6;
	s6 =	sadd.s32 $0x15880, s5;
	v23 =	vld [tilespmem:s5+$0x15880]  }
0x353: {  	(xrf2) =	vadd.scan.msk.f32 @!p2 $0xffff, v24;
	v25 =	vld [tilespmem:s6+$0x10]  }
0x354: {  	v52 =	vld [tilespmem:s6+$0x20]  }
0x355: {  	v26 =	vld [tilespmem:s6+$0x30]  }
0x356: {  	v27 =	vld [tilespmem:s6+$0x40]  }
0x357: {  	v28 =	vld [tilespmem:s6+$0x50]  }
0x358: {  	s5 =	simm.f32 $1.000000000e+00;
	v29 =	vld [tilespmem:s6+$0x60]  }
0x359: {  	v30 =	vld [tilespmem:s6+$0x70];
	s5 =	simm.s32 @!p1 $0x0  }
0x35a: {  	v33 =	vld [tilespmem:s6+$0x420];
	v23 =	vmul.f32 s5, v23  }
0x35b: {  	v57 =	vld [tilespmem:s6+$0x450]  }
0x35c: {  	v31 =	vld [tilespmem:s6+$0x400];
	v20 =	vadd.f32 v23, v20;
	v23 =	vmul.f32 s5, v26  }
0x35d: {  	v55 =	vld [tilespmem:s6+$0x440];
	v25 =	vmul.f32 s5, v25;
	v54 =	vmul.f32 s5, v27;
	v26, _, _ =	vpop @!p2 (xrf2)  }
0x35e: {  	v32 =	vld [tilespmem:s6+$0x410];
	v17 =	vadd.f32 v23, v17;
	v23 =	vmul.f32 s5, v28;
	v26 =	vbroadcast @!p2 v26, $0xF  }
0x35f: {  	s7 =	sshll.u32 @!p2 s10, $0x8;
	s8 =	sshll.u32 @!p2 s10, $0x7;
	v53 =	vld [tilespmem:s6+$0x430];
	v24 =	vmul.f32 s5, v52;
	v61 =	vmul.f32 s5, v33;
	v16 =	vadd.f32 v54, v16  }
0x360: {  	s7 =	sand.u32 @!p2 $0xFFFFF800, s7;
	s8 =	sand.u32 @!p2 $0x380, s8;
	v59 =	vld [tilespmem:s6+$0x460];
	v62 =	vmul.f32 s5, v57;
	v15 =	vadd.f32 v23, v15;
	v34 =	vmul.f32 @!p2 v20, v26  }
0x361: {  	v35 =	vld [tilespmem:s6+$0x470];
	s6 =	sor.u32 @!p2 s8, s7;
	v19 =	vadd.f32 v25, v19;
	v12 =	vadd.f32 v61, v12;
	v25 =	vmul.f32 @!p2 v16, v26  }
0x362: {  	s7 =	sadd.s32 @!p2 $0x1C880, s6;
	v27 =	vmul.f32 s5, v55;
	v9 =	vadd.f32 v62, v9;
	v28 =	vmul.f32 @!p2 v15, v26;
	[tilespmem:s6+$0x1C880] =	vst @!p2 v34  }
0x363: {  	v56 =	vmul.f32 s5, v29;
	v18 =	vadd.f32 v24, v18;
	v24 =	vmul.f32 @!p2 v12, v26;
	[tilespmem:s7+$0x40] =	vst @!p2 v25  }
0x364: {  	v58 =	vmul.f32 s5, v30;
	v10 =	vadd.f32 v27, v10;
	v27 =	vmul.f32 @!p2 v9, v26;
	[tilespmem:s7+$0x50] =	vst @!p2 v28  }
0x365: {  	v14 =	vadd.f32 v56, v14;
	v23 =	vmul.f32 s5, v31;
	v31 =	vmul.f32 @!p2 v19, v26;
	[tilespmem:s7+$0x420] =	vst @!p2 v24  }
0x366: {  	v60 =	vmul.f32 s5, v32;
	v13 =	vadd.f32 v58, v13;
	v32 =	vmul.f32 @!p2 v18, v26;
	[tilespmem:s7+$0x450] =	vst @!p2 v27  }
0x367: {  	v22 =	vadd.f32 v23, v22;
	v23 =	vmul.f32 s5, v53;
	v25 =	vmul.f32 @!p2 v14, v26;
	[tilespmem:s7+$0x10] =	vst @!p2 v31  }
0x368: {  	v63 =	vmul.f32 s5, v35;
	v21 =	vadd.f32 v60, v21;
	v28 =	vmul.f32 @!p2 v13, v26;
	[tilespmem:s7+$0x20] =	vst @!p2 v32  }
0x369: {  	v11 =	vadd.f32 v23, v11;
	v23 =	vmul.f32 s5, v59;
	v31 =	vmul.f32 @!p2 v17, v26;
	[tilespmem:s7+$0x60] =	vst @!p2 v25  }
0x36a: {  	v7 =	vadd.f32 v63, v7;
	v9 =	vpsel !p2, $0x0, v9;
	v25 =	vmul.f32 @!p2 v22, v26;
	[tilespmem:s7+$0x70] =	vst @!p2 v28  }
0x36b: {  	v12 =	vpsel !p2, $0x0, v12;
	v8 =	vadd.f32 v23, v8;
	v23 =	vmul.f32 @!p2 v21, v26;
	[tilespmem:s7+$0x30] =	vst @!p2 v31  }
0x36c: {  	v15 =	vpsel !p2, $0x0, v15;
	v16 =	vpsel !p2, $0x0, v16;
	[tilespmem:s7+$0x400] =	vst @!p2 v25;
	v25 =	vmul.f32 @!p2 v11, v26  }
.Ltmp32:
0x36d: {  	v18 =	vpsel !p2, $0x0, v18;
	v19 =	vpsel !p2, $0x0, v19;
	[tilespmem:s7+$0x410] =	vst @!p2 v23;
	v23 =	vmul.f32 @!p2 v10, v26;
	(pc) =	sbr.rel @!p0 .LBB2_47-.Ltmp32, $4  }
0x36e: {  	v20 =	vpsel !p2, $0x0, v20;
	v13 =	vpsel !p2, $0x0, v13;
	v24 =	vmul.f32 @!p2 v8, v26;
	[tilespmem:s7+$0x430] =	vst @!p2 v25  }
0x36f: {  	p1 =	sle.s32 s23, s19;
	v14 =	vpsel !p2, $0x0, v14;
	s5 =	simm.s32 $0x1;
	v17 =	vpsel !p2, $0x0, v17;
	v26 =	vmul.f32 @!p2 v7, v26;
	[tilespmem:s7+$0x440] =	vst @!p2 v23  }
0x370: {  	s5 =	simm.s32 @!p1 $0x0;
	v21 =	vpsel !p2, $0x0, v21;
	v22 =	vpsel !p2, $0x0, v22;
	v7 =	vpsel !p2, $0x0, v7;
	[tilespmem:s7+$0x460] =	vst @!p2 v24  }
0x371: {  	s17 =	smov.u32 s18;
	s10 =	sadd.s32 s5, s10;
	v8 =	vpsel !p2, $0x0, v8;
	v10 =	vpsel !p2, $0x0, v10;
	v11 =	vpsel !p2, $0x0, v11;
	[tilespmem:s7+$0x470] =	vst @!p2 v26  }
.LBB2_42:
0x372: {  	s23 =	sld [smem:s10+$0x1];
	_ =	sdelay $0x2  }
0x373: {  	s18 =	smov.u32 s19;
	p0 =	slt.s32 s23, s19  }
0x374: {  	s18 =	smov.u32 @p0 s23  }
0x375: {  	s6 =	simm.s32 $0x1;
	p1 =	sne.s32 s23, s17;
	s5 =	ssub.s32 s18, s17  }
0x376: {  	s6 =	simm.s32 @!p1 $0x0;
	s7 =	sshra.s32 s5, $0x1F  }
0x377: {  	s30 =	sand.u32 $0x1, s5;
	s6 =	sor.u32 s6, s7  }
0x378: {  	p1 =	seq.s32 s30, $0x1;
	p2 =	sne.s32 s6, $0x1  }
0x379: {  	s31 =	sshrl.u32 s5, $0x1F;
	p2 =	por !p2, !p1  }
0x37a: {  	s5 =	sadd.s32 s31, s5;
	s6 =	simm.s32 $0x1;
	p2 =	por !p2, !p2  }
0x37b: {  	s5 =	sshra.s32 s5, $0x1;
	s6 =	simm.s32 @!p2 $0x0  }
0x37c: {  	s24 =	ssub.s32 s5, s6  }
0x37d: {  	p2 =	slt.s32 s24, $0x1  }
.Ltmp33:
0x37e: {  	_ = 	snop;
	(pc) =	sbr.rel @p2 .LBB2_46-.Ltmp33, $1  }
0x37f: {  	_ =	sdelay $0x3  }
0x380: {  	s5 =	sshll.u32 s17, $0x8  }
0x381: {  	s6 =	sshll.u32 s17, $0x7;
	s7 =	sadd.s32 s5, s21  }
0x382: {  	s17 =	sadd.s32 s6, s20;
	s5 =	sadd.s32 $0x100, s7  }
0x383: {  	s8 =	sand.u32 $0xFFFFF800, s7;
	s25 =	sand.u32 $0x380, s17;
	s30 =	sadd.s32 $0x80, s17  }
0x384: {  	s6 =	sor.u32 s25, s8;
	s5 =	sand.u32 $0xFFFFF800, s5;
	s31 =	sand.u32 $0x380, s30  }
0x385: {  	v31 =	vld [tilespmem:s6+$0x15880];
	s5 =	sor.u32 s31, s5  }
0x386: {  	s6 =	sadd.s32 $0x15880, s6;
	v32 =	vld [tilespmem:s5+$0x15880]  }
0x387: {  	v33 =	vld [tilespmem:s6+$0x10]  }
0x388: {  	v34 =	vld [tilespmem:s6+$0x20]  }
0x389: {  	v35 =	vld [tilespmem:s6+$0x30]  }
0x38a: {  	v36 =	vld [tilespmem:s6+$0x40]  }
0x38b: {  	v37 =	vld [tilespmem:s6+$0x50]  }
0x38c: {  	v38 =	vld [tilespmem:s6+$0x60]  }
0x38d: {  	v39 =	vld [tilespmem:s6+$0x70]  }
0x38e: {  	v29 =	vld [tilespmem:s6+$0x400]  }
0x38f: {  	v30 =	vld [tilespmem:s6+$0x410]  }
0x390: {  	v27 =	vld [tilespmem:s6+$0x420]  }
0x391: {  	v28 =	vld [tilespmem:s6+$0x430]  }
0x392: {  	v23 =	vld [tilespmem:s6+$0x440]  }
0x393: {  	v25 =	vld [tilespmem:s6+$0x450]  }
0x394: {  	v24 =	vld [tilespmem:s6+$0x460]  }
0x395: {  	s5 =	sadd.s32 $0x15880, s5;
	v26 =	vld [tilespmem:s6+$0x470]  }
0x396: {  	v40 =	vld [tilespmem:s5+$0x10]  }
0x397: {  	v41 =	vld [tilespmem:s5+$0x20]  }
0x398: {  	v42 =	vld [tilespmem:s5+$0x30]  }
0x399: {  	v43 =	vld [tilespmem:s5+$0x40]  }
0x39a: {  	v44 =	vld [tilespmem:s5+$0x50];
	v20 =	vadd.f32 v31, v20;
	v19 =	vadd.f32 v33, v19  }
0x39b: {  	v45 =	vld [tilespmem:s5+$0x60];
	v18 =	vadd.f32 v34, v18;
	v17 =	vadd.f32 v35, v17  }
0x39c: {  	p2 =	sgt.s32 s24, $0x1;
	v63 =	vld [tilespmem:s5+$0x70];
	v16 =	vadd.f32 v36, v16;
	v15 =	vadd.f32 v37, v15  }
.Ltmp34:
0x39d: {  	v31 =	vld [tilespmem:s5+$0x400];
	v14 =	vadd.f32 v38, v14;
	v13 =	vadd.f32 v39, v13;
	(pc) =	sbr.rel @!p2 .LBB2_45-.Ltmp34, $4  }
0x39e: {  	v33 =	vld [tilespmem:s5+$0x410];
	v20 =	vadd.f32 v32, v20;
	v19 =	vadd.f32 v40, v19  }
0x39f: {  	v34 =	vld [tilespmem:s5+$0x420];
	v18 =	vadd.f32 v41, v18;
	v17 =	vadd.f32 v42, v17  }
0x3a0: {  	v35 =	vld [tilespmem:s5+$0x430];
	v16 =	vadd.f32 v43, v16;
	v15 =	vadd.f32 v44, v15  }
0x3a1: {  	s25 =	simm.s32 $0x1;
	s30 =	sadd.s32 $0x200, s7;
	v32 =	vld [tilespmem:s5+$0x440];
	v14 =	vadd.f32 v45, v14;
	v13 =	vadd.f32 v63, v13  }
.LBB2_44:
0x3a2: {  	s6 =	sadd.s32 $0x100, s30;
	v22 =	vadd.f32 v29, v22;
	v21 =	vadd.f32 v30, v21;
	v29 =	vld [tilespmem:s5+$0x450];
	s17 =	sadd.s32 $0x100, s17  }
0x3a3: {  	s7 =	sand.u32 $0xFFFFF800, s30;
	v12 =	vadd.f32 v27, v12;
	v11 =	vadd.f32 v28, v11;
	s8 =	sand.u32 $0x380, s17;
	s31 =	sadd.s32 $0x80, s17;
	v27 =	vld [tilespmem:s5+$0x460]  }
0x3a4: {  	s6 =	sand.u32 $0xFFFFF800, s6;
	s7 =	sor.u32 s8, s7;
	s8 =	sand.u32 $0x380, s31;
	v22 =	vadd.f32 v31, v22;
	v21 =	vadd.f32 v33, v21;
	v28 =	vld [tilespmem:s5+$0x470]  }
0x3a5: {  	v12 =	vadd.f32 v34, v12;
	v11 =	vadd.f32 v35, v11;
	v31 =	vld [tilespmem:s7+$0x15880];
	s5 =	sor.u32 s8, s6  }
0x3a6: {  	v10 =	vadd.f32 v23, v10;
	v9 =	vadd.f32 v25, v9;
	s6 =	sadd.s32 $0x15880, s7;
	v33 =	vld [tilespmem:s5+$0x15880]  }
0x3a7: {  	v8 =	vadd.f32 v24, v8;
	v7 =	vadd.f32 v26, v7;
	v34 =	vld [tilespmem:s6+$0x10]  }
0x3a8: {  	v10 =	vadd.f32 v32, v10;
	v9 =	vadd.f32 v29, v9;
	v35 =	vld [tilespmem:s6+$0x20]  }
0x3a9: {  	v8 =	vadd.f32 v27, v8;
	v32 =	vld [tilespmem:s6+$0x30];
	v7 =	vadd.f32 v28, v7  }
0x3aa: {  	v36 =	vld [tilespmem:s6+$0x40]  }
0x3ab: {  	v37 =	vld [tilespmem:s6+$0x50]  }
0x3ac: {  	v38 =	vld [tilespmem:s6+$0x60]  }
0x3ad: {  	v39 =	vld [tilespmem:s6+$0x70]  }
0x3ae: {  	v29 =	vld [tilespmem:s6+$0x400]  }
0x3af: {  	v30 =	vld [tilespmem:s6+$0x410]  }
0x3b0: {  	v27 =	vld [tilespmem:s6+$0x420]  }
0x3b1: {  	v28 =	vld [tilespmem:s6+$0x430]  }
0x3b2: {  	v23 =	vld [tilespmem:s6+$0x440]  }
0x3b3: {  	v25 =	vld [tilespmem:s6+$0x450]  }
0x3b4: {  	v24 =	vld [tilespmem:s6+$0x460]  }
0x3b5: {  	s5 =	sadd.s32 $0x15880, s5;
	v26 =	vld [tilespmem:s6+$0x470]  }
0x3b6: {  	v40 =	vld [tilespmem:s5+$0x10]  }
0x3b7: {  	v41 =	vld [tilespmem:s5+$0x20]  }
0x3b8: {  	v42 =	vld [tilespmem:s5+$0x30]  }
0x3b9: {  	v43 =	vld [tilespmem:s5+$0x40]  }
0x3ba: {  	v20 =	vadd.f32 v31, v20;
	v19 =	vadd.f32 v34, v19;
	v44 =	vld [tilespmem:s5+$0x50]  }
0x3bb: {  	s25 =	sadd.s32 $0x1, s25;
	v18 =	vadd.f32 v35, v18;
	v17 =	vadd.f32 v32, v17;
	v32 =	vld [tilespmem:s5+$0x60]  }
0x3bc: {  	p2 =	slt.s32 s25, s24;
	v20 =	vadd.f32 v33, v20;
	v19 =	vadd.f32 v40, v19;
	v40 =	vld [tilespmem:s5+$0x70]  }
.Ltmp35:
0x3bd: {  	v18 =	vadd.f32 v41, v18;
	v17 =	vadd.f32 v42, v17;
	v31 =	vld [tilespmem:s5+$0x400];
	(pc) =	sbr.rel @p2 .LBB2_44-.Ltmp35, $4  }
0x3be: {  	v16 =	vadd.f32 v36, v16;
	v15 =	vadd.f32 v37, v15;
	v33 =	vld [tilespmem:s5+$0x410]  }
0x3bf: {  	v14 =	vadd.f32 v38, v14;
	v13 =	vadd.f32 v39, v13;
	v34 =	vld [tilespmem:s5+$0x420]  }
0x3c0: {  	v16 =	vadd.f32 v43, v16;
	v15 =	vadd.f32 v44, v15;
	v35 =	vld [tilespmem:s5+$0x430]  }
0x3c1: {  	s30 =	sadd.s32 $0x200, s30;
	v14 =	vadd.f32 v32, v14;
	v13 =	vadd.f32 v40, v13;
	v32 =	vld [tilespmem:s5+$0x440]  }
.Ltmp36:
0x3c2: {  	_ = 	snop;
	(pc) =	sbr.rel .LBB2_45-.Ltmp36, $1  }
0x3c3: {  	_ =	sdelay $0x3  }
.LBB2_11:
0x3c4: {  	p0 =	sgt.s32 s10, $0xF  }
.Ltmp37:
0x3c5: {  	_ = 	snop;
	(pc) =	sbr.rel @p0 .LBB2_51-.Ltmp37, $4  }
.Ltmp38:
0x3c6: {  	_ = 	snop;
	(pc) =	sbr.rel @!p0 .LBB2_12-.Ltmp38, $4  }
0x3c7: {  	_ = 	snop  }
0x3c8: {  	_ = 	snop  }
0x3c9: {  	s7 =	simm.s32 $0x6;
	s8 =	rddreg [dreg:$0x8]  }
0x3ca: {  	_ = 	snop  }
.LBB2_10:
0x3cb: {  	s10 =	simm.s32 $0x0  }
.LBB2_12:
0x3cc: {  	s0 =	ssub.s32 $0x10, s10  }
0x3cd: {  	p1 =	sne.s32 s0, $0x1  }
.Ltmp39:
0x3ce: {  	_ = 	snop;
	(pc) =	sbr.rel @!p1 .LBB2_13-.Ltmp39, $3  }
0x3cf: {  	_ =	sdelay $0x1  }
0x3d0: {  	s5 =	sshll.u32 s10, $0x7;
	s3 =	sshll.u32 s10, $0x8;
	p0 =	por $0x0, $0x0  }
0x3d1: {  	s11 =	sand.u32 $0xFFFFF800, s3;
	s12 =	sand.u32 $0x380, s5;
	s10 =	sadd.s32 $0xFFFFFFFF, s0  }
0x3d2: {  	s6 =	sor.u32 s12, s11  }
0x3d3: {  	s0 =	sadd.s32 $0x1C880, s6;
	[tilespmem:s6+$0x1C880] =	vst v5  }
0x3d4: {  	[tilespmem:s0+$0x10] =	vst v5  }
0x3d5: {  	[tilespmem:s0+$0x20] =	vst v5  }
0x3d6: {  	[tilespmem:s0+$0x30] =	vst v5  }
0x3d7: {  	[tilespmem:s0+$0x40] =	vst v5  }
0x3d8: {  	[tilespmem:s0+$0x50] =	vst v5  }
0x3d9: {  	[tilespmem:s0+$0x60] =	vst v5  }
0x3da: {  	[tilespmem:s0+$0x70] =	vst v5  }
0x3db: {  	[tilespmem:s0+$0x400] =	vst v5  }
0x3dc: {  	p1 =	sne.s32 s10, $0x1;
	[tilespmem:s0+$0x410] =	vst v5  }
.Ltmp40:
0x3dd: {  	[tilespmem:s0+$0x420] =	vst v5;
	(pc) =	sbr.rel @!p1 .LBB2_50-.Ltmp40, $4  }
0x3de: {  	[tilespmem:s0+$0x430] =	vst v5  }
0x3df: {  	[tilespmem:s0+$0x440] =	vst v5  }
0x3e0: {  	s3 =	sadd.s32 $0x100, s3;
	s5 =	sadd.s32 $0x80, s5;
	s10 =	sadd.s32 $0xFFFFFFFF, s10;
	[tilespmem:s0+$0x450] =	vst v5  }
0x3e1: {  	p0 =	por $0x1, $0x1;
	s11 =	sand.u32 $0xFFFFF800, s3;
	s12 =	sand.u32 $0x380, s5;
	[tilespmem:s0+$0x460] =	vst v5  }
.LBB2_49:
0x3e2: {  	p1 =	sne.s32 s10, $0x1;
	s6 =	sor.u32 s12, s11;
	[tilespmem:s0+$0x470] =	vst v5  }
0x3e3: {  	s0 =	sadd.s32 $0x1C880, s6;
	[tilespmem:s6+$0x1C880] =	vst v5  }
0x3e4: {  	[tilespmem:s0+$0x10] =	vst v5  }
0x3e5: {  	[tilespmem:s0+$0x20] =	vst v5  }
0x3e6: {  	[tilespmem:s0+$0x30] =	vst v5  }
0x3e7: {  	[tilespmem:s0+$0x40] =	vst v5  }
0x3e8: {  	[tilespmem:s0+$0x50] =	vst v5  }
0x3e9: {  	[tilespmem:s0+$0x60] =	vst v5  }
0x3ea: {  	[tilespmem:s0+$0x70] =	vst v5  }
0x3eb: {  	[tilespmem:s0+$0x400] =	vst v5  }
0x3ec: {  	[tilespmem:s0+$0x410] =	vst v5  }
.Ltmp41:
0x3ed: {  	[tilespmem:s0+$0x420] =	vst v5;
	(pc) =	sbr.rel @p1 .LBB2_49-.Ltmp41, $4  }
0x3ee: {  	[tilespmem:s0+$0x430] =	vst v5  }
0x3ef: {  	[tilespmem:s0+$0x440] =	vst v5  }
0x3f0: {  	s5 =	sadd.s32 $0x80, s5;
	s3 =	sadd.s32 $0x100, s3;
	[tilespmem:s0+$0x450] =	vst v5  }
0x3f1: {  	s10 =	sadd.s32 $0xFFFFFFFF, s10;
	s11 =	sand.u32 $0xFFFFF800, s3;
	s12 =	sand.u32 $0x380, s5;
	[tilespmem:s0+$0x460] =	vst v5  }
.Ltmp42:
0x3f2: {  	_ = 	snop;
	(pc) =	sbr.rel .LBB2_50-.Ltmp42, $1  }
0x3f3: {  	_ =	sdelay $0x3  }
.LBB2_52:
0x3f4: {  	_ =	sfence.sel $0x180000  }
0x3f5: {  	[bflag:$0x0] =	sbarrier.arrive $0xFFFF  }
0x3f6: {  	_ =	strace $0x90000047  }
0x3f7: {  	s0 =	stileid.u32;
	[bflag:$0x2] =	sbarrier.arrive $0xFFFF  }
0x3f8: {  	p0 =	sne.s32 s0, $0x0;
	s0 =	rddreg [dreg:$0x4]  }
0x3f9: {  	s0 =	sadd.s32 @!p0 $0x100000, s0  }
0x3fa: {  	[sflag:s0] =	ssyncadd.tile.s32 @!p0 $0x1;
	_ =	shalt  }
.Lfunc_end2:
_tile_overlayer_lowered:
.L_overlay_start_2:
0x3fb: {  	(tag) =	ssettag $0x2  }
0x3fc: {  	s0 =	rddreg [dreg:$0x0];
	s2 =	stileid.u32  }
0x3fd: {  	s1 =	rddreg [dreg:$0x1];
	p0 =	sne.s32 s2, $0x0  }
0x3fe: {  	s3 =	rddreg [dreg:$0x2];
	[bflag:$0x3] =	sbarrier.arrive $0xFFFF;
	s2 =	simm.s32 @!p0 $0x1C06  }
0x3ff: {  	[timem:s3], [sflag:s2] =	dma.local @!p0 [hbm:s0], s1  }
0x400: {  	s0 =	simm.s32 @!p0 $0x6  }
0x401: {  	_ =	swait.ge @!p0 [sflag:s0], s1  }
0x402: {  	s1 =	ssub.s32 @!p0 $0x0, s1;
	[sflag:s0] =	ssyncset.done @!p0 $0x0  }
0x403: {  	[sflag:s0] =	ssyncadd.s32 @!p0 s1  }
0x404: {  	[bflag:$0x3] =	sbarrier.arrive $0xFFFF  }
0x405: {  	_ =	shalt  }

</sc_bundles>
